<compile_context>
chip_gen: v7x
topology: tpu7x:2x2x1
jax: 0.10.2.dev20260603
libtpu: 0.0.44.dev20260713+nightly
codegen_flags: <defaults>
</compile_context>

<pallas_src>
import jax
import jax.numpy as jnp
from jax import lax
from jax.experimental import pallas as pl
from jax.experimental.pallas import tpu as pltpu
from jax.experimental.pallas import tpu_sc as plsc

N = 10000
E = 320000
D = 128
CHUNK = 128
NUM_CHUNKS = E // CHUNK
NC = 2
NS = 16
NW = NC * NS
ROWS_PER_TILE = 624
TAIL_ROWS = N - NS * ROWS_PER_TILE


def _sc_agg_body(h_hbm, src_hbm, dst_hbm, out_hbm,
                 sidx0, sidx1, sidx2, sidx3, sidx4, sidx5,
                 didx0, didx1, didx2, didx3, didx4, didx5,
                 rows0, rows1, rows2, acc,
                 gsem0, gsem1, gsem2, ssem0, ssem1, ssem2,
                 isem0, isem1, isem2, isem3, isem4, isem5, nsem):
    cid = lax.axis_index("c")
    sid = lax.axis_index("s")
    wid = sid * NC + cid
    sidx = (sidx0, sidx1, sidx2, sidx3, sidx4, sidx5)
    didx = (didx0, didx1, didx2, didx3, didx4, didx5)
    rows = (rows0, rows1, rows2)
    gsem = (gsem0, gsem1, gsem2)
    ssem = (ssem0, ssem1, ssem2)
    isem = (isem0, isem1, isem2, isem3, isem4, isem5)

    r0 = sid * ROWS_PER_TILE
    pltpu.async_copy(h_hbm.at[pl.ds(r0, ROWS_PER_TILE)],
                     acc.at[pl.ds(r0, ROWS_PER_TILE)], nsem)

    @pl.when(sid == NS - 1)
    def _():
        pltpu.async_copy(h_hbm.at[pl.ds(NS * ROWS_PER_TILE, TAIL_ROWS)],
                         acc.at[pl.ds(NS * ROWS_PER_TILE, TAIL_ROWS)], nsem)

    NCH = NUM_CHUNKS // NW

    def issue_idx(c, k):
        off = c * CHUNK
        pltpu.async_copy(src_hbm.at[pl.ds(off, CHUNK)], sidx[k], isem[k])
        pltpu.async_copy(dst_hbm.at[pl.ds(off, CHUNK)], didx[k], isem[k])

    def wait_idx(c, k):
        off = c * CHUNK
        pltpu.make_async_copy(src_hbm.at[pl.ds(off, CHUNK)], sidx[k],
                              isem[k]).wait()
        pltpu.make_async_copy(dst_hbm.at[pl.ds(off, CHUNK)], didx[k],
                              isem[k]).wait()

    def issue_gather(k, b):
        pltpu.async_copy(h_hbm.at[sidx[k]], rows[b], gsem[b])

    def wait_gather(k, b):
        pltpu.make_async_copy(h_hbm.at[sidx[k]], rows[b], gsem[b]).wait()

    def issue_scatter(k, b):
        pltpu.async_copy(rows[b], acc.at[didx[k]], ssem[b], add=True)

    def wait_scatter(k, b):
        pltpu.make_async_copy(rows[b], acc.at[didx[k]], ssem[b]).wait()

    for c in range(4):
        issue_idx(wid + c * NW, c)
    wait_idx(wid, 0)
    issue_gather(0, 0)
    wait_idx(wid + NW, 1)
    issue_gather(1, 1)

    pltpu.make_async_copy(h_hbm.at[pl.ds(r0, ROWS_PER_TILE)],
                          acc.at[pl.ds(r0, ROWS_PER_TILE)], nsem).wait()

    @pl.when(sid == NS - 1)
    def _():
        pltpu.make_async_copy(h_hbm.at[pl.ds(NS * ROWS_PER_TILE, TAIL_ROWS)],
                              acc.at[pl.ds(NS * ROWS_PER_TILE, TAIL_ROWS)],
                              nsem).wait()

    plsc.subcore_barrier()

    def outer(g, carry):
        for u in range(6):
            j = g * 6 + u
            b = u % 3
            b2 = (u + 2) % 3
            k = u
            k2 = (u + 2) % 6
            k4 = (u + 4) % 6

            @pl.when(j + 4 < NCH)
            def _():
                issue_idx(wid + (j + 4) * NW, k4)

            @pl.when(j + 2 < NCH)
            def _():
                @pl.when(j >= 1)
                def _():
                    wait_scatter(k2, b2)

                wait_idx(wid + (j + 2) * NW, k2)
                issue_gather(k2, b2)

            wait_gather(k, b)
            issue_scatter(k, b)
        return carry

    lax.fori_loop(0, NCH // 6, outer, 0)
    wait_scatter(3, 0)
    wait_scatter(4, 1)
    wait_scatter(5, 2)

    @pl.when(wid < NUM_CHUNKS - NCH * NW)
    def _():
        issue_idx(NCH * NW + wid, 0)
        wait_idx(NCH * NW + wid, 0)
        issue_gather(0, 0)
        wait_gather(0, 0)
        pltpu.sync_copy(rows[0], acc.at[didx[0]], add=True)

    plsc.subcore_barrier()

    pltpu.sync_copy(acc.at[pl.ds(r0, ROWS_PER_TILE)],
                    out_hbm.at[cid, pl.ds(r0, ROWS_PER_TILE)])

    @pl.when(sid == NS - 1)
    def _():
        pltpu.sync_copy(acc.at[pl.ds(NS * ROWS_PER_TILE, TAIL_ROWS)],
                        out_hbm.at[cid, pl.ds(NS * ROWS_PER_TILE, TAIL_ROWS)])


def _sc_agg(h, src, dst):
    mesh = plsc.VectorSubcoreMesh(core_axis_name="c", subcore_axis_name="s")
    return pl.kernel(
        _sc_agg_body,
        out_type=jax.ShapeDtypeStruct((NC, N, D), jnp.float32),
        mesh=mesh,
        scratch_types=[
        ] + [pltpu.VMEM((CHUNK,), jnp.int32)] * 12 + [
            pltpu.VMEM((CHUNK, D), jnp.float32),
            pltpu.VMEM((CHUNK, D), jnp.float32),
            pltpu.VMEM((CHUNK, D), jnp.float32),
            pltpu.VMEM_SHARED((N, D), jnp.float32),
        ] + [pltpu.SemaphoreType.DMA] * 13,
    )(h, src, dst)


def _tc_layer_body(h_ref, p_ref, wa_ref, ba_ref, wb_ref, bb_ref, g_ref,
                   be_ref, out_ref):
    h = p_ref[0] + p_ref[1] - h_ref[...]
    h = lax.dot_general(h, wa_ref[...], (((1,), (1,)), ((), ())),
                        preferred_element_type=jnp.float32)
    h = jnp.maximum(h + ba_ref[...], 0.0)
    h = lax.dot_general(h, wb_ref[...], (((1,), (1,)), ((), ())),
                        preferred_element_type=jnp.float32)
    h = jnp.maximum(h + bb_ref[...], 0.0)
    mean = jnp.mean(h, axis=0, keepdims=True)
    c = h - mean
    var = jnp.mean(c * c, axis=0, keepdims=True)
    out_ref[...] = g_ref[...] * c * lax.rsqrt(var + 1e-5) + be_ref[...]


def _tc_layer(h, p, Wa, ba, Wb, bb, g, be):
    return pl.pallas_call(
        _tc_layer_body,
        out_shape=jax.ShapeDtypeStruct((N, D), jnp.float32),
    )(h, p, Wa, ba, Wb, bb, g, be)


def kernel(x, edge_index, batch, W0a, b0a, W0b, b0b, g0, be0, W1a, b1a,
           W1b, b1b, g1, be1, W2a, b2a, W2b, b2b, g2, be2):
    params = [
        (W0a, b0a, W0b, b0b, g0, be0),
        (W1a, b1a, W1b, b1b, g1, be1),
        (W2a, b2a, W2b, b2b, g2, be2),
    ]
    src = edge_index[0]
    dst = edge_index[1]
    h = x
    xs = []
    for (Wa, ba, Wb, bb, g, be) in params:
        p = _sc_agg(h, src, dst)
        h = _tc_layer(h, p, Wa, ba, Wb, bb, g, be)
        xs.append(h)
    return jnp.concatenate(xs, axis=1)

# --- scband reference (transcript-rebuilt; emitter-appended) ---
"""Pipeline reference for scband-health-crl-85349590106293 (READ-ONLY COPY).

The authoritative reference and input builder live on the scoring server;
editing this copy changes nothing except your own understanding.
"""

import jax, jax.numpy as jnp
import numpy as np

N = 10000
E = 320000
D = 128
L = 3


def setup_inputs(seed: int = 0) -> dict:
    key = jax.random.key(seed)
    ks = jax.random.split(key, 3 + 6 * L)
    inp = {}
    inp["x"] = jax.random.normal(ks[0], (N, D), dtype=jnp.float32)
    inp["edge_index"] = jax.random.randint(ks[1], (2, E), 0, N, dtype=jnp.int32)
    inp["batch"] = jnp.sort(jax.random.randint(ks[2], (N,), 0, 64, dtype=jnp.int32))
    kidx = 3
    for i in range(L):
        s = 1.0 / np.sqrt(D)
        inp[f"W{i}a"] = jax.random.uniform(ks[kidx], (D, D), dtype=jnp.float32, minval=-s, maxval=s); kidx += 1
        inp[f"b{i}a"] = jax.random.uniform(ks[kidx], (D,), dtype=jnp.float32, minval=-s, maxval=s); kidx += 1
        inp[f"W{i}b"] = jax.random.uniform(ks[kidx], (D, D), dtype=jnp.float32, minval=-s, maxval=s); kidx += 1
        inp[f"b{i}b"] = jax.random.uniform(ks[kidx], (D,), dtype=jnp.float32, minval=-s, maxval=s); kidx += 1
        inp[f"g{i}"] = jnp.ones((D,), dtype=jnp.float32); kidx += 1
        inp[f"be{i}"] = jnp.zeros((D,), dtype=jnp.float32); kidx += 1
    return inp


def _gin_conv(x, edge_index, Wa, ba, Wb, bb):
    # GINConv with eps=0: nn((1+eps)*x + sum_{j in N(i)} x_j)
    src, dst = edge_index[0], edge_index[1]
    agg = jnp.zeros_like(x).at[dst].add(jnp.take(x, src, axis=0))
    h = x + agg
    h = jax.nn.relu(h @ Wa.T + ba)
    h = h @ Wb.T + bb
    return h


def _batch_norm(x, g, b, eps=1e-5):
    mean = jnp.mean(x, axis=0)
    var = jnp.var(x, axis=0)
    return g * (x - mean) * jax.lax.rsqrt(var + eps) + b


def reference(x, edge_index, batch, W0a, b0a, W0b, b0b, g0, be0, W1a, b1a, W1b, b1b, g1, be1, W2a, b2a, W2b, b2b, g2, be2):
    params = [
        (W0a, b0a, W0b, b0b, g0, be0),
        (W1a, b1a, W1b, b1b, g1, be1),
        (W2a, b2a, W2b, b2b, g2, be2),
    ]
    xs = []
    h = x
    for (Wa, ba, Wb, bb, g, be) in params:
        h = _gin_conv(h, edge_index, Wa, ba, Wb, bb)
        h = jax.nn.relu(h)
        h = _batch_norm(h, g, be)
        xs.append(h)
    return jnp.concatenate(xs, axis=1)

if __name__ == "__main__":
    import jax
    _d = setup_inputs()
    print(jax.jit(kernel)(*tuple(_d.values())))

</pallas_src>

<mosaic_0001>
#map = affine_map<(d0, d1) -> (0, 0)>
#map1 = affine_map<(d0, d1) -> (0)>
#map2 = affine_map<(d0, d1) -> (0, 0, 0)>
module attributes {stable_mosaic.version = 14 : i64} {
  func.func @_sc_agg_body(%arg0: i32, %arg1: i32, %arg2: memref<10000x128xf32, #tpu.memory_space<hbm>>, %arg3: memref<320000xi32, #tpu.memory_space<hbm>>, %arg4: memref<320000xi32, #tpu.memory_space<hbm>>, %arg5: memref<2x10000x128xf32, #tpu.memory_space<hbm>>, %arg6: memref<128xi32, #tpu.memory_space<vmem>>, %arg7: memref<128xi32, #tpu.memory_space<vmem>>, %arg8: memref<128xi32, #tpu.memory_space<vmem>>, %arg9: memref<128xi32, #tpu.memory_space<vmem>>, %arg10: memref<128xi32, #tpu.memory_space<vmem>>, %arg11: memref<128xi32, #tpu.memory_space<vmem>>, %arg12: memref<128xi32, #tpu.memory_space<vmem>>, %arg13: memref<128xi32, #tpu.memory_space<vmem>>, %arg14: memref<128xi32, #tpu.memory_space<vmem>>, %arg15: memref<128xi32, #tpu.memory_space<vmem>>, %arg16: memref<128xi32, #tpu.memory_space<vmem>>, %arg17: memref<128xi32, #tpu.memory_space<vmem>>, %arg18: memref<128x128xf32, #tpu.memory_space<vmem>>, %arg19: memref<128x128xf32, #tpu.memory_space<vmem>>, %arg20: memref<128x128xf32, #tpu.memory_space<vmem>>, %arg21: memref<10000x128xf32, #tpu.memory_space<vmem_shared>>, %arg22: memref<!tpu.dma_semaphore, #tpu.memory_space<semaphore_mem>>, %arg23: memref<!tpu.dma_semaphore, #tpu.memory_space<semaphore_mem>>, %arg24: memref<!tpu.dma_semaphore, #tpu.memory_space<semaphore_mem>>, %arg25: memref<!tpu.dma_semaphore, #tpu.memory_space<semaphore_mem>>, %arg26: memref<!tpu.dma_semaphore, #tpu.memory_space<semaphore_mem>>, %arg27: memref<!tpu.dma_semaphore, #tpu.memory_space<semaphore_mem>>, %arg28: memref<!tpu.dma_semaphore, #tpu.memory_space<semaphore_mem>>, %arg29: memref<!tpu.dma_semaphore, #tpu.memory_space<semaphore_mem>>, %arg30: memref<!tpu.dma_semaphore, #tpu.memory_space<semaphore_mem>>, %arg31: memref<!tpu.dma_semaphore, #tpu.memory_space<semaphore_mem>>, %arg32: memref<!tpu.dma_semaphore, #tpu.memory_space<semaphore_mem>>, %arg33: memref<!tpu.dma_semaphore, #tpu.memory_space<semaphore_mem>>, %arg34: memref<!tpu.dma_semaphore, #tpu.memory_space<semaphore_mem>>) attributes {dimension_semantics = [#tpu.dimension_semantics<core_parallel>, #tpu.dimension_semantics<subcore_parallel>], iteration_bounds = array<i64: 2, 16>, scalar_prefetch = 0 : i64, scratch_operands = 29 : i64, tpu.core_type = #tpu.core_type<sc_vector_subcore>, window_params = [{transform_indices = #map}, {transform_indices = #map1}, {transform_indices = #map1}, {transform_indices = #map2}]} {
    %mul3A = arith.constant 2 : i32
    %mul3A_0 = arith.muli %arg1, %mul3A : i32
    %add3A = arith.addi %mul3A_0, %arg0 : i32
    %mul3A_1 = arith.constant 624 : i32
    %mul3A_2 = arith.muli %arg1, %mul3A_1 : i32
    %dma_start3A = arith.constant 0 : i32
    %dma_start3A_3 = tpu.memref_slice %arg21[%mul3A_2, %dma_start3A] : memref<10000x128xf32, #tpu.memory_space<vmem_shared>> -> memref<624x128xf32, #tpu.memory_space<vmem_shared>>
    %dma_start3A_4 = arith.constant 0 : i32
    %dma_start3A_5 = tpu.memref_slice %arg2[%mul3A_2, %dma_start3A_4] : memref<10000x128xf32, #tpu.memory_space<hbm>> -> memref<624x128xf32, #tpu.memory_space<hbm>>
    tpu.enqueue_dma source(%dma_start3A_5 : memref<624x128xf32, #tpu.memory_space<hbm>>) target(%dma_start3A_3 : memref<624x128xf32, #tpu.memory_space<vmem_shared>>) target_semaphore(%arg34 : memref<!tpu.dma_semaphore, #tpu.memory_space<semaphore_mem>>)
    %eq3A = arith.constant 15 : i32
    %eq3A_6 = arith.cmpi eq, %arg1, %eq3A : i32
    %convert_element_type3A = arith.extui %eq3A_6 : i1 to i32
    %cond3A = arith.constant 0 : i32
    %cond3A_7 = arith.cmpi ne, %convert_element_type3A, %cond3A : i32
    scf.if %cond3A_7 {
      %dma_start3A_92 = arith.constant 9984 : i32
      %dma_start3A_93 = arith.constant 0 : i32
      %dma_start3A_94 = tpu.memref_slice %arg21[%dma_start3A_92, %dma_start3A_93] : memref<10000x128xf32, #tpu.memory_space<vmem_shared>> -> memref<16x128xf32, #tpu.memory_space<vmem_shared>>
      %dma_start3A_95 = arith.constant 9984 : i32
      %dma_start3A_96 = arith.constant 0 : i32
      %dma_start3A_97 = tpu.memref_slice %arg2[%dma_start3A_95, %dma_start3A_96] : memref<10000x128xf32, #tpu.memory_space<hbm>> -> memref<16x128xf32, #tpu.memory_space<hbm>>
      tpu.enqueue_dma source(%dma_start3A_97 : memref<16x128xf32, #tpu.memory_space<hbm>>) target(%dma_start3A_94 : memref<16x128xf32, #tpu.memory_space<vmem_shared>>) target_semaphore(%arg34 : memref<!tpu.dma_semaphore, #tpu.memory_space<semaphore_mem>>)
    } else {
    }
    %add3A_8 = arith.constant 0 : i32
    %add3A_9 = arith.addi %add3A, %add3A_8 : i32
    %mul3A_10 = arith.constant 128 : i32
    %mul3A_11 = arith.muli %add3A_9, %mul3A_10 : i32
    %dma_start3A_12 = tpu.memref_slice %arg3[%mul3A_11] : memref<320000xi32, #tpu.memory_space<hbm>> -> memref<128xi32, #tpu.memory_space<hbm>>
    %dma_start3A_13 = tpu.memref_slice %arg3[%mul3A_11] : memref<320000xi32, #tpu.memory_space<hbm>> -> memref<128xi32, #tpu.memory_space<hbm>>
    tpu.enqueue_dma source(%dma_start3A_13 : memref<128xi32, #tpu.memory_space<hbm>>) target(%arg6 : memref<128xi32, #tpu.memory_space<vmem>>) target_semaphore(%arg28 : memref<!tpu.dma_semaphore, #tpu.memory_space<semaphore_mem>>)
    %dma_start3A_14 = tpu.memref_slice %arg4[%mul3A_11] : memref<320000xi32, #tpu.memory_space<hbm>> -> memref<128xi32, #tpu.memory_space<hbm>>
    %dma_start3A_15 = tpu.memref_slice %arg4[%mul3A_11] : memref<320000xi32, #tpu.memory_space<hbm>> -> memref<128xi32, #tpu.memory_space<hbm>>
    tpu.enqueue_dma source(%dma_start3A_15 : memref<128xi32, #tpu.memory_space<hbm>>) target(%arg12 : memref<128xi32, #tpu.memory_space<vmem>>) target_semaphore(%arg28 : memref<!tpu.dma_semaphore, #tpu.memory_space<semaphore_mem>>)
    %add3A_16 = arith.constant 32 : i32
    %add3A_17 = arith.addi %add3A, %add3A_16 : i32
    %mul3A_18 = arith.constant 128 : i32
    %mul3A_19 = arith.muli %add3A_17, %mul3A_18 : i32
    %dma_start3A_20 = tpu.memref_slice %arg3[%mul3A_19] : memref<320000xi32, #tpu.memory_space<hbm>> -> memref<128xi32, #tpu.memory_space<hbm>>
    %dma_start3A_21 = tpu.memref_slice %arg3[%mul3A_19] : memref<320000xi32, #tpu.memory_space<hbm>> -> memref<128xi32, #tpu.memory_space<hbm>>
    tpu.enqueue_dma source(%dma_start3A_21 : memref<128xi32, #tpu.memory_space<hbm>>) target(%arg7 : memref<128xi32, #tpu.memory_space<vmem>>) target_semaphore(%arg29 : memref<!tpu.dma_semaphore, #tpu.memory_space<semaphore_mem>>)
    %dma_start3A_22 = tpu.memref_slice %arg4[%mul3A_19] : memref<320000xi32, #tpu.memory_space<hbm>> -> memref<128xi32, #tpu.memory_space<hbm>>
    %dma_start3A_23 = tpu.memref_slice %arg4[%mul3A_19] : memref<320000xi32, #tpu.memory_space<hbm>> -> memref<128xi32, #tpu.memory_space<hbm>>
    tpu.enqueue_dma source(%dma_start3A_23 : memref<128xi32, #tpu.memory_space<hbm>>) target(%arg13 : memref<128xi32, #tpu.memory_space<vmem>>) target_semaphore(%arg29 : memref<!tpu.dma_semaphore, #tpu.memory_space<semaphore_mem>>)
    %add3A_24 = arith.constant 64 : i32
    %add3A_25 = arith.addi %add3A, %add3A_24 : i32
    %mul3A_26 = arith.constant 128 : i32
    %mul3A_27 = arith.muli %add3A_25, %mul3A_26 : i32
    %dma_start3A_28 = tpu.memref_slice %arg3[%mul3A_27] : memref<320000xi32, #tpu.memory_space<hbm>> -> memref<128xi32, #tpu.memory_space<hbm>>
    %dma_start3A_29 = tpu.memref_slice %arg3[%mul3A_27] : memref<320000xi32, #tpu.memory_space<hbm>> -> memref<128xi32, #tpu.memory_space<hbm>>
    tpu.enqueue_dma source(%dma_start3A_29 : memref<128xi32, #tpu.memory_space<hbm>>) target(%arg8 : memref<128xi32, #tpu.memory_space<vmem>>) target_semaphore(%arg30 : memref<!tpu.dma_semaphore, #tpu.memory_space<semaphore_mem>>)
    %dma_start3A_30 = tpu.memref_slice %arg4[%mul3A_27] : memref<320000xi32, #tpu.memory_space<hbm>> -> memref<128xi32, #tpu.memory_space<hbm>>
    %dma_start3A_31 = tpu.memref_slice %arg4[%mul3A_27] : memref<320000xi32, #tpu.memory_space<hbm>> -> memref<128xi32, #tpu.memory_space<hbm>>
    tpu.enqueue_dma source(%dma_start3A_31 : memref<128xi32, #tpu.memory_space<hbm>>) target(%arg14 : memref<128xi32, #tpu.memory_space<vmem>>) target_semaphore(%arg30 : memref<!tpu.dma_semaphore, #tpu.memory_space<semaphore_mem>>)
    %add3A_32 = arith.constant 96 : i32
    %add3A_33 = arith.addi %add3A, %add3A_32 : i32
    %mul3A_34 = arith.constant 128 : i32
    %mul3A_35 = arith.muli %add3A_33, %mul3A_34 : i32
    %dma_start3A_36 = tpu.memref_slice %arg3[%mul3A_35] : memref<320000xi32, #tpu.memory_space<hbm>> -> memref<128xi32, #tpu.memory_space<hbm>>
    %dma_start3A_37 = tpu.memref_slice %arg3[%mul3A_35] : memref<320000xi32, #tpu.memory_space<hbm>> -> memref<128xi32, #tpu.memory_space<hbm>>
    tpu.enqueue_dma source(%dma_start3A_37 : memref<128xi32, #tpu.memory_space<hbm>>) target(%arg9 : memref<128xi32, #tpu.memory_space<vmem>>) target_semaphore(%arg31 : memref<!tpu.dma_semaphore, #tpu.memory_space<semaphore_mem>>)
    %dma_start3A_38 = tpu.memref_slice %arg4[%mul3A_35] : memref<320000xi32, #tpu.memory_space<hbm>> -> memref<128xi32, #tpu.memory_space<hbm>>
    %dma_start3A_39 = tpu.memref_slice %arg4[%mul3A_35] : memref<320000xi32, #tpu.memory_space<hbm>> -> memref<128xi32, #tpu.memory_space<hbm>>
    tpu.enqueue_dma source(%dma_start3A_39 : memref<128xi32, #tpu.memory_space<hbm>>) target(%arg15 : memref<128xi32, #tpu.memory_space<vmem>>) target_semaphore(%arg31 : memref<!tpu.dma_semaphore, #tpu.memory_space<semaphore_mem>>)
    %mul3A_40 = arith.constant 128 : i32
    %mul3A_41 = arith.muli %add3A, %mul3A_40 : i32
    %dma_wait3A = tpu.memref_slice %arg3[%mul3A_41] : memref<320000xi32, #tpu.memory_space<hbm>> -> memref<128xi32, #tpu.memory_space<hbm>>
    %dma_wait3A_42 = tpu.memref_slice %arg3[%mul3A_41] : memref<320000xi32, #tpu.memory_space<hbm>> -> memref<128xi32, #tpu.memory_space<hbm>>
    tpu.wait_dma2 semaphore(%arg28 : memref<!tpu.dma_semaphore, #tpu.memory_space<semaphore_mem>>) src(%dma_wait3A_42 : memref<128xi32, #tpu.memory_space<hbm>>) dst(%arg6 : memref<128xi32, #tpu.memory_space<vmem>>)
    %dma_wait3A_43 = tpu.memref_slice %arg4[%mul3A_41] : memref<320000xi32, #tpu.memory_space<hbm>> -> memref<128xi32, #tpu.memory_space<hbm>>
    %dma_wait3A_44 = tpu.memref_slice %arg4[%mul3A_41] : memref<320000xi32, #tpu.memory_space<hbm>> -> memref<128xi32, #tpu.memory_space<hbm>>
    tpu.wait_dma2 semaphore(%arg28 : memref<!tpu.dma_semaphore, #tpu.memory_space<semaphore_mem>>) src(%dma_wait3A_44 : memref<128xi32, #tpu.memory_space<hbm>>) dst(%arg12 : memref<128xi32, #tpu.memory_space<vmem>>)
    %dma_start3A_45 = arith.constant 0 : i32
    %dma_start3A_46 = arith.constant 0 : i32
    %dma_start3A_47 = tpu.memref_slice %arg2[%dma_start3A_45, %dma_start3A_46] : memref<10000x128xf32, #tpu.memory_space<hbm>> -> memref<10000x128xf32, #tpu.memory_space<hbm>>
    tpu.enqueue_indirect_dma source(%dma_start3A_47 : memref<10000x128xf32, #tpu.memory_space<hbm>>) target(%arg18 : memref<128x128xf32, #tpu.memory_space<vmem>>) offsets(%arg6 : memref<128xi32, #tpu.memory_space<vmem>>) semaphore(%arg22 : memref<!tpu.dma_semaphore, #tpu.memory_space<semaphore_mem>>)
    %add3A_48 = arith.constant 32 : i32
    %add3A_49 = arith.addi %add3A, %add3A_48 : i32
    %mul3A_50 = arith.constant 128 : i32
    %mul3A_51 = arith.muli %add3A_49, %mul3A_50 : i32
    %dma_wait3A_52 = tpu.memref_slice %arg3[%mul3A_51] : memref<320000xi32, #tpu.memory_space<hbm>> -> memref<128xi32, #tpu.memory_space<hbm>>
    %dma_wait3A_53 = tpu.memref_slice %arg3[%mul3A_51] : memref<320000xi32, #tpu.memory_space<hbm>> -> memref<128xi32, #tpu.memory_space<hbm>>
    tpu.wait_dma2 semaphore(%arg29 : memref<!tpu.dma_semaphore, #tpu.memory_space<semaphore_mem>>) src(%dma_wait3A_53 : memref<128xi32, #tpu.memory_space<hbm>>) dst(%arg7 : memref<128xi32, #tpu.memory_space<vmem>>)
    %dma_wait3A_54 = tpu.memref_slice %arg4[%mul3A_51] : memref<320000xi32, #tpu.memory_space<hbm>> -> memref<128xi32, #tpu.memory_space<hbm>>
    %dma_wait3A_55 = tpu.memref_slice %arg4[%mul3A_51] : memref<320000xi32, #tpu.memory_space<hbm>> -> memref<128xi32, #tpu.memory_space<hbm>>
    tpu.wait_dma2 semaphore(%arg29 : memref<!tpu.dma_semaphore, #tpu.memory_space<semaphore_mem>>) src(%dma_wait3A_55 : memref<128xi32, #tpu.memory_space<hbm>>) dst(%arg13 : memref<128xi32, #tpu.memory_space<vmem>>)
    %dma_start3A_56 = arith.constant 0 : i32
    %dma_start3A_57 = arith.constant 0 : i32
    %dma_start3A_58 = tpu.memref_slice %arg2[%dma_start3A_56, %dma_start3A_57] : memref<10000x128xf32, #tpu.memory_space<hbm>> -> memref<10000x128xf32, #tpu.memory_space<hbm>>
    tpu.enqueue_indirect_dma source(%dma_start3A_58 : memref<10000x128xf32, #tpu.memory_space<hbm>>) target(%arg19 : memref<128x128xf32, #tpu.memory_space<vmem>>) offsets(%arg7 : memref<128xi32, #tpu.memory_space<vmem>>) semaphore(%arg23 : memref<!tpu.dma_semaphore, #tpu.memory_space<semaphore_mem>>)
    %dma_wait3A_59 = arith.constant 0 : i32
    %dma_wait3A_60 = tpu.memref_slice %arg21[%mul3A_2, %dma_wait3A_59] : memref<10000x128xf32, #tpu.memory_space<vmem_shared>> -> memref<624x128xf32, #tpu.memory_space<vmem_shared>>
    %dma_wait3A_61 = arith.constant 0 : i32
    %dma_wait3A_62 = tpu.memref_slice %arg2[%mul3A_2, %dma_wait3A_61] : memref<10000x128xf32, #tpu.memory_space<hbm>> -> memref<624x128xf32, #tpu.memory_space<hbm>>
    tpu.wait_dma2 semaphore(%arg34 : memref<!tpu.dma_semaphore, #tpu.memory_space<semaphore_mem>>) src(%dma_wait3A_62 : memref<624x128xf32, #tpu.memory_space<hbm>>) dst(%dma_wait3A_60 : memref<624x128xf32, #tpu.memory_space<vmem_shared>>)
    %eq3A_63 = arith.constant 15 : i32
    %eq3A_64 = arith.cmpi eq, %arg1, %eq3A_63 : i32
    %convert_element_type3A_65 = arith.extui %eq3A_64 : i1 to i32
    %cond3A_66 = arith.constant 0 : i32
    %cond3A_67 = arith.cmpi ne, %convert_element_type3A_65, %cond3A_66 : i32
    scf.if %cond3A_67 {
      %dma_wait3A_92 = arith.constant 9984 : i32
      %dma_wait3A_93 = arith.constant 0 : i32
      %dma_wait3A_94 = tpu.memref_slice %arg21[%dma_wait3A_92, %dma_wait3A_93] : memref<10000x128xf32, #tpu.memory_space<vmem_shared>> -> memref<16x128xf32, #tpu.memory_space<vmem_shared>>
      %dma_wait3A_95 = arith.constant 9984 : i32
      %dma_wait3A_96 = arith.constant 0 : i32
      %dma_wait3A_97 = tpu.memref_slice %arg2[%dma_wait3A_95, %dma_wait3A_96] : memref<10000x128xf32, #tpu.memory_space<hbm>> -> memref<16x128xf32, #tpu.memory_space<hbm>>
      tpu.wait_dma2 semaphore(%arg34 : memref<!tpu.dma_semaphore, #tpu.memory_space<semaphore_mem>>) src(%dma_wait3A_97 : memref<16x128xf32, #tpu.memory_space<hbm>>) dst(%dma_wait3A_94 : memref<16x128xf32, #tpu.memory_space<vmem_shared>>)
    } else {
    }
    %barrier3A = arith.constant 0 : index
    tpu.barrier barrier_id(%barrier3A)
    %scan3A = arith.constant 0 : i32
    %scan3A_68 = arith.constant 0 : i32
    %scan3A_69 = arith.constant 13 : i32
    %scan3A_70 = arith.addi %scan3A_68, %scan3A_69 : i32
    %scan3A_71 = arith.constant 1 : i32
    scf.for %scan3A_92 = %scan3A_68 to %scan3A_70 step %scan3A_71  : i32 {
      %mul3A_93 = arith.constant 6 : i32
      %mul3A_94 = arith.muli %scan3A_92, %mul3A_93 : i32
      %add3A_95 = arith.constant 0 : i32
      %add3A_96 = arith.addi %mul3A_94, %add3A_95 : i32
      %add3A_97 = arith.constant 4 : i32
      %add3A_98 = arith.addi %add3A_96, %add3A_97 : i32
      %lt3A_99 = arith.constant 78 : i32
      %lt3A_100 = arith.cmpi slt, %add3A_98, %lt3A_99 : i32
      %convert_element_type3A_101 = arith.extui %lt3A_100 : i1 to i32
      %cond3A_102 = arith.constant 0 : i32
      %cond3A_103 = arith.cmpi ne, %convert_element_type3A_101, %cond3A_102 : i32
      scf.if %cond3A_103 {
        %add3A_237 = arith.constant 4 : i32
        %add3A_238 = arith.addi %add3A_96, %add3A_237 : i32
        %mul3A_239 = arith.constant 32 : i32
        %mul3A_240 = arith.muli %add3A_238, %mul3A_239 : i32
        %add3A_241 = arith.addi %add3A, %mul3A_240 : i32
        %mul3A_242 = arith.constant 128 : i32
        %mul3A_243 = arith.muli %add3A_241, %mul3A_242 : i32
        %dma_start3A_244 = tpu.memref_slice %arg3[%mul3A_243] : memref<320000xi32, #tpu.memory_space<hbm>> -> memref<128xi32, #tpu.memory_space<hbm>>
        %dma_start3A_245 = tpu.memref_slice %arg3[%mul3A_243] : memref<320000xi32, #tpu.memory_space<hbm>> -> memref<128xi32, #tpu.memory_space<hbm>>
        tpu.enqueue_dma source(%dma_start3A_245 : memref<128xi32, #tpu.memory_space<hbm>>) target(%arg10 : memref<128xi32, #tpu.memory_space<vmem>>) target_semaphore(%arg32 : memref<!tpu.dma_semaphore, #tpu.memory_space<semaphore_mem>>)
        %dma_start3A_246 = tpu.memref_slice %arg4[%mul3A_243] : memref<320000xi32, #tpu.memory_space<hbm>> -> memref<128xi32, #tpu.memory_space<hbm>>
        %dma_start3A_247 = tpu.memref_slice %arg4[%mul3A_243] : memref<320000xi32, #tpu.memory_space<hbm>> -> memref<128xi32, #tpu.memory_space<hbm>>
        tpu.enqueue_dma source(%dma_start3A_247 : memref<128xi32, #tpu.memory_space<hbm>>) target(%arg16 : memref<128xi32, #tpu.memory_space<vmem>>) target_semaphore(%arg32 : memref<!tpu.dma_semaphore, #tpu.memory_space<semaphore_mem>>)
      } else {
      }
      %add3A_104 = arith.constant 2 : i32
      %add3A_105 = arith.addi %add3A_96, %add3A_104 : i32
      %lt3A_106 = arith.constant 78 : i32
      %lt3A_107 = arith.cmpi slt, %add3A_105, %lt3A_106 : i32
      %convert_element_type3A_108 = arith.extui %lt3A_107 : i1 to i32
      %cond3A_109 = arith.constant 0 : i32
      %cond3A_110 = arith.cmpi ne, %convert_element_type3A_108, %cond3A_109 : i32
      scf.if %cond3A_110 {
        %ge3A = arith.constant 1 : i32
        %ge3A_237 = arith.cmpi sge, %add3A_96, %ge3A : i32
        %convert_element_type3A_238 = arith.extui %ge3A_237 : i1 to i32
        %cond3A_239 = arith.constant 0 : i32
        %cond3A_240 = arith.cmpi ne, %convert_element_type3A_238, %cond3A_239 : i32
        scf.if %cond3A_240 {
          %dma_wait3A_255 = arith.constant 0 : i32
          %dma_wait3A_256 = arith.constant 0 : i32
          %dma_wait3A_257 = tpu.memref_slice %arg21[%dma_wait3A_255, %dma_wait3A_256] : memref<10000x128xf32, #tpu.memory_space<vmem_shared>> -> memref<10000x128xf32, #tpu.memory_space<vmem_shared>>
          tpu.wait_indirect_dma semaphore(%arg27 : memref<!tpu.dma_semaphore, #tpu.memory_space<semaphore_mem>>) src(%arg20 : memref<128x128xf32, #tpu.memory_space<vmem>>) dst(%dma_wait3A_257 : memref<10000x128xf32, #tpu.memory_space<vmem_shared>>)
        } else {
        }
        %add3A_241 = arith.constant 2 : i32
        %add3A_242 = arith.addi %add3A_96, %add3A_241 : i32
        %mul3A_243 = arith.constant 32 : i32
        %mul3A_244 = arith.muli %add3A_242, %mul3A_243 : i32
        %add3A_245 = arith.addi %add3A, %mul3A_244 : i32
        %mul3A_246 = arith.constant 128 : i32
        %mul3A_247 = arith.muli %add3A_245, %mul3A_246 : i32
        %dma_wait3A_248 = tpu.memref_slice %arg3[%mul3A_247] : memref<320000xi32, #tpu.memory_space<hbm>> -> memref<128xi32, #tpu.memory_space<hbm>>
        %dma_wait3A_249 = tpu.memref_slice %arg3[%mul3A_247] : memref<320000xi32, #tpu.memory_space<hbm>> -> memref<128xi32, #tpu.memory_space<hbm>>
        tpu.wait_dma2 semaphore(%arg30 : memref<!tpu.dma_semaphore, #tpu.memory_space<semaphore_mem>>) src(%dma_wait3A_249 : memref<128xi32, #tpu.memory_space<hbm>>) dst(%arg8 : memref<128xi32, #tpu.memory_space<vmem>>)
        %dma_wait3A_250 = tpu.memref_slice %arg4[%mul3A_247] : memref<320000xi32, #tpu.memory_space<hbm>> -> memref<128xi32, #tpu.memory_space<hbm>>
        %dma_wait3A_251 = tpu.memref_slice %arg4[%mul3A_247] : memref<320000xi32, #tpu.memory_space<hbm>> -> memref<128xi32, #tpu.memory_space<hbm>>
        tpu.wait_dma2 semaphore(%arg30 : memref<!tpu.dma_semaphore, #tpu.memory_space<semaphore_mem>>) src(%dma_wait3A_251 : memref<128xi32, #tpu.memory_space<hbm>>) dst(%arg14 : memref<128xi32, #tpu.memory_space<vmem>>)
        %dma_start3A_252 = arith.constant 0 : i32
        %dma_start3A_253 = arith.constant 0 : i32
        %dma_start3A_254 = tpu.memref_slice %arg2[%dma_start3A_252, %dma_start3A_253] : memref<10000x128xf32, #tpu.memory_space<hbm>> -> memref<10000x128xf32, #tpu.memory_space<hbm>>
        tpu.enqueue_indirect_dma source(%dma_start3A_254 : memref<10000x128xf32, #tpu.memory_space<hbm>>) target(%arg20 : memref<128x128xf32, #tpu.memory_space<vmem>>) offsets(%arg8 : memref<128xi32, #tpu.memory_space<vmem>>) semaphore(%arg24 : memref<!tpu.dma_semaphore, #tpu.memory_space<semaphore_mem>>)
      } else {
      }
      %dma_wait3A_111 = arith.constant 0 : i32
      %dma_wait3A_112 = arith.constant 0 : i32
      %dma_wait3A_113 = tpu.memref_slice %arg2[%dma_wait3A_111, %dma_wait3A_112] : memref<10000x128xf32, #tpu.memory_space<hbm>> -> memref<10000x128xf32, #tpu.memory_space<hbm>>
      tpu.wait_indirect_dma semaphore(%arg22 : memref<!tpu.dma_semaphore, #tpu.memory_space<semaphore_mem>>) src(%dma_wait3A_113 : memref<10000x128xf32, #tpu.memory_space<hbm>>) dst(%arg18 : memref<128x128xf32, #tpu.memory_space<vmem>>)
      %dma_start3A_114 = arith.constant 0 : i32
      %dma_start3A_115 = arith.constant 0 : i32
      %dma_start3A_116 = tpu.memref_slice %arg21[%dma_start3A_114, %dma_start3A_115] : memref<10000x128xf32, #tpu.memory_space<vmem_shared>> -> memref<10000x128xf32, #tpu.memory_space<vmem_shared>>
      tpu.enqueue_indirect_dma source(%arg18 : memref<128x128xf32, #tpu.memory_space<vmem>>) target(%dma_start3A_116 : memref<10000x128xf32, #tpu.memory_space<vmem_shared>>) offsets(%arg12 : memref<128xi32, #tpu.memory_space<vmem>>) semaphore(%arg25 : memref<!tpu.dma_semaphore, #tpu.memory_space<semaphore_mem>>) {add = true}
      %mul3A_117 = arith.constant 6 : i32
      %mul3A_118 = arith.muli %scan3A_92, %mul3A_117 : i32
      %add3A_119 = arith.constant 1 : i32
      %add3A_120 = arith.addi %mul3A_118, %add3A_119 : i32
      %add3A_121 = arith.constant 4 : i32
      %add3A_122 = arith.addi %add3A_120, %add3A_121 : i32
      %lt3A_123 = arith.constant 78 : i32
      %lt3A_124 = arith.cmpi slt, %add3A_122, %lt3A_123 : i32
      %convert_element_type3A_125 = arith.extui %lt3A_124 : i1 to i32
      %cond3A_126 = arith.constant 0 : i32
      %cond3A_127 = arith.cmpi ne, %convert_element_type3A_125, %cond3A_126 : i32
      scf.if %cond3A_127 {
        %add3A_237 = arith.constant 4 : i32
        %add3A_238 = arith.addi %add3A_120, %add3A_237 : i32
        %mul3A_239 = arith.constant 32 : i32
        %mul3A_240 = arith.muli %add3A_238, %mul3A_239 : i32
        %add3A_241 = arith.addi %add3A, %mul3A_240 : i32
        %mul3A_242 = arith.constant 128 : i32
        %mul3A_243 = arith.muli %add3A_241, %mul3A_242 : i32
        %dma_start3A_244 = tpu.memref_slice %arg3[%mul3A_243] : memref<320000xi32, #tpu.memory_space<hbm>> -> memref<128xi32, #tpu.memory_space<hbm>>
        %dma_start3A_245 = tpu.memref_slice %arg3[%mul3A_243] : memref<320000xi32, #tpu.memory_space<hbm>> -> memref<128xi32, #tpu.memory_space<hbm>>
        tpu.enqueue_dma source(%dma_start3A_245 : memref<128xi32, #tpu.memory_space<hbm>>) target(%arg11 : memref<128xi32, #tpu.memory_space<vmem>>) target_semaphore(%arg33 : memref<!tpu.dma_semaphore, #tpu.memory_space<semaphore_mem>>)
        %dma_start3A_246 = tpu.memref_slice %arg4[%mul3A_243] : memref<320000xi32, #tpu.memory_space<hbm>> -> memref<128xi32, #tpu.memory_space<hbm>>
        %dma_start3A_247 = tpu.memref_slice %arg4[%mul3A_243] : memref<320000xi32, #tpu.memory_space<hbm>> -> memref<128xi32, #tpu.memory_space<hbm>>
        tpu.enqueue_dma source(%dma_start3A_247 : memref<128xi32, #tpu.memory_space<hbm>>) target(%arg17 : memref<128xi32, #tpu.memory_space<vmem>>) target_semaphore(%arg33 : memref<!tpu.dma_semaphore, #tpu.memory_space<semaphore_mem>>)
      } else {
      }
      %add3A_128 = arith.constant 2 : i32
      %add3A_129 = arith.addi %add3A_120, %add3A_128 : i32
      %lt3A_130 = arith.constant 78 : i32
      %lt3A_131 = arith.cmpi slt, %add3A_129, %lt3A_130 : i32
      %convert_element_type3A_132 = arith.extui %lt3A_131 : i1 to i32
      %cond3A_133 = arith.constant 0 : i32
      %cond3A_134 = arith.cmpi ne, %convert_element_type3A_132, %cond3A_133 : i32
      scf.if %cond3A_134 {
        %ge3A = arith.constant 1 : i32
        %ge3A_237 = arith.cmpi sge, %add3A_120, %ge3A : i32
        %convert_element_type3A_238 = arith.extui %ge3A_237 : i1 to i32
        %cond3A_239 = arith.constant 0 : i32
        %cond3A_240 = arith.cmpi ne, %convert_element_type3A_238, %cond3A_239 : i32
        scf.if %cond3A_240 {
          %dma_wait3A_255 = arith.constant 0 : i32
          %dma_wait3A_256 = arith.constant 0 : i32
          %dma_wait3A_257 = tpu.memref_slice %arg21[%dma_wait3A_255, %dma_wait3A_256] : memref<10000x128xf32, #tpu.memory_space<vmem_shared>> -> memref<10000x128xf32, #tpu.memory_space<vmem_shared>>
          tpu.wait_indirect_dma semaphore(%arg25 : memref<!tpu.dma_semaphore, #tpu.memory_space<semaphore_mem>>) src(%arg18 : memref<128x128xf32, #tpu.memory_space<vmem>>) dst(%dma_wait3A_257 : memref<10000x128xf32, #tpu.memory_space<vmem_shared>>)
        } else {
        }
        %add3A_241 = arith.constant 2 : i32
        %add3A_242 = arith.addi %add3A_120, %add3A_241 : i32
        %mul3A_243 = arith.constant 32 : i32
        %mul3A_244 = arith.muli %add3A_242, %mul3A_243 : i32
        %add3A_245 = arith.addi %add3A, %mul3A_244 : i32
        %mul3A_246 = arith.constant 128 : i32
        %mul3A_247 = arith.muli %add3A_245, %mul3A_246 : i32
        %dma_wait3A_248 = tpu.memref_slice %arg3[%mul3A_247] : memref<320000xi32, #tpu.memory_space<hbm>> -> memref<128xi32, #tpu.memory_space<hbm>>
        %dma_wait3A_249 = tpu.memref_slice %arg3[%mul3A_247] : memref<320000xi32, #tpu.memory_space<hbm>> -> memref<128xi32, #tpu.memory_space<hbm>>
        tpu.wait_dma2 semaphore(%arg31 : memref<!tpu.dma_semaphore, #tpu.memory_space<semaphore_mem>>) src(%dma_wait3A_249 : memref<128xi32, #tpu.memory_space<hbm>>) dst(%arg9 : memref<128xi32, #tpu.memory_space<vmem>>)
        %dma_wait3A_250 = tpu.memref_slice %arg4[%mul3A_247] : memref<320000xi32, #tpu.memory_space<hbm>> -> memref<128xi32, #tpu.memory_space<hbm>>
        %dma_wait3A_251 = tpu.memref_slice %arg4[%mul3A_247] : memref<320000xi32, #tpu.memory_space<hbm>> -> memref<128xi32, #tpu.memory_space<hbm>>
        tpu.wait_dma2 semaphore(%arg31 : memref<!tpu.dma_semaphore, #tpu.memory_space<semaphore_mem>>) src(%dma_wait3A_251 : memref<128xi32, #tpu.memory_space<hbm>>) dst(%arg15 : memref<128xi32, #tpu.memory_space<vmem>>)
        %dma_start3A_252 = arith.constant 0 : i32
        %dma_start3A_253 = arith.constant 0 : i32
        %dma_start3A_254 = tpu.memref_slice %arg2[%dma_start3A_252, %dma_start3A_253] : memref<10000x128xf32, #tpu.memory_space<hbm>> -> memref<10000x128xf32, #tpu.memory_space<hbm>>
        tpu.enqueue_indirect_dma source(%dma_start3A_254 : memref<10000x128xf32, #tpu.memory_space<hbm>>) target(%arg18 : memref<128x128xf32, #tpu.memory_space<vmem>>) offsets(%arg9 : memref<128xi32, #tpu.memory_space<vmem>>) semaphore(%arg22 : memref<!tpu.dma_semaphore, #tpu.memory_space<semaphore_mem>>)
      } else {
      }
      %dma_wait3A_135 = arith.constant 0 : i32
      %dma_wait3A_136 = arith.constant 0 : i32
      %dma_wait3A_137 = tpu.memref_slice %arg2[%dma_wait3A_135, %dma_wait3A_136] : memref<10000x128xf32, #tpu.memory_space<hbm>> -> memref<10000x128xf32, #tpu.memory_space<hbm>>
      tpu.wait_indirect_dma semaphore(%arg23 : memref<!tpu.dma_semaphore, #tpu.memory_space<semaphore_mem>>) src(%dma_wait3A_137 : memref<10000x128xf32, #tpu.memory_space<hbm>>) dst(%arg19 : memref<128x128xf32, #tpu.memory_space<vmem>>)
      %dma_start3A_138 = arith.constant 0 : i32
      %dma_start3A_139 = arith.constant 0 : i32
      %dma_start3A_140 = tpu.memref_slice %arg21[%dma_start3A_138, %dma_start3A_139] : memref<10000x128xf32, #tpu.memory_space<vmem_shared>> -> memref<10000x128xf32, #tpu.memory_space<vmem_shared>>
      tpu.enqueue_indirect_dma source(%arg19 : memref<128x128xf32, #tpu.memory_space<vmem>>) target(%dma_start3A_140 : memref<10000x128xf32, #tpu.memory_space<vmem_shared>>) offsets(%arg13 : memref<128xi32, #tpu.memory_space<vmem>>) semaphore(%arg26 : memref<!tpu.dma_semaphore, #tpu.memory_space<semaphore_mem>>) {add = true}
      %mul3A_141 = arith.constant 6 : i32
      %mul3A_142 = arith.muli %scan3A_92, %mul3A_141 : i32
      %add3A_143 = arith.constant 2 : i32
      %add3A_144 = arith.addi %mul3A_142, %add3A_143 : i32
      %add3A_145 = arith.constant 4 : i32
      %add3A_146 = arith.addi %add3A_144, %add3A_145 : i32
      %lt3A_147 = arith.constant 78 : i32
      %lt3A_148 = arith.cmpi slt, %add3A_146, %lt3A_147 : i32
      %convert_element_type3A_149 = arith.extui %lt3A_148 : i1 to i32
      %cond3A_150 = arith.constant 0 : i32
      %cond3A_151 = arith.cmpi ne, %convert_element_type3A_149, %cond3A_150 : i32
      scf.if %cond3A_151 {
        %add3A_237 = arith.constant 4 : i32
        %add3A_238 = arith.addi %add3A_144, %add3A_237 : i32
        %mul3A_239 = arith.constant 32 : i32
        %mul3A_240 = arith.muli %add3A_238, %mul3A_239 : i32
        %add3A_241 = arith.addi %add3A, %mul3A_240 : i32
        %mul3A_242 = arith.constant 128 : i32
        %mul3A_243 = arith.muli %add3A_241, %mul3A_242 : i32
        %dma_start3A_244 = tpu.memref_slice %arg3[%mul3A_243] : memref<320000xi32, #tpu.memory_space<hbm>> -> memref<128xi32, #tpu.memory_space<hbm>>
        %dma_start3A_245 = tpu.memref_slice %arg3[%mul3A_243] : memref<320000xi32, #tpu.memory_space<hbm>> -> memref<128xi32, #tpu.memory_space<hbm>>
        tpu.enqueue_dma source(%dma_start3A_245 : memref<128xi32, #tpu.memory_space<hbm>>) target(%arg6 : memref<128xi32, #tpu.memory_space<vmem>>) target_semaphore(%arg28 : memref<!tpu.dma_semaphore, #tpu.memory_space<semaphore_mem>>)
        %dma_start3A_246 = tpu.memref_slice %arg4[%mul3A_243] : memref<320000xi32, #tpu.memory_space<hbm>> -> memref<128xi32, #tpu.memory_space<hbm>>
        %dma_start3A_247 = tpu.memref_slice %arg4[%mul3A_243] : memref<320000xi32, #tpu.memory_space<hbm>> -> memref<128xi32, #tpu.memory_space<hbm>>
        tpu.enqueue_dma source(%dma_start3A_247 : memref<128xi32, #tpu.memory_space<hbm>>) target(%arg12 : memref<128xi32, #tpu.memory_space<vmem>>) target_semaphore(%arg28 : memref<!tpu.dma_semaphore, #tpu.memory_space<semaphore_mem>>)
      } else {
      }
      %add3A_152 = arith.constant 2 : i32
      %add3A_153 = arith.addi %add3A_144, %add3A_152 : i32
      %lt3A_154 = arith.constant 78 : i32
      %lt3A_155 = arith.cmpi slt, %add3A_153, %lt3A_154 : i32
      %convert_element_type3A_156 = arith.extui %lt3A_155 : i1 to i32
      %cond3A_157 = arith.constant 0 : i32
      %cond3A_158 = arith.cmpi ne, %convert_element_type3A_156, %cond3A_157 : i32
      scf.if %cond3A_158 {
        %ge3A = arith.constant 1 : i32
        %ge3A_237 = arith.cmpi sge, %add3A_144, %ge3A : i32
        %convert_element_type3A_238 = arith.extui %ge3A_237 : i1 to i32
        %cond3A_239 = arith.constant 0 : i32
        %cond3A_240 = arith.cmpi ne, %convert_element_type3A_238, %cond3A_239 : i32
        scf.if %cond3A_240 {
          %dma_wait3A_255 = arith.constant 0 : i32
          %dma_wait3A_256 = arith.constant 0 : i32
          %dma_wait3A_257 = tpu.memref_slice %arg21[%dma_wait3A_255, %dma_wait3A_256] : memref<10000x128xf32, #tpu.memory_space<vmem_shared>> -> memref<10000x128xf32, #tpu.memory_space<vmem_shared>>
          tpu.wait_indirect_dma semaphore(%arg26 : memref<!tpu.dma_semaphore, #tpu.memory_space<semaphore_mem>>) src(%arg19 : memref<128x128xf32, #tpu.memory_space<vmem>>) dst(%dma_wait3A_257 : memref<10000x128xf32, #tpu.memory_space<vmem_shared>>)
        } else {
        }
        %add3A_241 = arith.constant 2 : i32
        %add3A_242 = arith.addi %add3A_144, %add3A_241 : i32
        %mul3A_243 = arith.constant 32 : i32
        %mul3A_244 = arith.muli %add3A_242, %mul3A_243 : i32
        %add3A_245 = arith.addi %add3A, %mul3A_244 : i32
        %mul3A_246 = arith.constant 128 : i32
        %mul3A_247 = arith.muli %add3A_245, %mul3A_246 : i32
        %dma_wait3A_248 = tpu.memref_slice %arg3[%mul3A_247] : memref<320000xi32, #tpu.memory_space<hbm>> -> memref<128xi32, #tpu.memory_space<hbm>>
        %dma_wait3A_249 = tpu.memref_slice %arg3[%mul3A_247] : memref<320000xi32, #tpu.memory_space<hbm>> -> memref<128xi32, #tpu.memory_space<hbm>>
        tpu.wait_dma2 semaphore(%arg32 : memref<!tpu.dma_semaphore, #tpu.memory_space<semaphore_mem>>) src(%dma_wait3A_249 : memref<128xi32, #tpu.memory_space<hbm>>) dst(%arg10 : memref<128xi32, #tpu.memory_space<vmem>>)
        %dma_wait3A_250 = tpu.memref_slice %arg4[%mul3A_247] : memref<320000xi32, #tpu.memory_space<hbm>> -> memref<128xi32, #tpu.memory_space<hbm>>
        %dma_wait3A_251 = tpu.memref_slice %arg4[%mul3A_247] : memref<320000xi32, #tpu.memory_space<hbm>> -> memref<128xi32, #tpu.memory_space<hbm>>
        tpu.wait_dma2 semaphore(%arg32 : memref<!tpu.dma_semaphore, #tpu.memory_space<semaphore_mem>>) src(%dma_wait3A_251 : memref<128xi32, #tpu.memory_space<hbm>>) dst(%arg16 : memref<128xi32, #tpu.memory_space<vmem>>)
        %dma_start3A_252 = arith.constant 0 : i32
        %dma_start3A_253 = arith.constant 0 : i32
        %dma_start3A_254 = tpu.memref_slice %arg2[%dma_start3A_252, %dma_start3A_253] : memref<10000x128xf32, #tpu.memory_space<hbm>> -> memref<10000x128xf32, #tpu.memory_space<hbm>>
        tpu.enqueue_indirect_dma source(%dma_start3A_254 : memref<10000x128xf32, #tpu.memory_space<hbm>>) target(%arg19 : memref<128x128xf32, #tpu.memory_space<vmem>>) offsets(%arg10 : memref<128xi32, #tpu.memory_space<vmem>>) semaphore(%arg23 : memref<!tpu.dma_semaphore, #tpu.memory_space<semaphore_mem>>)
      } else {
      }
      %dma_wait3A_159 = arith.constant 0 : i32
      %dma_wait3A_160 = arith.constant 0 : i32
      %dma_wait3A_161 = tpu.memref_slice %arg2[%dma_wait3A_159, %dma_wait3A_160] : memref<10000x128xf32, #tpu.memory_space<hbm>> -> memref<10000x128xf32, #tpu.memory_space<hbm>>
      tpu.wait_indirect_dma semaphore(%arg24 : memref<!tpu.dma_semaphore, #tpu.memory_space<semaphore_mem>>) src(%dma_wait3A_161 : memref<10000x128xf32, #tpu.memory_space<hbm>>) dst(%arg20 : memref<128x128xf32, #tpu.memory_space<vmem>>)
      %dma_start3A_162 = arith.constant 0 : i32
      %dma_start3A_163 = arith.constant 0 : i32
      %dma_start3A_164 = tpu.memref_slice %arg21[%dma_start3A_162, %dma_start3A_163] : memref<10000x128xf32, #tpu.memory_space<vmem_shared>> -> memref<10000x128xf32, #tpu.memory_space<vmem_shared>>
      tpu.enqueue_indirect_dma source(%arg20 : memref<128x128xf32, #tpu.memory_space<vmem>>) target(%dma_start3A_164 : memref<10000x128xf32, #tpu.memory_space<vmem_shared>>) offsets(%arg14 : memref<128xi32, #tpu.memory_space<vmem>>) semaphore(%arg27 : memref<!tpu.dma_semaphore, #tpu.memory_space<semaphore_mem>>) {add = true}
      %mul3A_165 = arith.constant 6 : i32
      %mul3A_166 = arith.muli %scan3A_92, %mul3A_165 : i32
      %add3A_167 = arith.constant 3 : i32
      %add3A_168 = arith.addi %mul3A_166, %add3A_167 : i32
      %add3A_169 = arith.constant 4 : i32
      %add3A_170 = arith.addi %add3A_168, %add3A_169 : i32
      %lt3A_171 = arith.constant 78 : i32
      %lt3A_172 = arith.cmpi slt, %add3A_170, %lt3A_171 : i32
      %convert_element_type3A_173 = arith.extui %lt3A_172 : i1 to i32
      %cond3A_174 = arith.constant 0 : i32
      %cond3A_175 = arith.cmpi ne, %convert_element_type3A_173, %cond3A_174 : i32
      scf.if %cond3A_175 {
        %add3A_237 = arith.constant 4 : i32
        %add3A_238 = arith.addi %add3A_168, %add3A_237 : i32
        %mul3A_239 = arith.constant 32 : i32
        %mul3A_240 = arith.muli %add3A_238, %mul3A_239 : i32
        %add3A_241 = arith.addi %add3A, %mul3A_240 : i32
        %mul3A_242 = arith.constant 128 : i32
        %mul3A_243 = arith.muli %add3A_241, %mul3A_242 : i32
        %dma_start3A_244 = tpu.memref_slice %arg3[%mul3A_243] : memref<320000xi32, #tpu.memory_space<hbm>> -> memref<128xi32, #tpu.memory_space<hbm>>
        %dma_start3A_245 = tpu.memref_slice %arg3[%mul3A_243] : memref<320000xi32, #tpu.memory_space<hbm>> -> memref<128xi32, #tpu.memory_space<hbm>>
        tpu.enqueue_dma source(%dma_start3A_245 : memref<128xi32, #tpu.memory_space<hbm>>) target(%arg7 : memref<128xi32, #tpu.memory_space<vmem>>) target_semaphore(%arg29 : memref<!tpu.dma_semaphore, #tpu.memory_space<semaphore_mem>>)
        %dma_start3A_246 = tpu.memref_slice %arg4[%mul3A_243] : memref<320000xi32, #tpu.memory_space<hbm>> -> memref<128xi32, #tpu.memory_space<hbm>>
        %dma_start3A_247 = tpu.memref_slice %arg4[%mul3A_243] : memref<320000xi32, #tpu.memory_space<hbm>> -> memref<128xi32, #tpu.memory_space<hbm>>
        tpu.enqueue_dma source(%dma_start3A_247 : memref<128xi32, #tpu.memory_space<hbm>>) target(%arg13 : memref<128xi32, #tpu.memory_space<vmem>>) target_semaphore(%arg29 : memref<!tpu.dma_semaphore, #tpu.memory_space<semaphore_mem>>)
      } else {
      }
      %add3A_176 = arith.constant 2 : i32
      %add3A_177 = arith.addi %add3A_168, %add3A_176 : i32
      %lt3A_178 = arith.constant 78 : i32
      %lt3A_179 = arith.cmpi slt, %add3A_177, %lt3A_178 : i32
      %convert_element_type3A_180 = arith.extui %lt3A_179 : i1 to i32
      %cond3A_181 = arith.constant 0 : i32
      %cond3A_182 = arith.cmpi ne, %convert_element_type3A_180, %cond3A_181 : i32
      scf.if %cond3A_182 {
        %ge3A = arith.constant 1 : i32
        %ge3A_237 = arith.cmpi sge, %add3A_168, %ge3A : i32
        %convert_element_type3A_238 = arith.extui %ge3A_237 : i1 to i32
        %cond3A_239 = arith.constant 0 : i32
        %cond3A_240 = arith.cmpi ne, %convert_element_type3A_238, %cond3A_239 : i32
        scf.if %cond3A_240 {
          %dma_wait3A_255 = arith.constant 0 : i32
          %dma_wait3A_256 = arith.constant 0 : i32
          %dma_wait3A_257 = tpu.memref_slice %arg21[%dma_wait3A_255, %dma_wait3A_256] : memref<10000x128xf32, #tpu.memory_space<vmem_shared>> -> memref<10000x128xf32, #tpu.memory_space<vmem_shared>>
          tpu.wait_indirect_dma semaphore(%arg27 : memref<!tpu.dma_semaphore, #tpu.memory_space<semaphore_mem>>) src(%arg20 : memref<128x128xf32, #tpu.memory_space<vmem>>) dst(%dma_wait3A_257 : memref<10000x128xf32, #tpu.memory_space<vmem_shared>>)
        } else {
        }
        %add3A_241 = arith.constant 2 : i32
        %add3A_242 = arith.addi %add3A_168, %add3A_241 : i32
        %mul3A_243 = arith.constant 32 : i32
        %mul3A_244 = arith.muli %add3A_242, %mul3A_243 : i32
        %add3A_245 = arith.addi %add3A, %mul3A_244 : i32
        %mul3A_246 = arith.constant 128 : i32
        %mul3A_247 = arith.muli %add3A_245, %mul3A_246 : i32
        %dma_wait3A_248 = tpu.memref_slice %arg3[%mul3A_247] : memref<320000xi32, #tpu.memory_space<hbm>> -> memref<128xi32, #tpu.memory_space<hbm>>
        %dma_wait3A_249 = tpu.memref_slice %arg3[%mul3A_247] : memref<320000xi32, #tpu.memory_space<hbm>> -> memref<128xi32, #tpu.memory_space<hbm>>
        tpu.wait_dma2 semaphore(%arg33 : memref<!tpu.dma_semaphore, #tpu.memory_space<semaphore_mem>>) src(%dma_wait3A_249 : memref<128xi32, #tpu.memory_space<hbm>>) dst(%arg11 : memref<128xi32, #tpu.memory_space<vmem>>)
        %dma_wait3A_250 = tpu.memref_slice %arg4[%mul3A_247] : memref<320000xi32, #tpu.memory_space<hbm>> -> memref<128xi32, #tpu.memory_space<hbm>>
        %dma_wait3A_251 = tpu.memref_slice %arg4[%mul3A_247] : memref<320000xi32, #tpu.memory_space<hbm>> -> memref<128xi32, #tpu.memory_space<hbm>>
        tpu.wait_dma2 semaphore(%arg33 : memref<!tpu.dma_semaphore, #tpu.memory_space<semaphore_mem>>) src(%dma_wait3A_251 : memref<128xi32, #tpu.memory_space<hbm>>) dst(%arg17 : memref<128xi32, #tpu.memory_space<vmem>>)
        %dma_start3A_252 = arith.constant 0 : i32
        %dma_start3A_253 = arith.constant 0 : i32
        %dma_start3A_254 = tpu.memref_slice %arg2[%dma_start3A_252, %dma_start3A_253] : memref<10000x128xf32, #tpu.memory_space<hbm>> -> memref<10000x128xf32, #tpu.memory_space<hbm>>
        tpu.enqueue_indirect_dma source(%dma_start3A_254 : memref<10000x128xf32, #tpu.memory_space<hbm>>) target(%arg20 : memref<128x128xf32, #tpu.memory_space<vmem>>) offsets(%arg11 : memref<128xi32, #tpu.memory_space<vmem>>) semaphore(%arg24 : memref<!tpu.dma_semaphore, #tpu.memory_space<semaphore_mem>>)
      } else {
      }
      %dma_wait3A_183 = arith.constant 0 : i32
      %dma_wait3A_184 = arith.constant 0 : i32
      %dma_wait3A_185 = tpu.memref_slice %arg2[%dma_wait3A_183, %dma_wait3A_184] : memref<10000x128xf32, #tpu.memory_space<hbm>> -> memref<10000x128xf32, #tpu.memory_space<hbm>>
      tpu.wait_indirect_dma semaphore(%arg22 : memref<!tpu.dma_semaphore, #tpu.memory_space<semaphore_mem>>) src(%dma_wait3A_185 : memref<10000x128xf32, #tpu.memory_space<hbm>>) dst(%arg18 : memref<128x128xf32, #tpu.memory_space<vmem>>)
      %dma_start3A_186 = arith.constant 0 : i32
      %dma_start3A_187 = arith.constant 0 : i32
      %dma_start3A_188 = tpu.memref_slice %arg21[%dma_start3A_186, %dma_start3A_187] : memref<10000x128xf32, #tpu.memory_space<vmem_shared>> -> memref<10000x128xf32, #tpu.memory_space<vmem_shared>>
      tpu.enqueue_indirect_dma source(%arg18 : memref<128x128xf32, #tpu.memory_space<vmem>>) target(%dma_start3A_188 : memref<10000x128xf32, #tpu.memory_space<vmem_shared>>) offsets(%arg15 : memref<128xi32, #tpu.memory_space<vmem>>) semaphore(%arg25 : memref<!tpu.dma_semaphore, #tpu.memory_space<semaphore_mem>>) {add = true}
      %mul3A_189 = arith.constant 6 : i32
      %mul3A_190 = arith.muli %scan3A_92, %mul3A_189 : i32
      %add3A_191 = arith.constant 4 : i32
      %add3A_192 = arith.addi %mul3A_190, %add3A_191 : i32
      %add3A_193 = arith.constant 4 : i32
      %add3A_194 = arith.addi %add3A_192, %add3A_193 : i32
      %lt3A_195 = arith.constant 78 : i32
      %lt3A_196 = arith.cmpi slt, %add3A_194, %lt3A_195 : i32
      %convert_element_type3A_197 = arith.extui %lt3A_196 : i1 to i32
      %cond3A_198 = arith.constant 0 : i32
      %cond3A_199 = arith.cmpi ne, %convert_element_type3A_197, %cond3A_198 : i32
      scf.if %cond3A_199 {
        %add3A_237 = arith.constant 4 : i32
        %add3A_238 = arith.addi %add3A_192, %add3A_237 : i32
        %mul3A_239 = arith.constant 32 : i32
        %mul3A_240 = arith.muli %add3A_238, %mul3A_239 : i32
        %add3A_241 = arith.addi %add3A, %mul3A_240 : i32
        %mul3A_242 = arith.constant 128 : i32
        %mul3A_243 = arith.muli %add3A_241, %mul3A_242 : i32
        %dma_start3A_244 = tpu.memref_slice %arg3[%mul3A_243] : memref<320000xi32, #tpu.memory_space<hbm>> -> memref<128xi32, #tpu.memory_space<hbm>>
        %dma_start3A_245 = tpu.memref_slice %arg3[%mul3A_243] : memref<320000xi32, #tpu.memory_space<hbm>> -> memref<128xi32, #tpu.memory_space<hbm>>
        tpu.enqueue_dma source(%dma_start3A_245 : memref<128xi32, #tpu.memory_space<hbm>>) target(%arg8 : memref<128xi32, #tpu.memory_space<vmem>>) target_semaphore(%arg30 : memref<!tpu.dma_semaphore, #tpu.memory_space<semaphore_mem>>)
        %dma_start3A_246 = tpu.memref_slice %arg4[%mul3A_243] : memref<320000xi32, #tpu.memory_space<hbm>> -> memref<128xi32, #tpu.memory_space<hbm>>
        %dma_start3A_247 = tpu.memref_slice %arg4[%mul3A_243] : memref<320000xi32, #tpu.memory_space<hbm>> -> memref<128xi32, #tpu.memory_space<hbm>>
        tpu.enqueue_dma source(%dma_start3A_247 : memref<128xi32, #tpu.memory_space<hbm>>) target(%arg14 : memref<128xi32, #tpu.memory_space<vmem>>) target_semaphore(%arg30 : memref<!tpu.dma_semaphore, #tpu.memory_space<semaphore_mem>>)
      } else {
      }
      %add3A_200 = arith.constant 2 : i32
      %add3A_201 = arith.addi %add3A_192, %add3A_200 : i32
      %lt3A_202 = arith.constant 78 : i32
      %lt3A_203 = arith.cmpi slt, %add3A_201, %lt3A_202 : i32
      %convert_element_type3A_204 = arith.extui %lt3A_203 : i1 to i32
      %cond3A_205 = arith.constant 0 : i32
      %cond3A_206 = arith.cmpi ne, %convert_element_type3A_204, %cond3A_205 : i32
      scf.if %cond3A_206 {
        %ge3A = arith.constant 1 : i32
        %ge3A_237 = arith.cmpi sge, %add3A_192, %ge3A : i32
        %convert_element_type3A_238 = arith.extui %ge3A_237 : i1 to i32
        %cond3A_239 = arith.constant 0 : i32
        %cond3A_240 = arith.cmpi ne, %convert_element_type3A_238, %cond3A_239 : i32
        scf.if %cond3A_240 {
          %dma_wait3A_255 = arith.constant 0 : i32
          %dma_wait3A_256 = arith.constant 0 : i32
          %dma_wait3A_257 = tpu.memref_slice %arg21[%dma_wait3A_255, %dma_wait3A_256] : memref<10000x128xf32, #tpu.memory_space<vmem_shared>> -> memref<10000x128xf32, #tpu.memory_space<vmem_shared>>
          tpu.wait_indirect_dma semaphore(%arg25 : memref<!tpu.dma_semaphore, #tpu.memory_space<semaphore_mem>>) src(%arg18 : memref<128x128xf32, #tpu.memory_space<vmem>>) dst(%dma_wait3A_257 : memref<10000x128xf32, #tpu.memory_space<vmem_shared>>)
        } else {
        }
        %add3A_241 = arith.constant 2 : i32
        %add3A_242 = arith.addi %add3A_192, %add3A_241 : i32
        %mul3A_243 = arith.constant 32 : i32
        %mul3A_244 = arith.muli %add3A_242, %mul3A_243 : i32
        %add3A_245 = arith.addi %add3A, %mul3A_244 : i32
        %mul3A_246 = arith.constant 128 : i32
        %mul3A_247 = arith.muli %add3A_245, %mul3A_246 : i32
        %dma_wait3A_248 = tpu.memref_slice %arg3[%mul3A_247] : memref<320000xi32, #tpu.memory_space<hbm>> -> memref<128xi32, #tpu.memory_space<hbm>>
        %dma_wait3A_249 = tpu.memref_slice %arg3[%mul3A_247] : memref<320000xi32, #tpu.memory_space<hbm>> -> memref<128xi32, #tpu.memory_space<hbm>>
        tpu.wait_dma2 semaphore(%arg28 : memref<!tpu.dma_semaphore, #tpu.memory_space<semaphore_mem>>) src(%dma_wait3A_249 : memref<128xi32, #tpu.memory_space<hbm>>) dst(%arg6 : memref<128xi32, #tpu.memory_space<vmem>>)
        %dma_wait3A_250 = tpu.memref_slice %arg4[%mul3A_247] : memref<320000xi32, #tpu.memory_space<hbm>> -> memref<128xi32, #tpu.memory_space<hbm>>
        %dma_wait3A_251 = tpu.memref_slice %arg4[%mul3A_247] : memref<320000xi32, #tpu.memory_space<hbm>> -> memref<128xi32, #tpu.memory_space<hbm>>
        tpu.wait_dma2 semaphore(%arg28 : memref<!tpu.dma_semaphore, #tpu.memory_space<semaphore_mem>>) src(%dma_wait3A_251 : memref<128xi32, #tpu.memory_space<hbm>>) dst(%arg12 : memref<128xi32, #tpu.memory_space<vmem>>)
        %dma_start3A_252 = arith.constant 0 : i32
        %dma_start3A_253 = arith.constant 0 : i32
        %dma_start3A_254 = tpu.memref_slice %arg2[%dma_start3A_252, %dma_start3A_253] : memref<10000x128xf32, #tpu.memory_space<hbm>> -> memref<10000x128xf32, #tpu.memory_space<hbm>>
        tpu.enqueue_indirect_dma source(%dma_start3A_254 : memref<10000x128xf32, #tpu.memory_space<hbm>>) target(%arg18 : memref<128x128xf32, #tpu.memory_space<vmem>>) offsets(%arg6 : memref<128xi32, #tpu.memory_space<vmem>>) semaphore(%arg22 : memref<!tpu.dma_semaphore, #tpu.memory_space<semaphore_mem>>)
      } else {
      }
      %dma_wait3A_207 = arith.constant 0 : i32
      %dma_wait3A_208 = arith.constant 0 : i32
      %dma_wait3A_209 = tpu.memref_slice %arg2[%dma_wait3A_207, %dma_wait3A_208] : memref<10000x128xf32, #tpu.memory_space<hbm>> -> memref<10000x128xf32, #tpu.memory_space<hbm>>
      tpu.wait_indirect_dma semaphore(%arg23 : memref<!tpu.dma_semaphore, #tpu.memory_space<semaphore_mem>>) src(%dma_wait3A_209 : memref<10000x128xf32, #tpu.memory_space<hbm>>) dst(%arg19 : memref<128x128xf32, #tpu.memory_space<vmem>>)
      %dma_start3A_210 = arith.constant 0 : i32
      %dma_start3A_211 = arith.constant 0 : i32
      %dma_start3A_212 = tpu.memref_slice %arg21[%dma_start3A_210, %dma_start3A_211] : memref<10000x128xf32, #tpu.memory_space<vmem_shared>> -> memref<10000x128xf32, #tpu.memory_space<vmem_shared>>
      tpu.enqueue_indirect_dma source(%arg19 : memref<128x128xf32, #tpu.memory_space<vmem>>) target(%dma_start3A_212 : memref<10000x128xf32, #tpu.memory_space<vmem_shared>>) offsets(%arg16 : memref<128xi32, #tpu.memory_space<vmem>>) semaphore(%arg26 : memref<!tpu.dma_semaphore, #tpu.memory_space<semaphore_mem>>) {add = true}
      %mul3A_213 = arith.constant 6 : i32
      %mul3A_214 = arith.muli %scan3A_92, %mul3A_213 : i32
      %add3A_215 = arith.constant 5 : i32
      %add3A_216 = arith.addi %mul3A_214, %add3A_215 : i32
      %add3A_217 = arith.constant 4 : i32
      %add3A_218 = arith.addi %add3A_216, %add3A_217 : i32
      %lt3A_219 = arith.constant 78 : i32
      %lt3A_220 = arith.cmpi slt, %add3A_218, %lt3A_219 : i32
      %convert_element_type3A_221 = arith.extui %lt3A_220 : i1 to i32
      %cond3A_222 = arith.constant 0 : i32
      %cond3A_223 = arith.cmpi ne, %convert_element_type3A_221, %cond3A_222 : i32
      scf.if %cond3A_223 {
        %add3A_237 = arith.constant 4 : i32
        %add3A_238 = arith.addi %add3A_216, %add3A_237 : i32
        %mul3A_239 = arith.constant 32 : i32
        %mul3A_240 = arith.muli %add3A_238, %mul3A_239 : i32
        %add3A_241 = arith.addi %add3A, %mul3A_240 : i32
        %mul3A_242 = arith.constant 128 : i32
        %mul3A_243 = arith.muli %add3A_241, %mul3A_242 : i32
        %dma_start3A_244 = tpu.memref_slice %arg3[%mul3A_243] : memref<320000xi32, #tpu.memory_space<hbm>> -> memref<128xi32, #tpu.memory_space<hbm>>
        %dma_start3A_245 = tpu.memref_slice %arg3[%mul3A_243] : memref<320000xi32, #tpu.memory_space<hbm>> -> memref<128xi32, #tpu.memory_space<hbm>>
        tpu.enqueue_dma source(%dma_start3A_245 : memref<128xi32, #tpu.memory_space<hbm>>) target(%arg9 : memref<128xi32, #tpu.memory_space<vmem>>) target_semaphore(%arg31 : memref<!tpu.dma_semaphore, #tpu.memory_space<semaphore_mem>>)
        %dma_start3A_246 = tpu.memref_slice %arg4[%mul3A_243] : memref<320000xi32, #tpu.memory_space<hbm>> -> memref<128xi32, #tpu.memory_space<hbm>>
        %dma_start3A_247 = tpu.memref_slice %arg4[%mul3A_243] : memref<320000xi32, #tpu.memory_space<hbm>> -> memref<128xi32, #tpu.memory_space<hbm>>
        tpu.enqueue_dma source(%dma_start3A_247 : memref<128xi32, #tpu.memory_space<hbm>>) target(%arg15 : memref<128xi32, #tpu.memory_space<vmem>>) target_semaphore(%arg31 : memref<!tpu.dma_semaphore, #tpu.memory_space<semaphore_mem>>)
      } else {
      }
      %add3A_224 = arith.constant 2 : i32
      %add3A_225 = arith.addi %add3A_216, %add3A_224 : i32
      %lt3A_226 = arith.constant 78 : i32
      %lt3A_227 = arith.cmpi slt, %add3A_225, %lt3A_226 : i32
      %convert_element_type3A_228 = arith.extui %lt3A_227 : i1 to i32
      %cond3A_229 = arith.constant 0 : i32
      %cond3A_230 = arith.cmpi ne, %convert_element_type3A_228, %cond3A_229 : i32
      scf.if %cond3A_230 {
        %ge3A = arith.constant 1 : i32
        %ge3A_237 = arith.cmpi sge, %add3A_216, %ge3A : i32
        %convert_element_type3A_238 = arith.extui %ge3A_237 : i1 to i32
        %cond3A_239 = arith.constant 0 : i32
        %cond3A_240 = arith.cmpi ne, %convert_element_type3A_238, %cond3A_239 : i32
        scf.if %cond3A_240 {
          %dma_wait3A_255 = arith.constant 0 : i32
          %dma_wait3A_256 = arith.constant 0 : i32
          %dma_wait3A_257 = tpu.memref_slice %arg21[%dma_wait3A_255, %dma_wait3A_256] : memref<10000x128xf32, #tpu.memory_space<vmem_shared>> -> memref<10000x128xf32, #tpu.memory_space<vmem_shared>>
          tpu.wait_indirect_dma semaphore(%arg26 : memref<!tpu.dma_semaphore, #tpu.memory_space<semaphore_mem>>) src(%arg19 : memref<128x128xf32, #tpu.memory_space<vmem>>) dst(%dma_wait3A_257 : memref<10000x128xf32, #tpu.memory_space<vmem_shared>>)
        } else {
        }
        %add3A_241 = arith.constant 2 : i32
        %add3A_242 = arith.addi %add3A_216, %add3A_241 : i32
        %mul3A_243 = arith.constant 32 : i32
        %mul3A_244 = arith.muli %add3A_242, %mul3A_243 : i32
        %add3A_245 = arith.addi %add3A, %mul3A_244 : i32
        %mul3A_246 = arith.constant 128 : i32
        %mul3A_247 = arith.muli %add3A_245, %mul3A_246 : i32
        %dma_wait3A_248 = tpu.memref_slice %arg3[%mul3A_247] : memref<320000xi32, #tpu.memory_space<hbm>> -> memref<128xi32, #tpu.memory_space<hbm>>
        %dma_wait3A_249 = tpu.memref_slice %arg3[%mul3A_247] : memref<320000xi32, #tpu.memory_space<hbm>> -> memref<128xi32, #tpu.memory_space<hbm>>
        tpu.wait_dma2 semaphore(%arg29 : memref<!tpu.dma_semaphore, #tpu.memory_space<semaphore_mem>>) src(%dma_wait3A_249 : memref<128xi32, #tpu.memory_space<hbm>>) dst(%arg7 : memref<128xi32, #tpu.memory_space<vmem>>)
        %dma_wait3A_250 = tpu.memref_slice %arg4[%mul3A_247] : memref<320000xi32, #tpu.memory_space<hbm>> -> memref<128xi32, #tpu.memory_space<hbm>>
        %dma_wait3A_251 = tpu.memref_slice %arg4[%mul3A_247] : memref<320000xi32, #tpu.memory_space<hbm>> -> memref<128xi32, #tpu.memory_space<hbm>>
        tpu.wait_dma2 semaphore(%arg29 : memref<!tpu.dma_semaphore, #tpu.memory_space<semaphore_mem>>) src(%dma_wait3A_251 : memref<128xi32, #tpu.memory_space<hbm>>) dst(%arg13 : memref<128xi32, #tpu.memory_space<vmem>>)
        %dma_start3A_252 = arith.constant 0 : i32
        %dma_start3A_253 = arith.constant 0 : i32
        %dma_start3A_254 = tpu.memref_slice %arg2[%dma_start3A_252, %dma_start3A_253] : memref<10000x128xf32, #tpu.memory_space<hbm>> -> memref<10000x128xf32, #tpu.memory_space<hbm>>
        tpu.enqueue_indirect_dma source(%dma_start3A_254 : memref<10000x128xf32, #tpu.memory_space<hbm>>) target(%arg19 : memref<128x128xf32, #tpu.memory_space<vmem>>) offsets(%arg7 : memref<128xi32, #tpu.memory_space<vmem>>) semaphore(%arg23 : memref<!tpu.dma_semaphore, #tpu.memory_space<semaphore_mem>>)
      } else {
      }
      %dma_wait3A_231 = arith.constant 0 : i32
      %dma_wait3A_232 = arith.constant 0 : i32
      %dma_wait3A_233 = tpu.memref_slice %arg2[%dma_wait3A_231, %dma_wait3A_232] : memref<10000x128xf32, #tpu.memory_space<hbm>> -> memref<10000x128xf32, #tpu.memory_space<hbm>>
      tpu.wait_indirect_dma semaphore(%arg24 : memref<!tpu.dma_semaphore, #tpu.memory_space<semaphore_mem>>) src(%dma_wait3A_233 : memref<10000x128xf32, #tpu.memory_space<hbm>>) dst(%arg20 : memref<128x128xf32, #tpu.memory_space<vmem>>)
      %dma_start3A_234 = arith.constant 0 : i32
      %dma_start3A_235 = arith.constant 0 : i32
      %dma_start3A_236 = tpu.memref_slice %arg21[%dma_start3A_234, %dma_start3A_235] : memref<10000x128xf32, #tpu.memory_space<vmem_shared>> -> memref<10000x128xf32, #tpu.memory_space<vmem_shared>>
      tpu.enqueue_indirect_dma source(%arg20 : memref<128x128xf32, #tpu.memory_space<vmem>>) target(%dma_start3A_236 : memref<10000x128xf32, #tpu.memory_space<vmem_shared>>) offsets(%arg17 : memref<128xi32, #tpu.memory_space<vmem>>) semaphore(%arg27 : memref<!tpu.dma_semaphore, #tpu.memory_space<semaphore_mem>>) {add = true}
    }
    %scan3A_72 = arith.constant 13 : i32
    %dma_wait3A_73 = arith.constant 0 : i32
    %dma_wait3A_74 = arith.constant 0 : i32
    %dma_wait3A_75 = tpu.memref_slice %arg21[%dma_wait3A_73, %dma_wait3A_74] : memref<10000x128xf32, #tpu.memory_space<vmem_shared>> -> memref<10000x128xf32, #tpu.memory_space<vmem_shared>>
    tpu.wait_indirect_dma semaphore(%arg25 : memref<!tpu.dma_semaphore, #tpu.memory_space<semaphore_mem>>) src(%arg18 : memref<128x128xf32, #tpu.memory_space<vmem>>) dst(%dma_wait3A_75 : memref<10000x128xf32, #tpu.memory_space<vmem_shared>>)
    %dma_wait3A_76 = arith.constant 0 : i32
    %dma_wait3A_77 = arith.constant 0 : i32
    %dma_wait3A_78 = tpu.memref_slice %arg21[%dma_wait3A_76, %dma_wait3A_77] : memref<10000x128xf32, #tpu.memory_space<vmem_shared>> -> memref<10000x128xf32, #tpu.memory_space<vmem_shared>>
    tpu.wait_indirect_dma semaphore(%arg26 : memref<!tpu.dma_semaphore, #tpu.memory_space<semaphore_mem>>) src(%arg19 : memref<128x128xf32, #tpu.memory_space<vmem>>) dst(%dma_wait3A_78 : memref<10000x128xf32, #tpu.memory_space<vmem_shared>>)
    %dma_wait3A_79 = arith.constant 0 : i32
    %dma_wait3A_80 = arith.constant 0 : i32
    %dma_wait3A_81 = tpu.memref_slice %arg21[%dma_wait3A_79, %dma_wait3A_80] : memref<10000x128xf32, #tpu.memory_space<vmem_shared>> -> memref<10000x128xf32, #tpu.memory_space<vmem_shared>>
    tpu.wait_indirect_dma semaphore(%arg27 : memref<!tpu.dma_semaphore, #tpu.memory_space<semaphore_mem>>) src(%arg20 : memref<128x128xf32, #tpu.memory_space<vmem>>) dst(%dma_wait3A_81 : memref<10000x128xf32, #tpu.memory_space<vmem_shared>>)
    %lt3A = arith.constant 4 : i32
    %lt3A_82 = arith.cmpi slt, %add3A, %lt3A : i32
    %convert_element_type3A_83 = arith.extui %lt3A_82 : i1 to i32
    %cond3A_84 = arith.constant 0 : i32
    %cond3A_85 = arith.cmpi ne, %convert_element_type3A_83, %cond3A_84 : i32
    scf.if %cond3A_85 {
      %add3A_92 = arith.constant 2496 : i32
      %add3A_93 = arith.addi %add3A_92, %add3A : i32
      %mul3A_94 = arith.constant 128 : i32
      %mul3A_95 = arith.muli %add3A_93, %mul3A_94 : i32
      %dma_start3A_96 = tpu.memref_slice %arg3[%mul3A_95] : memref<320000xi32, #tpu.memory_space<hbm>> -> memref<128xi32, #tpu.memory_space<hbm>>
      %dma_start3A_97 = tpu.memref_slice %arg3[%mul3A_95] : memref<320000xi32, #tpu.memory_space<hbm>> -> memref<128xi32, #tpu.memory_space<hbm>>
      tpu.enqueue_dma source(%dma_start3A_97 : memref<128xi32, #tpu.memory_space<hbm>>) target(%arg6 : memref<128xi32, #tpu.memory_space<vmem>>) target_semaphore(%arg28 : memref<!tpu.dma_semaphore, #tpu.memory_space<semaphore_mem>>)
      %dma_start3A_98 = tpu.memref_slice %arg4[%mul3A_95] : memref<320000xi32, #tpu.memory_space<hbm>> -> memref<128xi32, #tpu.memory_space<hbm>>
      %dma_start3A_99 = tpu.memref_slice %arg4[%mul3A_95] : memref<320000xi32, #tpu.memory_space<hbm>> -> memref<128xi32, #tpu.memory_space<hbm>>
      tpu.enqueue_dma source(%dma_start3A_99 : memref<128xi32, #tpu.memory_space<hbm>>) target(%arg12 : memref<128xi32, #tpu.memory_space<vmem>>) target_semaphore(%arg28 : memref<!tpu.dma_semaphore, #tpu.memory_space<semaphore_mem>>)
      %add3A_100 = arith.constant 2496 : i32
      %add3A_101 = arith.addi %add3A_100, %add3A : i32
      %mul3A_102 = arith.constant 128 : i32
      %mul3A_103 = arith.muli %add3A_101, %mul3A_102 : i32
      %dma_wait3A_104 = tpu.memref_slice %arg3[%mul3A_103] : memref<320000xi32, #tpu.memory_space<hbm>> -> memref<128xi32, #tpu.memory_space<hbm>>
      %dma_wait3A_105 = tpu.memref_slice %arg3[%mul3A_103] : memref<320000xi32, #tpu.memory_space<hbm>> -> memref<128xi32, #tpu.memory_space<hbm>>
      tpu.wait_dma2 semaphore(%arg28 : memref<!tpu.dma_semaphore, #tpu.memory_space<semaphore_mem>>) src(%dma_wait3A_105 : memref<128xi32, #tpu.memory_space<hbm>>) dst(%arg6 : memref<128xi32, #tpu.memory_space<vmem>>)
      %dma_wait3A_106 = tpu.memref_slice %arg4[%mul3A_103] : memref<320000xi32, #tpu.memory_space<hbm>> -> memref<128xi32, #tpu.memory_space<hbm>>
      %dma_wait3A_107 = tpu.memref_slice %arg4[%mul3A_103] : memref<320000xi32, #tpu.memory_space<hbm>> -> memref<128xi32, #tpu.memory_space<hbm>>
      tpu.wait_dma2 semaphore(%arg28 : memref<!tpu.dma_semaphore, #tpu.memory_space<semaphore_mem>>) src(%dma_wait3A_107 : memref<128xi32, #tpu.memory_space<hbm>>) dst(%arg12 : memref<128xi32, #tpu.memory_space<vmem>>)
      %dma_start3A_108 = arith.constant 0 : i32
      %dma_start3A_109 = arith.constant 0 : i32
      %dma_start3A_110 = tpu.memref_slice %arg2[%dma_start3A_108, %dma_start3A_109] : memref<10000x128xf32, #tpu.memory_space<hbm>> -> memref<10000x128xf32, #tpu.memory_space<hbm>>
      tpu.enqueue_indirect_dma source(%dma_start3A_110 : memref<10000x128xf32, #tpu.memory_space<hbm>>) target(%arg18 : memref<128x128xf32, #tpu.memory_space<vmem>>) offsets(%arg6 : memref<128xi32, #tpu.memory_space<vmem>>) semaphore(%arg22 : memref<!tpu.dma_semaphore, #tpu.memory_space<semaphore_mem>>)
      %dma_wait3A_111 = arith.constant 0 : i32
      %dma_wait3A_112 = arith.constant 0 : i32
      %dma_wait3A_113 = tpu.memref_slice %arg2[%dma_wait3A_111, %dma_wait3A_112] : memref<10000x128xf32, #tpu.memory_space<hbm>> -> memref<10000x128xf32, #tpu.memory_space<hbm>>
      tpu.wait_indirect_dma semaphore(%arg22 : memref<!tpu.dma_semaphore, #tpu.memory_space<semaphore_mem>>) src(%dma_wait3A_113 : memref<10000x128xf32, #tpu.memory_space<hbm>>) dst(%arg18 : memref<128x128xf32, #tpu.memory_space<vmem>>)
      "tpu.region"() ({
        %run_scoped3A = tpu.sem_alloc : memref<!tpu.dma_semaphore, #tpu.memory_space<semaphore_mem>>
        %dma_start3A_114 = arith.constant 0 : i32
        %dma_start3A_115 = arith.constant 0 : i32
        %dma_start3A_116 = tpu.memref_slice %arg21[%dma_start3A_114, %dma_start3A_115] : memref<10000x128xf32, #tpu.memory_space<vmem_shared>> -> memref<10000x128xf32, #tpu.memory_space<vmem_shared>>
        tpu.enqueue_indirect_dma source(%arg18 : memref<128x128xf32, #tpu.memory_space<vmem>>) target(%dma_start3A_116 : memref<10000x128xf32, #tpu.memory_space<vmem_shared>>) offsets(%arg12 : memref<128xi32, #tpu.memory_space<vmem>>) semaphore(%run_scoped3A : memref<!tpu.dma_semaphore, #tpu.memory_space<semaphore_mem>>) {add = true}
        %dma_wait3A_117 = arith.constant 0 : i32
        %dma_wait3A_118 = arith.constant 0 : i32
        %dma_wait3A_119 = tpu.memref_slice %arg21[%dma_wait3A_117, %dma_wait3A_118] : memref<10000x128xf32, #tpu.memory_space<vmem_shared>> -> memref<10000x128xf32, #tpu.memory_space<vmem_shared>>
        tpu.wait_indirect_dma semaphore(%run_scoped3A : memref<!tpu.dma_semaphore, #tpu.memory_space<semaphore_mem>>) src(%arg18 : memref<128x128xf32, #tpu.memory_space<vmem>>) dst(%dma_wait3A_119 : memref<10000x128xf32, #tpu.memory_space<vmem_shared>>)
        tpu.yield
      }) : () -> ()
    } else {
    }
    %barrier3A_86 = arith.constant 0 : index
    tpu.barrier barrier_id(%barrier3A_86)
    "tpu.region"() ({
      %run_scoped3A = tpu.sem_alloc : memref<!tpu.dma_semaphore, #tpu.memory_space<semaphore_mem>>
      %dma_start3A_92 = arith.constant 0 : i32
      %dma_start3A_93 = tpu.memref_slice %arg5[%arg0, %mul3A_2, %dma_start3A_92] : memref<2x10000x128xf32, #tpu.memory_space<hbm>> -> memref<1x624x128xf32, #tpu.memory_space<hbm>>
      %dma_start3A_94 = tpu.memref_squeeze %dma_start3A_93 : memref<1x624x128xf32, #tpu.memory_space<hbm>> -> memref<624x128xf32, #tpu.memory_space<hbm>>
      %dma_start3A_95 = arith.constant 0 : i32
      %dma_start3A_96 = tpu.memref_slice %arg21[%mul3A_2, %dma_start3A_95] : memref<10000x128xf32, #tpu.memory_space<vmem_shared>> -> memref<624x128xf32, #tpu.memory_space<vmem_shared>>
      tpu.enqueue_dma source(%dma_start3A_96 : memref<624x128xf32, #tpu.memory_space<vmem_shared>>) target(%dma_start3A_94 : memref<624x128xf32, #tpu.memory_space<hbm>>) target_semaphore(%run_scoped3A : memref<!tpu.dma_semaphore, #tpu.memory_space<semaphore_mem>>)
      %dma_wait3A_97 = arith.constant 0 : i32
      %dma_wait3A_98 = tpu.memref_slice %arg5[%arg0, %mul3A_2, %dma_wait3A_97] : memref<2x10000x128xf32, #tpu.memory_space<hbm>> -> memref<1x624x128xf32, #tpu.memory_space<hbm>>
      %dma_wait3A_99 = tpu.memref_squeeze %dma_wait3A_98 : memref<1x624x128xf32, #tpu.memory_space<hbm>> -> memref<624x128xf32, #tpu.memory_space<hbm>>
      %dma_wait3A_100 = arith.constant 0 : i32
      %dma_wait3A_101 = tpu.memref_slice %arg21[%mul3A_2, %dma_wait3A_100] : memref<10000x128xf32, #tpu.memory_space<vmem_shared>> -> memref<624x128xf32, #tpu.memory_space<vmem_shared>>
      tpu.wait_dma2 semaphore(%run_scoped3A : memref<!tpu.dma_semaphore, #tpu.memory_space<semaphore_mem>>) src(%dma_wait3A_101 : memref<624x128xf32, #tpu.memory_space<vmem_shared>>) dst(%dma_wait3A_99 : memref<624x128xf32, #tpu.memory_space<hbm>>)
      tpu.yield
    }) : () -> ()
    %eq3A_87 = arith.constant 15 : i32
    %eq3A_88 = arith.cmpi eq, %arg1, %eq3A_87 : i32
    %convert_element_type3A_89 = arith.extui %eq3A_88 : i1 to i32
    %cond3A_90 = arith.constant 0 : i32
    %cond3A_91 = arith.cmpi ne, %convert_element_type3A_89, %cond3A_90 : i32
    scf.if %cond3A_91 {
      "tpu.region"() ({
        %run_scoped3A = tpu.sem_alloc : memref<!tpu.dma_semaphore, #tpu.memory_space<semaphore_mem>>
        %dma_start3A_92 = arith.constant 9984 : i32
        %dma_start3A_93 = arith.constant 0 : i32
        %dma_start3A_94 = tpu.memref_slice %arg5[%arg0, %dma_start3A_92, %dma_start3A_93] : memref<2x10000x128xf32, #tpu.memory_space<hbm>> -> memref<1x16x128xf32, #tpu.memory_space<hbm>>
        %dma_start3A_95 = tpu.memref_squeeze %dma_start3A_94 : memref<1x16x128xf32, #tpu.memory_space<hbm>> -> memref<16x128xf32, #tpu.memory_space<hbm>>
        %dma_start3A_96 = arith.constant 9984 : i32
        %dma_start3A_97 = arith.constant 0 : i32
        %dma_start3A_98 = tpu.memref_slice %arg21[%dma_start3A_96, %dma_start3A_97] : memref<10000x128xf32, #tpu.memory_space<vmem_shared>> -> memref<16x128xf32, #tpu.memory_space<vmem_shared>>
        tpu.enqueue_dma source(%dma_start3A_98 : memref<16x128xf32, #tpu.memory_space<vmem_shared>>) target(%dma_start3A_95 : memref<16x128xf32, #tpu.memory_space<hbm>>) target_semaphore(%run_scoped3A : memref<!tpu.dma_semaphore, #tpu.memory_space<semaphore_mem>>)
        %dma_wait3A_99 = arith.constant 9984 : i32
        %dma_wait3A_100 = arith.constant 0 : i32
        %dma_wait3A_101 = tpu.memref_slice %arg5[%arg0, %dma_wait3A_99, %dma_wait3A_100] : memref<2x10000x128xf32, #tpu.memory_space<hbm>> -> memref<1x16x128xf32, #tpu.memory_space<hbm>>
        %dma_wait3A_102 = tpu.memref_squeeze %dma_wait3A_101 : memref<1x16x128xf32, #tpu.memory_space<hbm>> -> memref<16x128xf32, #tpu.memory_space<hbm>>
        %dma_wait3A_103 = arith.constant 9984 : i32
        %dma_wait3A_104 = arith.constant 0 : i32
        %dma_wait3A_105 = tpu.memref_slice %arg21[%dma_wait3A_103, %dma_wait3A_104] : memref<10000x128xf32, #tpu.memory_space<vmem_shared>> -> memref<16x128xf32, #tpu.memory_space<vmem_shared>>
        tpu.wait_dma2 semaphore(%run_scoped3A : memref<!tpu.dma_semaphore, #tpu.memory_space<semaphore_mem>>) src(%dma_wait3A_105 : memref<16x128xf32, #tpu.memory_space<vmem_shared>>) dst(%dma_wait3A_102 : memref<16x128xf32, #tpu.memory_space<hbm>>)
        tpu.yield
      }) : () -> ()
    } else {
    }
    return
  }
}

#map = affine_map<(d0, d1) -> (0, 0)>
#map1 = affine_map<(d0, d1) -> (0)>
#map2 = affine_map<(d0, d1) -> (0, 0, 0)>
module attributes {stable_mosaic.version = 14 : i64} {
  func.func @_sc_agg_body(%arg0: i32, %arg1: i32, %arg2: memref<10000x128xf32, #tpu.memory_space<hbm>>, %arg3: memref<320000xi32, #tpu.memory_space<hbm>>, %arg4: memref<320000xi32, #tpu.memory_space<hbm>>, %arg5: memref<2x10000x128xf32, #tpu.memory_space<hbm>>, %arg6: memref<128xi32, #tpu.memory_space<vmem>>, %arg7: memref<128xi32, #tpu.memory_space<vmem>>, %arg8: memref<128xi32, #tpu.memory_space<vmem>>, %arg9: memref<128xi32, #tpu.memory_space<vmem>>, %arg10: memref<128xi32, #tpu.memory_space<vmem>>, %arg11: memref<128xi32, #tpu.memory_space<vmem>>, %arg12: memref<128xi32, #tpu.memory_space<vmem>>, %arg13: memref<128xi32, #tpu.memory_space<vmem>>, %arg14: memref<128xi32, #tpu.memory_space<vmem>>, %arg15: memref<128xi32, #tpu.memory_space<vmem>>, %arg16: memref<128xi32, #tpu.memory_space<vmem>>, %arg17: memref<128xi32, #tpu.memory_space<vmem>>, %arg18: memref<128x128xf32, #tpu.memory_space<vmem>>, %arg19: memref<128x128xf32, #tpu.memory_space<vmem>>, %arg20: memref<128x128xf32, #tpu.memory_space<vmem>>, %arg21: memref<10000x128xf32, #tpu.memory_space<vmem_shared>>, %arg22: memref<!tpu.dma_semaphore, #tpu.memory_space<semaphore_mem>>, %arg23: memref<!tpu.dma_semaphore, #tpu.memory_space<semaphore_mem>>, %arg24: memref<!tpu.dma_semaphore, #tpu.memory_space<semaphore_mem>>, %arg25: memref<!tpu.dma_semaphore, #tpu.memory_space<semaphore_mem>>, %arg26: memref<!tpu.dma_semaphore, #tpu.memory_space<semaphore_mem>>, %arg27: memref<!tpu.dma_semaphore, #tpu.memory_space<semaphore_mem>>, %arg28: memref<!tpu.dma_semaphore, #tpu.memory_space<semaphore_mem>>, %arg29: memref<!tpu.dma_semaphore, #tpu.memory_space<semaphore_mem>>, %arg30: memref<!tpu.dma_semaphore, #tpu.memory_space<semaphore_mem>>, %arg31: memref<!tpu.dma_semaphore, #tpu.memory_space<semaphore_mem>>, %arg32: memref<!tpu.dma_semaphore, #tpu.memory_space<semaphore_mem>>, %arg33: memref<!tpu.dma_semaphore, #tpu.memory_space<semaphore_mem>>, %arg34: memref<!tpu.dma_semaphore, #tpu.memory_space<semaphore_mem>>) attributes {dimension_semantics = [#tpu.dimension_semantics<core_parallel>, #tpu.dimension_semantics<subcore_parallel>], iteration_bounds = array<i64: 2, 16>, scalar_prefetch = 0 : i64, scratch_operands = 29 : i64, tpu.core_type = #tpu.core_type<sc_vector_subcore>, window_params = [{transform_indices = #map}, {transform_indices = #map1}, {transform_indices = #map1}, {transform_indices = #map2}]} {
    %mul3A = arith.constant 2 : i32
    %mul3A_0 = arith.muli %arg1, %mul3A : i32
    %add3A = arith.addi %mul3A_0, %arg0 : i32
    %mul3A_1 = arith.constant 624 : i32
    %mul3A_2 = arith.muli %arg1, %mul3A_1 : i32
    %dma_start3A = arith.constant 0 : i32
    %dma_start3A_3 = tpu.memref_slice %arg21[%mul3A_2, %dma_start3A] : memref<10000x128xf32, #tpu.memory_space<vmem_shared>> -> memref<624x128xf32, #tpu.memory_space<vmem_shared>>
    %dma_start3A_4 = arith.constant 0 : i32
    %dma_start3A_5 = tpu.memref_slice %arg2[%mul3A_2, %dma_start3A_4] : memref<10000x128xf32, #tpu.memory_space<hbm>> -> memref<624x128xf32, #tpu.memory_space<hbm>>
    tpu.enqueue_dma source(%dma_start3A_5 : memref<624x128xf32, #tpu.memory_space<hbm>>) target(%dma_start3A_3 : memref<624x128xf32, #tpu.memory_space<vmem_shared>>) target_semaphore(%arg34 : memref<!tpu.dma_semaphore, #tpu.memory_space<semaphore_mem>>)
    %eq3A = arith.constant 15 : i32
    %eq3A_6 = arith.cmpi eq, %arg1, %eq3A : i32
    %convert_element_type3A = arith.extui %eq3A_6 : i1 to i32
    %cond3A = arith.constant 0 : i32
    %cond3A_7 = arith.cmpi ne, %convert_element_type3A, %cond3A : i32
    scf.if %cond3A_7 {
      %dma_start3A_92 = arith.constant 9984 : i32
      %dma_start3A_93 = arith.constant 0 : i32
      %dma_start3A_94 = tpu.memref_slice %arg21[%dma_start3A_92, %dma_start3A_93] : memref<10000x128xf32, #tpu.memory_space<vmem_shared>> -> memref<16x128xf32, #tpu.memory_space<vmem_shared>>
      %dma_start3A_95 = arith.constant 9984 : i32
      %dma_start3A_96 = arith.constant 0 : i32
      %dma_start3A_97 = tpu.memref_slice %arg2[%dma_start3A_95, %dma_start3A_96] : memref<10000x128xf32, #tpu.memory_space<hbm>> -> memref<16x128xf32, #tpu.memory_space<hbm>>
      tpu.enqueue_dma source(%dma_start3A_97 : memref<16x128xf32, #tpu.memory_space<hbm>>) target(%dma_start3A_94 : memref<16x128xf32, #tpu.memory_space<vmem_shared>>) target_semaphore(%arg34 : memref<!tpu.dma_semaphore, #tpu.memory_space<semaphore_mem>>)
    } else {
    }
    %add3A_8 = arith.constant 0 : i32
    %add3A_9 = arith.addi %add3A, %add3A_8 : i32
    %mul3A_10 = arith.constant 128 : i32
    %mul3A_11 = arith.muli %add3A_9, %mul3A_10 : i32
    %dma_start3A_12 = tpu.memref_slice %arg3[%mul3A_11] : memref<320000xi32, #tpu.memory_space<hbm>> -> memref<128xi32, #tpu.memory_space<hbm>>
    %dma_start3A_13 = tpu.memref_slice %arg3[%mul3A_11] : memref<320000xi32, #tpu.memory_space<hbm>> -> memref<128xi32, #tpu.memory_space<hbm>>
    tpu.enqueue_dma source(%dma_start3A_13 : memref<128xi32, #tpu.memory_space<hbm>>) target(%arg6 : memref<128xi32, #tpu.memory_space<vmem>>) target_semaphore(%arg28 : memref<!tpu.dma_semaphore, #tpu.memory_space<semaphore_mem>>)
    %dma_start3A_14 = tpu.memref_slice %arg4[%mul3A_11] : memref<320000xi32, #tpu.memory_space<hbm>> -> memref<128xi32, #tpu.memory_space<hbm>>
    %dma_start3A_15 = tpu.memref_slice %arg4[%mul3A_11] : memref<320000xi32, #tpu.memory_space<hbm>> -> memref<128xi32, #tpu.memory_space<hbm>>
    tpu.enqueue_dma source(%dma_start3A_15 : memref<128xi32, #tpu.memory_space<hbm>>) target(%arg12 : memref<128xi32, #tpu.memory_space<vmem>>) target_semaphore(%arg28 : memref<!tpu.dma_semaphore, #tpu.memory_space<semaphore_mem>>)
    %add3A_16 = arith.constant 32 : i32
    %add3A_17 = arith.addi %add3A, %add3A_16 : i32
    %mul3A_18 = arith.constant 128 : i32
    %mul3A_19 = arith.muli %add3A_17, %mul3A_18 : i32
    %dma_start3A_20 = tpu.memref_slice %arg3[%mul3A_19] : memref<320000xi32, #tpu.memory_space<hbm>> -> memref<128xi32, #tpu.memory_space<hbm>>
    %dma_start3A_21 = tpu.memref_slice %arg3[%mul3A_19] : memref<320000xi32, #tpu.memory_space<hbm>> -> memref<128xi32, #tpu.memory_space<hbm>>
    tpu.enqueue_dma source(%dma_start3A_21 : memref<128xi32, #tpu.memory_space<hbm>>) target(%arg7 : memref<128xi32, #tpu.memory_space<vmem>>) target_semaphore(%arg29 : memref<!tpu.dma_semaphore, #tpu.memory_space<semaphore_mem>>)
    %dma_start3A_22 = tpu.memref_slice %arg4[%mul3A_19] : memref<320000xi32, #tpu.memory_space<hbm>> -> memref<128xi32, #tpu.memory_space<hbm>>
    %dma_start3A_23 = tpu.memref_slice %arg4[%mul3A_19] : memref<320000xi32, #tpu.memory_space<hbm>> -> memref<128xi32, #tpu.memory_space<hbm>>
    tpu.enqueue_dma source(%dma_start3A_23 : memref<128xi32, #tpu.memory_space<hbm>>) target(%arg13 : memref<128xi32, #tpu.memory_space<vmem>>) target_semaphore(%arg29 : memref<!tpu.dma_semaphore, #tpu.memory_space<semaphore_mem>>)
    %add3A_24 = arith.constant 64 : i32
    %add3A_25 = arith.addi %add3A, %add3A_24 : i32
    %mul3A_26 = arith.constant 128 : i32
    %mul3A_27 = arith.muli %add3A_25, %mul3A_26 : i32
    %dma_start3A_28 = tpu.memref_slice %arg3[%mul3A_27] : memref<320000xi32, #tpu.memory_space<hbm>> -> memref<128xi32, #tpu.memory_space<hbm>>
    %dma_start3A_29 = tpu.memref_slice %arg3[%mul3A_27] : memref<320000xi32, #tpu.memory_space<hbm>> -> memref<128xi32, #tpu.memory_space<hbm>>
    tpu.enqueue_dma source(%dma_start3A_29 : memref<128xi32, #tpu.memory_space<hbm>>) target(%arg8 : memref<128xi32, #tpu.memory_space<vmem>>) target_semaphore(%arg30 : memref<!tpu.dma_semaphore, #tpu.memory_space<semaphore_mem>>)
    %dma_start3A_30 = tpu.memref_slice %arg4[%mul3A_27] : memref<320000xi32, #tpu.memory_space<hbm>> -> memref<128xi32, #tpu.memory_space<hbm>>
    %dma_start3A_31 = tpu.memref_slice %arg4[%mul3A_27] : memref<320000xi32, #tpu.memory_space<hbm>> -> memref<128xi32, #tpu.memory_space<hbm>>
    tpu.enqueue_dma source(%dma_start3A_31 : memref<128xi32, #tpu.memory_space<hbm>>) target(%arg14 : memref<128xi32, #tpu.memory_space<vmem>>) target_semaphore(%arg30 : memref<!tpu.dma_semaphore, #tpu.memory_space<semaphore_mem>>)
    %add3A_32 = arith.constant 96 : i32
    %add3A_33 = arith.addi %add3A, %add3A_32 : i32
    %mul3A_34 = arith.constant 128 : i32
    %mul3A_35 = arith.muli %add3A_33, %mul3A_34 : i32
    %dma_start3A_36 = tpu.memref_slice %arg3[%mul3A_35] : memref<320000xi32, #tpu.memory_space<hbm>> -> memref<128xi32, #tpu.memory_space<hbm>>
    %dma_start3A_37 = tpu.memref_slice %arg3[%mul3A_35] : memref<320000xi32, #tpu.memory_space<hbm>> -> memref<128xi32, #tpu.memory_space<hbm>>
    tpu.enqueue_dma source(%dma_start3A_37 : memref<128xi32, #tpu.memory_space<hbm>>) target(%arg9 : memref<128xi32, #tpu.memory_space<vmem>>) target_semaphore(%arg31 : memref<!tpu.dma_semaphore, #tpu.memory_space<semaphore_mem>>)
    %dma_start3A_38 = tpu.memref_slice %arg4[%mul3A_35] : memref<320000xi32, #tpu.memory_space<hbm>> -> memref<128xi32, #tpu.memory_space<hbm>>
    %dma_start3A_39 = tpu.memref_slice %arg4[%mul3A_35] : memref<320000xi32, #tpu.memory_space<hbm>> -> memref<128xi32, #tpu.memory_space<hbm>>
    tpu.enqueue_dma source(%dma_start3A_39 : memref<128xi32, #tpu.memory_space<hbm>>) target(%arg15 : memref<128xi32, #tpu.memory_space<vmem>>) target_semaphore(%arg31 : memref<!tpu.dma_semaphore, #tpu.memory_space<semaphore_mem>>)
    %mul3A_40 = arith.constant 128 : i32
    %mul3A_41 = arith.muli %add3A, %mul3A_40 : i32
    %dma_wait3A = tpu.memref_slice %arg3[%mul3A_41] : memref<320000xi32, #tpu.memory_space<hbm>> -> memref<128xi32, #tpu.memory_space<hbm>>
    %dma_wait3A_42 = tpu.memref_slice %arg3[%mul3A_41] : memref<320000xi32, #tpu.memory_space<hbm>> -> memref<128xi32, #tpu.memory_space<hbm>>
    tpu.wait_dma2 semaphore(%arg28 : memref<!tpu.dma_semaphore, #tpu.memory_space<semaphore_mem>>) src(%dma_wait3A_42 : memref<128xi32, #tpu.memory_space<hbm>>) dst(%arg6 : memref<128xi32, #tpu.memory_space<vmem>>)
    %dma_wait3A_43 = tpu.memref_slice %arg4[%mul3A_41] : memref<320000xi32, #tpu.memory_space<hbm>> -> memref<128xi32, #tpu.memory_space<hbm>>
    %dma_wait3A_44 = tpu.memref_slice %arg4[%mul3A_41] : memref<320000xi32, #tpu.memory_space<hbm>> -> memref<128xi32, #tpu.memory_space<hbm>>
    tpu.wait_dma2 semaphore(%arg28 : memref<!tpu.dma_semaphore, #tpu.memory_space<semaphore_mem>>) src(%dma_wait3A_44 : memref<128xi32, #tpu.memory_space<hbm>>) dst(%arg12 : memref<128xi32, #tpu.memory_space<vmem>>)
    %dma_start3A_45 = arith.constant 0 : i32
    %dma_start3A_46 = arith.constant 0 : i32
    %dma_start3A_47 = tpu.memref_slice %arg2[%dma_start3A_45, %dma_start3A_46] : memref<10000x128xf32, #tpu.memory_space<hbm>> -> memref<10000x128xf32, #tpu.memory_space<hbm>>
    tpu.enqueue_indirect_dma source(%dma_start3A_47 : memref<10000x128xf32, #tpu.memory_space<hbm>>) target(%arg18 : memref<128x128xf32, #tpu.memory_space<vmem>>) offsets(%arg6 : memref<128xi32, #tpu.memory_space<vmem>>) semaphore(%arg22 : memref<!tpu.dma_semaphore, #tpu.memory_space<semaphore_mem>>)
    %add3A_48 = arith.constant 32 : i32
    %add3A_49 = arith.addi %add3A, %add3A_48 : i32
    %mul3A_50 = arith.constant 128 : i32
    %mul3A_51 = arith.muli %add3A_49, %mul3A_50 : i32
    %dma_wait3A_52 = tpu.memref_slice %arg3[%mul3A_51] : memref<320000xi32, #tpu.memory_space<hbm>> -> memref<128xi32, #tpu.memory_space<hbm>>
    %dma_wait3A_53 = tpu.memref_slice %arg3[%mul3A_51] : memref<320000xi32, #tpu.memory_space<hbm>> -> memref<128xi32, #tpu.memory_space<hbm>>
    tpu.wait_dma2 semaphore(%arg29 : memref<!tpu.dma_semaphore, #tpu.memory_space<semaphore_mem>>) src(%dma_wait3A_53 : memref<128xi32, #tpu.memory_space<hbm>>) dst(%arg7 : memref<128xi32, #tpu.memory_space<vmem>>)
    %dma_wait3A_54 = tpu.memref_slice %arg4[%mul3A_51] : memref<320000xi32, #tpu.memory_space<hbm>> -> memref<128xi32, #tpu.memory_space<hbm>>
    %dma_wait3A_55 = tpu.memref_slice %arg4[%mul3A_51] : memref<320000xi32, #tpu.memory_space<hbm>> -> memref<128xi32, #tpu.memory_space<hbm>>
    tpu.wait_dma2 semaphore(%arg29 : memref<!tpu.dma_semaphore, #tpu.memory_space<semaphore_mem>>) src(%dma_wait3A_55 : memref<128xi32, #tpu.memory_space<hbm>>) dst(%arg13 : memref<128xi32, #tpu.memory_space<vmem>>)
    %dma_start3A_56 = arith.constant 0 : i32
    %dma_start3A_57 = arith.constant 0 : i32
    %dma_start3A_58 = tpu.memref_slice %arg2[%dma_start3A_56, %dma_start3A_57] : memref<10000x128xf32, #tpu.memory_space<hbm>> -> memref<10000x128xf32, #tpu.memory_space<hbm>>
    tpu.enqueue_indirect_dma source(%dma_start3A_58 : memref<10000x128xf32, #tpu.memory_space<hbm>>) target(%arg19 : memref<128x128xf32, #tpu.memory_space<vmem>>) offsets(%arg7 : memref<128xi32, #tpu.memory_space<vmem>>) semaphore(%arg23 : memref<!tpu.dma_semaphore, #tpu.memory_space<semaphore_mem>>)
    %dma_wait3A_59 = arith.constant 0 : i32
    %dma_wait3A_60 = tpu.memref_slice %arg21[%mul3A_2, %dma_wait3A_59] : memref<10000x128xf32, #tpu.memory_space<vmem_shared>> -> memref<624x128xf32, #tpu.memory_space<vmem_shared>>
    %dma_wait3A_61 = arith.constant 0 : i32
    %dma_wait3A_62 = tpu.memref_slice %arg2[%mul3A_2, %dma_wait3A_61] : memref<10000x128xf32, #tpu.memory_space<hbm>> -> memref<624x128xf32, #tpu.memory_space<hbm>>
    tpu.wait_dma2 semaphore(%arg34 : memref<!tpu.dma_semaphore, #tpu.memory_space<semaphore_mem>>) src(%dma_wait3A_62 : memref<624x128xf32, #tpu.memory_space<hbm>>) dst(%dma_wait3A_60 : memref<624x128xf32, #tpu.memory_space<vmem_shared>>)
    %eq3A_63 = arith.constant 15 : i32
    %eq3A_64 = arith.cmpi eq, %arg1, %eq3A_63 : i32
    %convert_element_type3A_65 = arith.extui %eq3A_64 : i1 to i32
    %cond3A_66 = arith.constant 0 : i32
    %cond3A_67 = arith.cmpi ne, %convert_element_type3A_65, %cond3A_66 : i32
    scf.if %cond3A_67 {
      %dma_wait3A_92 = arith.constant 9984 : i32
      %dma_wait3A_93 = arith.constant 0 : i32
      %dma_wait3A_94 = tpu.memref_slice %arg21[%dma_wait3A_92, %dma_wait3A_93] : memref<10000x128xf32, #tpu.memory_space<vmem_shared>> -> memref<16x128xf32, #tpu.memory_space<vmem_shared>>
      %dma_wait3A_95 = arith.constant 9984 : i32
      %dma_wait3A_96 = arith.constant 0 : i32
      %dma_wait3A_97 = tpu.memref_slice %arg2[%dma_wait3A_95, %dma_wait3A_96] : memref<10000x128xf32, #tpu.memory_space<hbm>> -> memref<16x128xf32, #tpu.memory_space<hbm>>
      tpu.wait_dma2 semaphore(%arg34 : memref<!tpu.dma_semaphore, #tpu.memory_space<semaphore_mem>>) src(%dma_wait3A_97 : memref<16x128xf32, #tpu.memory_space<hbm>>) dst(%dma_wait3A_94 : memref<16x128xf32, #tpu.memory_space<vmem_shared>>)
    } else {
    }
    %barrier3A = arith.constant 0 : index
    tpu.barrier barrier_id(%barrier3A)
    %scan3A = arith.constant 0 : i32
    %scan3A_68 = arith.constant 0 : i32
    %scan3A_69 = arith.constant 13 : i32
    %scan3A_70 = arith.addi %scan3A_68, %scan3A_69 : i32
    %scan3A_71 = arith.constant 1 : i32
    scf.for %scan3A_92 = %scan3A_68 to %scan3A_70 step %scan3A_71  : i32 {
      %mul3A_93 = arith.constant 6 : i32
      %mul3A_94 = arith.muli %scan3A_92, %mul3A_93 : i32
      %add3A_95 = arith.constant 0 : i32
      %add3A_96 = arith.addi %mul3A_94, %add3A_95 : i32
      %add3A_97 = arith.constant 4 : i32
      %add3A_98 = arith.addi %add3A_96, %add3A_97 : i32
      %lt3A_99 = arith.constant 78 : i32
      %lt3A_100 = arith.cmpi slt, %add3A_98, %lt3A_99 : i32
      %convert_element_type3A_101 = arith.extui %lt3A_100 : i1 to i32
      %cond3A_102 = arith.constant 0 : i32
      %cond3A_103 = arith.cmpi ne, %convert_element_type3A_101, %cond3A_102 : i32
      scf.if %cond3A_103 {
        %add3A_237 = arith.constant 4 : i32
        %add3A_238 = arith.addi %add3A_96, %add3A_237 : i32
        %mul3A_239 = arith.constant 32 : i32
        %mul3A_240 = arith.muli %add3A_238, %mul3A_239 : i32
        %add3A_241 = arith.addi %add3A, %mul3A_240 : i32
        %mul3A_242 = arith.constant 128 : i32
        %mul3A_243 = arith.muli %add3A_241, %mul3A_242 : i32
        %dma_start3A_244 = tpu.memref_slice %arg3[%mul3A_243] : memref<320000xi32, #tpu.memory_space<hbm>> -> memref<128xi32, #tpu.memory_space<hbm>>
        %dma_start3A_245 = tpu.memref_slice %arg3[%mul3A_243] : memref<320000xi32, #tpu.memory_space<hbm>> -> memref<128xi32, #tpu.memory_space<hbm>>
        tpu.enqueue_dma source(%dma_start3A_245 : memref<128xi32, #tpu.memory_space<hbm>>) target(%arg10 : memref<128xi32, #tpu.memory_space<vmem>>) target_semaphore(%arg32 : memref<!tpu.dma_semaphore, #tpu.memory_space<semaphore_mem>>)
        %dma_start3A_246 = tpu.memref_slice %arg4[%mul3A_243] : memref<320000xi32, #tpu.memory_space<hbm>> -> memref<128xi32, #tpu.memory_space<hbm>>
        %dma_start3A_247 = tpu.memref_slice %arg4[%mul3A_243] : memref<320000xi32, #tpu.memory_space<hbm>> -> memref<128xi32, #tpu.memory_space<hbm>>
        tpu.enqueue_dma source(%dma_start3A_247 : memref<128xi32, #tpu.memory_space<hbm>>) target(%arg16 : memref<128xi32, #tpu.memory_space<vmem>>) target_semaphore(%arg32 : memref<!tpu.dma_semaphore, #tpu.memory_space<semaphore_mem>>)
      } else {
      }
      %add3A_104 = arith.constant 2 : i32
      %add3A_105 = arith.addi %add3A_96, %add3A_104 : i32
      %lt3A_106 = arith.constant 78 : i32
      %lt3A_107 = arith.cmpi slt, %add3A_105, %lt3A_106 : i32
      %convert_element_type3A_108 = arith.extui %lt3A_107 : i1 to i32
      %cond3A_109 = arith.constant 0 : i32
      %cond3A_110 = arith.cmpi ne, %convert_element_type3A_108, %cond3A_109 : i32
      scf.if %cond3A_110 {
        %ge3A = arith.constant 1 : i32
        %ge3A_237 = arith.cmpi sge, %add3A_96, %ge3A : i32
        %convert_element_type3A_238 = arith.extui %ge3A_237 : i1 to i32
        %cond3A_239 = arith.constant 0 : i32
        %cond3A_240 = arith.cmpi ne, %convert_element_type3A_238, %cond3A_239 : i32
        scf.if %cond3A_240 {
          %dma_wait3A_255 = arith.constant 0 : i32
          %dma_wait3A_256 = arith.constant 0 : i32
          %dma_wait3A_257 = tpu.memref_slice %arg21[%dma_wait3A_255, %dma_wait3A_256] : memref<10000x128xf32, #tpu.memory_space<vmem_shared>> -> memref<10000x128xf32, #tpu.memory_space<vmem_shared>>
          tpu.wait_indirect_dma semaphore(%arg27 : memref<!tpu.dma_semaphore, #tpu.memory_space<semaphore_mem>>) src(%arg20 : memref<128x128xf32, #tpu.memory_space<vmem>>) dst(%dma_wait3A_257 : memref<10000x128xf32, #tpu.memory_space<vmem_shared>>)
        } else {
        }
        %add3A_241 = arith.constant 2 : i32
        %add3A_242 = arith.addi %add3A_96, %add3A_241 : i32
        %mul3A_243 = arith.constant 32 : i32
        %mul3A_244 = arith.muli %add3A_242, %mul3A_243 : i32
        %add3A_245 = arith.addi %add3A, %mul3A_244 : i32
        %mul3A_246 = arith.constant 128 : i32
        %mul3A_247 = arith.muli %add3A_245, %mul3A_246 : i32
        %dma_wait3A_248 = tpu.memref_slice %arg3[%mul3A_247] : memref<320000xi32, #tpu.memory_space<hbm>> -> memref<128xi32, #tpu.memory_space<hbm>>
        %dma_wait3A_249 = tpu.memref_slice %arg3[%mul3A_247] : memref<320000xi32, #tpu.memory_space<hbm>> -> memref<128xi32, #tpu.memory_space<hbm>>
        tpu.wait_dma2 semaphore(%arg30 : memref<!tpu.dma_semaphore, #tpu.memory_space<semaphore_mem>>) src(%dma_wait3A_249 : memref<128xi32, #tpu.memory_space<hbm>>) dst(%arg8 : memref<128xi32, #tpu.memory_space<vmem>>)
        %dma_wait3A_250 = tpu.memref_slice %arg4[%mul3A_247] : memref<320000xi32, #tpu.memory_space<hbm>> -> memref<128xi32, #tpu.memory_space<hbm>>
        %dma_wait3A_251 = tpu.memref_slice %arg4[%mul3A_247] : memref<320000xi32, #tpu.memory_space<hbm>> -> memref<128xi32, #tpu.memory_space<hbm>>
        tpu.wait_dma2 semaphore(%arg30 : memref<!tpu.dma_semaphore, #tpu.memory_space<semaphore_mem>>) src(%dma_wait3A_251 : memref<128xi32, #tpu.memory_space<hbm>>) dst(%arg14 : memref<128xi32, #tpu.memory_space<vmem>>)
        %dma_start3A_252 = arith.constant 0 : i32
        %dma_start3A_253 = arith.constant 0 : i32
        %dma_start3A_254 = tpu.memref_slice %arg2[%dma_start3A_252, %dma_start3A_253] : memref<10000x128xf32, #tpu.memory_space<hbm>> -> memref<10000x128xf32, #tpu.memory_space<hbm>>
        tpu.enqueue_indirect_dma source(%dma_start3A_254 : memref<10000x128xf32, #tpu.memory_space<hbm>>) target(%arg20 : memref<128x128xf32, #tpu.memory_space<vmem>>) offsets(%arg8 : memref<128xi32, #tpu.memory_space<vmem>>) semaphore(%arg24 : memref<!tpu.dma_semaphore, #tpu.memory_space<semaphore_mem>>)
      } else {
      }
      %dma_wait3A_111 = arith.constant 0 : i32
      %dma_wait3A_112 = arith.constant 0 : i32
      %dma_wait3A_113 = tpu.memref_slice %arg2[%dma_wait3A_111, %dma_wait3A_112] : memref<10000x128xf32, #tpu.memory_space<hbm>> -> memref<10000x128xf32, #tpu.memory_space<hbm>>
      tpu.wait_indirect_dma semaphore(%arg22 : memref<!tpu.dma_semaphore, #tpu.memory_space<semaphore_mem>>) src(%dma_wait3A_113 : memref<10000x128xf32, #tpu.memory_space<hbm>>) dst(%arg18 : memref<128x128xf32, #tpu.memory_space<vmem>>)
      %dma_start3A_114 = arith.constant 0 : i32
      %dma_start3A_115 = arith.constant 0 : i32
      %dma_start3A_116 = tpu.memref_slice %arg21[%dma_start3A_114, %dma_start3A_115] : memref<10000x128xf32, #tpu.memory_space<vmem_shared>> -> memref<10000x128xf32, #tpu.memory_space<vmem_shared>>
      tpu.enqueue_indirect_dma source(%arg18 : memref<128x128xf32, #tpu.memory_space<vmem>>) target(%dma_start3A_116 : memref<10000x128xf32, #tpu.memory_space<vmem_shared>>) offsets(%arg12 : memref<128xi32, #tpu.memory_space<vmem>>) semaphore(%arg25 : memref<!tpu.dma_semaphore, #tpu.memory_space<semaphore_mem>>) {add = true}
      %mul3A_117 = arith.constant 6 : i32
      %mul3A_118 = arith.muli %scan3A_92, %mul3A_117 : i32
      %add3A_119 = arith.constant 1 : i32
      %add3A_120 = arith.addi %mul3A_118, %add3A_119 : i32
      %add3A_121 = arith.constant 4 : i32
      %add3A_122 = arith.addi %add3A_120, %add3A_121 : i32
      %lt3A_123 = arith.constant 78 : i32
      %lt3A_124 = arith.cmpi slt, %add3A_122, %lt3A_123 : i32
      %convert_element_type3A_125 = arith.extui %lt3A_124 : i1 to i32
      %cond3A_126 = arith.constant 0 : i32
      %cond3A_127 = arith.cmpi ne, %convert_element_type3A_125, %cond3A_126 : i32
      scf.if %cond3A_127 {
        %add3A_237 = arith.constant 4 : i32
        %add3A_238 = arith.addi %add3A_120, %add3A_237 : i32
        %mul3A_239 = arith.constant 32 : i32
        %mul3A_240 = arith.muli %add3A_238, %mul3A_239 : i32
        %add3A_241 = arith.addi %add3A, %mul3A_240 : i32
        %mul3A_242 = arith.constant 128 : i32
        %mul3A_243 = arith.muli %add3A_241, %mul3A_242 : i32
        %dma_start3A_244 = tpu.memref_slice %arg3[%mul3A_243] : memref<320000xi32, #tpu.memory_space<hbm>> -> memref<128xi32, #tpu.memory_space<hbm>>
        %dma_start3A_245 = tpu.memref_slice %arg3[%mul3A_243] : memref<320000xi32, #tpu.memory_space<hbm>> -> memref<128xi32, #tpu.memory_space<hbm>>
        tpu.enqueue_dma source(%dma_start3A_245 : memref<128xi32, #tpu.memory_space<hbm>>) target(%arg11 : memref<128xi32, #tpu.memory_space<vmem>>) target_semaphore(%arg33 : memref<!tpu.dma_semaphore, #tpu.memory_space<semaphore_mem>>)
        %dma_start3A_246 = tpu.memref_slice %arg4[%mul3A_243] : memref<320000xi32, #tpu.memory_space<hbm>> -> memref<128xi32, #tpu.memory_space<hbm>>
        %dma_start3A_247 = tpu.memref_slice %arg4[%mul3A_243] : memref<320000xi32, #tpu.memory_space<hbm>> -> memref<128xi32, #tpu.memory_space<hbm>>
        tpu.enqueue_dma source(%dma_start3A_247 : memref<128xi32, #tpu.memory_space<hbm>>) target(%arg17 : memref<128xi32, #tpu.memory_space<vmem>>) target_semaphore(%arg33 : memref<!tpu.dma_semaphore, #tpu.memory_space<semaphore_mem>>)
      } else {
      }
      %add3A_128 = arith.constant 2 : i32
      %add3A_129 = arith.addi %add3A_120, %add3A_128 : i32
      %lt3A_130 = arith.constant 78 : i32
      %lt3A_131 = arith.cmpi slt, %add3A_129, %lt3A_130 : i32
      %convert_element_type3A_132 = arith.extui %lt3A_131 : i1 to i32
      %cond3A_133 = arith.constant 0 : i32
      %cond3A_134 = arith.cmpi ne, %convert_element_type3A_132, %cond3A_133 : i32
      scf.if %cond3A_134 {
        %ge3A = arith.constant 1 : i32
        %ge3A_237 = arith.cmpi sge, %add3A_120, %ge3A : i32
        %convert_element_type3A_238 = arith.extui %ge3A_237 : i1 to i32
        %cond3A_239 = arith.constant 0 : i32
        %cond3A_240 = arith.cmpi ne, %convert_element_type3A_238, %cond3A_239 : i32
        scf.if %cond3A_240 {
          %dma_wait3A_255 = arith.constant 0 : i32
          %dma_wait3A_256 = arith.constant 0 : i32
          %dma_wait3A_257 = tpu.memref_slice %arg21[%dma_wait3A_255, %dma_wait3A_256] : memref<10000x128xf32, #tpu.memory_space<vmem_shared>> -> memref<10000x128xf32, #tpu.memory_space<vmem_shared>>
          tpu.wait_indirect_dma semaphore(%arg25 : memref<!tpu.dma_semaphore, #tpu.memory_space<semaphore_mem>>) src(%arg18 : memref<128x128xf32, #tpu.memory_space<vmem>>) dst(%dma_wait3A_257 : memref<10000x128xf32, #tpu.memory_space<vmem_shared>>)
        } else {
        }
        %add3A_241 = arith.constant 2 : i32
        %add3A_242 = arith.addi %add3A_120, %add3A_241 : i32
        %mul3A_243 = arith.constant 32 : i32
        %mul3A_244 = arith.muli %add3A_242, %mul3A_243 : i32
        %add3A_245 = arith.addi %add3A, %mul3A_244 : i32
        %mul3A_246 = arith.constant 128 : i32
        %mul3A_247 = arith.muli %add3A_245, %mul3A_246 : i32
        %dma_wait3A_248 = tpu.memref_slice %arg3[%mul3A_247] : memref<320000xi32, #tpu.memory_space<hbm>> -> memref<128xi32, #tpu.memory_space<hbm>>
        %dma_wait3A_249 = tpu.memref_slice %arg3[%mul3A_247] : memref<320000xi32, #tpu.memory_space<hbm>> -> memref<128xi32, #tpu.memory_space<hbm>>
        tpu.wait_dma2 semaphore(%arg31 : memref<!tpu.dma_semaphore, #tpu.memory_space<semaphore_mem>>) src(%dma_wait3A_249 : memref<128xi32, #tpu.memory_space<hbm>>) dst(%arg9 : memref<128xi32, #tpu.memory_space<vmem>>)
        %dma_wait3A_250 = tpu.memref_slice %arg4[%mul3A_247] : memref<320000xi32, #tpu.memory_space<hbm>> -> memref<128xi32, #tpu.memory_space<hbm>>
        %dma_wait3A_251 = tpu.memref_slice %arg4[%mul3A_247] : memref<320000xi32, #tpu.memory_space<hbm>> -> memref<128xi32, #tpu.memory_space<hbm>>
        tpu.wait_dma2 semaphore(%arg31 : memref<!tpu.dma_semaphore, #tpu.memory_space<semaphore_mem>>) src(%dma_wait3A_251 : memref<128xi32, #tpu.memory_space<hbm>>) dst(%arg15 : memref<128xi32, #tpu.memory_space<vmem>>)
        %dma_start3A_252 = arith.constant 0 : i32
        %dma_start3A_253 = arith.constant 0 : i32
        %dma_start3A_254 = tpu.memref_slice %arg2[%dma_start3A_252, %dma_start3A_253] : memref<10000x128xf32, #tpu.memory_space<hbm>> -> memref<10000x128xf32, #tpu.memory_space<hbm>>
        tpu.enqueue_indirect_dma source(%dma_start3A_254 : memref<10000x128xf32, #tpu.memory_space<hbm>>) target(%arg18 : memref<128x128xf32, #tpu.memory_space<vmem>>) offsets(%arg9 : memref<128xi32, #tpu.memory_space<vmem>>) semaphore(%arg22 : memref<!tpu.dma_semaphore, #tpu.memory_space<semaphore_mem>>)
      } else {
      }
      %dma_wait3A_135 = arith.constant 0 : i32
      %dma_wait3A_136 = arith.constant 0 : i32
      %dma_wait3A_137 = tpu.memref_slice %arg2[%dma_wait3A_135, %dma_wait3A_136] : memref<10000x128xf32, #tpu.memory_space<hbm>> -> memref<10000x128xf32, #tpu.memory_space<hbm>>
      tpu.wait_indirect_dma semaphore(%arg23 : memref<!tpu.dma_semaphore, #tpu.memory_space<semaphore_mem>>) src(%dma_wait3A_137 : memref<10000x128xf32, #tpu.memory_space<hbm>>) dst(%arg19 : memref<128x128xf32, #tpu.memory_space<vmem>>)
      %dma_start3A_138 = arith.constant 0 : i32
      %dma_start3A_139 = arith.constant 0 : i32
      %dma_start3A_140 = tpu.memref_slice %arg21[%dma_start3A_138, %dma_start3A_139] : memref<10000x128xf32, #tpu.memory_space<vmem_shared>> -> memref<10000x128xf32, #tpu.memory_space<vmem_shared>>
      tpu.enqueue_indirect_dma source(%arg19 : memref<128x128xf32, #tpu.memory_space<vmem>>) target(%dma_start3A_140 : memref<10000x128xf32, #tpu.memory_space<vmem_shared>>) offsets(%arg13 : memref<128xi32, #tpu.memory_space<vmem>>) semaphore(%arg26 : memref<!tpu.dma_semaphore, #tpu.memory_space<semaphore_mem>>) {add = true}
      %mul3A_141 = arith.constant 6 : i32
      %mul3A_142 = arith.muli %scan3A_92, %mul3A_141 : i32
      %add3A_143 = arith.constant 2 : i32
      %add3A_144 = arith.addi %mul3A_142, %add3A_143 : i32
      %add3A_145 = arith.constant 4 : i32
      %add3A_146 = arith.addi %add3A_144, %add3A_145 : i32
      %lt3A_147 = arith.constant 78 : i32
      %lt3A_148 = arith.cmpi slt, %add3A_146, %lt3A_147 : i32
      %convert_element_type3A_149 = arith.extui %lt3A_148 : i1 to i32
      %cond3A_150 = arith.constant 0 : i32
      %cond3A_151 = arith.cmpi ne, %convert_element_type3A_149, %cond3A_150 : i32
      scf.if %cond3A_151 {
        %add3A_237 = arith.constant 4 : i32
        %add3A_238 = arith.addi %add3A_144, %add3A_237 : i32
        %mul3A_239 = arith.constant 32 : i32
        %mul3A_240 = arith.muli %add3A_238, %mul3A_239 : i32
        %add3A_241 = arith.addi %add3A, %mul3A_240 : i32
        %mul3A_242 = arith.constant 128 : i32
        %mul3A_243 = arith.muli %add3A_241, %mul3A_242 : i32
        %dma_start3A_244 = tpu.memref_slice %arg3[%mul3A_243] : memref<320000xi32, #tpu.memory_space<hbm>> -> memref<128xi32, #tpu.memory_space<hbm>>
        %dma_start3A_245 = tpu.memref_slice %arg3[%mul3A_243] : memref<320000xi32, #tpu.memory_space<hbm>> -> memref<128xi32, #tpu.memory_space<hbm>>
        tpu.enqueue_dma source(%dma_start3A_245 : memref<128xi32, #tpu.memory_space<hbm>>) target(%arg6 : memref<128xi32, #tpu.memory_space<vmem>>) target_semaphore(%arg28 : memref<!tpu.dma_semaphore, #tpu.memory_space<semaphore_mem>>)
        %dma_start3A_246 = tpu.memref_slice %arg4[%mul3A_243] : memref<320000xi32, #tpu.memory_space<hbm>> -> memref<128xi32, #tpu.memory_space<hbm>>
        %dma_start3A_247 = tpu.memref_slice %arg4[%mul3A_243] : memref<320000xi32, #tpu.memory_space<hbm>> -> memref<128xi32, #tpu.memory_space<hbm>>
        tpu.enqueue_dma source(%dma_start3A_247 : memref<128xi32, #tpu.memory_space<hbm>>) target(%arg12 : memref<128xi32, #tpu.memory_space<vmem>>) target_semaphore(%arg28 : memref<!tpu.dma_semaphore, #tpu.memory_space<semaphore_mem>>)
      } else {
      }
      %add3A_152 = arith.constant 2 : i32
      %add3A_153 = arith.addi %add3A_144, %add3A_152 : i32
      %lt3A_154 = arith.constant 78 : i32
      %lt3A_155 = arith.cmpi slt, %add3A_153, %lt3A_154 : i32
      %convert_element_type3A_156 = arith.extui %lt3A_155 : i1 to i32
      %cond3A_157 = arith.constant 0 : i32
      %cond3A_158 = arith.cmpi ne, %convert_element_type3A_156, %cond3A_157 : i32
      scf.if %cond3A_158 {
        %ge3A = arith.constant 1 : i32
        %ge3A_237 = arith.cmpi sge, %add3A_144, %ge3A : i32
        %convert_element_type3A_238 = arith.extui %ge3A_237 : i1 to i32
        %cond3A_239 = arith.constant 0 : i32
        %cond3A_240 = arith.cmpi ne, %convert_element_type3A_238, %cond3A_239 : i32
        scf.if %cond3A_240 {
          %dma_wait3A_255 = arith.constant 0 : i32
          %dma_wait3A_256 = arith.constant 0 : i32
          %dma_wait3A_257 = tpu.memref_slice %arg21[%dma_wait3A_255, %dma_wait3A_256] : memref<10000x128xf32, #tpu.memory_space<vmem_shared>> -> memref<10000x128xf32, #tpu.memory_space<vmem_shared>>
          tpu.wait_indirect_dma semaphore(%arg26 : memref<!tpu.dma_semaphore, #tpu.memory_space<semaphore_mem>>) src(%arg19 : memref<128x128xf32, #tpu.memory_space<vmem>>) dst(%dma_wait3A_257 : memref<10000x128xf32, #tpu.memory_space<vmem_shared>>)
        } else {
        }
        %add3A_241 = arith.constant 2 : i32
        %add3A_242 = arith.addi %add3A_144, %add3A_241 : i32
        %mul3A_243 = arith.constant 32 : i32
        %mul3A_244 = arith.muli %add3A_242, %mul3A_243 : i32
        %add3A_245 = arith.addi %add3A, %mul3A_244 : i32
        %mul3A_246 = arith.constant 128 : i32
        %mul3A_247 = arith.muli %add3A_245, %mul3A_246 : i32
        %dma_wait3A_248 = tpu.memref_slice %arg3[%mul3A_247] : memref<320000xi32, #tpu.memory_space<hbm>> -> memref<128xi32, #tpu.memory_space<hbm>>
        %dma_wait3A_249 = tpu.memref_slice %arg3[%mul3A_247] : memref<320000xi32, #tpu.memory_space<hbm>> -> memref<128xi32, #tpu.memory_space<hbm>>
        tpu.wait_dma2 semaphore(%arg32 : memref<!tpu.dma_semaphore, #tpu.memory_space<semaphore_mem>>) src(%dma_wait3A_249 : memref<128xi32, #tpu.memory_space<hbm>>) dst(%arg10 : memref<128xi32, #tpu.memory_space<vmem>>)
        %dma_wait3A_250 = tpu.memref_slice %arg4[%mul3A_247] : memref<320000xi32, #tpu.memory_space<hbm>> -> memref<128xi32, #tpu.memory_space<hbm>>
        %dma_wait3A_251 = tpu.memref_slice %arg4[%mul3A_247] : memref<320000xi32, #tpu.memory_space<hbm>> -> memref<128xi32, #tpu.memory_space<hbm>>
        tpu.wait_dma2 semaphore(%arg32 : memref<!tpu.dma_semaphore, #tpu.memory_space<semaphore_mem>>) src(%dma_wait3A_251 : memref<128xi32, #tpu.memory_space<hbm>>) dst(%arg16 : memref<128xi32, #tpu.memory_space<vmem>>)
        %dma_start3A_252 = arith.constant 0 : i32
        %dma_start3A_253 = arith.constant 0 : i32
        %dma_start3A_254 = tpu.memref_slice %arg2[%dma_start3A_252, %dma_start3A_253] : memref<10000x128xf32, #tpu.memory_space<hbm>> -> memref<10000x128xf32, #tpu.memory_space<hbm>>
        tpu.enqueue_indirect_dma source(%dma_start3A_254 : memref<10000x128xf32, #tpu.memory_space<hbm>>) target(%arg19 : memref<128x128xf32, #tpu.memory_space<vmem>>) offsets(%arg10 : memref<128xi32, #tpu.memory_space<vmem>>) semaphore(%arg23 : memref<!tpu.dma_semaphore, #tpu.memory_space<semaphore_mem>>)
      } else {
      }
      %dma_wait3A_159 = arith.constant 0 : i32
      %dma_wait3A_160 = arith.constant 0 : i32
      %dma_wait3A_161 = tpu.memref_slice %arg2[%dma_wait3A_159, %dma_wait3A_160] : memref<10000x128xf32, #tpu.memory_space<hbm>> -> memref<10000x128xf32, #tpu.memory_space<hbm>>
      tpu.wait_indirect_dma semaphore(%arg24 : memref<!tpu.dma_semaphore, #tpu.memory_space<semaphore_mem>>) src(%dma_wait3A_161 : memref<10000x128xf32, #tpu.memory_space<hbm>>) dst(%arg20 : memref<128x128xf32, #tpu.memory_space<vmem>>)
      %dma_start3A_162 = arith.constant 0 : i32
      %dma_start3A_163 = arith.constant 0 : i32
      %dma_start3A_164 = tpu.memref_slice %arg21[%dma_start3A_162, %dma_start3A_163] : memref<10000x128xf32, #tpu.memory_space<vmem_shared>> -> memref<10000x128xf32, #tpu.memory_space<vmem_shared>>
      tpu.enqueue_indirect_dma source(%arg20 : memref<128x128xf32, #tpu.memory_space<vmem>>) target(%dma_start3A_164 : memref<10000x128xf32, #tpu.memory_space<vmem_shared>>) offsets(%arg14 : memref<128xi32, #tpu.memory_space<vmem>>) semaphore(%arg27 : memref<!tpu.dma_semaphore, #tpu.memory_space<semaphore_mem>>) {add = true}
      %mul3A_165 = arith.constant 6 : i32
      %mul3A_166 = arith.muli %scan3A_92, %mul3A_165 : i32
      %add3A_167 = arith.constant 3 : i32
      %add3A_168 = arith.addi %mul3A_166, %add3A_167 : i32
      %add3A_169 = arith.constant 4 : i32
      %add3A_170 = arith.addi %add3A_168, %add3A_169 : i32
      %lt3A_171 = arith.constant 78 : i32
      %lt3A_172 = arith.cmpi slt, %add3A_170, %lt3A_171 : i32
      %convert_element_type3A_173 = arith.extui %lt3A_172 : i1 to i32
      %cond3A_174 = arith.constant 0 : i32
      %cond3A_175 = arith.cmpi ne, %convert_element_type3A_173, %cond3A_174 : i32
      scf.if %cond3A_175 {
        %add3A_237 = arith.constant 4 : i32
        %add3A_238 = arith.addi %add3A_168, %add3A_237 : i32
        %mul3A_239 = arith.constant 32 : i32
        %mul3A_240 = arith.muli %add3A_238, %mul3A_239 : i32
        %add3A_241 = arith.addi %add3A, %mul3A_240 : i32
        %mul3A_242 = arith.constant 128 : i32
        %mul3A_243 = arith.muli %add3A_241, %mul3A_242 : i32
        %dma_start3A_244 = tpu.memref_slice %arg3[%mul3A_243] : memref<320000xi32, #tpu.memory_space<hbm>> -> memref<128xi32, #tpu.memory_space<hbm>>
        %dma_start3A_245 = tpu.memref_slice %arg3[%mul3A_243] : memref<320000xi32, #tpu.memory_space<hbm>> -> memref<128xi32, #tpu.memory_space<hbm>>
        tpu.enqueue_dma source(%dma_start3A_245 : memref<128xi32, #tpu.memory_space<hbm>>) target(%arg7 : memref<128xi32, #tpu.memory_space<vmem>>) target_semaphore(%arg29 : memref<!tpu.dma_semaphore, #tpu.memory_space<semaphore_mem>>)
        %dma_start3A_246 = tpu.memref_slice %arg4[%mul3A_243] : memref<320000xi32, #tpu.memory_space<hbm>> -> memref<128xi32, #tpu.memory_space<hbm>>
        %dma_start3A_247 = tpu.memref_slice %arg4[%mul3A_243] : memref<320000xi32, #tpu.memory_space<hbm>> -> memref<128xi32, #tpu.memory_space<hbm>>
        tpu.enqueue_dma source(%dma_start3A_247 : memref<128xi32, #tpu.memory_space<hbm>>) target(%arg13 : memref<128xi32, #tpu.memory_space<vmem>>) target_semaphore(%arg29 : memref<!tpu.dma_semaphore, #tpu.memory_space<semaphore_mem>>)
      } else {
      }
      %add3A_176 = arith.constant 2 : i32
      %add3A_177 = arith.addi %add3A_168, %add3A_176 : i32
      %lt3A_178 = arith.constant 78 : i32
      %lt3A_179 = arith.cmpi slt, %add3A_177, %lt3A_178 : i32
      %convert_element_type3A_180 = arith.extui %lt3A_179 : i1 to i32
      %cond3A_181 = arith.constant 0 : i32
      %cond3A_182 = arith.cmpi ne, %convert_element_type3A_180, %cond3A_181 : i32
      scf.if %cond3A_182 {
        %ge3A = arith.constant 1 : i32
        %ge3A_237 = arith.cmpi sge, %add3A_168, %ge3A : i32
        %convert_element_type3A_238 = arith.extui %ge3A_237 : i1 to i32
        %cond3A_239 = arith.constant 0 : i32
        %cond3A_240 = arith.cmpi ne, %convert_element_type3A_238, %cond3A_239 : i32
        scf.if %cond3A_240 {
          %dma_wait3A_255 = arith.constant 0 : i32
          %dma_wait3A_256 = arith.constant 0 : i32
          %dma_wait3A_257 = tpu.memref_slice %arg21[%dma_wait3A_255, %dma_wait3A_256] : memref<10000x128xf32, #tpu.memory_space<vmem_shared>> -> memref<10000x128xf32, #tpu.memory_space<vmem_shared>>
          tpu.wait_indirect_dma semaphore(%arg27 : memref<!tpu.dma_semaphore, #tpu.memory_space<semaphore_mem>>) src(%arg20 : memref<128x128xf32, #tpu.memory_space<vmem>>) dst(%dma_wait3A_257 : memref<10000x128xf32, #tpu.memory_space<vmem_shared>>)
        } else {
        }
        %add3A_241 = arith.constant 2 : i32
        %add3A_242 = arith.addi %add3A_168, %add3A_241 : i32
        %mul3A_243 = arith.constant 32 : i32
        %mul3A_244 = arith.muli %add3A_242, %mul3A_243 : i32
        %add3A_245 = arith.addi %add3A, %mul3A_244 : i32
        %mul3A_246 = arith.constant 128 : i32
        %mul3A_247 = arith.muli %add3A_245, %mul3A_246 : i32
        %dma_wait3A_248 = tpu.memref_slice %arg3[%mul3A_247] : memref<320000xi32, #tpu.memory_space<hbm>> -> memref<128xi32, #tpu.memory_space<hbm>>
        %dma_wait3A_249 = tpu.memref_slice %arg3[%mul3A_247] : memref<320000xi32, #tpu.memory_space<hbm>> -> memref<128xi32, #tpu.memory_space<hbm>>
        tpu.wait_dma2 semaphore(%arg33 : memref<!tpu.dma_semaphore, #tpu.memory_space<semaphore_mem>>) src(%dma_wait3A_249 : memref<128xi32, #tpu.memory_space<hbm>>) dst(%arg11 : memref<128xi32, #tpu.memory_space<vmem>>)
        %dma_wait3A_250 = tpu.memref_slice %arg4[%mul3A_247] : memref<320000xi32, #tpu.memory_space<hbm>> -> memref<128xi32, #tpu.memory_space<hbm>>
        %dma_wait3A_251 = tpu.memref_slice %arg4[%mul3A_247] : memref<320000xi32, #tpu.memory_space<hbm>> -> memref<128xi32, #tpu.memory_space<hbm>>
        tpu.wait_dma2 semaphore(%arg33 : memref<!tpu.dma_semaphore, #tpu.memory_space<semaphore_mem>>) src(%dma_wait3A_251 : memref<128xi32, #tpu.memory_space<hbm>>) dst(%arg17 : memref<128xi32, #tpu.memory_space<vmem>>)
        %dma_start3A_252 = arith.constant 0 : i32
        %dma_start3A_253 = arith.constant 0 : i32
        %dma_start3A_254 = tpu.memref_slice %arg2[%dma_start3A_252, %dma_start3A_253] : memref<10000x128xf32, #tpu.memory_space<hbm>> -> memref<10000x128xf32, #tpu.memory_space<hbm>>
        tpu.enqueue_indirect_dma source(%dma_start3A_254 : memref<10000x128xf32, #tpu.memory_space<hbm>>) target(%arg20 : memref<128x128xf32, #tpu.memory_space<vmem>>) offsets(%arg11 : memref<128xi32, #tpu.memory_space<vmem>>) semaphore(%arg24 : memref<!tpu.dma_semaphore, #tpu.memory_space<semaphore_mem>>)
      } else {
      }
      %dma_wait3A_183 = arith.constant 0 : i32
      %dma_wait3A_184 = arith.constant 0 : i32
      %dma_wait3A_185 = tpu.memref_slice %arg2[%dma_wait3A_183, %dma_wait3A_184] : memref<10000x128xf32, #tpu.memory_space<hbm>> -> memref<10000x128xf32, #tpu.memory_space<hbm>>
      tpu.wait_indirect_dma semaphore(%arg22 : memref<!tpu.dma_semaphore, #tpu.memory_space<semaphore_mem>>) src(%dma_wait3A_185 : memref<10000x128xf32, #tpu.memory_space<hbm>>) dst(%arg18 : memref<128x128xf32, #tpu.memory_space<vmem>>)
      %dma_start3A_186 = arith.constant 0 : i32
      %dma_start3A_187 = arith.constant 0 : i32
      %dma_start3A_188 = tpu.memref_slice %arg21[%dma_start3A_186, %dma_start3A_187] : memref<10000x128xf32, #tpu.memory_space<vmem_shared>> -> memref<10000x128xf32, #tpu.memory_space<vmem_shared>>
      tpu.enqueue_indirect_dma source(%arg18 : memref<128x128xf32, #tpu.memory_space<vmem>>) target(%dma_start3A_188 : memref<10000x128xf32, #tpu.memory_space<vmem_shared>>) offsets(%arg15 : memref<128xi32, #tpu.memory_space<vmem>>) semaphore(%arg25 : memref<!tpu.dma_semaphore, #tpu.memory_space<semaphore_mem>>) {add = true}
      %mul3A_189 = arith.constant 6 : i32
      %mul3A_190 = arith.muli %scan3A_92, %mul3A_189 : i32
      %add3A_191 = arith.constant 4 : i32
      %add3A_192 = arith.addi %mul3A_190, %add3A_191 : i32
      %add3A_193 = arith.constant 4 : i32
      %add3A_194 = arith.addi %add3A_192, %add3A_193 : i32
      %lt3A_195 = arith.constant 78 : i32
      %lt3A_196 = arith.cmpi slt, %add3A_194, %lt3A_195 : i32
      %convert_element_type3A_197 = arith.extui %lt3A_196 : i1 to i32
      %cond3A_198 = arith.constant 0 : i32
      %cond3A_199 = arith.cmpi ne, %convert_element_type3A_197, %cond3A_198 : i32
      scf.if %cond3A_199 {
        %add3A_237 = arith.constant 4 : i32
        %add3A_238 = arith.addi %add3A_192, %add3A_237 : i32
        %mul3A_239 = arith.constant 32 : i32
        %mul3A_240 = arith.muli %add3A_238, %mul3A_239 : i32
        %add3A_241 = arith.addi %add3A, %mul3A_240 : i32
        %mul3A_242 = arith.constant 128 : i32
        %mul3A_243 = arith.muli %add3A_241, %mul3A_242 : i32
        %dma_start3A_244 = tpu.memref_slice %arg3[%mul3A_243] : memref<320000xi32, #tpu.memory_space<hbm>> -> memref<128xi32, #tpu.memory_space<hbm>>
        %dma_start3A_245 = tpu.memref_slice %arg3[%mul3A_243] : memref<320000xi32, #tpu.memory_space<hbm>> -> memref<128xi32, #tpu.memory_space<hbm>>
        tpu.enqueue_dma source(%dma_start3A_245 : memref<128xi32, #tpu.memory_space<hbm>>) target(%arg8 : memref<128xi32, #tpu.memory_space<vmem>>) target_semaphore(%arg30 : memref<!tpu.dma_semaphore, #tpu.memory_space<semaphore_mem>>)
        %dma_start3A_246 = tpu.memref_slice %arg4[%mul3A_243] : memref<320000xi32, #tpu.memory_space<hbm>> -> memref<128xi32, #tpu.memory_space<hbm>>
        %dma_start3A_247 = tpu.memref_slice %arg4[%mul3A_243] : memref<320000xi32, #tpu.memory_space<hbm>> -> memref<128xi32, #tpu.memory_space<hbm>>
        tpu.enqueue_dma source(%dma_start3A_247 : memref<128xi32, #tpu.memory_space<hbm>>) target(%arg14 : memref<128xi32, #tpu.memory_space<vmem>>) target_semaphore(%arg30 : memref<!tpu.dma_semaphore, #tpu.memory_space<semaphore_mem>>)
      } else {
      }
      %add3A_200 = arith.constant 2 : i32
      %add3A_201 = arith.addi %add3A_192, %add3A_200 : i32
      %lt3A_202 = arith.constant 78 : i32
      %lt3A_203 = arith.cmpi slt, %add3A_201, %lt3A_202 : i32
      %convert_element_type3A_204 = arith.extui %lt3A_203 : i1 to i32
      %cond3A_205 = arith.constant 0 : i32
      %cond3A_206 = arith.cmpi ne, %convert_element_type3A_204, %cond3A_205 : i32
      scf.if %cond3A_206 {
        %ge3A = arith.constant 1 : i32
        %ge3A_237 = arith.cmpi sge, %add3A_192, %ge3A : i32
        %convert_element_type3A_238 = arith.extui %ge3A_237 : i1 to i32
        %cond3A_239 = arith.constant 0 : i32
        %cond3A_240 = arith.cmpi ne, %convert_element_type3A_238, %cond3A_239 : i32
        scf.if %cond3A_240 {
          %dma_wait3A_255 = arith.constant 0 : i32
          %dma_wait3A_256 = arith.constant 0 : i32
          %dma_wait3A_257 = tpu.memref_slice %arg21[%dma_wait3A_255, %dma_wait3A_256] : memref<10000x128xf32, #tpu.memory_space<vmem_shared>> -> memref<10000x128xf32, #tpu.memory_space<vmem_shared>>
          tpu.wait_indirect_dma semaphore(%arg25 : memref<!tpu.dma_semaphore, #tpu.memory_space<semaphore_mem>>) src(%arg18 : memref<128x128xf32, #tpu.memory_space<vmem>>) dst(%dma_wait3A_257 : memref<10000x128xf32, #tpu.memory_space<vmem_shared>>)
        } else {
        }
        %add3A_241 = arith.constant 2 : i32
        %add3A_242 = arith.addi %add3A_192, %add3A_241 : i32
        %mul3A_243 = arith.constant 32 : i32
        %mul3A_244 = arith.muli %add3A_242, %mul3A_243 : i32
        %add3A_245 = arith.addi %add3A, %mul3A_244 : i32
        %mul3A_246 = arith.constant 128 : i32
        %mul3A_247 = arith.muli %add3A_245, %mul3A_246 : i32
        %dma_wait3A_248 = tpu.memref_slice %arg3[%mul3A_247] : memref<320000xi32, #tpu.memory_space<hbm>> -> memref<128xi32, #tpu.memory_space<hbm>>
        %dma_wait3A_249 = tpu.memref_slice %arg3[%mul3A_247] : memref<320000xi32, #tpu.memory_space<hbm>> -> memref<128xi32, #tpu.memory_space<hbm>>
        tpu.wait_dma2 semaphore(%arg28 : memref<!tpu.dma_semaphore, #tpu.memory_space<semaphore_mem>>) src(%dma_wait3A_249 : memref<128xi32, #tpu.memory_space<hbm>>) dst(%arg6 : memref<128xi32, #tpu.memory_space<vmem>>)
        %dma_wait3A_250 = tpu.memref_slice %arg4[%mul3A_247] : memref<320000xi32, #tpu.memory_space<hbm>> -> memref<128xi32, #tpu.memory_space<hbm>>
        %dma_wait3A_251 = tpu.memref_slice %arg4[%mul3A_247] : memref<320000xi32, #tpu.memory_space<hbm>> -> memref<128xi32, #tpu.memory_space<hbm>>
        tpu.wait_dma2 semaphore(%arg28 : memref<!tpu.dma_semaphore, #tpu.memory_space<semaphore_mem>>) src(%dma_wait3A_251 : memref<128xi32, #tpu.memory_space<hbm>>) dst(%arg12 : memref<128xi32, #tpu.memory_space<vmem>>)
        %dma_start3A_252 = arith.constant 0 : i32
        %dma_start3A_253 = arith.constant 0 : i32
        %dma_start3A_254 = tpu.memref_slice %arg2[%dma_start3A_252, %dma_start3A_253] : memref<10000x128xf32, #tpu.memory_space<hbm>> -> memref<10000x128xf32, #tpu.memory_space<hbm>>
        tpu.enqueue_indirect_dma source(%dma_start3A_254 : memref<10000x128xf32, #tpu.memory_space<hbm>>) target(%arg18 : memref<128x128xf32, #tpu.memory_space<vmem>>) offsets(%arg6 : memref<128xi32, #tpu.memory_space<vmem>>) semaphore(%arg22 : memref<!tpu.dma_semaphore, #tpu.memory_space<semaphore_mem>>)
      } else {
      }
      %dma_wait3A_207 = arith.constant 0 : i32
      %dma_wait3A_208 = arith.constant 0 : i32
      %dma_wait3A_209 = tpu.memref_slice %arg2[%dma_wait3A_207, %dma_wait3A_208] : memref<10000x128xf32, #tpu.memory_space<hbm>> -> memref<10000x128xf32, #tpu.memory_space<hbm>>
      tpu.wait_indirect_dma semaphore(%arg23 : memref<!tpu.dma_semaphore, #tpu.memory_space<semaphore_mem>>) src(%dma_wait3A_209 : memref<10000x128xf32, #tpu.memory_space<hbm>>) dst(%arg19 : memref<128x128xf32, #tpu.memory_space<vmem>>)
      %dma_start3A_210 = arith.constant 0 : i32
      %dma_start3A_211 = arith.constant 0 : i32
      %dma_start3A_212 = tpu.memref_slice %arg21[%dma_start3A_210, %dma_start3A_211] : memref<10000x128xf32, #tpu.memory_space<vmem_shared>> -> memref<10000x128xf32, #tpu.memory_space<vmem_shared>>
      tpu.enqueue_indirect_dma source(%arg19 : memref<128x128xf32, #tpu.memory_space<vmem>>) target(%dma_start3A_212 : memref<10000x128xf32, #tpu.memory_space<vmem_shared>>) offsets(%arg16 : memref<128xi32, #tpu.memory_space<vmem>>) semaphore(%arg26 : memref<!tpu.dma_semaphore, #tpu.memory_space<semaphore_mem>>) {add = true}
      %mul3A_213 = arith.constant 6 : i32
      %mul3A_214 = arith.muli %scan3A_92, %mul3A_213 : i32
      %add3A_215 = arith.constant 5 : i32
      %add3A_216 = arith.addi %mul3A_214, %add3A_215 : i32
      %add3A_217 = arith.constant 4 : i32
      %add3A_218 = arith.addi %add3A_216, %add3A_217 : i32
      %lt3A_219 = arith.constant 78 : i32
      %lt3A_220 = arith.cmpi slt, %add3A_218, %lt3A_219 : i32
      %convert_element_type3A_221 = arith.extui %lt3A_220 : i1 to i32
      %cond3A_222 = arith.constant 0 : i32
      %cond3A_223 = arith.cmpi ne, %convert_element_type3A_221, %cond3A_222 : i32
      scf.if %cond3A_223 {
        %add3A_237 = arith.constant 4 : i32
        %add3A_238 = arith.addi %add3A_216, %add3A_237 : i32
        %mul3A_239 = arith.constant 32 : i32
        %mul3A_240 = arith.muli %add3A_238, %mul3A_239 : i32
        %add3A_241 = arith.addi %add3A, %mul3A_240 : i32
        %mul3A_242 = arith.constant 128 : i32
        %mul3A_243 = arith.muli %add3A_241, %mul3A_242 : i32
        %dma_start3A_244 = tpu.memref_slice %arg3[%mul3A_243] : memref<320000xi32, #tpu.memory_space<hbm>> -> memref<128xi32, #tpu.memory_space<hbm>>
        %dma_start3A_245 = tpu.memref_slice %arg3[%mul3A_243] : memref<320000xi32, #tpu.memory_space<hbm>> -> memref<128xi32, #tpu.memory_space<hbm>>
        tpu.enqueue_dma source(%dma_start3A_245 : memref<128xi32, #tpu.memory_space<hbm>>) target(%arg9 : memref<128xi32, #tpu.memory_space<vmem>>) target_semaphore(%arg31 : memref<!tpu.dma_semaphore, #tpu.memory_space<semaphore_mem>>)
        %dma_start3A_246 = tpu.memref_slice %arg4[%mul3A_243] : memref<320000xi32, #tpu.memory_space<hbm>> -> memref<128xi32, #tpu.memory_space<hbm>>
        %dma_start3A_247 = tpu.memref_slice %arg4[%mul3A_243] : memref<320000xi32, #tpu.memory_space<hbm>> -> memref<128xi32, #tpu.memory_space<hbm>>
        tpu.enqueue_dma source(%dma_start3A_247 : memref<128xi32, #tpu.memory_space<hbm>>) target(%arg15 : memref<128xi32, #tpu.memory_space<vmem>>) target_semaphore(%arg31 : memref<!tpu.dma_semaphore, #tpu.memory_space<semaphore_mem>>)
      } else {
      }
      %add3A_224 = arith.constant 2 : i32
      %add3A_225 = arith.addi %add3A_216, %add3A_224 : i32
      %lt3A_226 = arith.constant 78 : i32
      %lt3A_227 = arith.cmpi slt, %add3A_225, %lt3A_226 : i32
      %convert_element_type3A_228 = arith.extui %lt3A_227 : i1 to i32
      %cond3A_229 = arith.constant 0 : i32
      %cond3A_230 = arith.cmpi ne, %convert_element_type3A_228, %cond3A_229 : i32
      scf.if %cond3A_230 {
        %ge3A = arith.constant 1 : i32
        %ge3A_237 = arith.cmpi sge, %add3A_216, %ge3A : i32
        %convert_element_type3A_238 = arith.extui %ge3A_237 : i1 to i32
        %cond3A_239 = arith.constant 0 : i32
        %cond3A_240 = arith.cmpi ne, %convert_element_type3A_238, %cond3A_239 : i32
        scf.if %cond3A_240 {
          %dma_wait3A_255 = arith.constant 0 : i32
          %dma_wait3A_256 = arith.constant 0 : i32
          %dma_wait3A_257 = tpu.memref_slice %arg21[%dma_wait3A_255, %dma_wait3A_256] : memref<10000x128xf32, #tpu.memory_space<vmem_shared>> -> memref<10000x128xf32, #tpu.memory_space<vmem_shared>>
          tpu.wait_indirect_dma semaphore(%arg26 : memref<!tpu.dma_semaphore, #tpu.memory_space<semaphore_mem>>) src(%arg19 : memref<128x128xf32, #tpu.memory_space<vmem>>) dst(%dma_wait3A_257 : memref<10000x128xf32, #tpu.memory_space<vmem_shared>>)
        } else {
        }
        %add3A_241 = arith.constant 2 : i32
        %add3A_242 = arith.addi %add3A_216, %add3A_241 : i32
        %mul3A_243 = arith.constant 32 : i32
        %mul3A_244 = arith.muli %add3A_242, %mul3A_243 : i32
        %add3A_245 = arith.addi %add3A, %mul3A_244 : i32
        %mul3A_246 = arith.constant 128 : i32
        %mul3A_247 = arith.muli %add3A_245, %mul3A_246 : i32
        %dma_wait3A_248 = tpu.memref_slice %arg3[%mul3A_247] : memref<320000xi32, #tpu.memory_space<hbm>> -> memref<128xi32, #tpu.memory_space<hbm>>
        %dma_wait3A_249 = tpu.memref_slice %arg3[%mul3A_247] : memref<320000xi32, #tpu.memory_space<hbm>> -> memref<128xi32, #tpu.memory_space<hbm>>
        tpu.wait_dma2 semaphore(%arg29 : memref<!tpu.dma_semaphore, #tpu.memory_space<semaphore_mem>>) src(%dma_wait3A_249 : memref<128xi32, #tpu.memory_space<hbm>>) dst(%arg7 : memref<128xi32, #tpu.memory_space<vmem>>)
        %dma_wait3A_250 = tpu.memref_slice %arg4[%mul3A_247] : memref<320000xi32, #tpu.memory_space<hbm>> -> memref<128xi32, #tpu.memory_space<hbm>>
        %dma_wait3A_251 = tpu.memref_slice %arg4[%mul3A_247] : memref<320000xi32, #tpu.memory_space<hbm>> -> memref<128xi32, #tpu.memory_space<hbm>>
        tpu.wait_dma2 semaphore(%arg29 : memref<!tpu.dma_semaphore, #tpu.memory_space<semaphore_mem>>) src(%dma_wait3A_251 : memref<128xi32, #tpu.memory_space<hbm>>) dst(%arg13 : memref<128xi32, #tpu.memory_space<vmem>>)
        %dma_start3A_252 = arith.constant 0 : i32
        %dma_start3A_253 = arith.constant 0 : i32
        %dma_start3A_254 = tpu.memref_slice %arg2[%dma_start3A_252, %dma_start3A_253] : memref<10000x128xf32, #tpu.memory_space<hbm>> -> memref<10000x128xf32, #tpu.memory_space<hbm>>
        tpu.enqueue_indirect_dma source(%dma_start3A_254 : memref<10000x128xf32, #tpu.memory_space<hbm>>) target(%arg19 : memref<128x128xf32, #tpu.memory_space<vmem>>) offsets(%arg7 : memref<128xi32, #tpu.memory_space<vmem>>) semaphore(%arg23 : memref<!tpu.dma_semaphore, #tpu.memory_space<semaphore_mem>>)
      } else {
      }
      %dma_wait3A_231 = arith.constant 0 : i32
      %dma_wait3A_232 = arith.constant 0 : i32
      %dma_wait3A_233 = tpu.memref_slice %arg2[%dma_wait3A_231, %dma_wait3A_232] : memref<10000x128xf32, #tpu.memory_space<hbm>> -> memref<10000x128xf32, #tpu.memory_space<hbm>>
      tpu.wait_indirect_dma semaphore(%arg24 : memref<!tpu.dma_semaphore, #tpu.memory_space<semaphore_mem>>) src(%dma_wait3A_233 : memref<10000x128xf32, #tpu.memory_space<hbm>>) dst(%arg20 : memref<128x128xf32, #tpu.memory_space<vmem>>)
      %dma_start3A_234 = arith.constant 0 : i32
      %dma_start3A_235 = arith.constant 0 : i32
      %dma_start3A_236 = tpu.memref_slice %arg21[%dma_start3A_234, %dma_start3A_235] : memref<10000x128xf32, #tpu.memory_space<vmem_shared>> -> memref<10000x128xf32, #tpu.memory_space<vmem_shared>>
      tpu.enqueue_indirect_dma source(%arg20 : memref<128x128xf32, #tpu.memory_space<vmem>>) target(%dma_start3A_236 : memref<10000x128xf32, #tpu.memory_space<vmem_shared>>) offsets(%arg17 : memref<128xi32, #tpu.memory_space<vmem>>) semaphore(%arg27 : memref<!tpu.dma_semaphore, #tpu.memory_space<semaphore_mem>>) {add = true}
    }
    %scan3A_72 = arith.constant 13 : i32
    %dma_wait3A_73 = arith.constant 0 : i32
    %dma_wait3A_74 = arith.constant 0 : i32
    %dma_wait3A_75 = tpu.memref_slice %arg21[%dma_wait3A_73, %dma_wait3A_74] : memref<10000x128xf32, #tpu.memory_space<vmem_shared>> -> memref<10000x128xf32, #tpu.memory_space<vmem_shared>>
    tpu.wait_indirect_dma semaphore(%arg25 : memref<!tpu.dma_semaphore, #tpu.memory_space<semaphore_mem>>) src(%arg18 : memref<128x128xf32, #tpu.memory_space<vmem>>) dst(%dma_wait3A_75 : memref<10000x128xf32, #tpu.memory_space<vmem_shared>>)
    %dma_wait3A_76 = arith.constant 0 : i32
    %dma_wait3A_77 = arith.constant 0 : i32
    %dma_wait3A_78 = tpu.memref_slice %arg21[%dma_wait3A_76, %dma_wait3A_77] : memref<10000x128xf32, #tpu.memory_space<vmem_shared>> -> memref<10000x128xf32, #tpu.memory_space<vmem_shared>>
    tpu.wait_indirect_dma semaphore(%arg26 : memref<!tpu.dma_semaphore, #tpu.memory_space<semaphore_mem>>) src(%arg19 : memref<128x128xf32, #tpu.memory_space<vmem>>) dst(%dma_wait3A_78 : memref<10000x128xf32, #tpu.memory_space<vmem_shared>>)
    %dma_wait3A_79 = arith.constant 0 : i32
    %dma_wait3A_80 = arith.constant 0 : i32
    %dma_wait3A_81 = tpu.memref_slice %arg21[%dma_wait3A_79, %dma_wait3A_80] : memref<10000x128xf32, #tpu.memory_space<vmem_shared>> -> memref<10000x128xf32, #tpu.memory_space<vmem_shared>>
    tpu.wait_indirect_dma semaphore(%arg27 : memref<!tpu.dma_semaphore, #tpu.memory_space<semaphore_mem>>) src(%arg20 : memref<128x128xf32, #tpu.memory_space<vmem>>) dst(%dma_wait3A_81 : memref<10000x128xf32, #tpu.memory_space<vmem_shared>>)
    %lt3A = arith.constant 4 : i32
    %lt3A_82 = arith.cmpi slt, %add3A, %lt3A : i32
    %convert_element_type3A_83 = arith.extui %lt3A_82 : i1 to i32
    %cond3A_84 = arith.constant 0 : i32
    %cond3A_85 = arith.cmpi ne, %convert_element_type3A_83, %cond3A_84 : i32
    scf.if %cond3A_85 {
      %add3A_92 = arith.constant 2496 : i32
      %add3A_93 = arith.addi %add3A_92, %add3A : i32
      %mul3A_94 = arith.constant 128 : i32
      %mul3A_95 = arith.muli %add3A_93, %mul3A_94 : i32
      %dma_start3A_96 = tpu.memref_slice %arg3[%mul3A_95] : memref<320000xi32, #tpu.memory_space<hbm>> -> memref<128xi32, #tpu.memory_space<hbm>>
      %dma_start3A_97 = tpu.memref_slice %arg3[%mul3A_95] : memref<320000xi32, #tpu.memory_space<hbm>> -> memref<128xi32, #tpu.memory_space<hbm>>
      tpu.enqueue_dma source(%dma_start3A_97 : memref<128xi32, #tpu.memory_space<hbm>>) target(%arg6 : memref<128xi32, #tpu.memory_space<vmem>>) target_semaphore(%arg28 : memref<!tpu.dma_semaphore, #tpu.memory_space<semaphore_mem>>)
      %dma_start3A_98 = tpu.memref_slice %arg4[%mul3A_95] : memref<320000xi32, #tpu.memory_space<hbm>> -> memref<128xi32, #tpu.memory_space<hbm>>
      %dma_start3A_99 = tpu.memref_slice %arg4[%mul3A_95] : memref<320000xi32, #tpu.memory_space<hbm>> -> memref<128xi32, #tpu.memory_space<hbm>>
      tpu.enqueue_dma source(%dma_start3A_99 : memref<128xi32, #tpu.memory_space<hbm>>) target(%arg12 : memref<128xi32, #tpu.memory_space<vmem>>) target_semaphore(%arg28 : memref<!tpu.dma_semaphore, #tpu.memory_space<semaphore_mem>>)
      %add3A_100 = arith.constant 2496 : i32
      %add3A_101 = arith.addi %add3A_100, %add3A : i32
      %mul3A_102 = arith.constant 128 : i32
      %mul3A_103 = arith.muli %add3A_101, %mul3A_102 : i32
      %dma_wait3A_104 = tpu.memref_slice %arg3[%mul3A_103] : memref<320000xi32, #tpu.memory_space<hbm>> -> memref<128xi32, #tpu.memory_space<hbm>>
      %dma_wait3A_105 = tpu.memref_slice %arg3[%mul3A_103] : memref<320000xi32, #tpu.memory_space<hbm>> -> memref<128xi32, #tpu.memory_space<hbm>>
      tpu.wait_dma2 semaphore(%arg28 : memref<!tpu.dma_semaphore, #tpu.memory_space<semaphore_mem>>) src(%dma_wait3A_105 : memref<128xi32, #tpu.memory_space<hbm>>) dst(%arg6 : memref<128xi32, #tpu.memory_space<vmem>>)
      %dma_wait3A_106 = tpu.memref_slice %arg4[%mul3A_103] : memref<320000xi32, #tpu.memory_space<hbm>> -> memref<128xi32, #tpu.memory_space<hbm>>
      %dma_wait3A_107 = tpu.memref_slice %arg4[%mul3A_103] : memref<320000xi32, #tpu.memory_space<hbm>> -> memref<128xi32, #tpu.memory_space<hbm>>
      tpu.wait_dma2 semaphore(%arg28 : memref<!tpu.dma_semaphore, #tpu.memory_space<semaphore_mem>>) src(%dma_wait3A_107 : memref<128xi32, #tpu.memory_space<hbm>>) dst(%arg12 : memref<128xi32, #tpu.memory_space<vmem>>)
      %dma_start3A_108 = arith.constant 0 : i32
      %dma_start3A_109 = arith.constant 0 : i32
      %dma_start3A_110 = tpu.memref_slice %arg2[%dma_start3A_108, %dma_start3A_109] : memref<10000x128xf32, #tpu.memory_space<hbm>> -> memref<10000x128xf32, #tpu.memory_space<hbm>>
      tpu.enqueue_indirect_dma source(%dma_start3A_110 : memref<10000x128xf32, #tpu.memory_space<hbm>>) target(%arg18 : memref<128x128xf32, #tpu.memory_space<vmem>>) offsets(%arg6 : memref<128xi32, #tpu.memory_space<vmem>>) semaphore(%arg22 : memref<!tpu.dma_semaphore, #tpu.memory_space<semaphore_mem>>)
      %dma_wait3A_111 = arith.constant 0 : i32
      %dma_wait3A_112 = arith.constant 0 : i32
      %dma_wait3A_113 = tpu.memref_slice %arg2[%dma_wait3A_111, %dma_wait3A_112] : memref<10000x128xf32, #tpu.memory_space<hbm>> -> memref<10000x128xf32, #tpu.memory_space<hbm>>
      tpu.wait_indirect_dma semaphore(%arg22 : memref<!tpu.dma_semaphore, #tpu.memory_space<semaphore_mem>>) src(%dma_wait3A_113 : memref<10000x128xf32, #tpu.memory_space<hbm>>) dst(%arg18 : memref<128x128xf32, #tpu.memory_space<vmem>>)
      "tpu.region"() ({
        %run_scoped3A = tpu.sem_alloc : memref<!tpu.dma_semaphore, #tpu.memory_space<semaphore_mem>>
        %dma_start3A_114 = arith.constant 0 : i32
        %dma_start3A_115 = arith.constant 0 : i32
        %dma_start3A_116 = tpu.memref_slice %arg21[%dma_start3A_114, %dma_start3A_115] : memref<10000x128xf32, #tpu.memory_space<vmem_shared>> -> memref<10000x128xf32, #tpu.memory_space<vmem_shared>>
        tpu.enqueue_indirect_dma source(%arg18 : memref<128x128xf32, #tpu.memory_space<vmem>>) target(%dma_start3A_116 : memref<10000x128xf32, #tpu.memory_space<vmem_shared>>) offsets(%arg12 : memref<128xi32, #tpu.memory_space<vmem>>) semaphore(%run_scoped3A : memref<!tpu.dma_semaphore, #tpu.memory_space<semaphore_mem>>) {add = true}
        %dma_wait3A_117 = arith.constant 0 : i32
        %dma_wait3A_118 = arith.constant 0 : i32
        %dma_wait3A_119 = tpu.memref_slice %arg21[%dma_wait3A_117, %dma_wait3A_118] : memref<10000x128xf32, #tpu.memory_space<vmem_shared>> -> memref<10000x128xf32, #tpu.memory_space<vmem_shared>>
        tpu.wait_indirect_dma semaphore(%run_scoped3A : memref<!tpu.dma_semaphore, #tpu.memory_space<semaphore_mem>>) src(%arg18 : memref<128x128xf32, #tpu.memory_space<vmem>>) dst(%dma_wait3A_119 : memref<10000x128xf32, #tpu.memory_space<vmem_shared>>)
        tpu.yield
      }) : () -> ()
    } else {
    }
    %barrier3A_86 = arith.constant 0 : index
    tpu.barrier barrier_id(%barrier3A_86)
    "tpu.region"() ({
      %run_scoped3A = tpu.sem_alloc : memref<!tpu.dma_semaphore, #tpu.memory_space<semaphore_mem>>
      %dma_start3A_92 = arith.constant 0 : i32
      %dma_start3A_93 = tpu.memref_slice %arg5[%arg0, %mul3A_2, %dma_start3A_92] : memref<2x10000x128xf32, #tpu.memory_space<hbm>> -> memref<1x624x128xf32, #tpu.memory_space<hbm>>
      %dma_start3A_94 = tpu.memref_squeeze %dma_start3A_93 : memref<1x624x128xf32, #tpu.memory_space<hbm>> -> memref<624x128xf32, #tpu.memory_space<hbm>>
      %dma_start3A_95 = arith.constant 0 : i32
      %dma_start3A_96 = tpu.memref_slice %arg21[%mul3A_2, %dma_start3A_95] : memref<10000x128xf32, #tpu.memory_space<vmem_shared>> -> memref<624x128xf32, #tpu.memory_space<vmem_shared>>
      tpu.enqueue_dma source(%dma_start3A_96 : memref<624x128xf32, #tpu.memory_space<vmem_shared>>) target(%dma_start3A_94 : memref<624x128xf32, #tpu.memory_space<hbm>>) target_semaphore(%run_scoped3A : memref<!tpu.dma_semaphore, #tpu.memory_space<semaphore_mem>>)
      %dma_wait3A_97 = arith.constant 0 : i32
      %dma_wait3A_98 = tpu.memref_slice %arg5[%arg0, %mul3A_2, %dma_wait3A_97] : memref<2x10000x128xf32, #tpu.memory_space<hbm>> -> memref<1x624x128xf32, #tpu.memory_space<hbm>>
      %dma_wait3A_99 = tpu.memref_squeeze %dma_wait3A_98 : memref<1x624x128xf32, #tpu.memory_space<hbm>> -> memref<624x128xf32, #tpu.memory_space<hbm>>
      %dma_wait3A_100 = arith.constant 0 : i32
      %dma_wait3A_101 = tpu.memref_slice %arg21[%mul3A_2, %dma_wait3A_100] : memref<10000x128xf32, #tpu.memory_space<vmem_shared>> -> memref<624x128xf32, #tpu.memory_space<vmem_shared>>
      tpu.wait_dma2 semaphore(%run_scoped3A : memref<!tpu.dma_semaphore, #tpu.memory_space<semaphore_mem>>) src(%dma_wait3A_101 : memref<624x128xf32, #tpu.memory_space<vmem_shared>>) dst(%dma_wait3A_99 : memref<624x128xf32, #tpu.memory_space<hbm>>)
      tpu.yield
    }) : () -> ()
    %eq3A_87 = arith.constant 15 : i32
    %eq3A_88 = arith.cmpi eq, %arg1, %eq3A_87 : i32
    %convert_element_type3A_89 = arith.extui %eq3A_88 : i1 to i32
    %cond3A_90 = arith.constant 0 : i32
    %cond3A_91 = arith.cmpi ne, %convert_element_type3A_89, %cond3A_90 : i32
    scf.if %cond3A_91 {
      "tpu.region"() ({
        %run_scoped3A = tpu.sem_alloc : memref<!tpu.dma_semaphore, #tpu.memory_space<semaphore_mem>>
        %dma_start3A_92 = arith.constant 9984 : i32
        %dma_start3A_93 = arith.constant 0 : i32
        %dma_start3A_94 = tpu.memref_slice %arg5[%arg0, %dma_start3A_92, %dma_start3A_93] : memref<2x10000x128xf32, #tpu.memory_space<hbm>> -> memref<1x16x128xf32, #tpu.memory_space<hbm>>
        %dma_start3A_95 = tpu.memref_squeeze %dma_start3A_94 : memref<1x16x128xf32, #tpu.memory_space<hbm>> -> memref<16x128xf32, #tpu.memory_space<hbm>>
        %dma_start3A_96 = arith.constant 9984 : i32
        %dma_start3A_97 = arith.constant 0 : i32
        %dma_start3A_98 = tpu.memref_slice %arg21[%dma_start3A_96, %dma_start3A_97] : memref<10000x128xf32, #tpu.memory_space<vmem_shared>> -> memref<16x128xf32, #tpu.memory_space<vmem_shared>>
        tpu.enqueue_dma source(%dma_start3A_98 : memref<16x128xf32, #tpu.memory_space<vmem_shared>>) target(%dma_start3A_95 : memref<16x128xf32, #tpu.memory_space<hbm>>) target_semaphore(%run_scoped3A : memref<!tpu.dma_semaphore, #tpu.memory_space<semaphore_mem>>)
        %dma_wait3A_99 = arith.constant 9984 : i32
        %dma_wait3A_100 = arith.constant 0 : i32
        %dma_wait3A_101 = tpu.memref_slice %arg5[%arg0, %dma_wait3A_99, %dma_wait3A_100] : memref<2x10000x128xf32, #tpu.memory_space<hbm>> -> memref<1x16x128xf32, #tpu.memory_space<hbm>>
        %dma_wait3A_102 = tpu.memref_squeeze %dma_wait3A_101 : memref<1x16x128xf32, #tpu.memory_space<hbm>> -> memref<16x128xf32, #tpu.memory_space<hbm>>
        %dma_wait3A_103 = arith.constant 9984 : i32
        %dma_wait3A_104 = arith.constant 0 : i32
        %dma_wait3A_105 = tpu.memref_slice %arg21[%dma_wait3A_103, %dma_wait3A_104] : memref<10000x128xf32, #tpu.memory_space<vmem_shared>> -> memref<16x128xf32, #tpu.memory_space<vmem_shared>>
        tpu.wait_dma2 semaphore(%run_scoped3A : memref<!tpu.dma_semaphore, #tpu.memory_space<semaphore_mem>>) src(%dma_wait3A_105 : memref<16x128xf32, #tpu.memory_space<vmem_shared>>) dst(%dma_wait3A_102 : memref<16x128xf32, #tpu.memory_space<hbm>>)
        tpu.yield
      }) : () -> ()
    } else {
    }
    return
  }
}

#map = affine_map<(d0, d1) -> (0, 0)>
#map1 = affine_map<(d0, d1) -> (0)>
#map2 = affine_map<(d0, d1) -> (0, 0, 0)>
module attributes {stable_mosaic.version = 14 : i64} {
  func.func @_sc_agg_body(%arg0: i32, %arg1: i32, %arg2: memref<10000x128xf32, #tpu.memory_space<hbm>>, %arg3: memref<320000xi32, #tpu.memory_space<hbm>>, %arg4: memref<320000xi32, #tpu.memory_space<hbm>>, %arg5: memref<2x10000x128xf32, #tpu.memory_space<hbm>>, %arg6: memref<128xi32, #tpu.memory_space<vmem>>, %arg7: memref<128xi32, #tpu.memory_space<vmem>>, %arg8: memref<128xi32, #tpu.memory_space<vmem>>, %arg9: memref<128xi32, #tpu.memory_space<vmem>>, %arg10: memref<128xi32, #tpu.memory_space<vmem>>, %arg11: memref<128xi32, #tpu.memory_space<vmem>>, %arg12: memref<128xi32, #tpu.memory_space<vmem>>, %arg13: memref<128xi32, #tpu.memory_space<vmem>>, %arg14: memref<128xi32, #tpu.memory_space<vmem>>, %arg15: memref<128xi32, #tpu.memory_space<vmem>>, %arg16: memref<128xi32, #tpu.memory_space<vmem>>, %arg17: memref<128xi32, #tpu.memory_space<vmem>>, %arg18: memref<128x128xf32, #tpu.memory_space<vmem>>, %arg19: memref<128x128xf32, #tpu.memory_space<vmem>>, %arg20: memref<128x128xf32, #tpu.memory_space<vmem>>, %arg21: memref<10000x128xf32, #tpu.memory_space<vmem_shared>>, %arg22: memref<!tpu.dma_semaphore, #tpu.memory_space<semaphore_mem>>, %arg23: memref<!tpu.dma_semaphore, #tpu.memory_space<semaphore_mem>>, %arg24: memref<!tpu.dma_semaphore, #tpu.memory_space<semaphore_mem>>, %arg25: memref<!tpu.dma_semaphore, #tpu.memory_space<semaphore_mem>>, %arg26: memref<!tpu.dma_semaphore, #tpu.memory_space<semaphore_mem>>, %arg27: memref<!tpu.dma_semaphore, #tpu.memory_space<semaphore_mem>>, %arg28: memref<!tpu.dma_semaphore, #tpu.memory_space<semaphore_mem>>, %arg29: memref<!tpu.dma_semaphore, #tpu.memory_space<semaphore_mem>>, %arg30: memref<!tpu.dma_semaphore, #tpu.memory_space<semaphore_mem>>, %arg31: memref<!tpu.dma_semaphore, #tpu.memory_space<semaphore_mem>>, %arg32: memref<!tpu.dma_semaphore, #tpu.memory_space<semaphore_mem>>, %arg33: memref<!tpu.dma_semaphore, #tpu.memory_space<semaphore_mem>>, %arg34: memref<!tpu.dma_semaphore, #tpu.memory_space<semaphore_mem>>) attributes {dimension_semantics = [#tpu.dimension_semantics<core_parallel>, #tpu.dimension_semantics<subcore_parallel>], iteration_bounds = array<i64: 2, 16>, scalar_prefetch = 0 : i64, scratch_operands = 29 : i64, tpu.core_type = #tpu.core_type<sc_vector_subcore>, window_params = [{transform_indices = #map}, {transform_indices = #map1}, {transform_indices = #map1}, {transform_indices = #map2}]} {
    %mul3A = arith.constant 2 : i32
    %mul3A_0 = arith.muli %arg1, %mul3A : i32
    %add3A = arith.addi %mul3A_0, %arg0 : i32
    %mul3A_1 = arith.constant 624 : i32
    %mul3A_2 = arith.muli %arg1, %mul3A_1 : i32
    %dma_start3A = arith.constant 0 : i32
    %dma_start3A_3 = tpu.memref_slice %arg21[%mul3A_2, %dma_start3A] : memref<10000x128xf32, #tpu.memory_space<vmem_shared>> -> memref<624x128xf32, #tpu.memory_space<vmem_shared>>
    %dma_start3A_4 = arith.constant 0 : i32
    %dma_start3A_5 = tpu.memref_slice %arg2[%mul3A_2, %dma_start3A_4] : memref<10000x128xf32, #tpu.memory_space<hbm>> -> memref<624x128xf32, #tpu.memory_space<hbm>>
    tpu.enqueue_dma source(%dma_start3A_5 : memref<624x128xf32, #tpu.memory_space<hbm>>) target(%dma_start3A_3 : memref<624x128xf32, #tpu.memory_space<vmem_shared>>) target_semaphore(%arg34 : memref<!tpu.dma_semaphore, #tpu.memory_space<semaphore_mem>>)
    %eq3A = arith.constant 15 : i32
    %eq3A_6 = arith.cmpi eq, %arg1, %eq3A : i32
    %convert_element_type3A = arith.extui %eq3A_6 : i1 to i32
    %cond3A = arith.constant 0 : i32
    %cond3A_7 = arith.cmpi ne, %convert_element_type3A, %cond3A : i32
    scf.if %cond3A_7 {
      %dma_start3A_92 = arith.constant 9984 : i32
      %dma_start3A_93 = arith.constant 0 : i32
      %dma_start3A_94 = tpu.memref_slice %arg21[%dma_start3A_92, %dma_start3A_93] : memref<10000x128xf32, #tpu.memory_space<vmem_shared>> -> memref<16x128xf32, #tpu.memory_space<vmem_shared>>
      %dma_start3A_95 = arith.constant 9984 : i32
      %dma_start3A_96 = arith.constant 0 : i32
      %dma_start3A_97 = tpu.memref_slice %arg2[%dma_start3A_95, %dma_start3A_96] : memref<10000x128xf32, #tpu.memory_space<hbm>> -> memref<16x128xf32, #tpu.memory_space<hbm>>
      tpu.enqueue_dma source(%dma_start3A_97 : memref<16x128xf32, #tpu.memory_space<hbm>>) target(%dma_start3A_94 : memref<16x128xf32, #tpu.memory_space<vmem_shared>>) target_semaphore(%arg34 : memref<!tpu.dma_semaphore, #tpu.memory_space<semaphore_mem>>)
    } else {
    }
    %add3A_8 = arith.constant 0 : i32
    %add3A_9 = arith.addi %add3A, %add3A_8 : i32
    %mul3A_10 = arith.constant 128 : i32
    %mul3A_11 = arith.muli %add3A_9, %mul3A_10 : i32
    %dma_start3A_12 = tpu.memref_slice %arg3[%mul3A_11] : memref<320000xi32, #tpu.memory_space<hbm>> -> memref<128xi32, #tpu.memory_space<hbm>>
    %dma_start3A_13 = tpu.memref_slice %arg3[%mul3A_11] : memref<320000xi32, #tpu.memory_space<hbm>> -> memref<128xi32, #tpu.memory_space<hbm>>
    tpu.enqueue_dma source(%dma_start3A_13 : memref<128xi32, #tpu.memory_space<hbm>>) target(%arg6 : memref<128xi32, #tpu.memory_space<vmem>>) target_semaphore(%arg28 : memref<!tpu.dma_semaphore, #tpu.memory_space<semaphore_mem>>)
    %dma_start3A_14 = tpu.memref_slice %arg4[%mul3A_11] : memref<320000xi32, #tpu.memory_space<hbm>> -> memref<128xi32, #tpu.memory_space<hbm>>
    %dma_start3A_15 = tpu.memref_slice %arg4[%mul3A_11] : memref<320000xi32, #tpu.memory_space<hbm>> -> memref<128xi32, #tpu.memory_space<hbm>>
    tpu.enqueue_dma source(%dma_start3A_15 : memref<128xi32, #tpu.memory_space<hbm>>) target(%arg12 : memref<128xi32, #tpu.memory_space<vmem>>) target_semaphore(%arg28 : memref<!tpu.dma_semaphore, #tpu.memory_space<semaphore_mem>>)
    %add3A_16 = arith.constant 32 : i32
    %add3A_17 = arith.addi %add3A, %add3A_16 : i32
    %mul3A_18 = arith.constant 128 : i32
    %mul3A_19 = arith.muli %add3A_17, %mul3A_18 : i32
    %dma_start3A_20 = tpu.memref_slice %arg3[%mul3A_19] : memref<320000xi32, #tpu.memory_space<hbm>> -> memref<128xi32, #tpu.memory_space<hbm>>
    %dma_start3A_21 = tpu.memref_slice %arg3[%mul3A_19] : memref<320000xi32, #tpu.memory_space<hbm>> -> memref<128xi32, #tpu.memory_space<hbm>>
    tpu.enqueue_dma source(%dma_start3A_21 : memref<128xi32, #tpu.memory_space<hbm>>) target(%arg7 : memref<128xi32, #tpu.memory_space<vmem>>) target_semaphore(%arg29 : memref<!tpu.dma_semaphore, #tpu.memory_space<semaphore_mem>>)
    %dma_start3A_22 = tpu.memref_slice %arg4[%mul3A_19] : memref<320000xi32, #tpu.memory_space<hbm>> -> memref<128xi32, #tpu.memory_space<hbm>>
    %dma_start3A_23 = tpu.memref_slice %arg4[%mul3A_19] : memref<320000xi32, #tpu.memory_space<hbm>> -> memref<128xi32, #tpu.memory_space<hbm>>
    tpu.enqueue_dma source(%dma_start3A_23 : memref<128xi32, #tpu.memory_space<hbm>>) target(%arg13 : memref<128xi32, #tpu.memory_space<vmem>>) target_semaphore(%arg29 : memref<!tpu.dma_semaphore, #tpu.memory_space<semaphore_mem>>)
    %add3A_24 = arith.constant 64 : i32
    %add3A_25 = arith.addi %add3A, %add3A_24 : i32
    %mul3A_26 = arith.constant 128 : i32
    %mul3A_27 = arith.muli %add3A_25, %mul3A_26 : i32
    %dma_start3A_28 = tpu.memref_slice %arg3[%mul3A_27] : memref<320000xi32, #tpu.memory_space<hbm>> -> memref<128xi32, #tpu.memory_space<hbm>>
    %dma_start3A_29 = tpu.memref_slice %arg3[%mul3A_27] : memref<320000xi32, #tpu.memory_space<hbm>> -> memref<128xi32, #tpu.memory_space<hbm>>
    tpu.enqueue_dma source(%dma_start3A_29 : memref<128xi32, #tpu.memory_space<hbm>>) target(%arg8 : memref<128xi32, #tpu.memory_space<vmem>>) target_semaphore(%arg30 : memref<!tpu.dma_semaphore, #tpu.memory_space<semaphore_mem>>)
    %dma_start3A_30 = tpu.memref_slice %arg4[%mul3A_27] : memref<320000xi32, #tpu.memory_space<hbm>> -> memref<128xi32, #tpu.memory_space<hbm>>
    %dma_start3A_31 = tpu.memref_slice %arg4[%mul3A_27] : memref<320000xi32, #tpu.memory_space<hbm>> -> memref<128xi32, #tpu.memory_space<hbm>>
    tpu.enqueue_dma source(%dma_start3A_31 : memref<128xi32, #tpu.memory_space<hbm>>) target(%arg14 : memref<128xi32, #tpu.memory_space<vmem>>) target_semaphore(%arg30 : memref<!tpu.dma_semaphore, #tpu.memory_space<semaphore_mem>>)
    %add3A_32 = arith.constant 96 : i32
    %add3A_33 = arith.addi %add3A, %add3A_32 : i32
    %mul3A_34 = arith.constant 128 : i32
    %mul3A_35 = arith.muli %add3A_33, %mul3A_34 : i32
    %dma_start3A_36 = tpu.memref_slice %arg3[%mul3A_35] : memref<320000xi32, #tpu.memory_space<hbm>> -> memref<128xi32, #tpu.memory_space<hbm>>
    %dma_start3A_37 = tpu.memref_slice %arg3[%mul3A_35] : memref<320000xi32, #tpu.memory_space<hbm>> -> memref<128xi32, #tpu.memory_space<hbm>>
    tpu.enqueue_dma source(%dma_start3A_37 : memref<128xi32, #tpu.memory_space<hbm>>) target(%arg9 : memref<128xi32, #tpu.memory_space<vmem>>) target_semaphore(%arg31 : memref<!tpu.dma_semaphore, #tpu.memory_space<semaphore_mem>>)
    %dma_start3A_38 = tpu.memref_slice %arg4[%mul3A_35] : memref<320000xi32, #tpu.memory_space<hbm>> -> memref<128xi32, #tpu.memory_space<hbm>>
    %dma_start3A_39 = tpu.memref_slice %arg4[%mul3A_35] : memref<320000xi32, #tpu.memory_space<hbm>> -> memref<128xi32, #tpu.memory_space<hbm>>
    tpu.enqueue_dma source(%dma_start3A_39 : memref<128xi32, #tpu.memory_space<hbm>>) target(%arg15 : memref<128xi32, #tpu.memory_space<vmem>>) target_semaphore(%arg31 : memref<!tpu.dma_semaphore, #tpu.memory_space<semaphore_mem>>)
    %mul3A_40 = arith.constant 128 : i32
    %mul3A_41 = arith.muli %add3A, %mul3A_40 : i32
    %dma_wait3A = tpu.memref_slice %arg3[%mul3A_41] : memref<320000xi32, #tpu.memory_space<hbm>> -> memref<128xi32, #tpu.memory_space<hbm>>
    %dma_wait3A_42 = tpu.memref_slice %arg3[%mul3A_41] : memref<320000xi32, #tpu.memory_space<hbm>> -> memref<128xi32, #tpu.memory_space<hbm>>
    tpu.wait_dma2 semaphore(%arg28 : memref<!tpu.dma_semaphore, #tpu.memory_space<semaphore_mem>>) src(%dma_wait3A_42 : memref<128xi32, #tpu.memory_space<hbm>>) dst(%arg6 : memref<128xi32, #tpu.memory_space<vmem>>)
    %dma_wait3A_43 = tpu.memref_slice %arg4[%mul3A_41] : memref<320000xi32, #tpu.memory_space<hbm>> -> memref<128xi32, #tpu.memory_space<hbm>>
    %dma_wait3A_44 = tpu.memref_slice %arg4[%mul3A_41] : memref<320000xi32, #tpu.memory_space<hbm>> -> memref<128xi32, #tpu.memory_space<hbm>>
    tpu.wait_dma2 semaphore(%arg28 : memref<!tpu.dma_semaphore, #tpu.memory_space<semaphore_mem>>) src(%dma_wait3A_44 : memref<128xi32, #tpu.memory_space<hbm>>) dst(%arg12 : memref<128xi32, #tpu.memory_space<vmem>>)
    %dma_start3A_45 = arith.constant 0 : i32
    %dma_start3A_46 = arith.constant 0 : i32
    %dma_start3A_47 = tpu.memref_slice %arg2[%dma_start3A_45, %dma_start3A_46] : memref<10000x128xf32, #tpu.memory_space<hbm>> -> memref<10000x128xf32, #tpu.memory_space<hbm>>
    tpu.enqueue_indirect_dma source(%dma_start3A_47 : memref<10000x128xf32, #tpu.memory_space<hbm>>) target(%arg18 : memref<128x128xf32, #tpu.memory_space<vmem>>) offsets(%arg6 : memref<128xi32, #tpu.memory_space<vmem>>) semaphore(%arg22 : memref<!tpu.dma_semaphore, #tpu.memory_space<semaphore_mem>>)
    %add3A_48 = arith.constant 32 : i32
    %add3A_49 = arith.addi %add3A, %add3A_48 : i32
    %mul3A_50 = arith.constant 128 : i32
    %mul3A_51 = arith.muli %add3A_49, %mul3A_50 : i32
    %dma_wait3A_52 = tpu.memref_slice %arg3[%mul3A_51] : memref<320000xi32, #tpu.memory_space<hbm>> -> memref<128xi32, #tpu.memory_space<hbm>>
    %dma_wait3A_53 = tpu.memref_slice %arg3[%mul3A_51] : memref<320000xi32, #tpu.memory_space<hbm>> -> memref<128xi32, #tpu.memory_space<hbm>>
    tpu.wait_dma2 semaphore(%arg29 : memref<!tpu.dma_semaphore, #tpu.memory_space<semaphore_mem>>) src(%dma_wait3A_53 : memref<128xi32, #tpu.memory_space<hbm>>) dst(%arg7 : memref<128xi32, #tpu.memory_space<vmem>>)
    %dma_wait3A_54 = tpu.memref_slice %arg4[%mul3A_51] : memref<320000xi32, #tpu.memory_space<hbm>> -> memref<128xi32, #tpu.memory_space<hbm>>
    %dma_wait3A_55 = tpu.memref_slice %arg4[%mul3A_51] : memref<320000xi32, #tpu.memory_space<hbm>> -> memref<128xi32, #tpu.memory_space<hbm>>
    tpu.wait_dma2 semaphore(%arg29 : memref<!tpu.dma_semaphore, #tpu.memory_space<semaphore_mem>>) src(%dma_wait3A_55 : memref<128xi32, #tpu.memory_space<hbm>>) dst(%arg13 : memref<128xi32, #tpu.memory_space<vmem>>)
    %dma_start3A_56 = arith.constant 0 : i32
    %dma_start3A_57 = arith.constant 0 : i32
    %dma_start3A_58 = tpu.memref_slice %arg2[%dma_start3A_56, %dma_start3A_57] : memref<10000x128xf32, #tpu.memory_space<hbm>> -> memref<10000x128xf32, #tpu.memory_space<hbm>>
    tpu.enqueue_indirect_dma source(%dma_start3A_58 : memref<10000x128xf32, #tpu.memory_space<hbm>>) target(%arg19 : memref<128x128xf32, #tpu.memory_space<vmem>>) offsets(%arg7 : memref<128xi32, #tpu.memory_space<vmem>>) semaphore(%arg23 : memref<!tpu.dma_semaphore, #tpu.memory_space<semaphore_mem>>)
    %dma_wait3A_59 = arith.constant 0 : i32
    %dma_wait3A_60 = tpu.memref_slice %arg21[%mul3A_2, %dma_wait3A_59] : memref<10000x128xf32, #tpu.memory_space<vmem_shared>> -> memref<624x128xf32, #tpu.memory_space<vmem_shared>>
    %dma_wait3A_61 = arith.constant 0 : i32
    %dma_wait3A_62 = tpu.memref_slice %arg2[%mul3A_2, %dma_wait3A_61] : memref<10000x128xf32, #tpu.memory_space<hbm>> -> memref<624x128xf32, #tpu.memory_space<hbm>>
    tpu.wait_dma2 semaphore(%arg34 : memref<!tpu.dma_semaphore, #tpu.memory_space<semaphore_mem>>) src(%dma_wait3A_62 : memref<624x128xf32, #tpu.memory_space<hbm>>) dst(%dma_wait3A_60 : memref<624x128xf32, #tpu.memory_space<vmem_shared>>)
    %eq3A_63 = arith.constant 15 : i32
    %eq3A_64 = arith.cmpi eq, %arg1, %eq3A_63 : i32
    %convert_element_type3A_65 = arith.extui %eq3A_64 : i1 to i32
    %cond3A_66 = arith.constant 0 : i32
    %cond3A_67 = arith.cmpi ne, %convert_element_type3A_65, %cond3A_66 : i32
    scf.if %cond3A_67 {
      %dma_wait3A_92 = arith.constant 9984 : i32
      %dma_wait3A_93 = arith.constant 0 : i32
      %dma_wait3A_94 = tpu.memref_slice %arg21[%dma_wait3A_92, %dma_wait3A_93] : memref<10000x128xf32, #tpu.memory_space<vmem_shared>> -> memref<16x128xf32, #tpu.memory_space<vmem_shared>>
      %dma_wait3A_95 = arith.constant 9984 : i32
      %dma_wait3A_96 = arith.constant 0 : i32
      %dma_wait3A_97 = tpu.memref_slice %arg2[%dma_wait3A_95, %dma_wait3A_96] : memref<10000x128xf32, #tpu.memory_space<hbm>> -> memref<16x128xf32, #tpu.memory_space<hbm>>
      tpu.wait_dma2 semaphore(%arg34 : memref<!tpu.dma_semaphore, #tpu.memory_space<semaphore_mem>>) src(%dma_wait3A_97 : memref<16x128xf32, #tpu.memory_space<hbm>>) dst(%dma_wait3A_94 : memref<16x128xf32, #tpu.memory_space<vmem_shared>>)
    } else {
    }
    %barrier3A = arith.constant 0 : index
    tpu.barrier barrier_id(%barrier3A)
    %scan3A = arith.constant 0 : i32
    %scan3A_68 = arith.constant 0 : i32
    %scan3A_69 = arith.constant 13 : i32
    %scan3A_70 = arith.addi %scan3A_68, %scan3A_69 : i32
    %scan3A_71 = arith.constant 1 : i32
    scf.for %scan3A_92 = %scan3A_68 to %scan3A_70 step %scan3A_71  : i32 {
      %mul3A_93 = arith.constant 6 : i32
      %mul3A_94 = arith.muli %scan3A_92, %mul3A_93 : i32
      %add3A_95 = arith.constant 0 : i32
      %add3A_96 = arith.addi %mul3A_94, %add3A_95 : i32
      %add3A_97 = arith.constant 4 : i32
      %add3A_98 = arith.addi %add3A_96, %add3A_97 : i32
      %lt3A_99 = arith.constant 78 : i32
      %lt3A_100 = arith.cmpi slt, %add3A_98, %lt3A_99 : i32
      %convert_element_type3A_101 = arith.extui %lt3A_100 : i1 to i32
      %cond3A_102 = arith.constant 0 : i32
      %cond3A_103 = arith.cmpi ne, %convert_element_type3A_101, %cond3A_102 : i32
      scf.if %cond3A_103 {
        %add3A_237 = arith.constant 4 : i32
        %add3A_238 = arith.addi %add3A_96, %add3A_237 : i32
        %mul3A_239 = arith.constant 32 : i32
        %mul3A_240 = arith.muli %add3A_238, %mul3A_239 : i32
        %add3A_241 = arith.addi %add3A, %mul3A_240 : i32
        %mul3A_242 = arith.constant 128 : i32
        %mul3A_243 = arith.muli %add3A_241, %mul3A_242 : i32
        %dma_start3A_244 = tpu.memref_slice %arg3[%mul3A_243] : memref<320000xi32, #tpu.memory_space<hbm>> -> memref<128xi32, #tpu.memory_space<hbm>>
        %dma_start3A_245 = tpu.memref_slice %arg3[%mul3A_243] : memref<320000xi32, #tpu.memory_space<hbm>> -> memref<128xi32, #tpu.memory_space<hbm>>
        tpu.enqueue_dma source(%dma_start3A_245 : memref<128xi32, #tpu.memory_space<hbm>>) target(%arg10 : memref<128xi32, #tpu.memory_space<vmem>>) target_semaphore(%arg32 : memref<!tpu.dma_semaphore, #tpu.memory_space<semaphore_mem>>)
        %dma_start3A_246 = tpu.memref_slice %arg4[%mul3A_243] : memref<320000xi32, #tpu.memory_space<hbm>> -> memref<128xi32, #tpu.memory_space<hbm>>
        %dma_start3A_247 = tpu.memref_slice %arg4[%mul3A_243] : memref<320000xi32, #tpu.memory_space<hbm>> -> memref<128xi32, #tpu.memory_space<hbm>>
        tpu.enqueue_dma source(%dma_start3A_247 : memref<128xi32, #tpu.memory_space<hbm>>) target(%arg16 : memref<128xi32, #tpu.memory_space<vmem>>) target_semaphore(%arg32 : memref<!tpu.dma_semaphore, #tpu.memory_space<semaphore_mem>>)
      } else {
      }
      %add3A_104 = arith.constant 2 : i32
      %add3A_105 = arith.addi %add3A_96, %add3A_104 : i32
      %lt3A_106 = arith.constant 78 : i32
      %lt3A_107 = arith.cmpi slt, %add3A_105, %lt3A_106 : i32
      %convert_element_type3A_108 = arith.extui %lt3A_107 : i1 to i32
      %cond3A_109 = arith.constant 0 : i32
      %cond3A_110 = arith.cmpi ne, %convert_element_type3A_108, %cond3A_109 : i32
      scf.if %cond3A_110 {
        %ge3A = arith.constant 1 : i32
        %ge3A_237 = arith.cmpi sge, %add3A_96, %ge3A : i32
        %convert_element_type3A_238 = arith.extui %ge3A_237 : i1 to i32
        %cond3A_239 = arith.constant 0 : i32
        %cond3A_240 = arith.cmpi ne, %convert_element_type3A_238, %cond3A_239 : i32
        scf.if %cond3A_240 {
          %dma_wait3A_255 = arith.constant 0 : i32
          %dma_wait3A_256 = arith.constant 0 : i32
          %dma_wait3A_257 = tpu.memref_slice %arg21[%dma_wait3A_255, %dma_wait3A_256] : memref<10000x128xf32, #tpu.memory_space<vmem_shared>> -> memref<10000x128xf32, #tpu.memory_space<vmem_shared>>
          tpu.wait_indirect_dma semaphore(%arg27 : memref<!tpu.dma_semaphore, #tpu.memory_space<semaphore_mem>>) src(%arg20 : memref<128x128xf32, #tpu.memory_space<vmem>>) dst(%dma_wait3A_257 : memref<10000x128xf32, #tpu.memory_space<vmem_shared>>)
        } else {
        }
        %add3A_241 = arith.constant 2 : i32
        %add3A_242 = arith.addi %add3A_96, %add3A_241 : i32
        %mul3A_243 = arith.constant 32 : i32
        %mul3A_244 = arith.muli %add3A_242, %mul3A_243 : i32
        %add3A_245 = arith.addi %add3A, %mul3A_244 : i32
        %mul3A_246 = arith.constant 128 : i32
        %mul3A_247 = arith.muli %add3A_245, %mul3A_246 : i32
        %dma_wait3A_248 = tpu.memref_slice %arg3[%mul3A_247] : memref<320000xi32, #tpu.memory_space<hbm>> -> memref<128xi32, #tpu.memory_space<hbm>>
        %dma_wait3A_249 = tpu.memref_slice %arg3[%mul3A_247] : memref<320000xi32, #tpu.memory_space<hbm>> -> memref<128xi32, #tpu.memory_space<hbm>>
        tpu.wait_dma2 semaphore(%arg30 : memref<!tpu.dma_semaphore, #tpu.memory_space<semaphore_mem>>) src(%dma_wait3A_249 : memref<128xi32, #tpu.memory_space<hbm>>) dst(%arg8 : memref<128xi32, #tpu.memory_space<vmem>>)
        %dma_wait3A_250 = tpu.memref_slice %arg4[%mul3A_247] : memref<320000xi32, #tpu.memory_space<hbm>> -> memref<128xi32, #tpu.memory_space<hbm>>
        %dma_wait3A_251 = tpu.memref_slice %arg4[%mul3A_247] : memref<320000xi32, #tpu.memory_space<hbm>> -> memref<128xi32, #tpu.memory_space<hbm>>
        tpu.wait_dma2 semaphore(%arg30 : memref<!tpu.dma_semaphore, #tpu.memory_space<semaphore_mem>>) src(%dma_wait3A_251 : memref<128xi32, #tpu.memory_space<hbm>>) dst(%arg14 : memref<128xi32, #tpu.memory_space<vmem>>)
        %dma_start3A_252 = arith.constant 0 : i32
        %dma_start3A_253 = arith.constant 0 : i32
        %dma_start3A_254 = tpu.memref_slice %arg2[%dma_start3A_252, %dma_start3A_253] : memref<10000x128xf32, #tpu.memory_space<hbm>> -> memref<10000x128xf32, #tpu.memory_space<hbm>>
        tpu.enqueue_indirect_dma source(%dma_start3A_254 : memref<10000x128xf32, #tpu.memory_space<hbm>>) target(%arg20 : memref<128x128xf32, #tpu.memory_space<vmem>>) offsets(%arg8 : memref<128xi32, #tpu.memory_space<vmem>>) semaphore(%arg24 : memref<!tpu.dma_semaphore, #tpu.memory_space<semaphore_mem>>)
      } else {
      }
      %dma_wait3A_111 = arith.constant 0 : i32
      %dma_wait3A_112 = arith.constant 0 : i32
      %dma_wait3A_113 = tpu.memref_slice %arg2[%dma_wait3A_111, %dma_wait3A_112] : memref<10000x128xf32, #tpu.memory_space<hbm>> -> memref<10000x128xf32, #tpu.memory_space<hbm>>
      tpu.wait_indirect_dma semaphore(%arg22 : memref<!tpu.dma_semaphore, #tpu.memory_space<semaphore_mem>>) src(%dma_wait3A_113 : memref<10000x128xf32, #tpu.memory_space<hbm>>) dst(%arg18 : memref<128x128xf32, #tpu.memory_space<vmem>>)
      %dma_start3A_114 = arith.constant 0 : i32
      %dma_start3A_115 = arith.constant 0 : i32
      %dma_start3A_116 = tpu.memref_slice %arg21[%dma_start3A_114, %dma_start3A_115] : memref<10000x128xf32, #tpu.memory_space<vmem_shared>> -> memref<10000x128xf32, #tpu.memory_space<vmem_shared>>
      tpu.enqueue_indirect_dma source(%arg18 : memref<128x128xf32, #tpu.memory_space<vmem>>) target(%dma_start3A_116 : memref<10000x128xf32, #tpu.memory_space<vmem_shared>>) offsets(%arg12 : memref<128xi32, #tpu.memory_space<vmem>>) semaphore(%arg25 : memref<!tpu.dma_semaphore, #tpu.memory_space<semaphore_mem>>) {add = true}
      %mul3A_117 = arith.constant 6 : i32
      %mul3A_118 = arith.muli %scan3A_92, %mul3A_117 : i32
      %add3A_119 = arith.constant 1 : i32
      %add3A_120 = arith.addi %mul3A_118, %add3A_119 : i32
      %add3A_121 = arith.constant 4 : i32
      %add3A_122 = arith.addi %add3A_120, %add3A_121 : i32
      %lt3A_123 = arith.constant 78 : i32
      %lt3A_124 = arith.cmpi slt, %add3A_122, %lt3A_123 : i32
      %convert_element_type3A_125 = arith.extui %lt3A_124 : i1 to i32
      %cond3A_126 = arith.constant 0 : i32
      %cond3A_127 = arith.cmpi ne, %convert_element_type3A_125, %cond3A_126 : i32
      scf.if %cond3A_127 {
        %add3A_237 = arith.constant 4 : i32
        %add3A_238 = arith.addi %add3A_120, %add3A_237 : i32
        %mul3A_239 = arith.constant 32 : i32
        %mul3A_240 = arith.muli %add3A_238, %mul3A_239 : i32
        %add3A_241 = arith.addi %add3A, %mul3A_240 : i32
        %mul3A_242 = arith.constant 128 : i32
        %mul3A_243 = arith.muli %add3A_241, %mul3A_242 : i32
        %dma_start3A_244 = tpu.memref_slice %arg3[%mul3A_243] : memref<320000xi32, #tpu.memory_space<hbm>> -> memref<128xi32, #tpu.memory_space<hbm>>
        %dma_start3A_245 = tpu.memref_slice %arg3[%mul3A_243] : memref<320000xi32, #tpu.memory_space<hbm>> -> memref<128xi32, #tpu.memory_space<hbm>>
        tpu.enqueue_dma source(%dma_start3A_245 : memref<128xi32, #tpu.memory_space<hbm>>) target(%arg11 : memref<128xi32, #tpu.memory_space<vmem>>) target_semaphore(%arg33 : memref<!tpu.dma_semaphore, #tpu.memory_space<semaphore_mem>>)
        %dma_start3A_246 = tpu.memref_slice %arg4[%mul3A_243] : memref<320000xi32, #tpu.memory_space<hbm>> -> memref<128xi32, #tpu.memory_space<hbm>>
        %dma_start3A_247 = tpu.memref_slice %arg4[%mul3A_243] : memref<320000xi32, #tpu.memory_space<hbm>> -> memref<128xi32, #tpu.memory_space<hbm>>
        tpu.enqueue_dma source(%dma_start3A_247 : memref<128xi32, #tpu.memory_space<hbm>>) target(%arg17 : memref<128xi32, #tpu.memory_space<vmem>>) target_semaphore(%arg33 : memref<!tpu.dma_semaphore, #tpu.memory_space<semaphore_mem>>)
      } else {
      }
      %add3A_128 = arith.constant 2 : i32
      %add3A_129 = arith.addi %add3A_120, %add3A_128 : i32
      %lt3A_130 = arith.constant 78 : i32
      %lt3A_131 = arith.cmpi slt, %add3A_129, %lt3A_130 : i32
      %convert_element_type3A_132 = arith.extui %lt3A_131 : i1 to i32
      %cond3A_133 = arith.constant 0 : i32
      %cond3A_134 = arith.cmpi ne, %convert_element_type3A_132, %cond3A_133 : i32
      scf.if %cond3A_134 {
        %ge3A = arith.constant 1 : i32
        %ge3A_237 = arith.cmpi sge, %add3A_120, %ge3A : i32
        %convert_element_type3A_238 = arith.extui %ge3A_237 : i1 to i32
        %cond3A_239 = arith.constant 0 : i32
        %cond3A_240 = arith.cmpi ne, %convert_element_type3A_238, %cond3A_239 : i32
        scf.if %cond3A_240 {
          %dma_wait3A_255 = arith.constant 0 : i32
          %dma_wait3A_256 = arith.constant 0 : i32
          %dma_wait3A_257 = tpu.memref_slice %arg21[%dma_wait3A_255, %dma_wait3A_256] : memref<10000x128xf32, #tpu.memory_space<vmem_shared>> -> memref<10000x128xf32, #tpu.memory_space<vmem_shared>>
          tpu.wait_indirect_dma semaphore(%arg25 : memref<!tpu.dma_semaphore, #tpu.memory_space<semaphore_mem>>) src(%arg18 : memref<128x128xf32, #tpu.memory_space<vmem>>) dst(%dma_wait3A_257 : memref<10000x128xf32, #tpu.memory_space<vmem_shared>>)
        } else {
        }
        %add3A_241 = arith.constant 2 : i32
        %add3A_242 = arith.addi %add3A_120, %add3A_241 : i32
        %mul3A_243 = arith.constant 32 : i32
        %mul3A_244 = arith.muli %add3A_242, %mul3A_243 : i32
        %add3A_245 = arith.addi %add3A, %mul3A_244 : i32
        %mul3A_246 = arith.constant 128 : i32
        %mul3A_247 = arith.muli %add3A_245, %mul3A_246 : i32
        %dma_wait3A_248 = tpu.memref_slice %arg3[%mul3A_247] : memref<320000xi32, #tpu.memory_space<hbm>> -> memref<128xi32, #tpu.memory_space<hbm>>
        %dma_wait3A_249 = tpu.memref_slice %arg3[%mul3A_247] : memref<320000xi32, #tpu.memory_space<hbm>> -> memref<128xi32, #tpu.memory_space<hbm>>
        tpu.wait_dma2 semaphore(%arg31 : memref<!tpu.dma_semaphore, #tpu.memory_space<semaphore_mem>>) src(%dma_wait3A_249 : memref<128xi32, #tpu.memory_space<hbm>>) dst(%arg9 : memref<128xi32, #tpu.memory_space<vmem>>)
        %dma_wait3A_250 = tpu.memref_slice %arg4[%mul3A_247] : memref<320000xi32, #tpu.memory_space<hbm>> -> memref<128xi32, #tpu.memory_space<hbm>>
        %dma_wait3A_251 = tpu.memref_slice %arg4[%mul3A_247] : memref<320000xi32, #tpu.memory_space<hbm>> -> memref<128xi32, #tpu.memory_space<hbm>>
        tpu.wait_dma2 semaphore(%arg31 : memref<!tpu.dma_semaphore, #tpu.memory_space<semaphore_mem>>) src(%dma_wait3A_251 : memref<128xi32, #tpu.memory_space<hbm>>) dst(%arg15 : memref<128xi32, #tpu.memory_space<vmem>>)
        %dma_start3A_252 = arith.constant 0 : i32
        %dma_start3A_253 = arith.constant 0 : i32
        %dma_start3A_254 = tpu.memref_slice %arg2[%dma_start3A_252, %dma_start3A_253] : memref<10000x128xf32, #tpu.memory_space<hbm>> -> memref<10000x128xf32, #tpu.memory_space<hbm>>
        tpu.enqueue_indirect_dma source(%dma_start3A_254 : memref<10000x128xf32, #tpu.memory_space<hbm>>) target(%arg18 : memref<128x128xf32, #tpu.memory_space<vmem>>) offsets(%arg9 : memref<128xi32, #tpu.memory_space<vmem>>) semaphore(%arg22 : memref<!tpu.dma_semaphore, #tpu.memory_space<semaphore_mem>>)
      } else {
      }
      %dma_wait3A_135 = arith.constant 0 : i32
      %dma_wait3A_136 = arith.constant 0 : i32
      %dma_wait3A_137 = tpu.memref_slice %arg2[%dma_wait3A_135, %dma_wait3A_136] : memref<10000x128xf32, #tpu.memory_space<hbm>> -> memref<10000x128xf32, #tpu.memory_space<hbm>>
      tpu.wait_indirect_dma semaphore(%arg23 : memref<!tpu.dma_semaphore, #tpu.memory_space<semaphore_mem>>) src(%dma_wait3A_137 : memref<10000x128xf32, #tpu.memory_space<hbm>>) dst(%arg19 : memref<128x128xf32, #tpu.memory_space<vmem>>)
      %dma_start3A_138 = arith.constant 0 : i32
      %dma_start3A_139 = arith.constant 0 : i32
      %dma_start3A_140 = tpu.memref_slice %arg21[%dma_start3A_138, %dma_start3A_139] : memref<10000x128xf32, #tpu.memory_space<vmem_shared>> -> memref<10000x128xf32, #tpu.memory_space<vmem_shared>>
      tpu.enqueue_indirect_dma source(%arg19 : memref<128x128xf32, #tpu.memory_space<vmem>>) target(%dma_start3A_140 : memref<10000x128xf32, #tpu.memory_space<vmem_shared>>) offsets(%arg13 : memref<128xi32, #tpu.memory_space<vmem>>) semaphore(%arg26 : memref<!tpu.dma_semaphore, #tpu.memory_space<semaphore_mem>>) {add = true}
      %mul3A_141 = arith.constant 6 : i32
      %mul3A_142 = arith.muli %scan3A_92, %mul3A_141 : i32
      %add3A_143 = arith.constant 2 : i32
      %add3A_144 = arith.addi %mul3A_142, %add3A_143 : i32
      %add3A_145 = arith.constant 4 : i32
      %add3A_146 = arith.addi %add3A_144, %add3A_145 : i32
      %lt3A_147 = arith.constant 78 : i32
      %lt3A_148 = arith.cmpi slt, %add3A_146, %lt3A_147 : i32
      %convert_element_type3A_149 = arith.extui %lt3A_148 : i1 to i32
      %cond3A_150 = arith.constant 0 : i32
      %cond3A_151 = arith.cmpi ne, %convert_element_type3A_149, %cond3A_150 : i32
      scf.if %cond3A_151 {
        %add3A_237 = arith.constant 4 : i32
        %add3A_238 = arith.addi %add3A_144, %add3A_237 : i32
        %mul3A_239 = arith.constant 32 : i32
        %mul3A_240 = arith.muli %add3A_238, %mul3A_239 : i32
        %add3A_241 = arith.addi %add3A, %mul3A_240 : i32
        %mul3A_242 = arith.constant 128 : i32
        %mul3A_243 = arith.muli %add3A_241, %mul3A_242 : i32
        %dma_start3A_244 = tpu.memref_slice %arg3[%mul3A_243] : memref<320000xi32, #tpu.memory_space<hbm>> -> memref<128xi32, #tpu.memory_space<hbm>>
        %dma_start3A_245 = tpu.memref_slice %arg3[%mul3A_243] : memref<320000xi32, #tpu.memory_space<hbm>> -> memref<128xi32, #tpu.memory_space<hbm>>
        tpu.enqueue_dma source(%dma_start3A_245 : memref<128xi32, #tpu.memory_space<hbm>>) target(%arg6 : memref<128xi32, #tpu.memory_space<vmem>>) target_semaphore(%arg28 : memref<!tpu.dma_semaphore, #tpu.memory_space<semaphore_mem>>)
        %dma_start3A_246 = tpu.memref_slice %arg4[%mul3A_243] : memref<320000xi32, #tpu.memory_space<hbm>> -> memref<128xi32, #tpu.memory_space<hbm>>
        %dma_start3A_247 = tpu.memref_slice %arg4[%mul3A_243] : memref<320000xi32, #tpu.memory_space<hbm>> -> memref<128xi32, #tpu.memory_space<hbm>>
        tpu.enqueue_dma source(%dma_start3A_247 : memref<128xi32, #tpu.memory_space<hbm>>) target(%arg12 : memref<128xi32, #tpu.memory_space<vmem>>) target_semaphore(%arg28 : memref<!tpu.dma_semaphore, #tpu.memory_space<semaphore_mem>>)
      } else {
      }
      %add3A_152 = arith.constant 2 : i32
      %add3A_153 = arith.addi %add3A_144, %add3A_152 : i32
      %lt3A_154 = arith.constant 78 : i32
      %lt3A_155 = arith.cmpi slt, %add3A_153, %lt3A_154 : i32
      %convert_element_type3A_156 = arith.extui %lt3A_155 : i1 to i32
      %cond3A_157 = arith.constant 0 : i32
      %cond3A_158 = arith.cmpi ne, %convert_element_type3A_156, %cond3A_157 : i32
      scf.if %cond3A_158 {
        %ge3A = arith.constant 1 : i32
        %ge3A_237 = arith.cmpi sge, %add3A_144, %ge3A : i32
        %convert_element_type3A_238 = arith.extui %ge3A_237 : i1 to i32
        %cond3A_239 = arith.constant 0 : i32
        %cond3A_240 = arith.cmpi ne, %convert_element_type3A_238, %cond3A_239 : i32
        scf.if %cond3A_240 {
          %dma_wait3A_255 = arith.constant 0 : i32
          %dma_wait3A_256 = arith.constant 0 : i32
          %dma_wait3A_257 = tpu.memref_slice %arg21[%dma_wait3A_255, %dma_wait3A_256] : memref<10000x128xf32, #tpu.memory_space<vmem_shared>> -> memref<10000x128xf32, #tpu.memory_space<vmem_shared>>
          tpu.wait_indirect_dma semaphore(%arg26 : memref<!tpu.dma_semaphore, #tpu.memory_space<semaphore_mem>>) src(%arg19 : memref<128x128xf32, #tpu.memory_space<vmem>>) dst(%dma_wait3A_257 : memref<10000x128xf32, #tpu.memory_space<vmem_shared>>)
        } else {
        }
        %add3A_241 = arith.constant 2 : i32
        %add3A_242 = arith.addi %add3A_144, %add3A_241 : i32
        %mul3A_243 = arith.constant 32 : i32
        %mul3A_244 = arith.muli %add3A_242, %mul3A_243 : i32
        %add3A_245 = arith.addi %add3A, %mul3A_244 : i32
        %mul3A_246 = arith.constant 128 : i32
        %mul3A_247 = arith.muli %add3A_245, %mul3A_246 : i32
        %dma_wait3A_248 = tpu.memref_slice %arg3[%mul3A_247] : memref<320000xi32, #tpu.memory_space<hbm>> -> memref<128xi32, #tpu.memory_space<hbm>>
        %dma_wait3A_249 = tpu.memref_slice %arg3[%mul3A_247] : memref<320000xi32, #tpu.memory_space<hbm>> -> memref<128xi32, #tpu.memory_space<hbm>>
        tpu.wait_dma2 semaphore(%arg32 : memref<!tpu.dma_semaphore, #tpu.memory_space<semaphore_mem>>) src(%dma_wait3A_249 : memref<128xi32, #tpu.memory_space<hbm>>) dst(%arg10 : memref<128xi32, #tpu.memory_space<vmem>>)
        %dma_wait3A_250 = tpu.memref_slice %arg4[%mul3A_247] : memref<320000xi32, #tpu.memory_space<hbm>> -> memref<128xi32, #tpu.memory_space<hbm>>
        %dma_wait3A_251 = tpu.memref_slice %arg4[%mul3A_247] : memref<320000xi32, #tpu.memory_space<hbm>> -> memref<128xi32, #tpu.memory_space<hbm>>
        tpu.wait_dma2 semaphore(%arg32 : memref<!tpu.dma_semaphore, #tpu.memory_space<semaphore_mem>>) src(%dma_wait3A_251 : memref<128xi32, #tpu.memory_space<hbm>>) dst(%arg16 : memref<128xi32, #tpu.memory_space<vmem>>)
        %dma_start3A_252 = arith.constant 0 : i32
        %dma_start3A_253 = arith.constant 0 : i32
        %dma_start3A_254 = tpu.memref_slice %arg2[%dma_start3A_252, %dma_start3A_253] : memref<10000x128xf32, #tpu.memory_space<hbm>> -> memref<10000x128xf32, #tpu.memory_space<hbm>>
        tpu.enqueue_indirect_dma source(%dma_start3A_254 : memref<10000x128xf32, #tpu.memory_space<hbm>>) target(%arg19 : memref<128x128xf32, #tpu.memory_space<vmem>>) offsets(%arg10 : memref<128xi32, #tpu.memory_space<vmem>>) semaphore(%arg23 : memref<!tpu.dma_semaphore, #tpu.memory_space<semaphore_mem>>)
      } else {
      }
      %dma_wait3A_159 = arith.constant 0 : i32
      %dma_wait3A_160 = arith.constant 0 : i32
      %dma_wait3A_161 = tpu.memref_slice %arg2[%dma_wait3A_159, %dma_wait3A_160] : memref<10000x128xf32, #tpu.memory_space<hbm>> -> memref<10000x128xf32, #tpu.memory_space<hbm>>
      tpu.wait_indirect_dma semaphore(%arg24 : memref<!tpu.dma_semaphore, #tpu.memory_space<semaphore_mem>>) src(%dma_wait3A_161 : memref<10000x128xf32, #tpu.memory_space<hbm>>) dst(%arg20 : memref<128x128xf32, #tpu.memory_space<vmem>>)
      %dma_start3A_162 = arith.constant 0 : i32
      %dma_start3A_163 = arith.constant 0 : i32
      %dma_start3A_164 = tpu.memref_slice %arg21[%dma_start3A_162, %dma_start3A_163] : memref<10000x128xf32, #tpu.memory_space<vmem_shared>> -> memref<10000x128xf32, #tpu.memory_space<vmem_shared>>
      tpu.enqueue_indirect_dma source(%arg20 : memref<128x128xf32, #tpu.memory_space<vmem>>) target(%dma_start3A_164 : memref<10000x128xf32, #tpu.memory_space<vmem_shared>>) offsets(%arg14 : memref<128xi32, #tpu.memory_space<vmem>>) semaphore(%arg27 : memref<!tpu.dma_semaphore, #tpu.memory_space<semaphore_mem>>) {add = true}
      %mul3A_165 = arith.constant 6 : i32
      %mul3A_166 = arith.muli %scan3A_92, %mul3A_165 : i32
      %add3A_167 = arith.constant 3 : i32
      %add3A_168 = arith.addi %mul3A_166, %add3A_167 : i32
      %add3A_169 = arith.constant 4 : i32
      %add3A_170 = arith.addi %add3A_168, %add3A_169 : i32
      %lt3A_171 = arith.constant 78 : i32
      %lt3A_172 = arith.cmpi slt, %add3A_170, %lt3A_171 : i32
      %convert_element_type3A_173 = arith.extui %lt3A_172 : i1 to i32
      %cond3A_174 = arith.constant 0 : i32
      %cond3A_175 = arith.cmpi ne, %convert_element_type3A_173, %cond3A_174 : i32
      scf.if %cond3A_175 {
        %add3A_237 = arith.constant 4 : i32
        %add3A_238 = arith.addi %add3A_168, %add3A_237 : i32
        %mul3A_239 = arith.constant 32 : i32
        %mul3A_240 = arith.muli %add3A_238, %mul3A_239 : i32
        %add3A_241 = arith.addi %add3A, %mul3A_240 : i32
        %mul3A_242 = arith.constant 128 : i32
        %mul3A_243 = arith.muli %add3A_241, %mul3A_242 : i32
        %dma_start3A_244 = tpu.memref_slice %arg3[%mul3A_243] : memref<320000xi32, #tpu.memory_space<hbm>> -> memref<128xi32, #tpu.memory_space<hbm>>
        %dma_start3A_245 = tpu.memref_slice %arg3[%mul3A_243] : memref<320000xi32, #tpu.memory_space<hbm>> -> memref<128xi32, #tpu.memory_space<hbm>>
        tpu.enqueue_dma source(%dma_start3A_245 : memref<128xi32, #tpu.memory_space<hbm>>) target(%arg7 : memref<128xi32, #tpu.memory_space<vmem>>) target_semaphore(%arg29 : memref<!tpu.dma_semaphore, #tpu.memory_space<semaphore_mem>>)
        %dma_start3A_246 = tpu.memref_slice %arg4[%mul3A_243] : memref<320000xi32, #tpu.memory_space<hbm>> -> memref<128xi32, #tpu.memory_space<hbm>>
        %dma_start3A_247 = tpu.memref_slice %arg4[%mul3A_243] : memref<320000xi32, #tpu.memory_space<hbm>> -> memref<128xi32, #tpu.memory_space<hbm>>
        tpu.enqueue_dma source(%dma_start3A_247 : memref<128xi32, #tpu.memory_space<hbm>>) target(%arg13 : memref<128xi32, #tpu.memory_space<vmem>>) target_semaphore(%arg29 : memref<!tpu.dma_semaphore, #tpu.memory_space<semaphore_mem>>)
      } else {
      }
      %add3A_176 = arith.constant 2 : i32
      %add3A_177 = arith.addi %add3A_168, %add3A_176 : i32
      %lt3A_178 = arith.constant 78 : i32
      %lt3A_179 = arith.cmpi slt, %add3A_177, %lt3A_178 : i32
      %convert_element_type3A_180 = arith.extui %lt3A_179 : i1 to i32
      %cond3A_181 = arith.constant 0 : i32
      %cond3A_182 = arith.cmpi ne, %convert_element_type3A_180, %cond3A_181 : i32
      scf.if %cond3A_182 {
        %ge3A = arith.constant 1 : i32
        %ge3A_237 = arith.cmpi sge, %add3A_168, %ge3A : i32
        %convert_element_type3A_238 = arith.extui %ge3A_237 : i1 to i32
        %cond3A_239 = arith.constant 0 : i32
        %cond3A_240 = arith.cmpi ne, %convert_element_type3A_238, %cond3A_239 : i32
        scf.if %cond3A_240 {
          %dma_wait3A_255 = arith.constant 0 : i32
          %dma_wait3A_256 = arith.constant 0 : i32
          %dma_wait3A_257 = tpu.memref_slice %arg21[%dma_wait3A_255, %dma_wait3A_256] : memref<10000x128xf32, #tpu.memory_space<vmem_shared>> -> memref<10000x128xf32, #tpu.memory_space<vmem_shared>>
          tpu.wait_indirect_dma semaphore(%arg27 : memref<!tpu.dma_semaphore, #tpu.memory_space<semaphore_mem>>) src(%arg20 : memref<128x128xf32, #tpu.memory_space<vmem>>) dst(%dma_wait3A_257 : memref<10000x128xf32, #tpu.memory_space<vmem_shared>>)
        } else {
        }
        %add3A_241 = arith.constant 2 : i32
        %add3A_242 = arith.addi %add3A_168, %add3A_241 : i32
        %mul3A_243 = arith.constant 32 : i32
        %mul3A_244 = arith.muli %add3A_242, %mul3A_243 : i32
        %add3A_245 = arith.addi %add3A, %mul3A_244 : i32
        %mul3A_246 = arith.constant 128 : i32
        %mul3A_247 = arith.muli %add3A_245, %mul3A_246 : i32
        %dma_wait3A_248 = tpu.memref_slice %arg3[%mul3A_247] : memref<320000xi32, #tpu.memory_space<hbm>> -> memref<128xi32, #tpu.memory_space<hbm>>
        %dma_wait3A_249 = tpu.memref_slice %arg3[%mul3A_247] : memref<320000xi32, #tpu.memory_space<hbm>> -> memref<128xi32, #tpu.memory_space<hbm>>
        tpu.wait_dma2 semaphore(%arg33 : memref<!tpu.dma_semaphore, #tpu.memory_space<semaphore_mem>>) src(%dma_wait3A_249 : memref<128xi32, #tpu.memory_space<hbm>>) dst(%arg11 : memref<128xi32, #tpu.memory_space<vmem>>)
        %dma_wait3A_250 = tpu.memref_slice %arg4[%mul3A_247] : memref<320000xi32, #tpu.memory_space<hbm>> -> memref<128xi32, #tpu.memory_space<hbm>>
        %dma_wait3A_251 = tpu.memref_slice %arg4[%mul3A_247] : memref<320000xi32, #tpu.memory_space<hbm>> -> memref<128xi32, #tpu.memory_space<hbm>>
        tpu.wait_dma2 semaphore(%arg33 : memref<!tpu.dma_semaphore, #tpu.memory_space<semaphore_mem>>) src(%dma_wait3A_251 : memref<128xi32, #tpu.memory_space<hbm>>) dst(%arg17 : memref<128xi32, #tpu.memory_space<vmem>>)
        %dma_start3A_252 = arith.constant 0 : i32
        %dma_start3A_253 = arith.constant 0 : i32
        %dma_start3A_254 = tpu.memref_slice %arg2[%dma_start3A_252, %dma_start3A_253] : memref<10000x128xf32, #tpu.memory_space<hbm>> -> memref<10000x128xf32, #tpu.memory_space<hbm>>
        tpu.enqueue_indirect_dma source(%dma_start3A_254 : memref<10000x128xf32, #tpu.memory_space<hbm>>) target(%arg20 : memref<128x128xf32, #tpu.memory_space<vmem>>) offsets(%arg11 : memref<128xi32, #tpu.memory_space<vmem>>) semaphore(%arg24 : memref<!tpu.dma_semaphore, #tpu.memory_space<semaphore_mem>>)
      } else {
      }
      %dma_wait3A_183 = arith.constant 0 : i32
      %dma_wait3A_184 = arith.constant 0 : i32
      %dma_wait3A_185 = tpu.memref_slice %arg2[%dma_wait3A_183, %dma_wait3A_184] : memref<10000x128xf32, #tpu.memory_space<hbm>> -> memref<10000x128xf32, #tpu.memory_space<hbm>>
      tpu.wait_indirect_dma semaphore(%arg22 : memref<!tpu.dma_semaphore, #tpu.memory_space<semaphore_mem>>) src(%dma_wait3A_185 : memref<10000x128xf32, #tpu.memory_space<hbm>>) dst(%arg18 : memref<128x128xf32, #tpu.memory_space<vmem>>)
      %dma_start3A_186 = arith.constant 0 : i32
      %dma_start3A_187 = arith.constant 0 : i32
      %dma_start3A_188 = tpu.memref_slice %arg21[%dma_start3A_186, %dma_start3A_187] : memref<10000x128xf32, #tpu.memory_space<vmem_shared>> -> memref<10000x128xf32, #tpu.memory_space<vmem_shared>>
      tpu.enqueue_indirect_dma source(%arg18 : memref<128x128xf32, #tpu.memory_space<vmem>>) target(%dma_start3A_188 : memref<10000x128xf32, #tpu.memory_space<vmem_shared>>) offsets(%arg15 : memref<128xi32, #tpu.memory_space<vmem>>) semaphore(%arg25 : memref<!tpu.dma_semaphore, #tpu.memory_space<semaphore_mem>>) {add = true}
      %mul3A_189 = arith.constant 6 : i32
      %mul3A_190 = arith.muli %scan3A_92, %mul3A_189 : i32
      %add3A_191 = arith.constant 4 : i32
      %add3A_192 = arith.addi %mul3A_190, %add3A_191 : i32
      %add3A_193 = arith.constant 4 : i32
      %add3A_194 = arith.addi %add3A_192, %add3A_193 : i32
      %lt3A_195 = arith.constant 78 : i32
      %lt3A_196 = arith.cmpi slt, %add3A_194, %lt3A_195 : i32
      %convert_element_type3A_197 = arith.extui %lt3A_196 : i1 to i32
      %cond3A_198 = arith.constant 0 : i32
      %cond3A_199 = arith.cmpi ne, %convert_element_type3A_197, %cond3A_198 : i32
      scf.if %cond3A_199 {
        %add3A_237 = arith.constant 4 : i32
        %add3A_238 = arith.addi %add3A_192, %add3A_237 : i32
        %mul3A_239 = arith.constant 32 : i32
        %mul3A_240 = arith.muli %add3A_238, %mul3A_239 : i32
        %add3A_241 = arith.addi %add3A, %mul3A_240 : i32
        %mul3A_242 = arith.constant 128 : i32
        %mul3A_243 = arith.muli %add3A_241, %mul3A_242 : i32
        %dma_start3A_244 = tpu.memref_slice %arg3[%mul3A_243] : memref<320000xi32, #tpu.memory_space<hbm>> -> memref<128xi32, #tpu.memory_space<hbm>>
        %dma_start3A_245 = tpu.memref_slice %arg3[%mul3A_243] : memref<320000xi32, #tpu.memory_space<hbm>> -> memref<128xi32, #tpu.memory_space<hbm>>
        tpu.enqueue_dma source(%dma_start3A_245 : memref<128xi32, #tpu.memory_space<hbm>>) target(%arg8 : memref<128xi32, #tpu.memory_space<vmem>>) target_semaphore(%arg30 : memref<!tpu.dma_semaphore, #tpu.memory_space<semaphore_mem>>)
        %dma_start3A_246 = tpu.memref_slice %arg4[%mul3A_243] : memref<320000xi32, #tpu.memory_space<hbm>> -> memref<128xi32, #tpu.memory_space<hbm>>
        %dma_start3A_247 = tpu.memref_slice %arg4[%mul3A_243] : memref<320000xi32, #tpu.memory_space<hbm>> -> memref<128xi32, #tpu.memory_space<hbm>>
        tpu.enqueue_dma source(%dma_start3A_247 : memref<128xi32, #tpu.memory_space<hbm>>) target(%arg14 : memref<128xi32, #tpu.memory_space<vmem>>) target_semaphore(%arg30 : memref<!tpu.dma_semaphore, #tpu.memory_space<semaphore_mem>>)
      } else {
      }
      %add3A_200 = arith.constant 2 : i32
      %add3A_201 = arith.addi %add3A_192, %add3A_200 : i32
      %lt3A_202 = arith.constant 78 : i32
      %lt3A_203 = arith.cmpi slt, %add3A_201, %lt3A_202 : i32
      %convert_element_type3A_204 = arith.extui %lt3A_203 : i1 to i32
      %cond3A_205 = arith.constant 0 : i32
      %cond3A_206 = arith.cmpi ne, %convert_element_type3A_204, %cond3A_205 : i32
      scf.if %cond3A_206 {
        %ge3A = arith.constant 1 : i32
        %ge3A_237 = arith.cmpi sge, %add3A_192, %ge3A : i32
        %convert_element_type3A_238 = arith.extui %ge3A_237 : i1 to i32
        %cond3A_239 = arith.constant 0 : i32
        %cond3A_240 = arith.cmpi ne, %convert_element_type3A_238, %cond3A_239 : i32
        scf.if %cond3A_240 {
          %dma_wait3A_255 = arith.constant 0 : i32
          %dma_wait3A_256 = arith.constant 0 : i32
          %dma_wait3A_257 = tpu.memref_slice %arg21[%dma_wait3A_255, %dma_wait3A_256] : memref<10000x128xf32, #tpu.memory_space<vmem_shared>> -> memref<10000x128xf32, #tpu.memory_space<vmem_shared>>
          tpu.wait_indirect_dma semaphore(%arg25 : memref<!tpu.dma_semaphore, #tpu.memory_space<semaphore_mem>>) src(%arg18 : memref<128x128xf32, #tpu.memory_space<vmem>>) dst(%dma_wait3A_257 : memref<10000x128xf32, #tpu.memory_space<vmem_shared>>)
        } else {
        }
        %add3A_241 = arith.constant 2 : i32
        %add3A_242 = arith.addi %add3A_192, %add3A_241 : i32
        %mul3A_243 = arith.constant 32 : i32
        %mul3A_244 = arith.muli %add3A_242, %mul3A_243 : i32
        %add3A_245 = arith.addi %add3A, %mul3A_244 : i32
        %mul3A_246 = arith.constant 128 : i32
        %mul3A_247 = arith.muli %add3A_245, %mul3A_246 : i32
        %dma_wait3A_248 = tpu.memref_slice %arg3[%mul3A_247] : memref<320000xi32, #tpu.memory_space<hbm>> -> memref<128xi32, #tpu.memory_space<hbm>>
        %dma_wait3A_249 = tpu.memref_slice %arg3[%mul3A_247] : memref<320000xi32, #tpu.memory_space<hbm>> -> memref<128xi32, #tpu.memory_space<hbm>>
        tpu.wait_dma2 semaphore(%arg28 : memref<!tpu.dma_semaphore, #tpu.memory_space<semaphore_mem>>) src(%dma_wait3A_249 : memref<128xi32, #tpu.memory_space<hbm>>) dst(%arg6 : memref<128xi32, #tpu.memory_space<vmem>>)
        %dma_wait3A_250 = tpu.memref_slice %arg4[%mul3A_247] : memref<320000xi32, #tpu.memory_space<hbm>> -> memref<128xi32, #tpu.memory_space<hbm>>
        %dma_wait3A_251 = tpu.memref_slice %arg4[%mul3A_247] : memref<320000xi32, #tpu.memory_space<hbm>> -> memref<128xi32, #tpu.memory_space<hbm>>
        tpu.wait_dma2 semaphore(%arg28 : memref<!tpu.dma_semaphore, #tpu.memory_space<semaphore_mem>>) src(%dma_wait3A_251 : memref<128xi32, #tpu.memory_space<hbm>>) dst(%arg12 : memref<128xi32, #tpu.memory_space<vmem>>)
        %dma_start3A_252 = arith.constant 0 : i32
        %dma_start3A_253 = arith.constant 0 : i32
        %dma_start3A_254 = tpu.memref_slice %arg2[%dma_start3A_252, %dma_start3A_253] : memref<10000x128xf32, #tpu.memory_space<hbm>> -> memref<10000x128xf32, #tpu.memory_space<hbm>>
        tpu.enqueue_indirect_dma source(%dma_start3A_254 : memref<10000x128xf32, #tpu.memory_space<hbm>>) target(%arg18 : memref<128x128xf32, #tpu.memory_space<vmem>>) offsets(%arg6 : memref<128xi32, #tpu.memory_space<vmem>>) semaphore(%arg22 : memref<!tpu.dma_semaphore, #tpu.memory_space<semaphore_mem>>)
      } else {
      }
      %dma_wait3A_207 = arith.constant 0 : i32
      %dma_wait3A_208 = arith.constant 0 : i32
      %dma_wait3A_209 = tpu.memref_slice %arg2[%dma_wait3A_207, %dma_wait3A_208] : memref<10000x128xf32, #tpu.memory_space<hbm>> -> memref<10000x128xf32, #tpu.memory_space<hbm>>
      tpu.wait_indirect_dma semaphore(%arg23 : memref<!tpu.dma_semaphore, #tpu.memory_space<semaphore_mem>>) src(%dma_wait3A_209 : memref<10000x128xf32, #tpu.memory_space<hbm>>) dst(%arg19 : memref<128x128xf32, #tpu.memory_space<vmem>>)
      %dma_start3A_210 = arith.constant 0 : i32
      %dma_start3A_211 = arith.constant 0 : i32
      %dma_start3A_212 = tpu.memref_slice %arg21[%dma_start3A_210, %dma_start3A_211] : memref<10000x128xf32, #tpu.memory_space<vmem_shared>> -> memref<10000x128xf32, #tpu.memory_space<vmem_shared>>
      tpu.enqueue_indirect_dma source(%arg19 : memref<128x128xf32, #tpu.memory_space<vmem>>) target(%dma_start3A_212 : memref<10000x128xf32, #tpu.memory_space<vmem_shared>>) offsets(%arg16 : memref<128xi32, #tpu.memory_space<vmem>>) semaphore(%arg26 : memref<!tpu.dma_semaphore, #tpu.memory_space<semaphore_mem>>) {add = true}
      %mul3A_213 = arith.constant 6 : i32
      %mul3A_214 = arith.muli %scan3A_92, %mul3A_213 : i32
      %add3A_215 = arith.constant 5 : i32
      %add3A_216 = arith.addi %mul3A_214, %add3A_215 : i32
      %add3A_217 = arith.constant 4 : i32
      %add3A_218 = arith.addi %add3A_216, %add3A_217 : i32
      %lt3A_219 = arith.constant 78 : i32
      %lt3A_220 = arith.cmpi slt, %add3A_218, %lt3A_219 : i32
      %convert_element_type3A_221 = arith.extui %lt3A_220 : i1 to i32
      %cond3A_222 = arith.constant 0 : i32
      %cond3A_223 = arith.cmpi ne, %convert_element_type3A_221, %cond3A_222 : i32
      scf.if %cond3A_223 {
        %add3A_237 = arith.constant 4 : i32
        %add3A_238 = arith.addi %add3A_216, %add3A_237 : i32
        %mul3A_239 = arith.constant 32 : i32
        %mul3A_240 = arith.muli %add3A_238, %mul3A_239 : i32
        %add3A_241 = arith.addi %add3A, %mul3A_240 : i32
        %mul3A_242 = arith.constant 128 : i32
        %mul3A_243 = arith.muli %add3A_241, %mul3A_242 : i32
        %dma_start3A_244 = tpu.memref_slice %arg3[%mul3A_243] : memref<320000xi32, #tpu.memory_space<hbm>> -> memref<128xi32, #tpu.memory_space<hbm>>
        %dma_start3A_245 = tpu.memref_slice %arg3[%mul3A_243] : memref<320000xi32, #tpu.memory_space<hbm>> -> memref<128xi32, #tpu.memory_space<hbm>>
        tpu.enqueue_dma source(%dma_start3A_245 : memref<128xi32, #tpu.memory_space<hbm>>) target(%arg9 : memref<128xi32, #tpu.memory_space<vmem>>) target_semaphore(%arg31 : memref<!tpu.dma_semaphore, #tpu.memory_space<semaphore_mem>>)
        %dma_start3A_246 = tpu.memref_slice %arg4[%mul3A_243] : memref<320000xi32, #tpu.memory_space<hbm>> -> memref<128xi32, #tpu.memory_space<hbm>>
        %dma_start3A_247 = tpu.memref_slice %arg4[%mul3A_243] : memref<320000xi32, #tpu.memory_space<hbm>> -> memref<128xi32, #tpu.memory_space<hbm>>
        tpu.enqueue_dma source(%dma_start3A_247 : memref<128xi32, #tpu.memory_space<hbm>>) target(%arg15 : memref<128xi32, #tpu.memory_space<vmem>>) target_semaphore(%arg31 : memref<!tpu.dma_semaphore, #tpu.memory_space<semaphore_mem>>)
      } else {
      }
      %add3A_224 = arith.constant 2 : i32
      %add3A_225 = arith.addi %add3A_216, %add3A_224 : i32
      %lt3A_226 = arith.constant 78 : i32
      %lt3A_227 = arith.cmpi slt, %add3A_225, %lt3A_226 : i32
      %convert_element_type3A_228 = arith.extui %lt3A_227 : i1 to i32
      %cond3A_229 = arith.constant 0 : i32
      %cond3A_230 = arith.cmpi ne, %convert_element_type3A_228, %cond3A_229 : i32
      scf.if %cond3A_230 {
        %ge3A = arith.constant 1 : i32
        %ge3A_237 = arith.cmpi sge, %add3A_216, %ge3A : i32
        %convert_element_type3A_238 = arith.extui %ge3A_237 : i1 to i32
        %cond3A_239 = arith.constant 0 : i32
        %cond3A_240 = arith.cmpi ne, %convert_element_type3A_238, %cond3A_239 : i32
        scf.if %cond3A_240 {
          %dma_wait3A_255 = arith.constant 0 : i32
          %dma_wait3A_256 = arith.constant 0 : i32
          %dma_wait3A_257 = tpu.memref_slice %arg21[%dma_wait3A_255, %dma_wait3A_256] : memref<10000x128xf32, #tpu.memory_space<vmem_shared>> -> memref<10000x128xf32, #tpu.memory_space<vmem_shared>>
          tpu.wait_indirect_dma semaphore(%arg26 : memref<!tpu.dma_semaphore, #tpu.memory_space<semaphore_mem>>) src(%arg19 : memref<128x128xf32, #tpu.memory_space<vmem>>) dst(%dma_wait3A_257 : memref<10000x128xf32, #tpu.memory_space<vmem_shared>>)
        } else {
        }
        %add3A_241 = arith.constant 2 : i32
        %add3A_242 = arith.addi %add3A_216, %add3A_241 : i32
        %mul3A_243 = arith.constant 32 : i32
        %mul3A_244 = arith.muli %add3A_242, %mul3A_243 : i32
        %add3A_245 = arith.addi %add3A, %mul3A_244 : i32
        %mul3A_246 = arith.constant 128 : i32
        %mul3A_247 = arith.muli %add3A_245, %mul3A_246 : i32
        %dma_wait3A_248 = tpu.memref_slice %arg3[%mul3A_247] : memref<320000xi32, #tpu.memory_space<hbm>> -> memref<128xi32, #tpu.memory_space<hbm>>
        %dma_wait3A_249 = tpu.memref_slice %arg3[%mul3A_247] : memref<320000xi32, #tpu.memory_space<hbm>> -> memref<128xi32, #tpu.memory_space<hbm>>
        tpu.wait_dma2 semaphore(%arg29 : memref<!tpu.dma_semaphore, #tpu.memory_space<semaphore_mem>>) src(%dma_wait3A_249 : memref<128xi32, #tpu.memory_space<hbm>>) dst(%arg7 : memref<128xi32, #tpu.memory_space<vmem>>)
        %dma_wait3A_250 = tpu.memref_slice %arg4[%mul3A_247] : memref<320000xi32, #tpu.memory_space<hbm>> -> memref<128xi32, #tpu.memory_space<hbm>>
        %dma_wait3A_251 = tpu.memref_slice %arg4[%mul3A_247] : memref<320000xi32, #tpu.memory_space<hbm>> -> memref<128xi32, #tpu.memory_space<hbm>>
        tpu.wait_dma2 semaphore(%arg29 : memref<!tpu.dma_semaphore, #tpu.memory_space<semaphore_mem>>) src(%dma_wait3A_251 : memref<128xi32, #tpu.memory_space<hbm>>) dst(%arg13 : memref<128xi32, #tpu.memory_space<vmem>>)
        %dma_start3A_252 = arith.constant 0 : i32
        %dma_start3A_253 = arith.constant 0 : i32
        %dma_start3A_254 = tpu.memref_slice %arg2[%dma_start3A_252, %dma_start3A_253] : memref<10000x128xf32, #tpu.memory_space<hbm>> -> memref<10000x128xf32, #tpu.memory_space<hbm>>
        tpu.enqueue_indirect_dma source(%dma_start3A_254 : memref<10000x128xf32, #tpu.memory_space<hbm>>) target(%arg19 : memref<128x128xf32, #tpu.memory_space<vmem>>) offsets(%arg7 : memref<128xi32, #tpu.memory_space<vmem>>) semaphore(%arg23 : memref<!tpu.dma_semaphore, #tpu.memory_space<semaphore_mem>>)
      } else {
      }
      %dma_wait3A_231 = arith.constant 0 : i32
      %dma_wait3A_232 = arith.constant 0 : i32
      %dma_wait3A_233 = tpu.memref_slice %arg2[%dma_wait3A_231, %dma_wait3A_232] : memref<10000x128xf32, #tpu.memory_space<hbm>> -> memref<10000x128xf32, #tpu.memory_space<hbm>>
      tpu.wait_indirect_dma semaphore(%arg24 : memref<!tpu.dma_semaphore, #tpu.memory_space<semaphore_mem>>) src(%dma_wait3A_233 : memref<10000x128xf32, #tpu.memory_space<hbm>>) dst(%arg20 : memref<128x128xf32, #tpu.memory_space<vmem>>)
      %dma_start3A_234 = arith.constant 0 : i32
      %dma_start3A_235 = arith.constant 0 : i32
      %dma_start3A_236 = tpu.memref_slice %arg21[%dma_start3A_234, %dma_start3A_235] : memref<10000x128xf32, #tpu.memory_space<vmem_shared>> -> memref<10000x128xf32, #tpu.memory_space<vmem_shared>>
      tpu.enqueue_indirect_dma source(%arg20 : memref<128x128xf32, #tpu.memory_space<vmem>>) target(%dma_start3A_236 : memref<10000x128xf32, #tpu.memory_space<vmem_shared>>) offsets(%arg17 : memref<128xi32, #tpu.memory_space<vmem>>) semaphore(%arg27 : memref<!tpu.dma_semaphore, #tpu.memory_space<semaphore_mem>>) {add = true}
    }
    %scan3A_72 = arith.constant 13 : i32
    %dma_wait3A_73 = arith.constant 0 : i32
    %dma_wait3A_74 = arith.constant 0 : i32
    %dma_wait3A_75 = tpu.memref_slice %arg21[%dma_wait3A_73, %dma_wait3A_74] : memref<10000x128xf32, #tpu.memory_space<vmem_shared>> -> memref<10000x128xf32, #tpu.memory_space<vmem_shared>>
    tpu.wait_indirect_dma semaphore(%arg25 : memref<!tpu.dma_semaphore, #tpu.memory_space<semaphore_mem>>) src(%arg18 : memref<128x128xf32, #tpu.memory_space<vmem>>) dst(%dma_wait3A_75 : memref<10000x128xf32, #tpu.memory_space<vmem_shared>>)
    %dma_wait3A_76 = arith.constant 0 : i32
    %dma_wait3A_77 = arith.constant 0 : i32
    %dma_wait3A_78 = tpu.memref_slice %arg21[%dma_wait3A_76, %dma_wait3A_77] : memref<10000x128xf32, #tpu.memory_space<vmem_shared>> -> memref<10000x128xf32, #tpu.memory_space<vmem_shared>>
    tpu.wait_indirect_dma semaphore(%arg26 : memref<!tpu.dma_semaphore, #tpu.memory_space<semaphore_mem>>) src(%arg19 : memref<128x128xf32, #tpu.memory_space<vmem>>) dst(%dma_wait3A_78 : memref<10000x128xf32, #tpu.memory_space<vmem_shared>>)
    %dma_wait3A_79 = arith.constant 0 : i32
    %dma_wait3A_80 = arith.constant 0 : i32
    %dma_wait3A_81 = tpu.memref_slice %arg21[%dma_wait3A_79, %dma_wait3A_80] : memref<10000x128xf32, #tpu.memory_space<vmem_shared>> -> memref<10000x128xf32, #tpu.memory_space<vmem_shared>>
    tpu.wait_indirect_dma semaphore(%arg27 : memref<!tpu.dma_semaphore, #tpu.memory_space<semaphore_mem>>) src(%arg20 : memref<128x128xf32, #tpu.memory_space<vmem>>) dst(%dma_wait3A_81 : memref<10000x128xf32, #tpu.memory_space<vmem_shared>>)
    %lt3A = arith.constant 4 : i32
    %lt3A_82 = arith.cmpi slt, %add3A, %lt3A : i32
    %convert_element_type3A_83 = arith.extui %lt3A_82 : i1 to i32
    %cond3A_84 = arith.constant 0 : i32
    %cond3A_85 = arith.cmpi ne, %convert_element_type3A_83, %cond3A_84 : i32
    scf.if %cond3A_85 {
      %add3A_92 = arith.constant 2496 : i32
      %add3A_93 = arith.addi %add3A_92, %add3A : i32
      %mul3A_94 = arith.constant 128 : i32
      %mul3A_95 = arith.muli %add3A_93, %mul3A_94 : i32
      %dma_start3A_96 = tpu.memref_slice %arg3[%mul3A_95] : memref<320000xi32, #tpu.memory_space<hbm>> -> memref<128xi32, #tpu.memory_space<hbm>>
      %dma_start3A_97 = tpu.memref_slice %arg3[%mul3A_95] : memref<320000xi32, #tpu.memory_space<hbm>> -> memref<128xi32, #tpu.memory_space<hbm>>
      tpu.enqueue_dma source(%dma_start3A_97 : memref<128xi32, #tpu.memory_space<hbm>>) target(%arg6 : memref<128xi32, #tpu.memory_space<vmem>>) target_semaphore(%arg28 : memref<!tpu.dma_semaphore, #tpu.memory_space<semaphore_mem>>)
      %dma_start3A_98 = tpu.memref_slice %arg4[%mul3A_95] : memref<320000xi32, #tpu.memory_space<hbm>> -> memref<128xi32, #tpu.memory_space<hbm>>
      %dma_start3A_99 = tpu.memref_slice %arg4[%mul3A_95] : memref<320000xi32, #tpu.memory_space<hbm>> -> memref<128xi32, #tpu.memory_space<hbm>>
      tpu.enqueue_dma source(%dma_start3A_99 : memref<128xi32, #tpu.memory_space<hbm>>) target(%arg12 : memref<128xi32, #tpu.memory_space<vmem>>) target_semaphore(%arg28 : memref<!tpu.dma_semaphore, #tpu.memory_space<semaphore_mem>>)
      %add3A_100 = arith.constant 2496 : i32
      %add3A_101 = arith.addi %add3A_100, %add3A : i32
      %mul3A_102 = arith.constant 128 : i32
      %mul3A_103 = arith.muli %add3A_101, %mul3A_102 : i32
      %dma_wait3A_104 = tpu.memref_slice %arg3[%mul3A_103] : memref<320000xi32, #tpu.memory_space<hbm>> -> memref<128xi32, #tpu.memory_space<hbm>>
      %dma_wait3A_105 = tpu.memref_slice %arg3[%mul3A_103] : memref<320000xi32, #tpu.memory_space<hbm>> -> memref<128xi32, #tpu.memory_space<hbm>>
      tpu.wait_dma2 semaphore(%arg28 : memref<!tpu.dma_semaphore, #tpu.memory_space<semaphore_mem>>) src(%dma_wait3A_105 : memref<128xi32, #tpu.memory_space<hbm>>) dst(%arg6 : memref<128xi32, #tpu.memory_space<vmem>>)
      %dma_wait3A_106 = tpu.memref_slice %arg4[%mul3A_103] : memref<320000xi32, #tpu.memory_space<hbm>> -> memref<128xi32, #tpu.memory_space<hbm>>
      %dma_wait3A_107 = tpu.memref_slice %arg4[%mul3A_103] : memref<320000xi32, #tpu.memory_space<hbm>> -> memref<128xi32, #tpu.memory_space<hbm>>
      tpu.wait_dma2 semaphore(%arg28 : memref<!tpu.dma_semaphore, #tpu.memory_space<semaphore_mem>>) src(%dma_wait3A_107 : memref<128xi32, #tpu.memory_space<hbm>>) dst(%arg12 : memref<128xi32, #tpu.memory_space<vmem>>)
      %dma_start3A_108 = arith.constant 0 : i32
      %dma_start3A_109 = arith.constant 0 : i32
      %dma_start3A_110 = tpu.memref_slice %arg2[%dma_start3A_108, %dma_start3A_109] : memref<10000x128xf32, #tpu.memory_space<hbm>> -> memref<10000x128xf32, #tpu.memory_space<hbm>>
      tpu.enqueue_indirect_dma source(%dma_start3A_110 : memref<10000x128xf32, #tpu.memory_space<hbm>>) target(%arg18 : memref<128x128xf32, #tpu.memory_space<vmem>>) offsets(%arg6 : memref<128xi32, #tpu.memory_space<vmem>>) semaphore(%arg22 : memref<!tpu.dma_semaphore, #tpu.memory_space<semaphore_mem>>)
      %dma_wait3A_111 = arith.constant 0 : i32
      %dma_wait3A_112 = arith.constant 0 : i32
      %dma_wait3A_113 = tpu.memref_slice %arg2[%dma_wait3A_111, %dma_wait3A_112] : memref<10000x128xf32, #tpu.memory_space<hbm>> -> memref<10000x128xf32, #tpu.memory_space<hbm>>
      tpu.wait_indirect_dma semaphore(%arg22 : memref<!tpu.dma_semaphore, #tpu.memory_space<semaphore_mem>>) src(%dma_wait3A_113 : memref<10000x128xf32, #tpu.memory_space<hbm>>) dst(%arg18 : memref<128x128xf32, #tpu.memory_space<vmem>>)
      "tpu.region"() ({
        %run_scoped3A = tpu.sem_alloc : memref<!tpu.dma_semaphore, #tpu.memory_space<semaphore_mem>>
        %dma_start3A_114 = arith.constant 0 : i32
        %dma_start3A_115 = arith.constant 0 : i32
        %dma_start3A_116 = tpu.memref_slice %arg21[%dma_start3A_114, %dma_start3A_115] : memref<10000x128xf32, #tpu.memory_space<vmem_shared>> -> memref<10000x128xf32, #tpu.memory_space<vmem_shared>>
        tpu.enqueue_indirect_dma source(%arg18 : memref<128x128xf32, #tpu.memory_space<vmem>>) target(%dma_start3A_116 : memref<10000x128xf32, #tpu.memory_space<vmem_shared>>) offsets(%arg12 : memref<128xi32, #tpu.memory_space<vmem>>) semaphore(%run_scoped3A : memref<!tpu.dma_semaphore, #tpu.memory_space<semaphore_mem>>) {add = true}
        %dma_wait3A_117 = arith.constant 0 : i32
        %dma_wait3A_118 = arith.constant 0 : i32
        %dma_wait3A_119 = tpu.memref_slice %arg21[%dma_wait3A_117, %dma_wait3A_118] : memref<10000x128xf32, #tpu.memory_space<vmem_shared>> -> memref<10000x128xf32, #tpu.memory_space<vmem_shared>>
        tpu.wait_indirect_dma semaphore(%run_scoped3A : memref<!tpu.dma_semaphore, #tpu.memory_space<semaphore_mem>>) src(%arg18 : memref<128x128xf32, #tpu.memory_space<vmem>>) dst(%dma_wait3A_119 : memref<10000x128xf32, #tpu.memory_space<vmem_shared>>)
        tpu.yield
      }) : () -> ()
    } else {
    }
    %barrier3A_86 = arith.constant 0 : index
    tpu.barrier barrier_id(%barrier3A_86)
    "tpu.region"() ({
      %run_scoped3A = tpu.sem_alloc : memref<!tpu.dma_semaphore, #tpu.memory_space<semaphore_mem>>
      %dma_start3A_92 = arith.constant 0 : i32
      %dma_start3A_93 = tpu.memref_slice %arg5[%arg0, %mul3A_2, %dma_start3A_92] : memref<2x10000x128xf32, #tpu.memory_space<hbm>> -> memref<1x624x128xf32, #tpu.memory_space<hbm>>
      %dma_start3A_94 = tpu.memref_squeeze %dma_start3A_93 : memref<1x624x128xf32, #tpu.memory_space<hbm>> -> memref<624x128xf32, #tpu.memory_space<hbm>>
      %dma_start3A_95 = arith.constant 0 : i32
      %dma_start3A_96 = tpu.memref_slice %arg21[%mul3A_2, %dma_start3A_95] : memref<10000x128xf32, #tpu.memory_space<vmem_shared>> -> memref<624x128xf32, #tpu.memory_space<vmem_shared>>
      tpu.enqueue_dma source(%dma_start3A_96 : memref<624x128xf32, #tpu.memory_space<vmem_shared>>) target(%dma_start3A_94 : memref<624x128xf32, #tpu.memory_space<hbm>>) target_semaphore(%run_scoped3A : memref<!tpu.dma_semaphore, #tpu.memory_space<semaphore_mem>>)
      %dma_wait3A_97 = arith.constant 0 : i32
      %dma_wait3A_98 = tpu.memref_slice %arg5[%arg0, %mul3A_2, %dma_wait3A_97] : memref<2x10000x128xf32, #tpu.memory_space<hbm>> -> memref<1x624x128xf32, #tpu.memory_space<hbm>>
      %dma_wait3A_99 = tpu.memref_squeeze %dma_wait3A_98 : memref<1x624x128xf32, #tpu.memory_space<hbm>> -> memref<624x128xf32, #tpu.memory_space<hbm>>
      %dma_wait3A_100 = arith.constant 0 : i32
      %dma_wait3A_101 = tpu.memref_slice %arg21[%mul3A_2, %dma_wait3A_100] : memref<10000x128xf32, #tpu.memory_space<vmem_shared>> -> memref<624x128xf32, #tpu.memory_space<vmem_shared>>
      tpu.wait_dma2 semaphore(%run_scoped3A : memref<!tpu.dma_semaphore, #tpu.memory_space<semaphore_mem>>) src(%dma_wait3A_101 : memref<624x128xf32, #tpu.memory_space<vmem_shared>>) dst(%dma_wait3A_99 : memref<624x128xf32, #tpu.memory_space<hbm>>)
      tpu.yield
    }) : () -> ()
    %eq3A_87 = arith.constant 15 : i32
    %eq3A_88 = arith.cmpi eq, %arg1, %eq3A_87 : i32
    %convert_element_type3A_89 = arith.extui %eq3A_88 : i1 to i32
    %cond3A_90 = arith.constant 0 : i32
    %cond3A_91 = arith.cmpi ne, %convert_element_type3A_89, %cond3A_90 : i32
    scf.if %cond3A_91 {
      "tpu.region"() ({
        %run_scoped3A = tpu.sem_alloc : memref<!tpu.dma_semaphore, #tpu.memory_space<semaphore_mem>>
        %dma_start3A_92 = arith.constant 9984 : i32
        %dma_start3A_93 = arith.constant 0 : i32
        %dma_start3A_94 = tpu.memref_slice %arg5[%arg0, %dma_start3A_92, %dma_start3A_93] : memref<2x10000x128xf32, #tpu.memory_space<hbm>> -> memref<1x16x128xf32, #tpu.memory_space<hbm>>
        %dma_start3A_95 = tpu.memref_squeeze %dma_start3A_94 : memref<1x16x128xf32, #tpu.memory_space<hbm>> -> memref<16x128xf32, #tpu.memory_space<hbm>>
        %dma_start3A_96 = arith.constant 9984 : i32
        %dma_start3A_97 = arith.constant 0 : i32
        %dma_start3A_98 = tpu.memref_slice %arg21[%dma_start3A_96, %dma_start3A_97] : memref<10000x128xf32, #tpu.memory_space<vmem_shared>> -> memref<16x128xf32, #tpu.memory_space<vmem_shared>>
        tpu.enqueue_dma source(%dma_start3A_98 : memref<16x128xf32, #tpu.memory_space<vmem_shared>>) target(%dma_start3A_95 : memref<16x128xf32, #tpu.memory_space<hbm>>) target_semaphore(%run_scoped3A : memref<!tpu.dma_semaphore, #tpu.memory_space<semaphore_mem>>)
        %dma_wait3A_99 = arith.constant 9984 : i32
        %dma_wait3A_100 = arith.constant 0 : i32
        %dma_wait3A_101 = tpu.memref_slice %arg5[%arg0, %dma_wait3A_99, %dma_wait3A_100] : memref<2x10000x128xf32, #tpu.memory_space<hbm>> -> memref<1x16x128xf32, #tpu.memory_space<hbm>>
        %dma_wait3A_102 = tpu.memref_squeeze %dma_wait3A_101 : memref<1x16x128xf32, #tpu.memory_space<hbm>> -> memref<16x128xf32, #tpu.memory_space<hbm>>
        %dma_wait3A_103 = arith.constant 9984 : i32
        %dma_wait3A_104 = arith.constant 0 : i32
        %dma_wait3A_105 = tpu.memref_slice %arg21[%dma_wait3A_103, %dma_wait3A_104] : memref<10000x128xf32, #tpu.memory_space<vmem_shared>> -> memref<16x128xf32, #tpu.memory_space<vmem_shared>>
        tpu.wait_dma2 semaphore(%run_scoped3A : memref<!tpu.dma_semaphore, #tpu.memory_space<semaphore_mem>>) src(%dma_wait3A_105 : memref<16x128xf32, #tpu.memory_space<vmem_shared>>) dst(%dma_wait3A_102 : memref<16x128xf32, #tpu.memory_space<hbm>>)
        tpu.yield
      }) : () -> ()
    } else {
    }
    return
  }
}

module attributes {stable_mosaic.version = 14 : i64} {
  func.func @_tc_layer_body(%arg0: memref<10000x128xf32, #tpu.memory_space<vmem>>, %arg1: memref<2x10000x128xf32, #tpu.memory_space<vmem>>, %arg2: memref<128x128xf32, #tpu.memory_space<vmem>>, %arg3: memref<128xf32, #tpu.memory_space<vmem>>, %arg4: memref<128x128xf32, #tpu.memory_space<vmem>>, %arg5: memref<128xf32, #tpu.memory_space<vmem>>, %arg6: memref<128xf32, #tpu.memory_space<vmem>>, %arg7: memref<128xf32, #tpu.memory_space<vmem>>, %arg8: memref<10000x128xf32, #tpu.memory_space<vmem>>) attributes {dimension_semantics = [], scalar_prefetch = 0 : i64, scratch_operands = 0 : i64, tpu.core_type = #tpu.core_type<tc>} {
    %get3A = arith.constant 0 : index
    %get3A_0 = arith.constant 0 : index
    %get3A_1 = arith.constant 0 : index
    %get3A_2 = vector.load %arg1[%get3A, %get3A_0, %get3A_1] : memref<2x10000x128xf32, #tpu.memory_space<vmem>>, vector<1x10000x128xf32>
    %get3A_3 = vector.shape_cast %get3A_2 : vector<1x10000x128xf32> to vector<10000x128xf32>
    %get3A_4 = arith.constant 1 : index
    %get3A_5 = arith.constant 0 : index
    %get3A_6 = arith.constant 0 : index
    %get3A_7 = vector.load %arg1[%get3A_4, %get3A_5, %get3A_6] : memref<2x10000x128xf32, #tpu.memory_space<vmem>>, vector<1x10000x128xf32>
    %get3A_8 = vector.shape_cast %get3A_7 : vector<1x10000x128xf32> to vector<10000x128xf32>
    %add3A = arith.addf %get3A_3, %get3A_8 : vector<10000x128xf32>
    %get3A_9 = arith.constant 0 : index
    %get3A_10 = arith.constant 0 : index
    %get3A_11 = vector.load %arg0[%get3A_9, %get3A_10] : memref<10000x128xf32, #tpu.memory_space<vmem>>, vector<10000x128xf32>
    %sub3A = arith.subf %add3A, %get3A_11 : vector<10000x128xf32>
    %get3A_12 = arith.constant 0 : index
    %get3A_13 = arith.constant 0 : index
    %get3A_14 = vector.load %arg2[%get3A_12, %get3A_13] : memref<128x128xf32, #tpu.memory_space<vmem>>, vector<128x128xf32>
    %dot_general3A = arith.constant dense<0.000000e+00> : vector<10000x128xf32>
    %dot_general3A_15 = tpu.matmul %sub3A, %get3A_14, %dot_general3A {dimension_numbers = #tpu.dot_dimension_numbers<[1], [1], [0], [0], [0, 0, 1, 0], [], []>, transpose_lhs_hint = false} : vector<10000x128xf32>, vector<128x128xf32>, vector<10000x128xf32> -> vector<10000x128xf32>
    %get3A_16 = arith.constant 0 : index
    %get3A_17 = vector.load %arg3[%get3A_16] : memref<128xf32, #tpu.memory_space<vmem>>, vector<128xf32>
    %broadcast_in_dim3A = vector.shape_cast %get3A_17 : vector<128xf32> to vector<1x128xf32>
    %add3A_18 = vector.broadcast %broadcast_in_dim3A : vector<1x128xf32> to vector<10000x128xf32>
    %add3A_19 = arith.addf %dot_general3A_15, %add3A_18 : vector<10000x128xf32>
    %max3A = arith.constant 0.000000e+00 : f32
    %max3A_20 = vector.broadcast %max3A : f32 to vector<10000x128xf32>
    %max3A_21 = arith.maximumf %add3A_19, %max3A_20 : vector<10000x128xf32>
    %get3A_22 = arith.constant 0 : index
    %get3A_23 = arith.constant 0 : index
    %get3A_24 = vector.load %arg4[%get3A_22, %get3A_23] : memref<128x128xf32, #tpu.memory_space<vmem>>, vector<128x128xf32>
    %dot_general3A_25 = arith.constant dense<0.000000e+00> : vector<10000x128xf32>
    %dot_general3A_26 = tpu.matmul %max3A_21, %get3A_24, %dot_general3A_25 {dimension_numbers = #tpu.dot_dimension_numbers<[1], [1], [0], [0], [0, 0, 1, 0], [], []>, transpose_lhs_hint = false} : vector<10000x128xf32>, vector<128x128xf32>, vector<10000x128xf32> -> vector<10000x128xf32>
    %get3A_27 = arith.constant 0 : index
    %get3A_28 = vector.load %arg5[%get3A_27] : memref<128xf32, #tpu.memory_space<vmem>>, vector<128xf32>
    %broadcast_in_dim3A_29 = vector.shape_cast %get3A_28 : vector<128xf32> to vector<1x128xf32>
    %add3A_30 = vector.broadcast %broadcast_in_dim3A_29 : vector<1x128xf32> to vector<10000x128xf32>
    %add3A_31 = arith.addf %dot_general3A_26, %add3A_30 : vector<10000x128xf32>
    %max3A_32 = arith.constant 0.000000e+00 : f32
    %max3A_33 = vector.broadcast %max3A_32 : f32 to vector<10000x128xf32>
    %max3A_34 = arith.maximumf %add3A_31, %max3A_33 : vector<10000x128xf32>
    %reduce_sum3A = arith.constant dense<0.000000e+00> : vector<128xf32>
    %reduce_sum3A_35 = vector.multi_reduction <add>, %max3A_34, %reduce_sum3A [0] : vector<10000x128xf32> to vector<128xf32>
    %broadcast_in_dim3A_36 = vector.shape_cast %reduce_sum3A_35 : vector<128xf32> to vector<1x128xf32>
    %div3A = arith.constant 1.000000e+04 : f32
    %div3A_37 = vector.broadcast %div3A : f32 to vector<1x128xf32>
    %div3A_38 = arith.divf %broadcast_in_dim3A_36, %div3A_37 : vector<1x128xf32>
    %sub3A_39 = vector.broadcast %div3A_38 : vector<1x128xf32> to vector<10000x128xf32>
    %sub3A_40 = arith.subf %max3A_34, %sub3A_39 : vector<10000x128xf32>
    %mul3A = arith.mulf %sub3A_40, %sub3A_40 : vector<10000x128xf32>
    %reduce_sum3A_41 = arith.constant dense<0.000000e+00> : vector<128xf32>
    %reduce_sum3A_42 = vector.multi_reduction <add>, %mul3A, %reduce_sum3A_41 [0] : vector<10000x128xf32> to vector<128xf32>
    %broadcast_in_dim3A_43 = vector.shape_cast %reduce_sum3A_42 : vector<128xf32> to vector<1x128xf32>
    %div3A_44 = arith.constant 1.000000e+04 : f32
    %div3A_45 = vector.broadcast %div3A_44 : f32 to vector<1x128xf32>
    %div3A_46 = arith.divf %broadcast_in_dim3A_43, %div3A_45 : vector<1x128xf32>
    %get3A_47 = arith.constant 0 : index
    %get3A_48 = vector.load %arg6[%get3A_47] : memref<128xf32, #tpu.memory_space<vmem>>, vector<128xf32>
    %broadcast_in_dim3A_49 = vector.shape_cast %get3A_48 : vector<128xf32> to vector<1x128xf32>
    %mul3A_50 = vector.broadcast %broadcast_in_dim3A_49 : vector<1x128xf32> to vector<10000x128xf32>
    %mul3A_51 = arith.mulf %mul3A_50, %sub3A_40 : vector<10000x128xf32>
    %add3A_52 = arith.constant 9.99999974E-6 : f32
    %add3A_53 = vector.broadcast %add3A_52 : f32 to vector<1x128xf32>
    %add3A_54 = arith.addf %div3A_46, %add3A_53 : vector<1x128xf32>
    %rsqrt3A = math.rsqrt %add3A_54 : vector<1x128xf32>
    %mul3A_55 = vector.broadcast %rsqrt3A : vector<1x128xf32> to vector<10000x128xf32>
    %mul3A_56 = arith.mulf %mul3A_51, %mul3A_55 : vector<10000x128xf32>
    %get3A_57 = arith.constant 0 : index
    %get3A_58 = vector.load %arg7[%get3A_57] : memref<128xf32, #tpu.memory_space<vmem>>, vector<128xf32>
    %broadcast_in_dim3A_59 = vector.shape_cast %get3A_58 : vector<128xf32> to vector<1x128xf32>
    %add3A_60 = vector.broadcast %broadcast_in_dim3A_59 : vector<1x128xf32> to vector<10000x128xf32>
    %add3A_61 = arith.addf %mul3A_56, %add3A_60 : vector<10000x128xf32>
    %swap3A = arith.constant 0 : index
    %swap3A_62 = arith.constant 0 : index
    %swap3A_63 = vector.load %arg8[%swap3A, %swap3A_62] : memref<10000x128xf32, #tpu.memory_space<vmem>>, vector<10000x128xf32>
    tpu.vector_store %arg8[%swap3A, %swap3A_62], %add3A_61 {strides = array<i32>} : memref<10000x128xf32, #tpu.memory_space<vmem>>, vector<10000x128xf32>,
    return
  }
}

</mosaic_0001>

<sc_bundles>
// kernel: kernel.11.cloned.1.call-start
scs
__scs_entry_jumppad:
0x0: {  	(pc) =	sbr.rel $0x88, $3  }
0x1: {  	(tag) =	ssettag $0x0;
	lr =	simm.s32 $0x1  }
0x2: {  	[smem:$0x3F8D] =	sst lr;
	_ =	strace $0xD0000000  }
0x3: {  	_ = 	snop  }
0x4: {  	_ = 	snop  }
0x5: {  	_ = 	snop  }
0x6: {  	_ = 	snop  }
0x7: {  	_ = 	snop  }
__scs_overlays_trampoline_lowered:
0x8: {  	[smem:$0x3F9C] =	sst s0  }
0x9: {  	[smem:$0x3F9D] =	sst s1  }
0xa: {  	[smem:$0x3F9E] =	sst s2  }
0xb: {  	[smem:$0x3F9F] =	sst s3  }
0xc: {  	[smem:$0x3FA0] =	sst s4  }
0xd: {  	[smem:$0x3FA1] =	sst s5  }
0xe: {  	[smem:$0x3FA2] =	sst s6  }
0xf: {  	[smem:$0x3FA3] =	sst s7  }
0x10: {  	[smem:$0x3FA4] =	sst s8  }
0x11: {  	[smem:$0x3FA5] =	sst s9;
	s0 =	simm.s32 @!p0 $0x0  }
0x12: {  	s1 =	sld [smem:$0x3F8B];
	s0 =	simm.s32 @p0 $0x1  }
0x13: {  	[smem:$0x3FA6] =	sst s0;
	s0 =	simm.s32 @!p1 $0x0  }
0x14: {  	s2 =	sld [smem:$0x3F8A];
	s0 =	simm.s32 @p1 $0x1  }
0x15: {  	[smem:$0x3FA7] =	sst s0;
	s0 =	simm.s32 @!p2 $0x0  }
0x16: {  	s3 =	sld [smem:$0x3FDB];
	s0 =	simm.s32 @p2 $0x1  }
0x17: {  	s4 =	simm.s32 $0x1BF5;
	[smem:$0x3FA9] =	sst s0  }
0x18: {  	s0 =	sld [smem:$0x3F8C];
	_ =	swait.ge [sflag:s4], $0x0  }
0x19: {  	s7 =	sld [smem:$0x3F8D]  }
0x1a: {  	s8 =	sadd.s32 $0xFFFFE003, lr  }
0x1b: {  	s9 =	sadd.s32 $0xFFFFFEF7, lr;
	s5 =	simm.s32 $0xFFFFFFFF;
	p2 =	slt.u32 s8, $0xFFFFF086  }
0x1c: {  	p1 =	slt.u32 s9, $0xF7A;
	s5 =	simm.s32 @!p2 $0x0  }
0x1d: {  	s5 =	simm.s32 @p1 $0x1;
	p0 =	seq.s32 s7, s2  }
0x1e: {  	s7 =	smul.u32 @!p0 $0xF7A, s2;
	p2 =	seq.s32 @!p0 s5, $0x0  }
0x1f: {  	s9 =	smul.u32 $0xF7A, s1;
	s8 =	simm.s32 @!p0 $0x1BF5;
	p2 =	por !p2, p0  }
0x20: {  	[sflag:s8] =	ssyncset.s32 @!p0 $0xFFFFF086;
	s6 =	sadd.s32 @!p0 s3, s7;
	s7 =	simm.s32 @!p0 $0x108  }
0x21: {  	s3 =	sadd.s32 s3, s9;
	s6 =	sadd.s32 @!p0 $0x88, s6;
	s7 =	simm.s32 @p2 $0x1082  }
0x22: {  	[simem:s7], [sflag:s8] =	dma.local @!p0 [hbm:s6], $0xF7A  }
0x23: {  	s9 =	sor.u32 $0xD0000000, s2;
	s6 =	simm.s32 $0x108;
	_ =	swait.ge @!p0 [sflag:s8], $0x0  }
0x24: {  	s3 =	sadd.s32 $0x88, s3;
	s6 =	simm.s32 @!p1 $0x1082;
	[sflag:s4] =	ssyncset.s32 $0xFFFFF086  }
0x25: {  	[simem:s6], [sflag:s4] =	dma.local [hbm:s3], $0xF7A  }
0x26: {  	[smem:$0x3F8D] =	sst s1;
	(tag) =	ssettag s2;
	_ =	strace s9  }
0x27: {  	s1 =	sld [smem:$0x3F9D]  }
0x28: {  	s2 =	sld [smem:$0x3F9E]  }
0x29: {  	s4 =	sld [smem:$0x3FA0]  }
0x2a: {  	p0 =	seq.s32 s5, $0x0;
	s5 =	sld [smem:$0x3FA1]  }
0x2b: {  	s6 =	sld [smem:$0x3FA2]  }
0x2c: {  	s7 =	sld [smem:$0x3FA3]  }
0x2d: {  	s3 =	simm.s32 $0x108;
	s8 =	sld [smem:$0x3FA4]  }
0x2e: {  	s3 =	simm.s32 @!p0 $0x1082;
	s9 =	sld [smem:$0x3FA5]  }
0x2f: {  	lr =	sadd.s32 s0, s3;
	s0 =	sld [smem:$0x3F9C]  }
0x30: {  	s3 =	sld [smem:$0x3F9F]  }
0x31: {  	[smem:$0x3FA8] =	sst s10  }
0x32: {  	s10 =	sld [smem:$0x3FA6];
	_ =	sdelay $0x3  }
0x33: {  	p0 =	seq.s32 s10, $0x1;
	s10 =	sld [smem:$0x3FA8];
	_ =	sdelay $0x3  }
0x34: {  	[smem:$0x3FA8] =	sst s10  }
0x35: {  	s10 =	sld [smem:$0x3FA7];
	_ =	sdelay $0x3  }
0x36: {  	p1 =	seq.s32 s10, $0x1;
	s10 =	sld [smem:$0x3FA8];
	_ =	sdelay $0x3  }
0x37: {  	[smem:$0x3FA8] =	sst s10  }
0x38: {  	s10 =	sld [smem:$0x3FA9]  }
0x39: {  	_ = 	snop;
	(pc) =	sbr.ind lr, $3  }
0x3a: {  	_ = 	snop  }
0x3b: {  	_ = 	snop  }
0x3c: {  	p2 =	seq.s32 s10, $0x1;
	s10 =	sld [smem:$0x3FA8]  }
0x3d: {  	_ =	shalt  }
0x3e: {  	_ =	shalt  }
0x3f: {  	_ =	shalt  }
0x40: {  	_ =	shalt  }
0x41: {  	_ =	shalt  }
0x42: {  	_ =	shalt  }
0x43: {  	_ =	shalt  }
0x44: {  	_ =	shalt  }
0x45: {  	_ =	shalt  }
0x46: {  	_ =	shalt  }
0x47: {  	_ =	shalt  }
0x48: {  	_ =	shalt  }
0x49: {  	_ =	shalt  }
0x4a: {  	_ =	shalt  }
0x4b: {  	_ =	shalt  }
0x4c: {  	_ =	shalt  }
0x4d: {  	_ =	shalt  }
0x4e: {  	_ =	shalt  }
0x4f: {  	_ =	shalt  }
0x50: {  	_ =	shalt  }
0x51: {  	_ =	shalt  }
0x52: {  	_ =	shalt  }
0x53: {  	_ =	shalt  }
0x54: {  	_ =	shalt  }
0x55: {  	_ =	shalt  }
0x56: {  	_ =	shalt  }
0x57: {  	_ =	shalt  }
0x58: {  	_ =	shalt  }
0x59: {  	_ =	shalt  }
0x5a: {  	_ =	shalt  }
0x5b: {  	_ =	shalt  }
0x5c: {  	_ =	shalt  }
0x5d: {  	_ =	shalt  }
0x5e: {  	_ =	shalt  }
0x5f: {  	_ =	shalt  }
0x60: {  	_ =	shalt  }
0x61: {  	_ =	shalt  }
0x62: {  	_ =	shalt  }
0x63: {  	_ =	shalt  }
0x64: {  	_ =	shalt  }
0x65: {  	_ =	shalt  }
0x66: {  	_ =	shalt  }
0x67: {  	_ =	shalt  }
0x68: {  	_ =	shalt  }
0x69: {  	_ =	shalt  }
0x6a: {  	_ =	shalt  }
0x6b: {  	_ =	shalt  }
0x6c: {  	_ =	shalt  }
0x6d: {  	_ =	shalt  }
0x6e: {  	_ =	shalt  }
0x6f: {  	_ =	shalt  }
0x70: {  	_ =	shalt  }
0x71: {  	_ =	shalt  }
0x72: {  	_ =	shalt  }
0x73: {  	_ =	shalt  }
0x74: {  	_ =	shalt  }
0x75: {  	_ =	shalt  }
0x76: {  	_ =	shalt  }
0x77: {  	_ =	shalt  }
0x78: {  	_ =	shalt  }
0x79: {  	_ =	shalt  }
0x7a: {  	_ =	shalt  }
0x7b: {  	_ =	shalt  }
0x7c: {  	_ =	shalt  }
0x7d: {  	_ =	shalt  }
0x7e: {  	_ =	shalt  }
0x7f: {  	_ =	shalt  }
0x80: {  	_ =	shalt  }
0x81: {  	_ =	shalt  }
0x82: {  	_ =	shalt  }
0x83: {  	_ =	shalt  }
0x84: {  	_ =	shalt  }
0x85: {  	_ =	shalt  }
0x86: {  	_ =	shalt  }
0x87: {  	_ =	shalt  }
.Lfunc_end0:
.L_simem_size_0:
called_computation.1_lowered:
.L_overlay_start_0:
0x88: {  	s2 =	sld [smem:$0x3FD9]  }
0x89: {  	s3 =	sld [smem:$0x3FFE];
	_ =	sdelay $0x1  }
0x8a: {  	s1 =	srdreg.scid  }
0x8b: {  	s0 =	sand.u32 $0x1, s1  }
0x8c: {  	s17 =	sshll.u32 s0, $0xA;
	s2 =	sadd.s32 s3, s2  }
0x8d: {  	s2 =	sadd.s32 s2, s17  }
0x8e: {  	[smem:$0x3FB4] =	sst s2  }
0x8f: {  	_ = 	snop  }
0x90: {  	s2 =	sld [smem:$0x3FD0];
	(tm) =	ssettm $0x1  }
0x91: {  	s18 =	sld [smem:$0x3FFB];
	_ =	sdelay $0x3  }
0x92: {  	_ =	strace s18  }
0x93: {  	s3 =	sld [smem:$0x3FFC];
	_ =	sdelay $0x3  }
0x94: {  	_ =	strace s3  }
0x95: {  	s3 =	sld [smem:$0x3FFD];
	_ =	sdelay $0x3  }
0x96: {  	_ =	strace s3  }
0x97: {  	_ =	strace $0x8FFFFFFF  }
0x98: {  	s19 =	sld [smem:$0x3FDB];
	_ =	sdelay $0x1  }
0x99: {  	s4 =	simm.s32 $_scs_section_size  }
0x9a: {  	s5 =	simm.s32 $_size__tile_overlayer_lowered;
	s6 =	simm.s32 $_tile_overlayer_lowered  }
0x9b: {  	s22 =	simm.s32 $0x1BFF;
	s21 =	sshll.u32 s6, $0x1;
	s3 =	sadd.s32 s4, s19  }
0x9c: {  	s7 =	simm.s32 $0x0;
	s20 =	sshll.u32 s5, $0x1;
	s5 =	sadd.s32 s21, s3  }
0x9d: {  	[timem:s7], [sflag:s22] =	dma.local [hbm:s5], s20  }
0x9e: {  	_ =	swait.ge [sflag:s22], s20  }
0x9f: {  	s4 =	ssub.s32 $0x0, s20;
	[sflag:s22] =	ssyncset.done $0x0  }
0xa0: {  	[sflag:s22] =	ssyncadd.s32 s4;
	_ =	sdelay $0x1  }
0xa1: {  	s23 =	simm.s32 $0x1B8B  }
0xa2: {  	_ =	swait.ge [sflag:s23], $0x1  }
0xa3: {  	[sflag:s23] =	ssyncset.done $0x0  }
0xa4: {  	s25 =	simm.s32 $0x1B8E;
	s24 =	sld [smem:$0x3FFE];
	[sflag:s23] =	ssyncadd.s32 $0xFFFFFFFF  }
0xa5: {  	s26 =	simm.s32 $execute0_lowered;
	[smem:$0x3FD2] =	sst s25  }
0xa6: {  	s5 =	sshll.u32 s26, $0x1;
	_ =	strace $0x80000049;
	[dreg:$0x1] =	wrdreg $0xFFFFFFFF  }
0xa7: {  	s28 =	simm.s32 $_size_execute0_lowered;
	s3 =	sadd.s32 s3, s5;
	[dreg:$0x0] =	wrdreg $0x0  }
0xa8: {  	s5 =	sshll.u32 s28, $0x1;
	[dreg:$0x2] =	wrdreg s3  }
0xa9: {  	[dreg:$0x3] =	wrdreg s5  }
0xaa: {  	[dreg:$0x4] =	wrdreg $0xC0  }
0xab: {  	_ =	task [dreg:s7], $0x5FFFF  }
0xac: {  	[dreg:$0x1] =	wrdreg $0xFFFFFFFF  }
0xad: {  	[dreg:$0x0] =	wrdreg $0x60  }
0xae: {  	[dreg:$0x2] =	wrdreg s24  }
0xaf: {  	[dreg:$0x3] =	wrdreg s2  }
0xb0: {  	[dreg:$0x4] =	wrdreg $0xC6000  }
0xb1: {  	[dreg:$0x5] =	wrdreg $0x9  }
0xb2: {  	_ =	task.clear_ibuf [dreg:s7], $0x6FFFF;
	_ =	strace $0x90000049  }
0xb3: {  	s29 =	simm.s32 $0x9;
	_ =	strace $0x8000004B  }
0xb4: {  	_ =	swait.ge [sflag:s29], $0x1  }
0xb5: {  	[sflag:s29] =	ssyncadd.s32 $0xFFFFFFFF  }
0xb6: {  	_ =	strace $0x9000004B  }
0xb7: {  	_ =	sfence  }
0xb8: {  	s30 =	sld [smem:$0x0];
	_ =	sdelay $0x2  }
0xb9: {  	s31 =	sshll.u32 s1, $0xD;
	s1 =	sshrl.u32 s1, $0x2  }
0xba: {  	s3 =	sand.u32 $0x4000, s31;
	s1 =	sadd.s32 s1, s30  }
0xbb: {  	s0 =	sor.u32 s3, s0;
	s1 =	sshll.u32 s1, $0x11  }
0xbc: {  	s0 =	sor.u32 s1, s0  }
0xbd: {  	s0 =	sadd.s32 $0x8F2B, s0  }
0xbe: {  	[sflag:s0] =	ssyncadd.remote.s32 $0x1  }
0xbf: {  	_ =	sfence.sel $0xFFFF  }
0xc0: {  	[dreg:$0x0] =	wrdreg $0xFFFFFFFF;
	(pc) =	sbr.abs _section_cstart, $3  }
0xc1: {  	[dreg:$0x1] =	wrdreg $0xFFFFFFFF  }
0xc2: {  	_ =	task.clear_ibuf [dreg:s7], $0x2FFFF;
	_ =	strace $0x9FFFFFFF  }
0xc3: {  	(tm) =	ssettm $0x7FFFFFFF  }
tec
execute0_lowered:
.L_overlay_start_1:
0x0: {  	(tag) =	ssettag $0x1  }
0x1: {  	s0 =	rddreg [dreg:$0x0]  }
0x2: {  	s2 =	rddreg [dreg:$0x1]  }
0x3: {  	s1 =	rddreg [dreg:$0x2];
	s3 =	simm.s32 $0x0  }
0x4: {  	s5 =	srdreg.scid;
	s6 =	stileid.u32;
	s29 =	simm.s32 $0x80  }
0x5: {  	s28 =	simm.s32 $0x580;
	[smem:$0x7FF] =	sst s3;
	s4 =	sadd.s32 $0x17A00, s0  }
0x6: {  	s7 =	sand.u32 $0x1, s5;
	s8 =	smul.u32 $0x4E000, s6;
	s16 =	sadd.s32 $0xDC00, s0  }
0x7: {  	s10 =	smul.u32 $0x13800, s6;
	s31 =	sadd.s32 $0x3E00, s0;
	s14 =	sshll.u32 s6, $0x6  }
0x8: {  	s18 =	sshll.u32 s6, $0x5;
	s12 =	sshll.u32 s6, $0x8;
	s0 =	sadd.s32 $0x3EA00, s0  }
0x9: {  	p0 =	sne.s32 s6, $0xF;
	_ =	strace $0x8000004A;
	[dreg:$0x10] =	wrdreg s14  }
0xa: {  	p1 =	sgt.u32 s6, $0x1;
	s9 =	ssub.s32 $0x2, s7;
	[dreg:$0x12] =	wrdreg s0  }
0xb: {  	s13 =	sshll.u32 s7, $0x7;
	s14 =	sor.u32 $0x1C0D, s14;
	[dreg:$0xd] =	wrdreg s31  }
0xc: {  	s11 =	sshrl.u32 s9, $0x1;
	s8 =	sshrl.u32 s8, $0x2;
	s17 =	sshrl.u32 s10, $0x3  }
0xd: {  	[dreg:$0x11] =	wrdreg s14;
	s12 =	sor.u32 s13, s12;
	s9 =	ssub.s32 s9, s11  }
0xe: {  	s8 =	sadd.s32 s8, s1;
	s11 =	sshll.u32 s7, $0x4;
	s20 =	sor.u32 $0x9000, s12  }
0xf: {  	s7 =	smul.u32 $0x138800, s7;
	s24 =	sor.u32 $0x8000, s12;
	s26 =	sor.u32 $0x7000, s12  }
0x10: {  	[dreg:$0xe] =	wrdreg s8;
	s8 =	sadd.s32 s4, s17;
	s14 =	sor.u32 s11, s18  }
0x11: {  	s0 =	sshrl.u32 s20, $0x3;
	[dreg:$0xf] =	wrdreg s8;
	s19 =	sadd.s32 s16, s14  }
0x12: {  	s21 =	sadd.s32 s31, s14;
	s22 =	sor.u32 $0x200, s14;
	[dreg:$0x13] =	wrdreg s19  }
0x13: {  	s23 =	sadd.s32 s0, s31;
	s10 =	sadd.s32 s10, s7;
	[dreg:$0x14] =	wrdreg s21  }
0x14: {  	s0 =	sadd.s32 s0, s16;
	s7 =	sshrl.u32 s7, $0x3;
	[dreg:$0x4] =	wrdreg s23  }
0x15: {  	s15 =	sadd.s32 s16, s22;
	s13 =	sadd.s32 s31, s22;
	[dreg:$0x5] =	wrdreg s0  }
0x16: {  	s10 =	sshrl.u32 s10, $0x3;
	s0 =	sshrl.u32 s26, $0x3;
	[dreg:$0x15] =	wrdreg s15  }
0x17: {  	s19 =	sor.u32 $0x600, s14;
	s21 =	simm.s32 $0x500;
	[dreg:$0x16] =	wrdreg s13  }
0x18: {  	s22 =	sor.u32 $0x9C00, s14;
	s26 =	sor.u32 $0x6000, s12;
	[dreg:$0xc] =	wrdreg s21  }
0x19: {  	s13 =	sshrl.u32 s24, $0x3;
	s10 =	sadd.s32 s2, s10;
	[smem:$0x7FC] =	sst s26  }
0x1a: {  	s2 =	sadd.s32 s2, s7;
	s25 =	sadd.s32 s13, s31;
	[dreg:$0x17] =	wrdreg s10  }
0x1b: {  	s15 =	sor.u32 $0x400, s14;
	s30 =	sadd.s32 s13, s16;
	[dreg:$0x6] =	wrdreg s25  }
0x1c: {  	s21 =	simm.s32 $0xA;
	s10 =	sadd.s32 s0, s31;
	[dreg:$0x7] =	wrdreg s30  }
0x1d: {  	s26 =	simm.s32 $0x3;
	s5 =	sadd.s32 s16, s15;
	[dreg:$0x8] =	wrdreg s10  }
0x1e: {  	s14 =	simm.s32 $0x6;
	s0 =	sadd.s32 s0, s16;
	[dreg:$0x18] =	wrdreg s5  }
0x1f: {  	s13 =	smov.u32 s16;
	s17 =	sadd.s32 s31, s15;
	[dreg:$0x9] =	wrdreg s0  }
0x20: {  	s24 =	sadd.s32 $0x27000, s2;
	s16 =	sadd.s32 s18, s13;
	[dreg:$0x19] =	wrdreg s17  }
0x21: {  	s18 =	sadd.s32 s18, s31;
	s20 =	sadd.s32 s13, s19;
	[dreg:$0x1e] =	wrdreg s24  }
0x22: {  	s23 =	sadd.s32 s13, s22;
	s25 =	smax.u32 s9, $0x1;
	[dreg:$0x1a] =	wrdreg s20  }
0x23: {  	s30 =	sadd.s32 $0x138000, s1;
	s9 =	simm.s32 $0x9;
	[dreg:$0x1c] =	wrdreg s23  }
0x24: {  	s17 =	simm.s32 $0x1;
	s24 =	simm.s32 $0xB;
	[dreg:$0x1f] =	wrdreg s25  }
0x25: {  	s10 =	simm.s32 $0xC;
	s0 =	sadd.s32 s11, s16;
	[smem:$0x7FD] =	sst s30  }
0x26: {  	s5 =	simm.s32 $0x0;
	s7 =	sadd.s32 s11, s18;
	[dreg:$0xa] =	wrdreg s0  }
0x27: {  	s16 =	simm.s32 $0x8600;
	[dreg:$0xb] =	wrdreg s7;
	s0 =	sadd.s32 s31, s19  }
0x28: {  	s20 =	simm.s32 $0x4;
	[dreg:$0x1b] =	wrdreg s0;
	s0 =	sadd.s32 s31, s22  }
0x29: {  	s23 =	simm.s32 $0x5;
	s22 =	simm.s32 $0x2;
	[dreg:$0x1d] =	wrdreg s0  }
.LBB2_1:
0x2a: {  	[smem:$0x7F9] =	sst s5  }
0x2b: {  	s0 =	rddreg [dreg:$0xe]  }
0x2c: {  	s18 =	rddreg [dreg:$0xf]  }
0x2d: {  	s2 =	rddreg [dreg:$0x11];
	s15 =	sshrl.u32 s0, $0x3  }
0x2e: {  	[smem:$0x7FA] =	sst s15  }
0x2f: {  	[spmem:s15], [sflag:s2] =	dma.local [hbm:s18], $0x2700  }
0x30: {  	s0 =	sld [smem:$0x7FD];
	_ =	sdelay $0x2  }
0x31: {  	s5 =	sshrl.u32 @!p0 s0, $0x3;
	s0 =	rddreg [dreg:$0x12]  }
0x32: {  	[smem:$0x7FB] =	sst s5  }
0x33: {  	[spmem:s5], [sflag:s2] =	dma.local @!p0 [hbm:s0], $0x100  }
0x34: {  	s0 =	rddreg [dreg:$0x13]  }
0x35: {  	[tilespmem:s3], [sflag:$0x7] =	stream.linear.gather [hbm4b:s0+s3], $0x80, $0x38;
	[tilespmem:$0x1FE80] =	vst v63  }
0x36: {  	s5 =	simm.s32 $0x300;
	s19 =	rddreg [dreg:$0x14]  }
0x37: {  	[tilespmem:s5], [sflag:$0x7] =	stream.linear.gather [hbm4b:s19+s3], $0x80, $0x38;
	[tilespmem:$0x1FE80] =	vst v63  }
0x38: {  	s25 =	rddreg [dreg:$0x15]  }
0x39: {  	[tilespmem:s29], [sflag:$0x8] =	stream.linear.gather [hbm4b:s25+s3], $0x80, $0x38;
	[tilespmem:$0x1FE80] =	vst v63  }
0x3a: {  	s6 =	simm.s32 $0x380;
	s2 =	rddreg [dreg:$0x16]  }
0x3b: {  	[tilespmem:s6], [sflag:$0x8] =	stream.linear.gather [hbm4b:s2+s3], $0x80, $0x38;
	[tilespmem:$0x1FE80] =	vst v63  }
0x3c: {  	s15 =	simm.s32 $0x100;
	s7 =	rddreg [dreg:$0x18]  }
0x3d: {  	[tilespmem:s15], [sflag:$0x9] =	stream.linear.gather [hbm4b:s7+s3], $0x80, $0x38;
	[tilespmem:$0x1FE80] =	vst v63  }
0x3e: {  	s18 =	simm.s32 $0x400;
	s8 =	rddreg [dreg:$0x19]  }
0x3f: {  	[tilespmem:s18], [sflag:$0x9] =	stream.linear.gather [hbm4b:s8+s3], $0x80, $0x38;
	[tilespmem:$0x1FE80] =	vst v63  }
0x40: {  	s11 =	rddreg [dreg:$0x1a];
	s25 =	simm.s32 $0x180  }
0x41: {  	[tilespmem:s25], [sflag:$0xA] =	stream.linear.gather [hbm4b:s11+s3], $0x80, $0x38;
	[tilespmem:$0x1FE80] =	vst v63  }
0x42: {  	s12 =	rddreg [dreg:$0x1b];
	s19 =	simm.s32 $0x480;
	s2 =	simm.s32 $0x7  }
0x43: {  	[tilespmem:s19], [sflag:$0xA] =	stream.linear.gather [hbm4b:s12+s3], $0x80, $0x38;
	[tilespmem:$0x1FE80] =	vst v63  }
0x44: {  	_ =	swait.ge [sflag:s2], $0x80  }
0x45: {  	[sflag:s2] =	ssyncset.done $0x0  }
0x46: {  	[sflag:s2] =	ssyncadd.s32 $0xFFFFFF80  }
0x47: {  	_ =	swait.ge [sflag:s2], $0x80  }
0x48: {  	[sflag:s2] =	ssyncset.done $0x0  }
0x49: {  	s7 =	simm.s32 $0x8;
	s19 =	simm.s32 $0x600;
	[sflag:s2] =	ssyncadd.s32 $0xFFFFFF80  }
0x4a: {  	[tilespmem:s19], [sflag:$0x1] =	stream.indirect.gather [hbm4b:s4+s29], $0x80, s3, s29, $0xb8;
	[tilespmem:$0x1FE80] =	vst v63  }
0x4b: {  	_ =	swait.ge [sflag:s7], $0x80  }
0x4c: {  	[sflag:s7] =	ssyncset.done $0x0  }
0x4d: {  	[sflag:s7] =	ssyncadd.s32 $0xFFFFFF80  }
0x4e: {  	_ =	swait.ge [sflag:s7], $0x80  }
0x4f: {  	[sflag:s7] =	ssyncset.done $0x0  }
0x50: {  	s30 =	simm.s32 $0x4600;
	s8 =	simm.s32 $0xD;
	[sflag:s7] =	ssyncadd.s32 $0xFFFFFF80  }
0x51: {  	[tilespmem:s30], [sflag:$0x2] =	stream.indirect.gather [hbm4b:s4+s29], $0x80, s29, s29, $0xb8;
	[tilespmem:$0x1FE80] =	vst v63  }
0x52: {  	_ =	swait.ge [sflag:s8], $0x2700  }
0x53: {  	[sflag:s8] =	ssyncset.done $0x0  }
0x54: {  	s0 =	simm.s32 @!p0 $0xD;
	[sflag:s8] =	ssyncadd.s32 $0xFFFFD900  }
0x55: {  	_ =	swait.ge @!p0 [sflag:s0], $0x100  }
0x56: {  	[sflag:s0] =	ssyncset.done @!p0 $0x0  }
0x57: {  	[sflag:s0] =	ssyncadd.s32 @!p0 $0xFFFFFF00  }
0x58: {  	[bflag:$0x0] =	sbarrier.arrive $0xFFFF  }
0x59: {  	s11 =	rddreg [dreg:$0xa]  }
0x5a: {  	p2 =	por $0x1, $0x1;
	s12 =	rddreg [dreg:$0xb];
	s0 =	sadd.s32 $0x0, s11  }
0x5b: {  	s2 =	sadd.s32 $0x0, s12;
	s11 =	simm.s32 $0x200;
	s8 =	sadd.s32 $0x800, s0  }
0x5c: {  	[tilespmem:s11], [sflag:$0xB] =	stream.linear.gather [hbm4b:s8+s3], $0x80, $0x38;
	[tilespmem:$0x1FE80] =	vst v63  }
0x5d: {  	s7 =	rddreg [dreg:$0xc];
	s12 =	simm.s32 @!p2 $0x6;
	s8 =	sadd.s32 $0x800, s2  }
0x5e: {  	[tilespmem:s7], [sflag:$0xB] =	stream.linear.gather [hbm4b:s8+s3], $0x80, $0x38;
	[tilespmem:$0x1FE80] =	vst v63  }
0x5f: {  	_ =	swait.ge @!p2 [sflag:s12], $0x4000  }
0x60: {  	[sflag:s12] =	ssyncset.done @!p2 $0x0  }
0x61: {  	[sflag:s12] =	ssyncadd.s32 @!p2 $0xFFFFC000  }
0x62: {  	_ =	swait.ge [sflag:s9], $0x80  }
0x63: {  	[sflag:s9] =	ssyncset.done $0x0  }
0x64: {  	[sflag:s9] =	ssyncadd.s32 $0xFFFFFF80  }
0x65: {  	_ =	swait.ge [sflag:s9], $0x80  }
0x66: {  	[sflag:s9] =	ssyncset.done $0x0  }
0x67: {  	[sflag:s9] =	ssyncadd.s32 $0xFFFFFF80  }
0x68: {  	[tilespmem:s16], [sflag:$0x3] =	stream.indirect.gather [hbm4b:s4+s29], $0x80, s15, s29, $0xb8;
	[tilespmem:$0x1FE80] =	vst v63  }
0x69: {  	_ =	swait.ge [sflag:s17], $0x4000  }
0x6a: {  	[sflag:s17] =	ssyncset.done $0x0  }
0x6b: {  	[sflag:s17] =	ssyncadd.s32 $0xFFFFC000  }
0x6c: {  	[spmem:s1] =	stream.indirect.scatter.add.f32 [tilespmem:s19], [sflag:$0x4], $0x80, s5, s29, $0xb8;
	[tilespmem:$0x1FE80] =	vst v63  }
0x6d: {  	s0 =	sadd.s32 $0xA00, s0;
	s12 =	simm.s32 $0x280  }
0x6e: {  	[tilespmem:s12], [sflag:$0xC] =	stream.linear.gather [hbm4b:s0+s3], $0x80, $0x38;
	[tilespmem:$0x1FE80] =	vst v63  }
0x6f: {  	s15 =	sadd.s32 $0xA00, s2  }
0x70: {  	[tilespmem:s28], [sflag:$0xC] =	stream.linear.gather [hbm4b:s15+s3], $0x80, $0x38;
	[tilespmem:$0x1FE80] =	vst v63  }
0x71: {  	_ =	swait.ge [sflag:s20], $0x4000  }
0x72: {  	[sflag:s20] =	ssyncset.done $0x0  }
0x73: {  	[sflag:s20] =	ssyncadd.s32 $0xFFFFC000  }
0x74: {  	_ =	swait.ge [sflag:s21], $0x80  }
0x75: {  	[sflag:s21] =	ssyncset.done $0x0  }
0x76: {  	[sflag:s21] =	ssyncadd.s32 $0xFFFFFF80  }
0x77: {  	_ =	swait.ge [sflag:s21], $0x80  }
0x78: {  	[sflag:s21] =	ssyncset.done $0x0  }
0x79: {  	[sflag:s21] =	ssyncadd.s32 $0xFFFFFF80  }
0x7a: {  	[tilespmem:s19], [sflag:$0x1] =	stream.indirect.gather [hbm4b:s4+s29], $0x80, s25, s29, $0xb8;
	[tilespmem:$0x1FE80] =	vst v63  }
0x7b: {  	_ =	swait.ge [sflag:s22], $0x4000  }
0x7c: {  	[sflag:s22] =	ssyncset.done $0x0;
	s5 =	sld [smem:$0x7FC]  }
0x7d: {  	p3 =	por $0x0, $0x0;
	[sflag:s22] =	ssyncadd.s32 $0xFFFFC000  }
0x7e: {  	[spmem:s1] =	stream.indirect.scatter.add.f32 [tilespmem:s30], [sflag:$0x5], $0x80, s6, s29, $0xb8;
	[tilespmem:$0x1FE80] =	vst v63  }
0x7f: {  	p2 =	por p3, p3;
	s2 =	sshrl.u32 @!p3 s5, $0x3  }
0x80: {  	s0 =	simm.s32 @!p2 $0x0;
	s7 =	sadd.s32 @!p3 s13, s2  }
0x81: {  	[tilespmem:s0], [sflag:$0x7] =	stream.linear.gather @!p2 [hbm4b:s7+s0], $0x80, $0x38;
	[tilespmem:$0x1FE80] =	vst v63  }
0x82: {  	s2 =	sadd.s32 @!p3 s31, s2;
	s7 =	simm.s32 @!p2 $0x300  }
0x83: {  	[tilespmem:s7], [sflag:$0x7] =	stream.linear.gather @!p2 [hbm4b:s2+s0], $0x80, $0x38;
	[tilespmem:$0x1FE80] =	vst v63  }
0x84: {  	_ =	swait.ge [sflag:s23], $0x4000  }
0x85: {  	[sflag:s23] =	ssyncset.done $0x0  }
0x86: {  	[sflag:s23] =	ssyncadd.s32 $0xFFFFC000  }
0x87: {  	_ =	swait.ge [sflag:s24], $0x80  }
0x88: {  	[sflag:s24] =	ssyncset.done $0x0  }
0x89: {  	[sflag:s24] =	ssyncadd.s32 $0xFFFFFF80  }
0x8a: {  	_ =	swait.ge [sflag:s24], $0x80  }
0x8b: {  	[sflag:s24] =	ssyncset.done $0x0  }
0x8c: {  	[sflag:s24] =	ssyncadd.s32 $0xFFFFFF80  }
0x8d: {  	[tilespmem:s30], [sflag:$0x2] =	stream.indirect.gather [hbm4b:s4+s29], $0x80, s11, s29, $0xb8;
	[tilespmem:$0x1FE80] =	vst v63  }
0x8e: {  	_ =	swait.ge [sflag:s26], $0x4000  }
0x8f: {  	[sflag:s26] =	ssyncset.done $0x0  }
0x90: {  	s2 =	rddreg [dreg:$0x9];
	[sflag:s26] =	ssyncadd.s32 $0xFFFFC000  }
0x91: {  	[spmem:s1] =	stream.indirect.scatter.add.f32 [tilespmem:s16], [sflag:$0x6], $0x80, s18, s29, $0xb8;
	[tilespmem:$0x1FE80] =	vst v63  }
0x92: {  	s7 =	rddreg [dreg:$0x8];
	s8 =	sadd.s32 @!p2 $0x0, s2;
	s2 =	simm.s32 @!p2 $0x80  }
0x93: {  	[tilespmem:s2], [sflag:$0x8] =	stream.linear.gather @!p2 [hbm4b:s8+s0], $0x80, $0x38;
	[tilespmem:$0x1FE80] =	vst v63  }
0x94: {  	s7 =	sadd.s32 @!p2 $0x0, s7;
	s8 =	simm.s32 @!p2 $0x380  }
0x95: {  	[tilespmem:s8], [sflag:$0x8] =	stream.linear.gather @!p2 [hbm4b:s7+s0], $0x80, $0x38;
	[tilespmem:$0x1FE80] =	vst v63  }
0x96: {  	_ =	swait.ge [sflag:s14], $0x4000  }
0x97: {  	[sflag:s14] =	ssyncset.done $0x0  }
0x98: {  	[sflag:s14] =	ssyncadd.s32 $0xFFFFC000  }
0x99: {  	_ =	swait.ge [sflag:s10], $0x80  }
0x9a: {  	[sflag:s10] =	ssyncset.done $0x0  }
0x9b: {  	[sflag:s10] =	ssyncadd.s32 $0xFFFFFF80  }
0x9c: {  	_ =	swait.ge [sflag:s10], $0x80  }
0x9d: {  	[sflag:s10] =	ssyncset.done $0x0  }
0x9e: {  	[sflag:s10] =	ssyncadd.s32 $0xFFFFFF80  }
0x9f: {  	[tilespmem:s16], [sflag:$0x3] =	stream.indirect.gather [hbm4b:s4+s29], $0x80, s12, s29, $0xb8;
	[tilespmem:$0x1FE80] =	vst v63  }
0xa0: {  	_ =	swait.ge [sflag:s17], $0x4000  }
0xa1: {  	[sflag:s17] =	ssyncset.done $0x0  }
0xa2: {  	s25 =	simm.s32 $0x480;
	s7 =	simm.s32 @p2 $0x2;
	[sflag:s17] =	ssyncadd.s32 $0xFFFFC000  }
0xa3: {  	[spmem:s1] =	stream.indirect.scatter.add.f32 [tilespmem:s19], [sflag:$0x4], $0x80, s25, s29, $0xb8;
	[tilespmem:$0x1FE80] =	vst v63  }
0xa4: {  	_ =	swait.ge @p2 [sflag:s7], $0x4000  }
0xa5: {  	s8 =	simm.s32 @p2 $0x4600;
	s12 =	simm.s32 @p2 $0x500;
	[sflag:s7] =	ssyncset.done @p2 $0x0  }
0xa6: {  	s25 =	rddreg [dreg:$0x7];
	[sflag:s7] =	ssyncadd.s32 @p2 $0xFFFFC000;
	s7 =	simm.s32 @p2 $0x80  }
0xa7: {  	[spmem:s1] =	stream.indirect.scatter.add.f32 @p2 [tilespmem:s8], [sflag:$0x5], $0x80, s12, s7, $0xb8;
	[tilespmem:$0x1FE80] =	vst v63  }
0xa8: {  	s7 =	rddreg [dreg:$0x6];
	s8 =	sadd.s32 @!p2 $0x0, s25;
	s12 =	simm.s32 @!p2 $0x100  }
0xa9: {  	[tilespmem:s12], [sflag:$0x9] =	stream.linear.gather @!p2 [hbm4b:s8+s0], $0x80, $0x38;
	[tilespmem:$0x1FE80] =	vst v63  }
0xaa: {  	s7 =	sadd.s32 @!p2 $0x0, s7;
	s8 =	simm.s32 @!p2 $0x400;
	s12 =	simm.s32 @!p2 $0x4  }
0xab: {  	[tilespmem:s8], [sflag:$0x9] =	stream.linear.gather @!p2 [hbm4b:s7+s0], $0x80, $0x38;
	[tilespmem:$0x1FE80] =	vst v63  }
0xac: {  	_ =	swait.ge @!p2 [sflag:s12], $0x4000  }
0xad: {  	[sflag:s12] =	ssyncset.done @!p2 $0x0  }
0xae: {  	s7 =	simm.s32 @!p2 $0x7;
	[sflag:s12] =	ssyncadd.s32 @!p2 $0xFFFFC000  }
0xaf: {  	_ =	swait.ge @!p2 [sflag:s7], $0x80  }
0xb0: {  	[sflag:s7] =	ssyncset.done @!p2 $0x0  }
0xb1: {  	[sflag:s7] =	ssyncadd.s32 @!p2 $0xFFFFFF80  }
0xb2: {  	_ =	swait.ge @!p2 [sflag:s7], $0x80  }
0xb3: {  	[sflag:s7] =	ssyncset.done @!p2 $0x0  }
0xb4: {  	s8 =	simm.s32 @!p2 $0x2;
	[sflag:s7] =	ssyncadd.s32 @!p2 $0xFFFFFF80;
	s7 =	simm.s32 @!p2 $0x600  }
0xb5: {  	[tilespmem:s7], [sflag:$0x1] =	stream.indirect.gather @!p2 [hbm4b:s4+s2], $0x80, s0, s2, $0xb8;
	[tilespmem:$0x1FE80] =	vst v63  }
0xb6: {  	_ =	swait.ge @!p2 [sflag:s8], $0x4000  }
0xb7: {  	s7 =	simm.s32 @!p2 $0x4600;
	[sflag:s8] =	ssyncset.done @!p2 $0x0  }
0xb8: {  	s12 =	rddreg [dreg:$0x5];
	[sflag:s8] =	ssyncadd.s32 @!p2 $0xFFFFC000;
	s8 =	simm.s32 @!p2 $0x500  }
0xb9: {  	[spmem:s1] =	stream.indirect.scatter.add.f32 @!p2 [tilespmem:s7], [sflag:$0x5], $0x80, s8, s2, $0xb8;
	[tilespmem:$0x1FE80] =	vst v63  }
0xba: {  	s25 =	rddreg [dreg:$0x4];
	s8 =	sadd.s32 @!p2 $0x0, s12;
	s12 =	simm.s32 @!p2 $0x180  }
0xbb: {  	[tilespmem:s12], [sflag:$0xA] =	stream.linear.gather @!p2 [hbm4b:s8+s0], $0x80, $0x38;
	[tilespmem:$0x1FE80] =	vst v63  }
0xbc: {  	s8 =	sadd.s32 @!p2 $0x0, s25;
	s12 =	simm.s32 @!p2 $0x480  }
0xbd: {  	[tilespmem:s12], [sflag:$0xA] =	stream.linear.gather @!p2 [hbm4b:s8+s0], $0x80, $0x38;
	[tilespmem:$0x1FE80] =	vst v63  }
0xbe: {  	s0 =	simm.s32 @!p2 $0x5  }
0xbf: {  	_ =	swait.ge @!p2 [sflag:s0], $0x4000  }
0xc0: {  	[sflag:s0] =	ssyncset.done @!p2 $0x0  }
0xc1: {  	[sflag:s0] =	ssyncadd.s32 @!p2 $0xFFFFC000;
	s0 =	simm.s32 @!p2 $0x8  }
0xc2: {  	_ =	swait.ge @!p2 [sflag:s0], $0x80  }
0xc3: {  	[sflag:s0] =	ssyncset.done @!p2 $0x0  }
0xc4: {  	[sflag:s0] =	ssyncadd.s32 @!p2 $0xFFFFFF80  }
0xc5: {  	_ =	swait.ge @!p2 [sflag:s0], $0x80  }
0xc6: {  	p3 =	por $0x0, $0x0;
	s30 =	sadd.s32 $0x6000, s5;
	[sflag:s0] =	ssyncset.done @!p2 $0x0  }
0xc7: {  	s28 =	simm.s32 $0x1800;
	[sflag:s0] =	ssyncadd.s32 @!p2 $0xFFFFFF80;
	s0 =	sshrl.u32 @!p3 s30, $0x3  }
0xc8: {  	[tilespmem:s7], [sflag:$0x2] =	stream.indirect.gather @!p2 [hbm4b:s4+s2], $0x80, s2, s2, $0xb8;
	[tilespmem:$0x1FE80] =	vst v63  }
0xc9: {  	s8 =	simm.s32 $0xC00;
	s30 =	sadd.s32 $0x6000, s30;
	s12 =	sadd.s32 @!p3 s13, s0  }
0xca: {  	s25 =	sadd.s32 @!p3 s31, s0;
	p2 =	por p3, p3;
	_ =	swait.ge [sflag:s26], $0x4000  }
.LBB2_2:
0xcb: {  	p3 =	seq.s32 s28, $0x9000;
	s0 =	rddreg [dreg:$0xa]  }
0xcc: {  	[sflag:s26] =	ssyncset.done $0x0;
	s5 =	rddreg [dreg:$0xb];
	s19 =	simm.s32 $0x580  }
0xcd: {  	s6 =	rddreg [dreg:$0xc];
	s18 =	smov.u32 s13;
	p5 =	seq.s32 s8, $0x0  }
0xce: {  	s11 =	simm.s32 $0x200;
	[sflag:s26] =	ssyncadd.s32 $0xFFFFC000;
	s0 =	sadd.s32 s8, s0  }
0xcf: {  	[spmem:s1] =	stream.indirect.scatter.add.f32 [tilespmem:s16], [sflag:$0x6], $0x80, s19, s29, $0xb8;
	[tilespmem:$0x1FE80] =	vst v63  }
0xd0: {  	s7 =	sshrl.u32 @!p3 s30, $0x3;
	s5 =	sadd.s32 s8, s5;
	s15 =	sadd.s32 $0x800, s0  }
0xd1: {  	[tilespmem:s11], [sflag:$0xB] =	stream.linear.gather [hbm4b:s15+s3], $0x80, $0x38;
	[tilespmem:$0x1FE80] =	vst v63  }
0xd2: {  	s2 =	sadd.s32 @!p3 s13, s7;
	s13 =	sadd.s32 $0x800, s5;
	s15 =	simm.s32 @!p5 $0x6  }
0xd3: {  	[tilespmem:s6], [sflag:$0xB] =	stream.linear.gather [hbm4b:s13+s3], $0x80, $0x38;
	[tilespmem:$0x1FE80] =	vst v63  }
0xd4: {  	s6 =	rddreg [dreg:$0xd];
	_ =	swait.ge @!p5 [sflag:s15], $0x4000  }
0xd5: {  	[sflag:s15] =	ssyncset.done @!p5 $0x0  }
0xd6: {  	[sflag:s15] =	ssyncadd.s32 @!p5 $0xFFFFC000  }
0xd7: {  	_ =	swait.ge [sflag:s9], $0x80  }
0xd8: {  	[sflag:s9] =	ssyncset.done $0x0  }
0xd9: {  	[sflag:s9] =	ssyncadd.s32 $0xFFFFFF80  }
0xda: {  	_ =	swait.ge [sflag:s9], $0x80  }
0xdb: {  	[sflag:s9] =	ssyncset.done $0x0  }
0xdc: {  	s15 =	simm.s32 $0x100;
	[sflag:s9] =	ssyncadd.s32 $0xFFFFFF80  }
0xdd: {  	[tilespmem:s16], [sflag:$0x3] =	stream.indirect.gather [hbm4b:s4+s29], $0x80, s15, s29, $0xb8;
	[tilespmem:$0x1FE80] =	vst v63  }
0xde: {  	_ =	swait.ge [sflag:s17], $0x4000  }
0xdf: {  	[sflag:s17] =	ssyncset.done $0x0  }
0xe0: {  	s13 =	simm.s32 $0x300;
	s15 =	simm.s32 $0x600;
	[sflag:s17] =	ssyncadd.s32 $0xFFFFC000  }
0xe1: {  	[spmem:s1] =	stream.indirect.scatter.add.f32 [tilespmem:s15], [sflag:$0x4], $0x80, s13, s29, $0xb8;
	[tilespmem:$0x1FE80] =	vst v63  }
0xe2: {  	s0 =	sadd.s32 $0xA00, s0;
	s13 =	simm.s32 $0x280  }
0xe3: {  	[tilespmem:s13], [sflag:$0xC] =	stream.linear.gather [hbm4b:s0+s3], $0x80, $0x38;
	[tilespmem:$0x1FE80] =	vst v63  }
0xe4: {  	s5 =	sadd.s32 $0xA00, s5  }
0xe5: {  	[tilespmem:s19], [sflag:$0xC] =	stream.linear.gather [hbm4b:s5+s3], $0x80, $0x38;
	[tilespmem:$0x1FE80] =	vst v63  }
0xe6: {  	_ =	swait.ge [sflag:s20], $0x4000  }
0xe7: {  	[sflag:s20] =	ssyncset.done $0x0  }
0xe8: {  	[sflag:s20] =	ssyncadd.s32 $0xFFFFC000  }
0xe9: {  	_ =	swait.ge [sflag:s21], $0x80  }
0xea: {  	[sflag:s21] =	ssyncset.done $0x0  }
0xeb: {  	[sflag:s21] =	ssyncadd.s32 $0xFFFFFF80  }
0xec: {  	_ =	swait.ge [sflag:s21], $0x80  }
0xed: {  	[sflag:s21] =	ssyncset.done $0x0  }
0xee: {  	s5 =	simm.s32 $0x180;
	[sflag:s21] =	ssyncadd.s32 $0xFFFFFF80  }
0xef: {  	[tilespmem:s15], [sflag:$0x1] =	stream.indirect.gather [hbm4b:s4+s29], $0x80, s5, s29, $0xb8;
	[tilespmem:$0x1FE80] =	vst v63  }
0xf0: {  	_ =	swait.ge [sflag:s22], $0x4000  }
0xf1: {  	s7 =	sadd.s32 @!p3 s6, s7;
	[sflag:s22] =	ssyncset.done $0x0  }
0xf2: {  	s6 =	simm.s32 $0x380;
	s19 =	simm.s32 $0x4600;
	[sflag:s22] =	ssyncadd.s32 $0xFFFFC000  }
0xf3: {  	[spmem:s1] =	stream.indirect.scatter.add.f32 [tilespmem:s19], [sflag:$0x5], $0x80, s6, s29, $0xb8;
	[tilespmem:$0x1FE80] =	vst v63  }
0xf4: {  	s0 =	simm.s32 @!p2 $0x0  }
0xf5: {  	[tilespmem:s0], [sflag:$0x7] =	stream.linear.gather @!p2 [hbm4b:s12+s0], $0x80, $0x38;
	[tilespmem:$0x1FE80] =	vst v63  }
0xf6: {  	s5 =	simm.s32 @!p2 $0x300  }
0xf7: {  	[tilespmem:s5], [sflag:$0x7] =	stream.linear.gather @!p2 [hbm4b:s25+s0], $0x80, $0x38;
	[tilespmem:$0x1FE80] =	vst v63  }
0xf8: {  	_ =	swait.ge [sflag:s23], $0x4000  }
0xf9: {  	[sflag:s23] =	ssyncset.done $0x0  }
0xfa: {  	[sflag:s23] =	ssyncadd.s32 $0xFFFFC000  }
0xfb: {  	_ =	swait.ge [sflag:s24], $0x80  }
0xfc: {  	[sflag:s24] =	ssyncset.done $0x0  }
0xfd: {  	[sflag:s24] =	ssyncadd.s32 $0xFFFFFF80  }
0xfe: {  	_ =	swait.ge [sflag:s24], $0x80  }
0xff: {  	[sflag:s24] =	ssyncset.done $0x0  }
0x100: {  	[sflag:s24] =	ssyncadd.s32 $0xFFFFFF80  }
0x101: {  	[tilespmem:s19], [sflag:$0x2] =	stream.indirect.gather [hbm4b:s4+s29], $0x80, s11, s29, $0xb8;
	[tilespmem:$0x1FE80] =	vst v63  }
0x102: {  	_ =	swait.ge [sflag:s26], $0x4000  }
0x103: {  	s12 =	smov.u32 s2;
	[sflag:s26] =	ssyncset.done $0x0  }
0x104: {  	s11 =	simm.s32 $0x400;
	s2 =	rddreg [dreg:$0x9];
	[sflag:s26] =	ssyncadd.s32 $0xFFFFC000  }
0x105: {  	[spmem:s1] =	stream.indirect.scatter.add.f32 [tilespmem:s16], [sflag:$0x6], $0x80, s11, s29, $0xb8;
	[tilespmem:$0x1FE80] =	vst v63  }
0x106: {  	s5 =	rddreg [dreg:$0x8];
	s6 =	sadd.s32 @!p2 s8, s2;
	s2 =	simm.s32 @!p2 $0x80  }
0x107: {  	[tilespmem:s2], [sflag:$0x8] =	stream.linear.gather @!p2 [hbm4b:s6+s0], $0x80, $0x38;
	[tilespmem:$0x1FE80] =	vst v63  }
0x108: {  	s5 =	sadd.s32 @!p2 s8, s5;
	s6 =	simm.s32 @!p2 $0x380  }
0x109: {  	[tilespmem:s6], [sflag:$0x8] =	stream.linear.gather @!p2 [hbm4b:s5+s0], $0x80, $0x38;
	[tilespmem:$0x1FE80] =	vst v63  }
0x10a: {  	_ =	swait.ge [sflag:s14], $0x4000  }
0x10b: {  	[sflag:s14] =	ssyncset.done $0x0  }
0x10c: {  	[sflag:s14] =	ssyncadd.s32 $0xFFFFC000  }
0x10d: {  	_ =	swait.ge [sflag:s10], $0x80  }
0x10e: {  	[sflag:s10] =	ssyncset.done $0x0  }
0x10f: {  	[sflag:s10] =	ssyncadd.s32 $0xFFFFFF80  }
0x110: {  	_ =	swait.ge [sflag:s10], $0x80  }
0x111: {  	[sflag:s10] =	ssyncset.done $0x0  }
0x112: {  	[sflag:s10] =	ssyncadd.s32 $0xFFFFFF80  }
0x113: {  	[tilespmem:s16], [sflag:$0x3] =	stream.indirect.gather [hbm4b:s4+s29], $0x80, s13, s29, $0xb8;
	[tilespmem:$0x1FE80] =	vst v63  }
0x114: {  	_ =	swait.ge [sflag:s17], $0x4000  }
0x115: {  	[sflag:s17] =	ssyncset.done $0x0  }
0x116: {  	s19 =	simm.s32 $0x480;
	s5 =	simm.s32 @p2 $0x2;
	[sflag:s17] =	ssyncadd.s32 $0xFFFFC000  }
0x117: {  	[spmem:s1] =	stream.indirect.scatter.add.f32 [tilespmem:s15], [sflag:$0x4], $0x80, s19, s29, $0xb8;
	[tilespmem:$0x1FE80] =	vst v63  }
0x118: {  	s25 =	smov.u32 s7;
	_ =	swait.ge @p2 [sflag:s5], $0x4000  }
0x119: {  	s7 =	simm.s32 @p2 $0x500;
	s6 =	simm.s32 @p2 $0x4600;
	[sflag:s5] =	ssyncset.done @p2 $0x0  }
0x11a: {  	s13 =	rddreg [dreg:$0x7];
	[sflag:s5] =	ssyncadd.s32 @p2 $0xFFFFC000;
	s5 =	simm.s32 @p2 $0x80  }
0x11b: {  	[spmem:s1] =	stream.indirect.scatter.add.f32 @p2 [tilespmem:s6], [sflag:$0x5], $0x80, s7, s5, $0xb8;
	[tilespmem:$0x1FE80] =	vst v63  }
0x11c: {  	s15 =	rddreg [dreg:$0x6];
	s5 =	sadd.s32 @!p2 s8, s13;
	s6 =	simm.s32 @!p2 $0x100  }
0x11d: {  	[tilespmem:s6], [sflag:$0x9] =	stream.linear.gather @!p2 [hbm4b:s5+s0], $0x80, $0x38;
	[tilespmem:$0x1FE80] =	vst v63  }
0x11e: {  	s7 =	simm.s32 @!p2 $0x4;
	s5 =	sadd.s32 @!p2 s8, s15;
	s6 =	simm.s32 @!p2 $0x400  }
0x11f: {  	[tilespmem:s6], [sflag:$0x9] =	stream.linear.gather @!p2 [hbm4b:s5+s0], $0x80, $0x38;
	[tilespmem:$0x1FE80] =	vst v63  }
0x120: {  	_ =	swait.ge @!p2 [sflag:s7], $0x4000  }
0x121: {  	[sflag:s7] =	ssyncset.done @!p2 $0x0  }
0x122: {  	s5 =	simm.s32 @!p2 $0x7;
	[sflag:s7] =	ssyncadd.s32 @!p2 $0xFFFFC000  }
0x123: {  	_ =	swait.ge @!p2 [sflag:s5], $0x80  }
0x124: {  	[sflag:s5] =	ssyncset.done @!p2 $0x0  }
0x125: {  	[sflag:s5] =	ssyncadd.s32 @!p2 $0xFFFFFF80  }
0x126: {  	_ =	swait.ge @!p2 [sflag:s5], $0x80  }
0x127: {  	[sflag:s5] =	ssyncset.done @!p2 $0x0  }
0x128: {  	s6 =	simm.s32 @!p2 $0x2;
	[sflag:s5] =	ssyncadd.s32 @!p2 $0xFFFFFF80;
	s5 =	simm.s32 @!p2 $0x600  }
0x129: {  	[tilespmem:s5], [sflag:$0x1] =	stream.indirect.gather @!p2 [hbm4b:s4+s2], $0x80, s0, s2, $0xb8;
	[tilespmem:$0x1FE80] =	vst v63  }
0x12a: {  	_ =	swait.ge @!p2 [sflag:s6], $0x4000  }
0x12b: {  	s5 =	simm.s32 @!p2 $0x4600;
	[sflag:s6] =	ssyncset.done @!p2 $0x0  }
0x12c: {  	s7 =	rddreg [dreg:$0x5];
	[sflag:s6] =	ssyncadd.s32 @!p2 $0xFFFFC000;
	s6 =	simm.s32 @!p2 $0x500  }
0x12d: {  	[spmem:s1] =	stream.indirect.scatter.add.f32 @!p2 [tilespmem:s5], [sflag:$0x5], $0x80, s6, s2, $0xb8;
	[tilespmem:$0x1FE80] =	vst v63  }
0x12e: {  	s13 =	rddreg [dreg:$0x4];
	s6 =	sadd.s32 @!p2 s8, s7;
	s7 =	simm.s32 @!p2 $0x180  }
0x12f: {  	[tilespmem:s7], [sflag:$0xA] =	stream.linear.gather @!p2 [hbm4b:s6+s0], $0x80, $0x38;
	[tilespmem:$0x1FE80] =	vst v63  }
0x130: {  	s6 =	sadd.s32 @!p2 s8, s13;
	s7 =	simm.s32 @!p2 $0x480;
	s13 =	simm.s32 @!p2 $0x5  }
0x131: {  	[tilespmem:s7], [sflag:$0xA] =	stream.linear.gather @!p2 [hbm4b:s6+s0], $0x80, $0x38;
	[tilespmem:$0x1FE80] =	vst v63  }
0x132: {  	_ =	swait.ge @!p2 [sflag:s13], $0x4000  }
0x133: {  	[sflag:s13] =	ssyncset.done @!p2 $0x0  }
0x134: {  	s0 =	simm.s32 @!p2 $0x8;
	[sflag:s13] =	ssyncadd.s32 @!p2 $0xFFFFC000  }
0x135: {  	_ =	swait.ge @!p2 [sflag:s0], $0x80  }
0x136: {  	s31 =	smov.u32 s28;
	s28 =	sadd.s32 $0xC00, s28;
	[sflag:s0] =	ssyncset.done @!p2 $0x0  }
0x137: {  	p4 =	sne.s32 s28, $0x9C00;
	[sflag:s0] =	ssyncadd.s32 @!p2 $0xFFFFFF80  }
.Ltmp0:
0x138: {  	_ =	swait.ge @!p2 [sflag:s0], $0x80;
	(pc) =	sbr.rel @p4 .LBB2_2-.Ltmp0, $4  }
0x139: {  	[sflag:s0] =	ssyncset.done @!p2 $0x0  }
0x13a: {  	s30 =	sadd.s32 $0x6000, s30;
	s8 =	smov.u32 s31;
	[sflag:s0] =	ssyncadd.s32 @!p2 $0xFFFFFF80  }
0x13b: {  	[tilespmem:s5], [sflag:$0x2] =	stream.indirect.gather @!p2 [hbm4b:s4+s2], $0x80, s2, s2, $0xb8;
	[tilespmem:$0x1FE80] =	vst v63  }
0x13c: {  	s13 =	smov.u32 s18;
	p2 =	por p3, p3;
	_ =	swait.ge [sflag:s26], $0x4000  }
0x13d: {  	s0 =	rddreg [dreg:$0xa]  }
0x13e: {  	[sflag:s26] =	ssyncset.done $0x0;
	s2 =	rddreg [dreg:$0xb]  }
0x13f: {  	s15 =	simm.s32 $0x580;
	[sflag:s26] =	ssyncadd.s32 $0xFFFFC000;
	s0 =	sadd.s32 s8, s0  }
0x140: {  	[spmem:s1] =	stream.indirect.scatter.add.f32 [tilespmem:s16], [sflag:$0x6], $0x80, s15, s29, $0xb8;
	[tilespmem:$0x1FE80] =	vst v63  }
0x141: {  	s7 =	simm.s32 $0x200;
	s2 =	sadd.s32 s8, s2;
	s6 =	sadd.s32 $0x800, s0  }
0x142: {  	[tilespmem:s7], [sflag:$0xB] =	stream.linear.gather [hbm4b:s6+s3], $0x80, $0x38;
	[tilespmem:$0x1FE80] =	vst v63  }
0x143: {  	s5 =	rddreg [dreg:$0xc];
	p3 =	seq.s32 s8, $0x0;
	s11 =	sadd.s32 $0x800, s2  }
0x144: {  	[tilespmem:s5], [sflag:$0xB] =	stream.linear.gather [hbm4b:s11+s3], $0x80, $0x38;
	[tilespmem:$0x1FE80] =	vst v63  }
0x145: {  	s5 =	simm.s32 @!p3 $0x6  }
0x146: {  	_ =	swait.ge @!p3 [sflag:s5], $0x4000  }
0x147: {  	[sflag:s5] =	ssyncset.done @!p3 $0x0  }
0x148: {  	[sflag:s5] =	ssyncadd.s32 @!p3 $0xFFFFC000  }
0x149: {  	_ =	swait.ge [sflag:s9], $0x80  }
0x14a: {  	[sflag:s9] =	ssyncset.done $0x0  }
0x14b: {  	[sflag:s9] =	ssyncadd.s32 $0xFFFFFF80  }
0x14c: {  	_ =	swait.ge [sflag:s9], $0x80  }
0x14d: {  	[sflag:s9] =	ssyncset.done $0x0  }
0x14e: {  	s18 =	simm.s32 $0x100;
	[sflag:s9] =	ssyncadd.s32 $0xFFFFFF80  }
0x14f: {  	[tilespmem:s16], [sflag:$0x3] =	stream.indirect.gather [hbm4b:s4+s29], $0x80, s18, s29, $0xb8;
	[tilespmem:$0x1FE80] =	vst v63  }
0x150: {  	_ =	swait.ge [sflag:s17], $0x4000  }
0x151: {  	[sflag:s17] =	ssyncset.done $0x0  }
0x152: {  	s19 =	simm.s32 $0x300;
	s18 =	simm.s32 $0x600;
	[sflag:s17] =	ssyncadd.s32 $0xFFFFC000  }
0x153: {  	[spmem:s1] =	stream.indirect.scatter.add.f32 [tilespmem:s18], [sflag:$0x4], $0x80, s19, s29, $0xb8;
	[tilespmem:$0x1FE80] =	vst v63  }
0x154: {  	s0 =	sadd.s32 $0xA00, s0;
	s11 =	simm.s32 $0x280  }
0x155: {  	[tilespmem:s11], [sflag:$0xC] =	stream.linear.gather [hbm4b:s0+s3], $0x80, $0x38;
	[tilespmem:$0x1FE80] =	vst v63  }
0x156: {  	s30 =	sadd.s32 $0xA00, s2  }
0x157: {  	[tilespmem:s15], [sflag:$0xC] =	stream.linear.gather [hbm4b:s30+s3], $0x80, $0x38;
	[tilespmem:$0x1FE80] =	vst v63  }
0x158: {  	_ =	swait.ge [sflag:s20], $0x4000  }
0x159: {  	[sflag:s20] =	ssyncset.done $0x0  }
0x15a: {  	[sflag:s20] =	ssyncadd.s32 $0xFFFFC000  }
0x15b: {  	_ =	swait.ge [sflag:s21], $0x80  }
0x15c: {  	[sflag:s21] =	ssyncset.done $0x0  }
0x15d: {  	[sflag:s21] =	ssyncadd.s32 $0xFFFFFF80  }
0x15e: {  	_ =	swait.ge [sflag:s21], $0x80  }
0x15f: {  	[sflag:s21] =	ssyncset.done $0x0  }
0x160: {  	s2 =	simm.s32 $0x180;
	[sflag:s21] =	ssyncadd.s32 $0xFFFFFF80  }
0x161: {  	[tilespmem:s18], [sflag:$0x1] =	stream.indirect.gather [hbm4b:s4+s29], $0x80, s2, s29, $0xb8;
	[tilespmem:$0x1FE80] =	vst v63  }
0x162: {  	_ =	swait.ge [sflag:s22], $0x4000  }
0x163: {  	[sflag:s22] =	ssyncset.done $0x0  }
0x164: {  	s6 =	simm.s32 $0x4600;
	s5 =	simm.s32 $0x380;
	[sflag:s22] =	ssyncadd.s32 $0xFFFFC000  }
0x165: {  	[spmem:s1] =	stream.indirect.scatter.add.f32 [tilespmem:s6], [sflag:$0x5], $0x80, s5, s29, $0xb8;
	[tilespmem:$0x1FE80] =	vst v63  }
0x166: {  	s0 =	simm.s32 @!p2 $0x0  }
0x167: {  	[tilespmem:s0], [sflag:$0x7] =	stream.linear.gather @!p2 [hbm4b:s12+s0], $0x80, $0x38;
	[tilespmem:$0x1FE80] =	vst v63  }
0x168: {  	s2 =	simm.s32 @!p2 $0x300  }
0x169: {  	[tilespmem:s2], [sflag:$0x7] =	stream.linear.gather @!p2 [hbm4b:s25+s0], $0x80, $0x38;
	[tilespmem:$0x1FE80] =	vst v63  }
0x16a: {  	_ =	swait.ge [sflag:s23], $0x4000  }
0x16b: {  	[sflag:s23] =	ssyncset.done $0x0  }
0x16c: {  	[sflag:s23] =	ssyncadd.s32 $0xFFFFC000  }
0x16d: {  	_ =	swait.ge [sflag:s24], $0x80  }
0x16e: {  	[sflag:s24] =	ssyncset.done $0x0  }
0x16f: {  	[sflag:s24] =	ssyncadd.s32 $0xFFFFFF80  }
0x170: {  	_ =	swait.ge [sflag:s24], $0x80  }
0x171: {  	[sflag:s24] =	ssyncset.done $0x0  }
0x172: {  	[sflag:s24] =	ssyncadd.s32 $0xFFFFFF80  }
0x173: {  	[tilespmem:s6], [sflag:$0x2] =	stream.indirect.gather [hbm4b:s4+s29], $0x80, s7, s29, $0xb8;
	[tilespmem:$0x1FE80] =	vst v63  }
0x174: {  	_ =	swait.ge [sflag:s26], $0x4000  }
0x175: {  	[sflag:s26] =	ssyncset.done $0x0  }
0x176: {  	s7 =	simm.s32 $0x400;
	s2 =	rddreg [dreg:$0x9];
	[sflag:s26] =	ssyncadd.s32 $0xFFFFC000  }
0x177: {  	[spmem:s1] =	stream.indirect.scatter.add.f32 [tilespmem:s16], [sflag:$0x6], $0x80, s7, s29, $0xb8;
	[tilespmem:$0x1FE80] =	vst v63  }
0x178: {  	s5 =	rddreg [dreg:$0x8];
	s6 =	sadd.s32 @!p2 s8, s2;
	s2 =	simm.s32 @!p2 $0x80  }
0x179: {  	[tilespmem:s2], [sflag:$0x8] =	stream.linear.gather @!p2 [hbm4b:s6+s0], $0x80, $0x38;
	[tilespmem:$0x1FE80] =	vst v63  }
0x17a: {  	s5 =	sadd.s32 @!p2 s8, s5;
	s6 =	simm.s32 @!p2 $0x380  }
0x17b: {  	[tilespmem:s6], [sflag:$0x8] =	stream.linear.gather @!p2 [hbm4b:s5+s0], $0x80, $0x38;
	[tilespmem:$0x1FE80] =	vst v63  }
0x17c: {  	_ =	swait.ge [sflag:s14], $0x4000  }
0x17d: {  	[sflag:s14] =	ssyncset.done $0x0  }
0x17e: {  	[sflag:s14] =	ssyncadd.s32 $0xFFFFC000  }
0x17f: {  	_ =	swait.ge [sflag:s10], $0x80  }
0x180: {  	[sflag:s10] =	ssyncset.done $0x0  }
0x181: {  	[sflag:s10] =	ssyncadd.s32 $0xFFFFFF80  }
0x182: {  	_ =	swait.ge [sflag:s10], $0x80  }
0x183: {  	[sflag:s10] =	ssyncset.done $0x0  }
0x184: {  	[sflag:s10] =	ssyncadd.s32 $0xFFFFFF80  }
0x185: {  	[tilespmem:s16], [sflag:$0x3] =	stream.indirect.gather [hbm4b:s4+s29], $0x80, s11, s29, $0xb8;
	[tilespmem:$0x1FE80] =	vst v63  }
0x186: {  	_ =	swait.ge [sflag:s17], $0x4000  }
0x187: {  	[sflag:s17] =	ssyncset.done $0x0  }
0x188: {  	s5 =	simm.s32 @p2 $0x2;
	s11 =	simm.s32 $0x480;
	[sflag:s17] =	ssyncadd.s32 $0xFFFFC000  }
0x189: {  	[spmem:s1] =	stream.indirect.scatter.add.f32 [tilespmem:s18], [sflag:$0x4], $0x80, s11, s29, $0xb8;
	[tilespmem:$0x1FE80] =	vst v63  }
0x18a: {  	_ =	swait.ge @p2 [sflag:s5], $0x4000  }
0x18b: {  	s7 =	simm.s32 @p2 $0x500;
	s6 =	simm.s32 @p2 $0x4600;
	[sflag:s5] =	ssyncset.done @p2 $0x0  }
0x18c: {  	s12 =	rddreg [dreg:$0x7];
	[sflag:s5] =	ssyncadd.s32 @p2 $0xFFFFC000;
	s5 =	simm.s32 @p2 $0x80  }
0x18d: {  	[spmem:s1] =	stream.indirect.scatter.add.f32 @p2 [tilespmem:s6], [sflag:$0x5], $0x80, s7, s5, $0xb8;
	[tilespmem:$0x1FE80] =	vst v63  }
0x18e: {  	s5 =	rddreg [dreg:$0x6];
	s6 =	sadd.s32 @!p2 s8, s12;
	s7 =	simm.s32 @!p2 $0x100  }
0x18f: {  	[tilespmem:s7], [sflag:$0x9] =	stream.linear.gather @!p2 [hbm4b:s6+s0], $0x80, $0x38;
	[tilespmem:$0x1FE80] =	vst v63  }
0x190: {  	s5 =	sadd.s32 @!p2 s8, s5;
	s6 =	simm.s32 @!p2 $0x400;
	s7 =	simm.s32 @!p2 $0x4  }
0x191: {  	[tilespmem:s6], [sflag:$0x9] =	stream.linear.gather @!p2 [hbm4b:s5+s0], $0x80, $0x38;
	[tilespmem:$0x1FE80] =	vst v63  }
0x192: {  	_ =	swait.ge @!p2 [sflag:s7], $0x4000  }
0x193: {  	[sflag:s7] =	ssyncset.done @!p2 $0x0  }
0x194: {  	s5 =	simm.s32 @!p2 $0x7;
	[sflag:s7] =	ssyncadd.s32 @!p2 $0xFFFFC000  }
0x195: {  	_ =	swait.ge @!p2 [sflag:s5], $0x80  }
0x196: {  	[sflag:s5] =	ssyncset.done @!p2 $0x0  }
0x197: {  	[sflag:s5] =	ssyncadd.s32 @!p2 $0xFFFFFF80  }
0x198: {  	_ =	swait.ge @!p2 [sflag:s5], $0x80  }
0x199: {  	[sflag:s5] =	ssyncset.done @!p2 $0x0  }
0x19a: {  	s6 =	simm.s32 @!p2 $0x2;
	[sflag:s5] =	ssyncadd.s32 @!p2 $0xFFFFFF80;
	s5 =	simm.s32 @!p2 $0x600  }
0x19b: {  	[tilespmem:s5], [sflag:$0x1] =	stream.indirect.gather @!p2 [hbm4b:s4+s2], $0x80, s0, s2, $0xb8;
	[tilespmem:$0x1FE80] =	vst v63  }
0x19c: {  	_ =	swait.ge @!p2 [sflag:s6], $0x4000  }
0x19d: {  	s5 =	simm.s32 @!p2 $0x4600;
	[sflag:s6] =	ssyncset.done @!p2 $0x0  }
0x19e: {  	s7 =	rddreg [dreg:$0x5];
	[sflag:s6] =	ssyncadd.s32 @!p2 $0xFFFFC000;
	s6 =	simm.s32 @!p2 $0x500  }
0x19f: {  	[spmem:s1] =	stream.indirect.scatter.add.f32 @!p2 [tilespmem:s5], [sflag:$0x5], $0x80, s6, s2, $0xb8;
	[tilespmem:$0x1FE80] =	vst v63  }
0x1a0: {  	s12 =	rddreg [dreg:$0x4];
	s6 =	sadd.s32 @!p2 s8, s7;
	s7 =	simm.s32 @!p2 $0x180  }
0x1a1: {  	[tilespmem:s7], [sflag:$0xA] =	stream.linear.gather @!p2 [hbm4b:s6+s0], $0x80, $0x38;
	[tilespmem:$0x1FE80] =	vst v63  }
0x1a2: {  	s6 =	sadd.s32 @!p2 s8, s12;
	s7 =	simm.s32 @!p2 $0x480  }
0x1a3: {  	[tilespmem:s7], [sflag:$0xA] =	stream.linear.gather @!p2 [hbm4b:s6+s0], $0x80, $0x38;
	[tilespmem:$0x1FE80] =	vst v63  }
0x1a4: {  	s0 =	simm.s32 @!p2 $0x5  }
0x1a5: {  	_ =	swait.ge @!p2 [sflag:s0], $0x4000  }
0x1a6: {  	[sflag:s0] =	ssyncset.done @!p2 $0x0  }
0x1a7: {  	[sflag:s0] =	ssyncadd.s32 @!p2 $0xFFFFC000;
	s0 =	simm.s32 @!p2 $0x8  }
0x1a8: {  	_ =	swait.ge @!p2 [sflag:s0], $0x80  }
0x1a9: {  	[sflag:s0] =	ssyncset.done @!p2 $0x0  }
0x1aa: {  	[sflag:s0] =	ssyncadd.s32 @!p2 $0xFFFFFF80  }
0x1ab: {  	_ =	swait.ge @!p2 [sflag:s0], $0x80  }
0x1ac: {  	[sflag:s0] =	ssyncset.done @!p2 $0x0  }
0x1ad: {  	[sflag:s0] =	ssyncadd.s32 @!p2 $0xFFFFFF80  }
0x1ae: {  	[tilespmem:s5], [sflag:$0x2] =	stream.indirect.gather @!p2 [hbm4b:s4+s2], $0x80, s2, s2, $0xb8;
	[tilespmem:$0x1FE80] =	vst v63  }
0x1af: {  	_ =	swait.ge [sflag:s26], $0x4000  }
0x1b0: {  	[sflag:s26] =	ssyncset.done $0x0  }
0x1b1: {  	[sflag:s26] =	ssyncadd.s32 $0xFFFFC000  }
0x1b2: {  	[spmem:s1] =	stream.indirect.scatter.add.f32 [tilespmem:s16], [sflag:$0x6], $0x80, s15, s29, $0xb8;
	[tilespmem:$0x1FE80] =	vst v63  }
0x1b3: {  	_ =	swait.ge [sflag:s20], $0x4000  }
0x1b4: {  	[sflag:s20] =	ssyncset.done $0x0  }
0x1b5: {  	[sflag:s20] =	ssyncadd.s32 $0xFFFFC000  }
0x1b6: {  	_ =	swait.ge [sflag:s23], $0x4000  }
0x1b7: {  	[sflag:s23] =	ssyncset.done $0x0  }
0x1b8: {  	[sflag:s23] =	ssyncadd.s32 $0xFFFFC000  }
0x1b9: {  	_ =	swait.ge [sflag:s14], $0x4000  }
0x1ba: {  	[sflag:s14] =	ssyncset.done $0x0  }
0x1bb: {  	s0 =	simm.s32 @!p1 $0x0;
	s2 =	rddreg [dreg:$0x1c];
	[sflag:s14] =	ssyncadd.s32 $0xFFFFC000  }
0x1bc: {  	[tilespmem:s0], [sflag:$0x7] =	stream.linear.gather @!p1 [hbm4b:s2+s0], $0x80, $0x38;
	[tilespmem:$0x1FE80] =	vst v63  }
0x1bd: {  	s5 =	rddreg [dreg:$0x1d];
	s2 =	simm.s32 @!p1 $0x300  }
0x1be: {  	[tilespmem:s2], [sflag:$0x7] =	stream.linear.gather @!p1 [hbm4b:s5+s0], $0x80, $0x38;
	[tilespmem:$0x1FE80] =	vst v63  }
0x1bf: {  	s5 =	simm.s32 @!p1 $0x7  }
0x1c0: {  	_ =	swait.ge @!p1 [sflag:s5], $0x80  }
0x1c1: {  	[sflag:s5] =	ssyncset.done @!p1 $0x0  }
0x1c2: {  	[sflag:s5] =	ssyncadd.s32 @!p1 $0xFFFFFF80  }
0x1c3: {  	_ =	swait.ge @!p1 [sflag:s5], $0x80  }
0x1c4: {  	[sflag:s5] =	ssyncset.done @!p1 $0x0  }
0x1c5: {  	s6 =	simm.s32 @!p1 $0x600;
	[sflag:s5] =	ssyncadd.s32 @!p1 $0xFFFFFF80;
	s5 =	simm.s32 @!p1 $0x80  }
0x1c6: {  	[tilespmem:s6], [sflag:$0x1] =	stream.indirect.gather @!p1 [hbm4b:s4+s5], $0x80, s0, s5, $0xb8;
	[tilespmem:$0x1FE80] =	vst v63  }
0x1c7: {  	s0 =	simm.s32 @!p1 $0x1  }
0x1c8: {  	_ =	swait.ge @!p1 [sflag:s0], $0x4000  }
0x1c9: {  	[sflag:s0] =	ssyncset.done @!p1 $0x0  }
0x1ca: {  	[sflag:s0] =	ssyncadd.s32 @!p1 $0xFFFFC000;
	s0 =	simm.s32 @!p1 $0xE  }
0x1cb: {  	[spmem:s1] =	stream.indirect.scatter.add.f32 @!p1 [tilespmem:s6], [sflag:$0xE], $0x80, s2, s5, $0xb8;
	[tilespmem:$0x1FE80] =	vst v63  }
0x1cc: {  	_ =	swait.ge @!p1 [sflag:s0], $0x4000  }
0x1cd: {  	[sflag:s0] =	ssyncset.done @!p1 $0x0  }
0x1ce: {  	[sflag:s0] =	ssyncadd.s32 @!p1 $0xFFFFC000  }
0x1cf: {  	[bflag:$0x0] =	sbarrier.arrive $0xFFFF  }
0x1d0: {  	s18 =	sld [smem:$0x7FA]  }
0x1d1: {  	s12 =	rddreg [dreg:$0x10]  }
0x1d2: {  	s19 =	simm.s32 $0xE;
	s15 =	rddreg [dreg:$0x17];
	s0 =	sor.u32 $0x1C0E, s12  }
0x1d3: {  	[hbm:s15], [sflag:s0] =	dma.local [spmem:s18], $0x2700  }
0x1d4: {  	_ =	swait.ge [sflag:s19], $0x2700  }
0x1d5: {  	s5 =	sld [smem:$0x7FB]  }
0x1d6: {  	[sflag:s19] =	ssyncset.done $0x0  }
0x1d7: {  	s2 =	rddreg [dreg:$0x1e];
	[sflag:s19] =	ssyncadd.s32 $0xFFFFD900  }
0x1d8: {  	[hbm:s2], [sflag:s0] =	dma.local @!p0 [spmem:s5], $0x100  }
0x1d9: {  	s0 =	simm.s32 @!p0 $0xE  }
0x1da: {  	_ =	swait.ge @!p0 [sflag:s0], $0x100  }
0x1db: {  	s25 =	sld [smem:$0x7F9];
	_ =	sdelay $0x2  }
0x1dc: {  	s30 =	rddreg [dreg:$0x1f];
	s5 =	sadd.s32 $0x1, s25  }
0x1dd: {  	p2 =	sne.s32 s5, s30  }
.Ltmp1:
0x1de: {  	_ = 	snop;
	(pc) =	sbr.rel @p2 .LBB2_1-.Ltmp1, $3  }
0x1df: {  	_ =	sdelay $0x1  }
0x1e0: {  	[sflag:s0] =	ssyncset.done @!p0 $0x0  }
0x1e1: {  	s28 =	simm.s32 $0x580;
	s31 =	rddreg [dreg:$0xd];
	[sflag:s0] =	ssyncadd.s32 @!p0 $0xFFFFFF00  }
0x1e2: {  	_ =	sfence.sel $0x180000  }
0x1e3: {  	[bflag:$0x0] =	sbarrier.arrive $0xFFFF  }
0x1e4: {  	_ =	strace $0x9000004A  }
0x1e5: {  	s0 =	stileid.u32;
	[bflag:$0x2] =	sbarrier.arrive $0xFFFF  }
0x1e6: {  	p0 =	sne.s32 s0, $0x0;
	s0 =	rddreg [dreg:$0x3]  }
0x1e7: {  	s0 =	sadd.s32 @!p0 $0x100000, s0  }
0x1e8: {  	[sflag:s0] =	ssyncadd.tile.s32 @!p0 $0x1;
	_ =	shalt  }
.Lfunc_end2:
_tile_overlayer_lowered:
.L_overlay_start_2:
0x1e9: {  	(tag) =	ssettag $0x2  }
0x1ea: {  	s0 =	rddreg [dreg:$0x0];
	s2 =	stileid.u32  }
0x1eb: {  	s1 =	rddreg [dreg:$0x1];
	p0 =	sne.s32 s2, $0x0  }
0x1ec: {  	s3 =	rddreg [dreg:$0x2];
	[bflag:$0x3] =	sbarrier.arrive $0xFFFF;
	s2 =	simm.s32 @!p0 $0x1C0E  }
0x1ed: {  	[timem:s3], [sflag:s2] =	dma.local @!p0 [hbm:s0], s1  }
0x1ee: {  	s0 =	simm.s32 @!p0 $0xE  }
0x1ef: {  	_ =	swait.ge @!p0 [sflag:s0], s1  }
0x1f0: {  	s1 =	ssub.s32 @!p0 $0x0, s1;
	[sflag:s0] =	ssyncset.done @!p0 $0x0  }
0x1f1: {  	[sflag:s0] =	ssyncadd.s32 @!p0 s1  }
0x1f2: {  	[bflag:$0x3] =	sbarrier.arrive $0xFFFF  }
0x1f3: {  	_ =	shalt  }

// kernel: kernel.14.cloned.1.call-start
scs
__scs_entry_jumppad:
0x0: {  	(pc) =	sbr.rel $0x88, $3  }
0x1: {  	(tag) =	ssettag $0x0;
	lr =	simm.s32 $0x1  }
0x2: {  	[smem:$0x3F8D] =	sst lr;
	_ =	strace $0xD0000000  }
0x3: {  	_ = 	snop  }
0x4: {  	_ = 	snop  }
0x5: {  	_ = 	snop  }
0x6: {  	_ = 	snop  }
0x7: {  	_ = 	snop  }
__scs_overlays_trampoline_lowered:
0x8: {  	[smem:$0x3F9C] =	sst s0  }
0x9: {  	[smem:$0x3F9D] =	sst s1  }
0xa: {  	[smem:$0x3F9E] =	sst s2  }
0xb: {  	[smem:$0x3F9F] =	sst s3  }
0xc: {  	[smem:$0x3FA0] =	sst s4  }
0xd: {  	[smem:$0x3FA1] =	sst s5  }
0xe: {  	[smem:$0x3FA2] =	sst s6  }
0xf: {  	[smem:$0x3FA3] =	sst s7  }
0x10: {  	[smem:$0x3FA4] =	sst s8  }
0x11: {  	[smem:$0x3FA5] =	sst s9;
	s0 =	simm.s32 @!p0 $0x0  }
0x12: {  	s1 =	sld [smem:$0x3F8B];
	s0 =	simm.s32 @p0 $0x1  }
0x13: {  	[smem:$0x3FA6] =	sst s0;
	s0 =	simm.s32 @!p1 $0x0  }
0x14: {  	s2 =	sld [smem:$0x3F8A];
	s0 =	simm.s32 @p1 $0x1  }
0x15: {  	[smem:$0x3FA7] =	sst s0;
	s0 =	simm.s32 @!p2 $0x0  }
0x16: {  	s3 =	sld [smem:$0x3FDB];
	s0 =	simm.s32 @p2 $0x1  }
0x17: {  	s4 =	simm.s32 $0x1BF5;
	[smem:$0x3FA9] =	sst s0  }
0x18: {  	s0 =	sld [smem:$0x3F8C];
	_ =	swait.ge [sflag:s4], $0x0  }
0x19: {  	s7 =	sld [smem:$0x3F8D]  }
0x1a: {  	s8 =	sadd.s32 $0xFFFFE003, lr  }
0x1b: {  	s9 =	sadd.s32 $0xFFFFFEF7, lr;
	s5 =	simm.s32 $0xFFFFFFFF;
	p2 =	slt.u32 s8, $0xFFFFF086  }
0x1c: {  	p1 =	slt.u32 s9, $0xF7A;
	s5 =	simm.s32 @!p2 $0x0  }
0x1d: {  	s5 =	simm.s32 @p1 $0x1;
	p0 =	seq.s32 s7, s2  }
0x1e: {  	s7 =	smul.u32 @!p0 $0xF7A, s2;
	p2 =	seq.s32 @!p0 s5, $0x0  }
0x1f: {  	s9 =	smul.u32 $0xF7A, s1;
	s8 =	simm.s32 @!p0 $0x1BF5;
	p2 =	por !p2, p0  }
0x20: {  	[sflag:s8] =	ssyncset.s32 @!p0 $0xFFFFF086;
	s6 =	sadd.s32 @!p0 s3, s7;
	s7 =	simm.s32 @!p0 $0x108  }
0x21: {  	s3 =	sadd.s32 s3, s9;
	s6 =	sadd.s32 @!p0 $0x88, s6;
	s7 =	simm.s32 @p2 $0x1082  }
0x22: {  	[simem:s7], [sflag:s8] =	dma.local @!p0 [hbm:s6], $0xF7A  }
0x23: {  	s9 =	sor.u32 $0xD0000000, s2;
	s6 =	simm.s32 $0x108;
	_ =	swait.ge @!p0 [sflag:s8], $0x0  }
0x24: {  	s3 =	sadd.s32 $0x88, s3;
	s6 =	simm.s32 @!p1 $0x1082;
	[sflag:s4] =	ssyncset.s32 $0xFFFFF086  }
0x25: {  	[simem:s6], [sflag:s4] =	dma.local [hbm:s3], $0xF7A  }
0x26: {  	[smem:$0x3F8D] =	sst s1;
	(tag) =	ssettag s2;
	_ =	strace s9  }
0x27: {  	s1 =	sld [smem:$0x3F9D]  }
0x28: {  	s2 =	sld [smem:$0x3F9E]  }
0x29: {  	s4 =	sld [smem:$0x3FA0]  }
0x2a: {  	p0 =	seq.s32 s5, $0x0;
	s5 =	sld [smem:$0x3FA1]  }
0x2b: {  	s6 =	sld [smem:$0x3FA2]  }
0x2c: {  	s7 =	sld [smem:$0x3FA3]  }
0x2d: {  	s3 =	simm.s32 $0x108;
	s8 =	sld [smem:$0x3FA4]  }
0x2e: {  	s3 =	simm.s32 @!p0 $0x1082;
	s9 =	sld [smem:$0x3FA5]  }
0x2f: {  	lr =	sadd.s32 s0, s3;
	s0 =	sld [smem:$0x3F9C]  }
0x30: {  	s3 =	sld [smem:$0x3F9F]  }
0x31: {  	[smem:$0x3FA8] =	sst s10  }
0x32: {  	s10 =	sld [smem:$0x3FA6];
	_ =	sdelay $0x3  }
0x33: {  	p0 =	seq.s32 s10, $0x1;
	s10 =	sld [smem:$0x3FA8];
	_ =	sdelay $0x3  }
0x34: {  	[smem:$0x3FA8] =	sst s10  }
0x35: {  	s10 =	sld [smem:$0x3FA7];
	_ =	sdelay $0x3  }
0x36: {  	p1 =	seq.s32 s10, $0x1;
	s10 =	sld [smem:$0x3FA8];
	_ =	sdelay $0x3  }
0x37: {  	[smem:$0x3FA8] =	sst s10  }
0x38: {  	s10 =	sld [smem:$0x3FA9]  }
0x39: {  	_ = 	snop;
	(pc) =	sbr.ind lr, $3  }
0x3a: {  	_ = 	snop  }
0x3b: {  	_ = 	snop  }
0x3c: {  	p2 =	seq.s32 s10, $0x1;
	s10 =	sld [smem:$0x3FA8]  }
0x3d: {  	_ =	shalt  }
0x3e: {  	_ =	shalt  }
0x3f: {  	_ =	shalt  }
0x40: {  	_ =	shalt  }
0x41: {  	_ =	shalt  }
0x42: {  	_ =	shalt  }
0x43: {  	_ =	shalt  }
0x44: {  	_ =	shalt  }
0x45: {  	_ =	shalt  }
0x46: {  	_ =	shalt  }
0x47: {  	_ =	shalt  }
0x48: {  	_ =	shalt  }
0x49: {  	_ =	shalt  }
0x4a: {  	_ =	shalt  }
0x4b: {  	_ =	shalt  }
0x4c: {  	_ =	shalt  }
0x4d: {  	_ =	shalt  }
0x4e: {  	_ =	shalt  }
0x4f: {  	_ =	shalt  }
0x50: {  	_ =	shalt  }
0x51: {  	_ =	shalt  }
0x52: {  	_ =	shalt  }
0x53: {  	_ =	shalt  }
0x54: {  	_ =	shalt  }
0x55: {  	_ =	shalt  }
0x56: {  	_ =	shalt  }
0x57: {  	_ =	shalt  }
0x58: {  	_ =	shalt  }
0x59: {  	_ =	shalt  }
0x5a: {  	_ =	shalt  }
0x5b: {  	_ =	shalt  }
0x5c: {  	_ =	shalt  }
0x5d: {  	_ =	shalt  }
0x5e: {  	_ =	shalt  }
0x5f: {  	_ =	shalt  }
0x60: {  	_ =	shalt  }
0x61: {  	_ =	shalt  }
0x62: {  	_ =	shalt  }
0x63: {  	_ =	shalt  }
0x64: {  	_ =	shalt  }
0x65: {  	_ =	shalt  }
0x66: {  	_ =	shalt  }
0x67: {  	_ =	shalt  }
0x68: {  	_ =	shalt  }
0x69: {  	_ =	shalt  }
0x6a: {  	_ =	shalt  }
0x6b: {  	_ =	shalt  }
0x6c: {  	_ =	shalt  }
0x6d: {  	_ =	shalt  }
0x6e: {  	_ =	shalt  }
0x6f: {  	_ =	shalt  }
0x70: {  	_ =	shalt  }
0x71: {  	_ =	shalt  }
0x72: {  	_ =	shalt  }
0x73: {  	_ =	shalt  }
0x74: {  	_ =	shalt  }
0x75: {  	_ =	shalt  }
0x76: {  	_ =	shalt  }
0x77: {  	_ =	shalt  }
0x78: {  	_ =	shalt  }
0x79: {  	_ =	shalt  }
0x7a: {  	_ =	shalt  }
0x7b: {  	_ =	shalt  }
0x7c: {  	_ =	shalt  }
0x7d: {  	_ =	shalt  }
0x7e: {  	_ =	shalt  }
0x7f: {  	_ =	shalt  }
0x80: {  	_ =	shalt  }
0x81: {  	_ =	shalt  }
0x82: {  	_ =	shalt  }
0x83: {  	_ =	shalt  }
0x84: {  	_ =	shalt  }
0x85: {  	_ =	shalt  }
0x86: {  	_ =	shalt  }
0x87: {  	_ =	shalt  }
.Lfunc_end0:
.L_simem_size_0:
called_computation.2_lowered:
.L_overlay_start_0:
0x88: {  	s2 =	sld [smem:$0x3FD9]  }
0x89: {  	s3 =	sld [smem:$0x3FFE];
	_ =	sdelay $0x1  }
0x8a: {  	s1 =	srdreg.scid  }
0x8b: {  	s0 =	sand.u32 $0x1, s1  }
0x8c: {  	s17 =	sshll.u32 s0, $0xA;
	s2 =	sadd.s32 s3, s2  }
0x8d: {  	s2 =	sadd.s32 s2, s17  }
0x8e: {  	[smem:$0x3FB4] =	sst s2  }
0x8f: {  	_ = 	snop  }
0x90: {  	s2 =	sld [smem:$0x3FD0];
	(tm) =	ssettm $0x1  }
0x91: {  	s18 =	sld [smem:$0x3FFB];
	_ =	sdelay $0x3  }
0x92: {  	_ =	strace s18  }
0x93: {  	s3 =	sld [smem:$0x3FFC];
	_ =	sdelay $0x3  }
0x94: {  	_ =	strace s3  }
0x95: {  	s3 =	sld [smem:$0x3FFD];
	_ =	sdelay $0x3  }
0x96: {  	_ =	strace s3  }
0x97: {  	_ =	strace $0x8FFFFFFF  }
0x98: {  	s19 =	sld [smem:$0x3FDB];
	_ =	sdelay $0x1  }
0x99: {  	s4 =	simm.s32 $_scs_section_size  }
0x9a: {  	s5 =	simm.s32 $_size__tile_overlayer_lowered;
	s6 =	simm.s32 $_tile_overlayer_lowered  }
0x9b: {  	s22 =	simm.s32 $0x1BFF;
	s21 =	sshll.u32 s6, $0x1;
	s3 =	sadd.s32 s4, s19  }
0x9c: {  	s7 =	simm.s32 $0x0;
	s20 =	sshll.u32 s5, $0x1;
	s5 =	sadd.s32 s21, s3  }
0x9d: {  	[timem:s7], [sflag:s22] =	dma.local [hbm:s5], s20  }
0x9e: {  	_ =	swait.ge [sflag:s22], s20  }
0x9f: {  	s4 =	ssub.s32 $0x0, s20;
	[sflag:s22] =	ssyncset.done $0x0  }
0xa0: {  	[sflag:s22] =	ssyncadd.s32 s4;
	_ =	sdelay $0x1  }
0xa1: {  	s23 =	simm.s32 $0x1B8B  }
0xa2: {  	_ =	swait.ge [sflag:s23], $0x1  }
0xa3: {  	[sflag:s23] =	ssyncset.done $0x0  }
0xa4: {  	s25 =	simm.s32 $0x1B8E;
	s24 =	sld [smem:$0x3FFE];
	[sflag:s23] =	ssyncadd.s32 $0xFFFFFFFF  }
0xa5: {  	s26 =	simm.s32 $execute0_lowered;
	[smem:$0x3FD2] =	sst s25  }
0xa6: {  	s5 =	sshll.u32 s26, $0x1;
	_ =	strace $0x8000004C;
	[dreg:$0x1] =	wrdreg $0xFFFFFFFF  }
0xa7: {  	s28 =	simm.s32 $_size_execute0_lowered;
	s3 =	sadd.s32 s3, s5;
	[dreg:$0x0] =	wrdreg $0x0  }
0xa8: {  	s5 =	sshll.u32 s28, $0x1;
	[dreg:$0x2] =	wrdreg s3  }
0xa9: {  	[dreg:$0x3] =	wrdreg s5  }
0xaa: {  	[dreg:$0x4] =	wrdreg $0xC0  }
0xab: {  	_ =	task [dreg:s7], $0x5FFFF  }
0xac: {  	[dreg:$0x1] =	wrdreg $0xFFFFFFFF  }
0xad: {  	[dreg:$0x0] =	wrdreg $0x60  }
0xae: {  	[dreg:$0x2] =	wrdreg s24  }
0xaf: {  	[dreg:$0x3] =	wrdreg s2  }
0xb0: {  	[dreg:$0x4] =	wrdreg $0xC6000  }
0xb1: {  	[dreg:$0x5] =	wrdreg $0x9  }
0xb2: {  	_ =	task.clear_ibuf [dreg:s7], $0x6FFFF;
	_ =	strace $0x9000004C  }
0xb3: {  	s29 =	simm.s32 $0x9;
	_ =	strace $0x8000004E  }
0xb4: {  	_ =	swait.ge [sflag:s29], $0x1  }
0xb5: {  	[sflag:s29] =	ssyncadd.s32 $0xFFFFFFFF  }
0xb6: {  	_ =	strace $0x9000004E  }
0xb7: {  	_ =	sfence  }
0xb8: {  	s30 =	sld [smem:$0x0];
	_ =	sdelay $0x2  }
0xb9: {  	s31 =	sshll.u32 s1, $0xD;
	s1 =	sshrl.u32 s1, $0x2  }
0xba: {  	s3 =	sand.u32 $0x4000, s31;
	s1 =	sadd.s32 s1, s30  }
0xbb: {  	s0 =	sor.u32 s3, s0;
	s1 =	sshll.u32 s1, $0x11  }
0xbc: {  	s0 =	sor.u32 s1, s0  }
0xbd: {  	s0 =	sadd.s32 $0x8F2B, s0  }
0xbe: {  	[sflag:s0] =	ssyncadd.remote.s32 $0x1  }
0xbf: {  	_ =	sfence.sel $0xFFFF  }
0xc0: {  	[dreg:$0x0] =	wrdreg $0xFFFFFFFF;
	(pc) =	sbr.abs _section_cstart, $3  }
0xc1: {  	[dreg:$0x1] =	wrdreg $0xFFFFFFFF  }
0xc2: {  	_ =	task.clear_ibuf [dreg:s7], $0x2FFFF;
	_ =	strace $0x9FFFFFFF  }
0xc3: {  	(tm) =	ssettm $0x7FFFFFFF  }
tec
execute0_lowered:
.L_overlay_start_1:
0x0: {  	(tag) =	ssettag $0x1  }
0x1: {  	s0 =	rddreg [dreg:$0x0]  }
0x2: {  	s2 =	rddreg [dreg:$0x1]  }
0x3: {  	s1 =	rddreg [dreg:$0x2];
	s3 =	simm.s32 $0x0  }
0x4: {  	s5 =	srdreg.scid;
	s6 =	stileid.u32;
	s29 =	simm.s32 $0x80  }
0x5: {  	s28 =	simm.s32 $0x580;
	[smem:$0x7FF] =	sst s3;
	s4 =	sadd.s32 $0x17A00, s0  }
0x6: {  	s7 =	sand.u32 $0x1, s5;
	s8 =	smul.u32 $0x4E000, s6;
	s16 =	sadd.s32 $0xDC00, s0  }
0x7: {  	s10 =	smul.u32 $0x13800, s6;
	s31 =	sadd.s32 $0x3E00, s0;
	s14 =	sshll.u32 s6, $0x6  }
0x8: {  	s18 =	sshll.u32 s6, $0x5;
	s12 =	sshll.u32 s6, $0x8;
	s0 =	sadd.s32 $0x3EA00, s0  }
0x9: {  	p0 =	sne.s32 s6, $0xF;
	_ =	strace $0x8000004D;
	[dreg:$0x10] =	wrdreg s14  }
0xa: {  	p1 =	sgt.u32 s6, $0x1;
	s9 =	ssub.s32 $0x2, s7;
	[dreg:$0x12] =	wrdreg s0  }
0xb: {  	s13 =	sshll.u32 s7, $0x7;
	s14 =	sor.u32 $0x1C0D, s14;
	[dreg:$0xd] =	wrdreg s31  }
0xc: {  	s11 =	sshrl.u32 s9, $0x1;
	s8 =	sshrl.u32 s8, $0x2;
	s17 =	sshrl.u32 s10, $0x3  }
0xd: {  	[dreg:$0x11] =	wrdreg s14;
	s12 =	sor.u32 s13, s12;
	s9 =	ssub.s32 s9, s11  }
0xe: {  	s8 =	sadd.s32 s8, s1;
	s11 =	sshll.u32 s7, $0x4;
	s20 =	sor.u32 $0x9000, s12  }
0xf: {  	s7 =	smul.u32 $0x138800, s7;
	s24 =	sor.u32 $0x8000, s12;
	s26 =	sor.u32 $0x7000, s12  }
0x10: {  	[dreg:$0xe] =	wrdreg s8;
	s8 =	sadd.s32 s4, s17;
	s14 =	sor.u32 s11, s18  }
0x11: {  	s0 =	sshrl.u32 s20, $0x3;
	[dreg:$0xf] =	wrdreg s8;
	s19 =	sadd.s32 s16, s14  }
0x12: {  	s21 =	sadd.s32 s31, s14;
	s22 =	sor.u32 $0x200, s14;
	[dreg:$0x13] =	wrdreg s19  }
0x13: {  	s23 =	sadd.s32 s0, s31;
	s10 =	sadd.s32 s10, s7;
	[dreg:$0x14] =	wrdreg s21  }
0x14: {  	s0 =	sadd.s32 s0, s16;
	s7 =	sshrl.u32 s7, $0x3;
	[dreg:$0x4] =	wrdreg s23  }
0x15: {  	s15 =	sadd.s32 s16, s22;
	s13 =	sadd.s32 s31, s22;
	[dreg:$0x5] =	wrdreg s0  }
0x16: {  	s10 =	sshrl.u32 s10, $0x3;
	s0 =	sshrl.u32 s26, $0x3;
	[dreg:$0x15] =	wrdreg s15  }
0x17: {  	s19 =	sor.u32 $0x600, s14;
	s21 =	simm.s32 $0x500;
	[dreg:$0x16] =	wrdreg s13  }
0x18: {  	s22 =	sor.u32 $0x9C00, s14;
	s26 =	sor.u32 $0x6000, s12;
	[dreg:$0xc] =	wrdreg s21  }
0x19: {  	s13 =	sshrl.u32 s24, $0x3;
	s10 =	sadd.s32 s2, s10;
	[smem:$0x7FC] =	sst s26  }
0x1a: {  	s2 =	sadd.s32 s2, s7;
	s25 =	sadd.s32 s13, s31;
	[dreg:$0x17] =	wrdreg s10  }
0x1b: {  	s15 =	sor.u32 $0x400, s14;
	s30 =	sadd.s32 s13, s16;
	[dreg:$0x6] =	wrdreg s25  }
0x1c: {  	s21 =	simm.s32 $0xA;
	s10 =	sadd.s32 s0, s31;
	[dreg:$0x7] =	wrdreg s30  }
0x1d: {  	s26 =	simm.s32 $0x3;
	s5 =	sadd.s32 s16, s15;
	[dreg:$0x8] =	wrdreg s10  }
0x1e: {  	s14 =	simm.s32 $0x6;
	s0 =	sadd.s32 s0, s16;
	[dreg:$0x18] =	wrdreg s5  }
0x1f: {  	s13 =	smov.u32 s16;
	s17 =	sadd.s32 s31, s15;
	[dreg:$0x9] =	wrdreg s0  }
0x20: {  	s24 =	sadd.s32 $0x27000, s2;
	s16 =	sadd.s32 s18, s13;
	[dreg:$0x19] =	wrdreg s17  }
0x21: {  	s18 =	sadd.s32 s18, s31;
	s20 =	sadd.s32 s13, s19;
	[dreg:$0x1e] =	wrdreg s24  }
0x22: {  	s23 =	sadd.s32 s13, s22;
	s25 =	smax.u32 s9, $0x1;
	[dreg:$0x1a] =	wrdreg s20  }
0x23: {  	s30 =	sadd.s32 $0x138000, s1;
	s9 =	simm.s32 $0x9;
	[dreg:$0x1c] =	wrdreg s23  }
0x24: {  	s17 =	simm.s32 $0x1;
	s24 =	simm.s32 $0xB;
	[dreg:$0x1f] =	wrdreg s25  }
0x25: {  	s10 =	simm.s32 $0xC;
	s0 =	sadd.s32 s11, s16;
	[smem:$0x7FD] =	sst s30  }
0x26: {  	s5 =	simm.s32 $0x0;
	s7 =	sadd.s32 s11, s18;
	[dreg:$0xa] =	wrdreg s0  }
0x27: {  	s16 =	simm.s32 $0x8600;
	[dreg:$0xb] =	wrdreg s7;
	s0 =	sadd.s32 s31, s19  }
0x28: {  	s20 =	simm.s32 $0x4;
	[dreg:$0x1b] =	wrdreg s0;
	s0 =	sadd.s32 s31, s22  }
0x29: {  	s23 =	simm.s32 $0x5;
	s22 =	simm.s32 $0x2;
	[dreg:$0x1d] =	wrdreg s0  }
.LBB2_1:
0x2a: {  	[smem:$0x7F9] =	sst s5  }
0x2b: {  	s0 =	rddreg [dreg:$0xe]  }
0x2c: {  	s18 =	rddreg [dreg:$0xf]  }
0x2d: {  	s2 =	rddreg [dreg:$0x11];
	s15 =	sshrl.u32 s0, $0x3  }
0x2e: {  	[smem:$0x7FA] =	sst s15  }
0x2f: {  	[spmem:s15], [sflag:s2] =	dma.local [hbm:s18], $0x2700  }
0x30: {  	s0 =	sld [smem:$0x7FD];
	_ =	sdelay $0x2  }
0x31: {  	s5 =	sshrl.u32 @!p0 s0, $0x3;
	s0 =	rddreg [dreg:$0x12]  }
0x32: {  	[smem:$0x7FB] =	sst s5  }
0x33: {  	[spmem:s5], [sflag:s2] =	dma.local @!p0 [hbm:s0], $0x100  }
0x34: {  	s0 =	rddreg [dreg:$0x13]  }
0x35: {  	[tilespmem:s3], [sflag:$0x7] =	stream.linear.gather [hbm4b:s0+s3], $0x80, $0x38;
	[tilespmem:$0x1FE80] =	vst v63  }
0x36: {  	s5 =	simm.s32 $0x300;
	s19 =	rddreg [dreg:$0x14]  }
0x37: {  	[tilespmem:s5], [sflag:$0x7] =	stream.linear.gather [hbm4b:s19+s3], $0x80, $0x38;
	[tilespmem:$0x1FE80] =	vst v63  }
0x38: {  	s25 =	rddreg [dreg:$0x15]  }
0x39: {  	[tilespmem:s29], [sflag:$0x8] =	stream.linear.gather [hbm4b:s25+s3], $0x80, $0x38;
	[tilespmem:$0x1FE80] =	vst v63  }
0x3a: {  	s6 =	simm.s32 $0x380;
	s2 =	rddreg [dreg:$0x16]  }
0x3b: {  	[tilespmem:s6], [sflag:$0x8] =	stream.linear.gather [hbm4b:s2+s3], $0x80, $0x38;
	[tilespmem:$0x1FE80] =	vst v63  }
0x3c: {  	s15 =	simm.s32 $0x100;
	s7 =	rddreg [dreg:$0x18]  }
0x3d: {  	[tilespmem:s15], [sflag:$0x9] =	stream.linear.gather [hbm4b:s7+s3], $0x80, $0x38;
	[tilespmem:$0x1FE80] =	vst v63  }
0x3e: {  	s18 =	simm.s32 $0x400;
	s8 =	rddreg [dreg:$0x19]  }
0x3f: {  	[tilespmem:s18], [sflag:$0x9] =	stream.linear.gather [hbm4b:s8+s3], $0x80, $0x38;
	[tilespmem:$0x1FE80] =	vst v63  }
0x40: {  	s11 =	rddreg [dreg:$0x1a];
	s25 =	simm.s32 $0x180  }
0x41: {  	[tilespmem:s25], [sflag:$0xA] =	stream.linear.gather [hbm4b:s11+s3], $0x80, $0x38;
	[tilespmem:$0x1FE80] =	vst v63  }
0x42: {  	s12 =	rddreg [dreg:$0x1b];
	s19 =	simm.s32 $0x480;
	s2 =	simm.s32 $0x7  }
0x43: {  	[tilespmem:s19], [sflag:$0xA] =	stream.linear.gather [hbm4b:s12+s3], $0x80, $0x38;
	[tilespmem:$0x1FE80] =	vst v63  }
0x44: {  	_ =	swait.ge [sflag:s2], $0x80  }
0x45: {  	[sflag:s2] =	ssyncset.done $0x0  }
0x46: {  	[sflag:s2] =	ssyncadd.s32 $0xFFFFFF80  }
0x47: {  	_ =	swait.ge [sflag:s2], $0x80  }
0x48: {  	[sflag:s2] =	ssyncset.done $0x0  }
0x49: {  	s7 =	simm.s32 $0x8;
	s19 =	simm.s32 $0x600;
	[sflag:s2] =	ssyncadd.s32 $0xFFFFFF80  }
0x4a: {  	[tilespmem:s19], [sflag:$0x1] =	stream.indirect.gather [hbm4b:s4+s29], $0x80, s3, s29, $0xb8;
	[tilespmem:$0x1FE80] =	vst v63  }
0x4b: {  	_ =	swait.ge [sflag:s7], $0x80  }
0x4c: {  	[sflag:s7] =	ssyncset.done $0x0  }
0x4d: {  	[sflag:s7] =	ssyncadd.s32 $0xFFFFFF80  }
0x4e: {  	_ =	swait.ge [sflag:s7], $0x80  }
0x4f: {  	[sflag:s7] =	ssyncset.done $0x0  }
0x50: {  	s30 =	simm.s32 $0x4600;
	s8 =	simm.s32 $0xD;
	[sflag:s7] =	ssyncadd.s32 $0xFFFFFF80  }
0x51: {  	[tilespmem:s30], [sflag:$0x2] =	stream.indirect.gather [hbm4b:s4+s29], $0x80, s29, s29, $0xb8;
	[tilespmem:$0x1FE80] =	vst v63  }
0x52: {  	_ =	swait.ge [sflag:s8], $0x2700  }
0x53: {  	[sflag:s8] =	ssyncset.done $0x0  }
0x54: {  	s0 =	simm.s32 @!p0 $0xD;
	[sflag:s8] =	ssyncadd.s32 $0xFFFFD900  }
0x55: {  	_ =	swait.ge @!p0 [sflag:s0], $0x100  }
0x56: {  	[sflag:s0] =	ssyncset.done @!p0 $0x0  }
0x57: {  	[sflag:s0] =	ssyncadd.s32 @!p0 $0xFFFFFF00  }
0x58: {  	[bflag:$0x0] =	sbarrier.arrive $0xFFFF  }
0x59: {  	s11 =	rddreg [dreg:$0xa]  }
0x5a: {  	p2 =	por $0x1, $0x1;
	s12 =	rddreg [dreg:$0xb];
	s0 =	sadd.s32 $0x0, s11  }
0x5b: {  	s2 =	sadd.s32 $0x0, s12;
	s11 =	simm.s32 $0x200;
	s8 =	sadd.s32 $0x800, s0  }
0x5c: {  	[tilespmem:s11], [sflag:$0xB] =	stream.linear.gather [hbm4b:s8+s3], $0x80, $0x38;
	[tilespmem:$0x1FE80] =	vst v63  }
0x5d: {  	s7 =	rddreg [dreg:$0xc];
	s12 =	simm.s32 @!p2 $0x6;
	s8 =	sadd.s32 $0x800, s2  }
0x5e: {  	[tilespmem:s7], [sflag:$0xB] =	stream.linear.gather [hbm4b:s8+s3], $0x80, $0x38;
	[tilespmem:$0x1FE80] =	vst v63  }
0x5f: {  	_ =	swait.ge @!p2 [sflag:s12], $0x4000  }
0x60: {  	[sflag:s12] =	ssyncset.done @!p2 $0x0  }
0x61: {  	[sflag:s12] =	ssyncadd.s32 @!p2 $0xFFFFC000  }
0x62: {  	_ =	swait.ge [sflag:s9], $0x80  }
0x63: {  	[sflag:s9] =	ssyncset.done $0x0  }
0x64: {  	[sflag:s9] =	ssyncadd.s32 $0xFFFFFF80  }
0x65: {  	_ =	swait.ge [sflag:s9], $0x80  }
0x66: {  	[sflag:s9] =	ssyncset.done $0x0  }
0x67: {  	[sflag:s9] =	ssyncadd.s32 $0xFFFFFF80  }
0x68: {  	[tilespmem:s16], [sflag:$0x3] =	stream.indirect.gather [hbm4b:s4+s29], $0x80, s15, s29, $0xb8;
	[tilespmem:$0x1FE80] =	vst v63  }
0x69: {  	_ =	swait.ge [sflag:s17], $0x4000  }
0x6a: {  	[sflag:s17] =	ssyncset.done $0x0  }
0x6b: {  	[sflag:s17] =	ssyncadd.s32 $0xFFFFC000  }
0x6c: {  	[spmem:s1] =	stream.indirect.scatter.add.f32 [tilespmem:s19], [sflag:$0x4], $0x80, s5, s29, $0xb8;
	[tilespmem:$0x1FE80] =	vst v63  }
0x6d: {  	s0 =	sadd.s32 $0xA00, s0;
	s12 =	simm.s32 $0x280  }
0x6e: {  	[tilespmem:s12], [sflag:$0xC] =	stream.linear.gather [hbm4b:s0+s3], $0x80, $0x38;
	[tilespmem:$0x1FE80] =	vst v63  }
0x6f: {  	s15 =	sadd.s32 $0xA00, s2  }
0x70: {  	[tilespmem:s28], [sflag:$0xC] =	stream.linear.gather [hbm4b:s15+s3], $0x80, $0x38;
	[tilespmem:$0x1FE80] =	vst v63  }
0x71: {  	_ =	swait.ge [sflag:s20], $0x4000  }
0x72: {  	[sflag:s20] =	ssyncset.done $0x0  }
0x73: {  	[sflag:s20] =	ssyncadd.s32 $0xFFFFC000  }
0x74: {  	_ =	swait.ge [sflag:s21], $0x80  }
0x75: {  	[sflag:s21] =	ssyncset.done $0x0  }
0x76: {  	[sflag:s21] =	ssyncadd.s32 $0xFFFFFF80  }
0x77: {  	_ =	swait.ge [sflag:s21], $0x80  }
0x78: {  	[sflag:s21] =	ssyncset.done $0x0  }
0x79: {  	[sflag:s21] =	ssyncadd.s32 $0xFFFFFF80  }
0x7a: {  	[tilespmem:s19], [sflag:$0x1] =	stream.indirect.gather [hbm4b:s4+s29], $0x80, s25, s29, $0xb8;
	[tilespmem:$0x1FE80] =	vst v63  }
0x7b: {  	_ =	swait.ge [sflag:s22], $0x4000  }
0x7c: {  	[sflag:s22] =	ssyncset.done $0x0;
	s5 =	sld [smem:$0x7FC]  }
0x7d: {  	p3 =	por $0x0, $0x0;
	[sflag:s22] =	ssyncadd.s32 $0xFFFFC000  }
0x7e: {  	[spmem:s1] =	stream.indirect.scatter.add.f32 [tilespmem:s30], [sflag:$0x5], $0x80, s6, s29, $0xb8;
	[tilespmem:$0x1FE80] =	vst v63  }
0x7f: {  	p2 =	por p3, p3;
	s2 =	sshrl.u32 @!p3 s5, $0x3  }
0x80: {  	s0 =	simm.s32 @!p2 $0x0;
	s7 =	sadd.s32 @!p3 s13, s2  }
0x81: {  	[tilespmem:s0], [sflag:$0x7] =	stream.linear.gather @!p2 [hbm4b:s7+s0], $0x80, $0x38;
	[tilespmem:$0x1FE80] =	vst v63  }
0x82: {  	s2 =	sadd.s32 @!p3 s31, s2;
	s7 =	simm.s32 @!p2 $0x300  }
0x83: {  	[tilespmem:s7], [sflag:$0x7] =	stream.linear.gather @!p2 [hbm4b:s2+s0], $0x80, $0x38;
	[tilespmem:$0x1FE80] =	vst v63  }
0x84: {  	_ =	swait.ge [sflag:s23], $0x4000  }
0x85: {  	[sflag:s23] =	ssyncset.done $0x0  }
0x86: {  	[sflag:s23] =	ssyncadd.s32 $0xFFFFC000  }
0x87: {  	_ =	swait.ge [sflag:s24], $0x80  }
0x88: {  	[sflag:s24] =	ssyncset.done $0x0  }
0x89: {  	[sflag:s24] =	ssyncadd.s32 $0xFFFFFF80  }
0x8a: {  	_ =	swait.ge [sflag:s24], $0x80  }
0x8b: {  	[sflag:s24] =	ssyncset.done $0x0  }
0x8c: {  	[sflag:s24] =	ssyncadd.s32 $0xFFFFFF80  }
0x8d: {  	[tilespmem:s30], [sflag:$0x2] =	stream.indirect.gather [hbm4b:s4+s29], $0x80, s11, s29, $0xb8;
	[tilespmem:$0x1FE80] =	vst v63  }
0x8e: {  	_ =	swait.ge [sflag:s26], $0x4000  }
0x8f: {  	[sflag:s26] =	ssyncset.done $0x0  }
0x90: {  	s2 =	rddreg [dreg:$0x9];
	[sflag:s26] =	ssyncadd.s32 $0xFFFFC000  }
0x91: {  	[spmem:s1] =	stream.indirect.scatter.add.f32 [tilespmem:s16], [sflag:$0x6], $0x80, s18, s29, $0xb8;
	[tilespmem:$0x1FE80] =	vst v63  }
0x92: {  	s7 =	rddreg [dreg:$0x8];
	s8 =	sadd.s32 @!p2 $0x0, s2;
	s2 =	simm.s32 @!p2 $0x80  }
0x93: {  	[tilespmem:s2], [sflag:$0x8] =	stream.linear.gather @!p2 [hbm4b:s8+s0], $0x80, $0x38;
	[tilespmem:$0x1FE80] =	vst v63  }
0x94: {  	s7 =	sadd.s32 @!p2 $0x0, s7;
	s8 =	simm.s32 @!p2 $0x380  }
0x95: {  	[tilespmem:s8], [sflag:$0x8] =	stream.linear.gather @!p2 [hbm4b:s7+s0], $0x80, $0x38;
	[tilespmem:$0x1FE80] =	vst v63  }
0x96: {  	_ =	swait.ge [sflag:s14], $0x4000  }
0x97: {  	[sflag:s14] =	ssyncset.done $0x0  }
0x98: {  	[sflag:s14] =	ssyncadd.s32 $0xFFFFC000  }
0x99: {  	_ =	swait.ge [sflag:s10], $0x80  }
0x9a: {  	[sflag:s10] =	ssyncset.done $0x0  }
0x9b: {  	[sflag:s10] =	ssyncadd.s32 $0xFFFFFF80  }
0x9c: {  	_ =	swait.ge [sflag:s10], $0x80  }
0x9d: {  	[sflag:s10] =	ssyncset.done $0x0  }
0x9e: {  	[sflag:s10] =	ssyncadd.s32 $0xFFFFFF80  }
0x9f: {  	[tilespmem:s16], [sflag:$0x3] =	stream.indirect.gather [hbm4b:s4+s29], $0x80, s12, s29, $0xb8;
	[tilespmem:$0x1FE80] =	vst v63  }
0xa0: {  	_ =	swait.ge [sflag:s17], $0x4000  }
0xa1: {  	[sflag:s17] =	ssyncset.done $0x0  }
0xa2: {  	s25 =	simm.s32 $0x480;
	s7 =	simm.s32 @p2 $0x2;
	[sflag:s17] =	ssyncadd.s32 $0xFFFFC000  }
0xa3: {  	[spmem:s1] =	stream.indirect.scatter.add.f32 [tilespmem:s19], [sflag:$0x4], $0x80, s25, s29, $0xb8;
	[tilespmem:$0x1FE80] =	vst v63  }
0xa4: {  	_ =	swait.ge @p2 [sflag:s7], $0x4000  }
0xa5: {  	s8 =	simm.s32 @p2 $0x4600;
	s12 =	simm.s32 @p2 $0x500;
	[sflag:s7] =	ssyncset.done @p2 $0x0  }
0xa6: {  	s25 =	rddreg [dreg:$0x7];
	[sflag:s7] =	ssyncadd.s32 @p2 $0xFFFFC000;
	s7 =	simm.s32 @p2 $0x80  }
0xa7: {  	[spmem:s1] =	stream.indirect.scatter.add.f32 @p2 [tilespmem:s8], [sflag:$0x5], $0x80, s12, s7, $0xb8;
	[tilespmem:$0x1FE80] =	vst v63  }
0xa8: {  	s7 =	rddreg [dreg:$0x6];
	s8 =	sadd.s32 @!p2 $0x0, s25;
	s12 =	simm.s32 @!p2 $0x100  }
0xa9: {  	[tilespmem:s12], [sflag:$0x9] =	stream.linear.gather @!p2 [hbm4b:s8+s0], $0x80, $0x38;
	[tilespmem:$0x1FE80] =	vst v63  }
0xaa: {  	s7 =	sadd.s32 @!p2 $0x0, s7;
	s8 =	simm.s32 @!p2 $0x400;
	s12 =	simm.s32 @!p2 $0x4  }
0xab: {  	[tilespmem:s8], [sflag:$0x9] =	stream.linear.gather @!p2 [hbm4b:s7+s0], $0x80, $0x38;
	[tilespmem:$0x1FE80] =	vst v63  }
0xac: {  	_ =	swait.ge @!p2 [sflag:s12], $0x4000  }
0xad: {  	[sflag:s12] =	ssyncset.done @!p2 $0x0  }
0xae: {  	s7 =	simm.s32 @!p2 $0x7;
	[sflag:s12] =	ssyncadd.s32 @!p2 $0xFFFFC000  }
0xaf: {  	_ =	swait.ge @!p2 [sflag:s7], $0x80  }
0xb0: {  	[sflag:s7] =	ssyncset.done @!p2 $0x0  }
0xb1: {  	[sflag:s7] =	ssyncadd.s32 @!p2 $0xFFFFFF80  }
0xb2: {  	_ =	swait.ge @!p2 [sflag:s7], $0x80  }
0xb3: {  	[sflag:s7] =	ssyncset.done @!p2 $0x0  }
0xb4: {  	s8 =	simm.s32 @!p2 $0x2;
	[sflag:s7] =	ssyncadd.s32 @!p2 $0xFFFFFF80;
	s7 =	simm.s32 @!p2 $0x600  }
0xb5: {  	[tilespmem:s7], [sflag:$0x1] =	stream.indirect.gather @!p2 [hbm4b:s4+s2], $0x80, s0, s2, $0xb8;
	[tilespmem:$0x1FE80] =	vst v63  }
0xb6: {  	_ =	swait.ge @!p2 [sflag:s8], $0x4000  }
0xb7: {  	s7 =	simm.s32 @!p2 $0x4600;
	[sflag:s8] =	ssyncset.done @!p2 $0x0  }
0xb8: {  	s12 =	rddreg [dreg:$0x5];
	[sflag:s8] =	ssyncadd.s32 @!p2 $0xFFFFC000;
	s8 =	simm.s32 @!p2 $0x500  }
0xb9: {  	[spmem:s1] =	stream.indirect.scatter.add.f32 @!p2 [tilespmem:s7], [sflag:$0x5], $0x80, s8, s2, $0xb8;
	[tilespmem:$0x1FE80] =	vst v63  }
0xba: {  	s25 =	rddreg [dreg:$0x4];
	s8 =	sadd.s32 @!p2 $0x0, s12;
	s12 =	simm.s32 @!p2 $0x180  }
0xbb: {  	[tilespmem:s12], [sflag:$0xA] =	stream.linear.gather @!p2 [hbm4b:s8+s0], $0x80, $0x38;
	[tilespmem:$0x1FE80] =	vst v63  }
0xbc: {  	s8 =	sadd.s32 @!p2 $0x0, s25;
	s12 =	simm.s32 @!p2 $0x480  }
0xbd: {  	[tilespmem:s12], [sflag:$0xA] =	stream.linear.gather @!p2 [hbm4b:s8+s0], $0x80, $0x38;
	[tilespmem:$0x1FE80] =	vst v63  }
0xbe: {  	s0 =	simm.s32 @!p2 $0x5  }
0xbf: {  	_ =	swait.ge @!p2 [sflag:s0], $0x4000  }
0xc0: {  	[sflag:s0] =	ssyncset.done @!p2 $0x0  }
0xc1: {  	[sflag:s0] =	ssyncadd.s32 @!p2 $0xFFFFC000;
	s0 =	simm.s32 @!p2 $0x8  }
0xc2: {  	_ =	swait.ge @!p2 [sflag:s0], $0x80  }
0xc3: {  	[sflag:s0] =	ssyncset.done @!p2 $0x0  }
0xc4: {  	[sflag:s0] =	ssyncadd.s32 @!p2 $0xFFFFFF80  }
0xc5: {  	_ =	swait.ge @!p2 [sflag:s0], $0x80  }
0xc6: {  	p3 =	por $0x0, $0x0;
	s30 =	sadd.s32 $0x6000, s5;
	[sflag:s0] =	ssyncset.done @!p2 $0x0  }
0xc7: {  	s28 =	simm.s32 $0x1800;
	[sflag:s0] =	ssyncadd.s32 @!p2 $0xFFFFFF80;
	s0 =	sshrl.u32 @!p3 s30, $0x3  }
0xc8: {  	[tilespmem:s7], [sflag:$0x2] =	stream.indirect.gather @!p2 [hbm4b:s4+s2], $0x80, s2, s2, $0xb8;
	[tilespmem:$0x1FE80] =	vst v63  }
0xc9: {  	s8 =	simm.s32 $0xC00;
	s30 =	sadd.s32 $0x6000, s30;
	s12 =	sadd.s32 @!p3 s13, s0  }
0xca: {  	s25 =	sadd.s32 @!p3 s31, s0;
	p2 =	por p3, p3;
	_ =	swait.ge [sflag:s26], $0x4000  }
.LBB2_2:
0xcb: {  	p3 =	seq.s32 s28, $0x9000;
	s0 =	rddreg [dreg:$0xa]  }
0xcc: {  	[sflag:s26] =	ssyncset.done $0x0;
	s5 =	rddreg [dreg:$0xb];
	s19 =	simm.s32 $0x580  }
0xcd: {  	s6 =	rddreg [dreg:$0xc];
	s18 =	smov.u32 s13;
	p5 =	seq.s32 s8, $0x0  }
0xce: {  	s11 =	simm.s32 $0x200;
	[sflag:s26] =	ssyncadd.s32 $0xFFFFC000;
	s0 =	sadd.s32 s8, s0  }
0xcf: {  	[spmem:s1] =	stream.indirect.scatter.add.f32 [tilespmem:s16], [sflag:$0x6], $0x80, s19, s29, $0xb8;
	[tilespmem:$0x1FE80] =	vst v63  }
0xd0: {  	s7 =	sshrl.u32 @!p3 s30, $0x3;
	s5 =	sadd.s32 s8, s5;
	s15 =	sadd.s32 $0x800, s0  }
0xd1: {  	[tilespmem:s11], [sflag:$0xB] =	stream.linear.gather [hbm4b:s15+s3], $0x80, $0x38;
	[tilespmem:$0x1FE80] =	vst v63  }
0xd2: {  	s2 =	sadd.s32 @!p3 s13, s7;
	s13 =	sadd.s32 $0x800, s5;
	s15 =	simm.s32 @!p5 $0x6  }
0xd3: {  	[tilespmem:s6], [sflag:$0xB] =	stream.linear.gather [hbm4b:s13+s3], $0x80, $0x38;
	[tilespmem:$0x1FE80] =	vst v63  }
0xd4: {  	s6 =	rddreg [dreg:$0xd];
	_ =	swait.ge @!p5 [sflag:s15], $0x4000  }
0xd5: {  	[sflag:s15] =	ssyncset.done @!p5 $0x0  }
0xd6: {  	[sflag:s15] =	ssyncadd.s32 @!p5 $0xFFFFC000  }
0xd7: {  	_ =	swait.ge [sflag:s9], $0x80  }
0xd8: {  	[sflag:s9] =	ssyncset.done $0x0  }
0xd9: {  	[sflag:s9] =	ssyncadd.s32 $0xFFFFFF80  }
0xda: {  	_ =	swait.ge [sflag:s9], $0x80  }
0xdb: {  	[sflag:s9] =	ssyncset.done $0x0  }
0xdc: {  	s15 =	simm.s32 $0x100;
	[sflag:s9] =	ssyncadd.s32 $0xFFFFFF80  }
0xdd: {  	[tilespmem:s16], [sflag:$0x3] =	stream.indirect.gather [hbm4b:s4+s29], $0x80, s15, s29, $0xb8;
	[tilespmem:$0x1FE80] =	vst v63  }
0xde: {  	_ =	swait.ge [sflag:s17], $0x4000  }
0xdf: {  	[sflag:s17] =	ssyncset.done $0x0  }
0xe0: {  	s13 =	simm.s32 $0x300;
	s15 =	simm.s32 $0x600;
	[sflag:s17] =	ssyncadd.s32 $0xFFFFC000  }
0xe1: {  	[spmem:s1] =	stream.indirect.scatter.add.f32 [tilespmem:s15], [sflag:$0x4], $0x80, s13, s29, $0xb8;
	[tilespmem:$0x1FE80] =	vst v63  }
0xe2: {  	s0 =	sadd.s32 $0xA00, s0;
	s13 =	simm.s32 $0x280  }
0xe3: {  	[tilespmem:s13], [sflag:$0xC] =	stream.linear.gather [hbm4b:s0+s3], $0x80, $0x38;
	[tilespmem:$0x1FE80] =	vst v63  }
0xe4: {  	s5 =	sadd.s32 $0xA00, s5  }
0xe5: {  	[tilespmem:s19], [sflag:$0xC] =	stream.linear.gather [hbm4b:s5+s3], $0x80, $0x38;
	[tilespmem:$0x1FE80] =	vst v63  }
0xe6: {  	_ =	swait.ge [sflag:s20], $0x4000  }
0xe7: {  	[sflag:s20] =	ssyncset.done $0x0  }
0xe8: {  	[sflag:s20] =	ssyncadd.s32 $0xFFFFC000  }
0xe9: {  	_ =	swait.ge [sflag:s21], $0x80  }
0xea: {  	[sflag:s21] =	ssyncset.done $0x0  }
0xeb: {  	[sflag:s21] =	ssyncadd.s32 $0xFFFFFF80  }
0xec: {  	_ =	swait.ge [sflag:s21], $0x80  }
0xed: {  	[sflag:s21] =	ssyncset.done $0x0  }
0xee: {  	s5 =	simm.s32 $0x180;
	[sflag:s21] =	ssyncadd.s32 $0xFFFFFF80  }
0xef: {  	[tilespmem:s15], [sflag:$0x1] =	stream.indirect.gather [hbm4b:s4+s29], $0x80, s5, s29, $0xb8;
	[tilespmem:$0x1FE80] =	vst v63  }
0xf0: {  	_ =	swait.ge [sflag:s22], $0x4000  }
0xf1: {  	s7 =	sadd.s32 @!p3 s6, s7;
	[sflag:s22] =	ssyncset.done $0x0  }
0xf2: {  	s6 =	simm.s32 $0x380;
	s19 =	simm.s32 $0x4600;
	[sflag:s22] =	ssyncadd.s32 $0xFFFFC000  }
0xf3: {  	[spmem:s1] =	stream.indirect.scatter.add.f32 [tilespmem:s19], [sflag:$0x5], $0x80, s6, s29, $0xb8;
	[tilespmem:$0x1FE80] =	vst v63  }
0xf4: {  	s0 =	simm.s32 @!p2 $0x0  }
0xf5: {  	[tilespmem:s0], [sflag:$0x7] =	stream.linear.gather @!p2 [hbm4b:s12+s0], $0x80, $0x38;
	[tilespmem:$0x1FE80] =	vst v63  }
0xf6: {  	s5 =	simm.s32 @!p2 $0x300  }
0xf7: {  	[tilespmem:s5], [sflag:$0x7] =	stream.linear.gather @!p2 [hbm4b:s25+s0], $0x80, $0x38;
	[tilespmem:$0x1FE80] =	vst v63  }
0xf8: {  	_ =	swait.ge [sflag:s23], $0x4000  }
0xf9: {  	[sflag:s23] =	ssyncset.done $0x0  }
0xfa: {  	[sflag:s23] =	ssyncadd.s32 $0xFFFFC000  }
0xfb: {  	_ =	swait.ge [sflag:s24], $0x80  }
0xfc: {  	[sflag:s24] =	ssyncset.done $0x0  }
0xfd: {  	[sflag:s24] =	ssyncadd.s32 $0xFFFFFF80  }
0xfe: {  	_ =	swait.ge [sflag:s24], $0x80  }
0xff: {  	[sflag:s24] =	ssyncset.done $0x0  }
0x100: {  	[sflag:s24] =	ssyncadd.s32 $0xFFFFFF80  }
0x101: {  	[tilespmem:s19], [sflag:$0x2] =	stream.indirect.gather [hbm4b:s4+s29], $0x80, s11, s29, $0xb8;
	[tilespmem:$0x1FE80] =	vst v63  }
0x102: {  	_ =	swait.ge [sflag:s26], $0x4000  }
0x103: {  	s12 =	smov.u32 s2;
	[sflag:s26] =	ssyncset.done $0x0  }
0x104: {  	s11 =	simm.s32 $0x400;
	s2 =	rddreg [dreg:$0x9];
	[sflag:s26] =	ssyncadd.s32 $0xFFFFC000  }
0x105: {  	[spmem:s1] =	stream.indirect.scatter.add.f32 [tilespmem:s16], [sflag:$0x6], $0x80, s11, s29, $0xb8;
	[tilespmem:$0x1FE80] =	vst v63  }
0x106: {  	s5 =	rddreg [dreg:$0x8];
	s6 =	sadd.s32 @!p2 s8, s2;
	s2 =	simm.s32 @!p2 $0x80  }
0x107: {  	[tilespmem:s2], [sflag:$0x8] =	stream.linear.gather @!p2 [hbm4b:s6+s0], $0x80, $0x38;
	[tilespmem:$0x1FE80] =	vst v63  }
0x108: {  	s5 =	sadd.s32 @!p2 s8, s5;
	s6 =	simm.s32 @!p2 $0x380  }
0x109: {  	[tilespmem:s6], [sflag:$0x8] =	stream.linear.gather @!p2 [hbm4b:s5+s0], $0x80, $0x38;
	[tilespmem:$0x1FE80] =	vst v63  }
0x10a: {  	_ =	swait.ge [sflag:s14], $0x4000  }
0x10b: {  	[sflag:s14] =	ssyncset.done $0x0  }
0x10c: {  	[sflag:s14] =	ssyncadd.s32 $0xFFFFC000  }
0x10d: {  	_ =	swait.ge [sflag:s10], $0x80  }
0x10e: {  	[sflag:s10] =	ssyncset.done $0x0  }
0x10f: {  	[sflag:s10] =	ssyncadd.s32 $0xFFFFFF80  }
0x110: {  	_ =	swait.ge [sflag:s10], $0x80  }
0x111: {  	[sflag:s10] =	ssyncset.done $0x0  }
0x112: {  	[sflag:s10] =	ssyncadd.s32 $0xFFFFFF80  }
0x113: {  	[tilespmem:s16], [sflag:$0x3] =	stream.indirect.gather [hbm4b:s4+s29], $0x80, s13, s29, $0xb8;
	[tilespmem:$0x1FE80] =	vst v63  }
0x114: {  	_ =	swait.ge [sflag:s17], $0x4000  }
0x115: {  	[sflag:s17] =	ssyncset.done $0x0  }
0x116: {  	s19 =	simm.s32 $0x480;
	s5 =	simm.s32 @p2 $0x2;
	[sflag:s17] =	ssyncadd.s32 $0xFFFFC000  }
0x117: {  	[spmem:s1] =	stream.indirect.scatter.add.f32 [tilespmem:s15], [sflag:$0x4], $0x80, s19, s29, $0xb8;
	[tilespmem:$0x1FE80] =	vst v63  }
0x118: {  	s25 =	smov.u32 s7;
	_ =	swait.ge @p2 [sflag:s5], $0x4000  }
0x119: {  	s7 =	simm.s32 @p2 $0x500;
	s6 =	simm.s32 @p2 $0x4600;
	[sflag:s5] =	ssyncset.done @p2 $0x0  }
0x11a: {  	s13 =	rddreg [dreg:$0x7];
	[sflag:s5] =	ssyncadd.s32 @p2 $0xFFFFC000;
	s5 =	simm.s32 @p2 $0x80  }
0x11b: {  	[spmem:s1] =	stream.indirect.scatter.add.f32 @p2 [tilespmem:s6], [sflag:$0x5], $0x80, s7, s5, $0xb8;
	[tilespmem:$0x1FE80] =	vst v63  }
0x11c: {  	s15 =	rddreg [dreg:$0x6];
	s5 =	sadd.s32 @!p2 s8, s13;
	s6 =	simm.s32 @!p2 $0x100  }
0x11d: {  	[tilespmem:s6], [sflag:$0x9] =	stream.linear.gather @!p2 [hbm4b:s5+s0], $0x80, $0x38;
	[tilespmem:$0x1FE80] =	vst v63  }
0x11e: {  	s7 =	simm.s32 @!p2 $0x4;
	s5 =	sadd.s32 @!p2 s8, s15;
	s6 =	simm.s32 @!p2 $0x400  }
0x11f: {  	[tilespmem:s6], [sflag:$0x9] =	stream.linear.gather @!p2 [hbm4b:s5+s0], $0x80, $0x38;
	[tilespmem:$0x1FE80] =	vst v63  }
0x120: {  	_ =	swait.ge @!p2 [sflag:s7], $0x4000  }
0x121: {  	[sflag:s7] =	ssyncset.done @!p2 $0x0  }
0x122: {  	s5 =	simm.s32 @!p2 $0x7;
	[sflag:s7] =	ssyncadd.s32 @!p2 $0xFFFFC000  }
0x123: {  	_ =	swait.ge @!p2 [sflag:s5], $0x80  }
0x124: {  	[sflag:s5] =	ssyncset.done @!p2 $0x0  }
0x125: {  	[sflag:s5] =	ssyncadd.s32 @!p2 $0xFFFFFF80  }
0x126: {  	_ =	swait.ge @!p2 [sflag:s5], $0x80  }
0x127: {  	[sflag:s5] =	ssyncset.done @!p2 $0x0  }
0x128: {  	s6 =	simm.s32 @!p2 $0x2;
	[sflag:s5] =	ssyncadd.s32 @!p2 $0xFFFFFF80;
	s5 =	simm.s32 @!p2 $0x600  }
0x129: {  	[tilespmem:s5], [sflag:$0x1] =	stream.indirect.gather @!p2 [hbm4b:s4+s2], $0x80, s0, s2, $0xb8;
	[tilespmem:$0x1FE80] =	vst v63  }
0x12a: {  	_ =	swait.ge @!p2 [sflag:s6], $0x4000  }
0x12b: {  	s5 =	simm.s32 @!p2 $0x4600;
	[sflag:s6] =	ssyncset.done @!p2 $0x0  }
0x12c: {  	s7 =	rddreg [dreg:$0x5];
	[sflag:s6] =	ssyncadd.s32 @!p2 $0xFFFFC000;
	s6 =	simm.s32 @!p2 $0x500  }
0x12d: {  	[spmem:s1] =	stream.indirect.scatter.add.f32 @!p2 [tilespmem:s5], [sflag:$0x5], $0x80, s6, s2, $0xb8;
	[tilespmem:$0x1FE80] =	vst v63  }
0x12e: {  	s13 =	rddreg [dreg:$0x4];
	s6 =	sadd.s32 @!p2 s8, s7;
	s7 =	simm.s32 @!p2 $0x180  }
0x12f: {  	[tilespmem:s7], [sflag:$0xA] =	stream.linear.gather @!p2 [hbm4b:s6+s0], $0x80, $0x38;
	[tilespmem:$0x1FE80] =	vst v63  }
0x130: {  	s6 =	sadd.s32 @!p2 s8, s13;
	s7 =	simm.s32 @!p2 $0x480;
	s13 =	simm.s32 @!p2 $0x5  }
0x131: {  	[tilespmem:s7], [sflag:$0xA] =	stream.linear.gather @!p2 [hbm4b:s6+s0], $0x80, $0x38;
	[tilespmem:$0x1FE80] =	vst v63  }
0x132: {  	_ =	swait.ge @!p2 [sflag:s13], $0x4000  }
0x133: {  	[sflag:s13] =	ssyncset.done @!p2 $0x0  }
0x134: {  	s0 =	simm.s32 @!p2 $0x8;
	[sflag:s13] =	ssyncadd.s32 @!p2 $0xFFFFC000  }
0x135: {  	_ =	swait.ge @!p2 [sflag:s0], $0x80  }
0x136: {  	s31 =	smov.u32 s28;
	s28 =	sadd.s32 $0xC00, s28;
	[sflag:s0] =	ssyncset.done @!p2 $0x0  }
0x137: {  	p4 =	sne.s32 s28, $0x9C00;
	[sflag:s0] =	ssyncadd.s32 @!p2 $0xFFFFFF80  }
.Ltmp0:
0x138: {  	_ =	swait.ge @!p2 [sflag:s0], $0x80;
	(pc) =	sbr.rel @p4 .LBB2_2-.Ltmp0, $4  }
0x139: {  	[sflag:s0] =	ssyncset.done @!p2 $0x0  }
0x13a: {  	s30 =	sadd.s32 $0x6000, s30;
	s8 =	smov.u32 s31;
	[sflag:s0] =	ssyncadd.s32 @!p2 $0xFFFFFF80  }
0x13b: {  	[tilespmem:s5], [sflag:$0x2] =	stream.indirect.gather @!p2 [hbm4b:s4+s2], $0x80, s2, s2, $0xb8;
	[tilespmem:$0x1FE80] =	vst v63  }
0x13c: {  	s13 =	smov.u32 s18;
	p2 =	por p3, p3;
	_ =	swait.ge [sflag:s26], $0x4000  }
0x13d: {  	s0 =	rddreg [dreg:$0xa]  }
0x13e: {  	[sflag:s26] =	ssyncset.done $0x0;
	s2 =	rddreg [dreg:$0xb]  }
0x13f: {  	s15 =	simm.s32 $0x580;
	[sflag:s26] =	ssyncadd.s32 $0xFFFFC000;
	s0 =	sadd.s32 s8, s0  }
0x140: {  	[spmem:s1] =	stream.indirect.scatter.add.f32 [tilespmem:s16], [sflag:$0x6], $0x80, s15, s29, $0xb8;
	[tilespmem:$0x1FE80] =	vst v63  }
0x141: {  	s7 =	simm.s32 $0x200;
	s2 =	sadd.s32 s8, s2;
	s6 =	sadd.s32 $0x800, s0  }
0x142: {  	[tilespmem:s7], [sflag:$0xB] =	stream.linear.gather [hbm4b:s6+s3], $0x80, $0x38;
	[tilespmem:$0x1FE80] =	vst v63  }
0x143: {  	s5 =	rddreg [dreg:$0xc];
	p3 =	seq.s32 s8, $0x0;
	s11 =	sadd.s32 $0x800, s2  }
0x144: {  	[tilespmem:s5], [sflag:$0xB] =	stream.linear.gather [hbm4b:s11+s3], $0x80, $0x38;
	[tilespmem:$0x1FE80] =	vst v63  }
0x145: {  	s5 =	simm.s32 @!p3 $0x6  }
0x146: {  	_ =	swait.ge @!p3 [sflag:s5], $0x4000  }
0x147: {  	[sflag:s5] =	ssyncset.done @!p3 $0x0  }
0x148: {  	[sflag:s5] =	ssyncadd.s32 @!p3 $0xFFFFC000  }
0x149: {  	_ =	swait.ge [sflag:s9], $0x80  }
0x14a: {  	[sflag:s9] =	ssyncset.done $0x0  }
0x14b: {  	[sflag:s9] =	ssyncadd.s32 $0xFFFFFF80  }
0x14c: {  	_ =	swait.ge [sflag:s9], $0x80  }
0x14d: {  	[sflag:s9] =	ssyncset.done $0x0  }
0x14e: {  	s18 =	simm.s32 $0x100;
	[sflag:s9] =	ssyncadd.s32 $0xFFFFFF80  }
0x14f: {  	[tilespmem:s16], [sflag:$0x3] =	stream.indirect.gather [hbm4b:s4+s29], $0x80, s18, s29, $0xb8;
	[tilespmem:$0x1FE80] =	vst v63  }
0x150: {  	_ =	swait.ge [sflag:s17], $0x4000  }
0x151: {  	[sflag:s17] =	ssyncset.done $0x0  }
0x152: {  	s19 =	simm.s32 $0x300;
	s18 =	simm.s32 $0x600;
	[sflag:s17] =	ssyncadd.s32 $0xFFFFC000  }
0x153: {  	[spmem:s1] =	stream.indirect.scatter.add.f32 [tilespmem:s18], [sflag:$0x4], $0x80, s19, s29, $0xb8;
	[tilespmem:$0x1FE80] =	vst v63  }
0x154: {  	s0 =	sadd.s32 $0xA00, s0;
	s11 =	simm.s32 $0x280  }
0x155: {  	[tilespmem:s11], [sflag:$0xC] =	stream.linear.gather [hbm4b:s0+s3], $0x80, $0x38;
	[tilespmem:$0x1FE80] =	vst v63  }
0x156: {  	s30 =	sadd.s32 $0xA00, s2  }
0x157: {  	[tilespmem:s15], [sflag:$0xC] =	stream.linear.gather [hbm4b:s30+s3], $0x80, $0x38;
	[tilespmem:$0x1FE80] =	vst v63  }
0x158: {  	_ =	swait.ge [sflag:s20], $0x4000  }
0x159: {  	[sflag:s20] =	ssyncset.done $0x0  }
0x15a: {  	[sflag:s20] =	ssyncadd.s32 $0xFFFFC000  }
0x15b: {  	_ =	swait.ge [sflag:s21], $0x80  }
0x15c: {  	[sflag:s21] =	ssyncset.done $0x0  }
0x15d: {  	[sflag:s21] =	ssyncadd.s32 $0xFFFFFF80  }
0x15e: {  	_ =	swait.ge [sflag:s21], $0x80  }
0x15f: {  	[sflag:s21] =	ssyncset.done $0x0  }
0x160: {  	s2 =	simm.s32 $0x180;
	[sflag:s21] =	ssyncadd.s32 $0xFFFFFF80  }
0x161: {  	[tilespmem:s18], [sflag:$0x1] =	stream.indirect.gather [hbm4b:s4+s29], $0x80, s2, s29, $0xb8;
	[tilespmem:$0x1FE80] =	vst v63  }
0x162: {  	_ =	swait.ge [sflag:s22], $0x4000  }
0x163: {  	[sflag:s22] =	ssyncset.done $0x0  }
0x164: {  	s6 =	simm.s32 $0x4600;
	s5 =	simm.s32 $0x380;
	[sflag:s22] =	ssyncadd.s32 $0xFFFFC000  }
0x165: {  	[spmem:s1] =	stream.indirect.scatter.add.f32 [tilespmem:s6], [sflag:$0x5], $0x80, s5, s29, $0xb8;
	[tilespmem:$0x1FE80] =	vst v63  }
0x166: {  	s0 =	simm.s32 @!p2 $0x0  }
0x167: {  	[tilespmem:s0], [sflag:$0x7] =	stream.linear.gather @!p2 [hbm4b:s12+s0], $0x80, $0x38;
	[tilespmem:$0x1FE80] =	vst v63  }
0x168: {  	s2 =	simm.s32 @!p2 $0x300  }
0x169: {  	[tilespmem:s2], [sflag:$0x7] =	stream.linear.gather @!p2 [hbm4b:s25+s0], $0x80, $0x38;
	[tilespmem:$0x1FE80] =	vst v63  }
0x16a: {  	_ =	swait.ge [sflag:s23], $0x4000  }
0x16b: {  	[sflag:s23] =	ssyncset.done $0x0  }
0x16c: {  	[sflag:s23] =	ssyncadd.s32 $0xFFFFC000  }
0x16d: {  	_ =	swait.ge [sflag:s24], $0x80  }
0x16e: {  	[sflag:s24] =	ssyncset.done $0x0  }
0x16f: {  	[sflag:s24] =	ssyncadd.s32 $0xFFFFFF80  }
0x170: {  	_ =	swait.ge [sflag:s24], $0x80  }
0x171: {  	[sflag:s24] =	ssyncset.done $0x0  }
0x172: {  	[sflag:s24] =	ssyncadd.s32 $0xFFFFFF80  }
0x173: {  	[tilespmem:s6], [sflag:$0x2] =	stream.indirect.gather [hbm4b:s4+s29], $0x80, s7, s29, $0xb8;
	[tilespmem:$0x1FE80] =	vst v63  }
0x174: {  	_ =	swait.ge [sflag:s26], $0x4000  }
0x175: {  	[sflag:s26] =	ssyncset.done $0x0  }
0x176: {  	s7 =	simm.s32 $0x400;
	s2 =	rddreg [dreg:$0x9];
	[sflag:s26] =	ssyncadd.s32 $0xFFFFC000  }
0x177: {  	[spmem:s1] =	stream.indirect.scatter.add.f32 [tilespmem:s16], [sflag:$0x6], $0x80, s7, s29, $0xb8;
	[tilespmem:$0x1FE80] =	vst v63  }
0x178: {  	s5 =	rddreg [dreg:$0x8];
	s6 =	sadd.s32 @!p2 s8, s2;
	s2 =	simm.s32 @!p2 $0x80  }
0x179: {  	[tilespmem:s2], [sflag:$0x8] =	stream.linear.gather @!p2 [hbm4b:s6+s0], $0x80, $0x38;
	[tilespmem:$0x1FE80] =	vst v63  }
0x17a: {  	s5 =	sadd.s32 @!p2 s8, s5;
	s6 =	simm.s32 @!p2 $0x380  }
0x17b: {  	[tilespmem:s6], [sflag:$0x8] =	stream.linear.gather @!p2 [hbm4b:s5+s0], $0x80, $0x38;
	[tilespmem:$0x1FE80] =	vst v63  }
0x17c: {  	_ =	swait.ge [sflag:s14], $0x4000  }
0x17d: {  	[sflag:s14] =	ssyncset.done $0x0  }
0x17e: {  	[sflag:s14] =	ssyncadd.s32 $0xFFFFC000  }
0x17f: {  	_ =	swait.ge [sflag:s10], $0x80  }
0x180: {  	[sflag:s10] =	ssyncset.done $0x0  }
0x181: {  	[sflag:s10] =	ssyncadd.s32 $0xFFFFFF80  }
0x182: {  	_ =	swait.ge [sflag:s10], $0x80  }
0x183: {  	[sflag:s10] =	ssyncset.done $0x0  }
0x184: {  	[sflag:s10] =	ssyncadd.s32 $0xFFFFFF80  }
0x185: {  	[tilespmem:s16], [sflag:$0x3] =	stream.indirect.gather [hbm4b:s4+s29], $0x80, s11, s29, $0xb8;
	[tilespmem:$0x1FE80] =	vst v63  }
0x186: {  	_ =	swait.ge [sflag:s17], $0x4000  }
0x187: {  	[sflag:s17] =	ssyncset.done $0x0  }
0x188: {  	s5 =	simm.s32 @p2 $0x2;
	s11 =	simm.s32 $0x480;
	[sflag:s17] =	ssyncadd.s32 $0xFFFFC000  }
0x189: {  	[spmem:s1] =	stream.indirect.scatter.add.f32 [tilespmem:s18], [sflag:$0x4], $0x80, s11, s29, $0xb8;
	[tilespmem:$0x1FE80] =	vst v63  }
0x18a: {  	_ =	swait.ge @p2 [sflag:s5], $0x4000  }
0x18b: {  	s7 =	simm.s32 @p2 $0x500;
	s6 =	simm.s32 @p2 $0x4600;
	[sflag:s5] =	ssyncset.done @p2 $0x0  }
0x18c: {  	s12 =	rddreg [dreg:$0x7];
	[sflag:s5] =	ssyncadd.s32 @p2 $0xFFFFC000;
	s5 =	simm.s32 @p2 $0x80  }
0x18d: {  	[spmem:s1] =	stream.indirect.scatter.add.f32 @p2 [tilespmem:s6], [sflag:$0x5], $0x80, s7, s5, $0xb8;
	[tilespmem:$0x1FE80] =	vst v63  }
0x18e: {  	s5 =	rddreg [dreg:$0x6];
	s6 =	sadd.s32 @!p2 s8, s12;
	s7 =	simm.s32 @!p2 $0x100  }
0x18f: {  	[tilespmem:s7], [sflag:$0x9] =	stream.linear.gather @!p2 [hbm4b:s6+s0], $0x80, $0x38;
	[tilespmem:$0x1FE80] =	vst v63  }
0x190: {  	s5 =	sadd.s32 @!p2 s8, s5;
	s6 =	simm.s32 @!p2 $0x400;
	s7 =	simm.s32 @!p2 $0x4  }
0x191: {  	[tilespmem:s6], [sflag:$0x9] =	stream.linear.gather @!p2 [hbm4b:s5+s0], $0x80, $0x38;
	[tilespmem:$0x1FE80] =	vst v63  }
0x192: {  	_ =	swait.ge @!p2 [sflag:s7], $0x4000  }
0x193: {  	[sflag:s7] =	ssyncset.done @!p2 $0x0  }
0x194: {  	s5 =	simm.s32 @!p2 $0x7;
	[sflag:s7] =	ssyncadd.s32 @!p2 $0xFFFFC000  }
0x195: {  	_ =	swait.ge @!p2 [sflag:s5], $0x80  }
0x196: {  	[sflag:s5] =	ssyncset.done @!p2 $0x0  }
0x197: {  	[sflag:s5] =	ssyncadd.s32 @!p2 $0xFFFFFF80  }
0x198: {  	_ =	swait.ge @!p2 [sflag:s5], $0x80  }
0x199: {  	[sflag:s5] =	ssyncset.done @!p2 $0x0  }
0x19a: {  	s6 =	simm.s32 @!p2 $0x2;
	[sflag:s5] =	ssyncadd.s32 @!p2 $0xFFFFFF80;
	s5 =	simm.s32 @!p2 $0x600  }
0x19b: {  	[tilespmem:s5], [sflag:$0x1] =	stream.indirect.gather @!p2 [hbm4b:s4+s2], $0x80, s0, s2, $0xb8;
	[tilespmem:$0x1FE80] =	vst v63  }
0x19c: {  	_ =	swait.ge @!p2 [sflag:s6], $0x4000  }
0x19d: {  	s5 =	simm.s32 @!p2 $0x4600;
	[sflag:s6] =	ssyncset.done @!p2 $0x0  }
0x19e: {  	s7 =	rddreg [dreg:$0x5];
	[sflag:s6] =	ssyncadd.s32 @!p2 $0xFFFFC000;
	s6 =	simm.s32 @!p2 $0x500  }
0x19f: {  	[spmem:s1] =	stream.indirect.scatter.add.f32 @!p2 [tilespmem:s5], [sflag:$0x5], $0x80, s6, s2, $0xb8;
	[tilespmem:$0x1FE80] =	vst v63  }
0x1a0: {  	s12 =	rddreg [dreg:$0x4];
	s6 =	sadd.s32 @!p2 s8, s7;
	s7 =	simm.s32 @!p2 $0x180  }
0x1a1: {  	[tilespmem:s7], [sflag:$0xA] =	stream.linear.gather @!p2 [hbm4b:s6+s0], $0x80, $0x38;
	[tilespmem:$0x1FE80] =	vst v63  }
0x1a2: {  	s6 =	sadd.s32 @!p2 s8, s12;
	s7 =	simm.s32 @!p2 $0x480  }
0x1a3: {  	[tilespmem:s7], [sflag:$0xA] =	stream.linear.gather @!p2 [hbm4b:s6+s0], $0x80, $0x38;
	[tilespmem:$0x1FE80] =	vst v63  }
0x1a4: {  	s0 =	simm.s32 @!p2 $0x5  }
0x1a5: {  	_ =	swait.ge @!p2 [sflag:s0], $0x4000  }
0x1a6: {  	[sflag:s0] =	ssyncset.done @!p2 $0x0  }
0x1a7: {  	[sflag:s0] =	ssyncadd.s32 @!p2 $0xFFFFC000;
	s0 =	simm.s32 @!p2 $0x8  }
0x1a8: {  	_ =	swait.ge @!p2 [sflag:s0], $0x80  }
0x1a9: {  	[sflag:s0] =	ssyncset.done @!p2 $0x0  }
0x1aa: {  	[sflag:s0] =	ssyncadd.s32 @!p2 $0xFFFFFF80  }
0x1ab: {  	_ =	swait.ge @!p2 [sflag:s0], $0x80  }
0x1ac: {  	[sflag:s0] =	ssyncset.done @!p2 $0x0  }
0x1ad: {  	[sflag:s0] =	ssyncadd.s32 @!p2 $0xFFFFFF80  }
0x1ae: {  	[tilespmem:s5], [sflag:$0x2] =	stream.indirect.gather @!p2 [hbm4b:s4+s2], $0x80, s2, s2, $0xb8;
	[tilespmem:$0x1FE80] =	vst v63  }
0x1af: {  	_ =	swait.ge [sflag:s26], $0x4000  }
0x1b0: {  	[sflag:s26] =	ssyncset.done $0x0  }
0x1b1: {  	[sflag:s26] =	ssyncadd.s32 $0xFFFFC000  }
0x1b2: {  	[spmem:s1] =	stream.indirect.scatter.add.f32 [tilespmem:s16], [sflag:$0x6], $0x80, s15, s29, $0xb8;
	[tilespmem:$0x1FE80] =	vst v63  }
0x1b3: {  	_ =	swait.ge [sflag:s20], $0x4000  }
0x1b4: {  	[sflag:s20] =	ssyncset.done $0x0  }
0x1b5: {  	[sflag:s20] =	ssyncadd.s32 $0xFFFFC000  }
0x1b6: {  	_ =	swait.ge [sflag:s23], $0x4000  }
0x1b7: {  	[sflag:s23] =	ssyncset.done $0x0  }
0x1b8: {  	[sflag:s23] =	ssyncadd.s32 $0xFFFFC000  }
0x1b9: {  	_ =	swait.ge [sflag:s14], $0x4000  }
0x1ba: {  	[sflag:s14] =	ssyncset.done $0x0  }
0x1bb: {  	s0 =	simm.s32 @!p1 $0x0;
	s2 =	rddreg [dreg:$0x1c];
	[sflag:s14] =	ssyncadd.s32 $0xFFFFC000  }
0x1bc: {  	[tilespmem:s0], [sflag:$0x7] =	stream.linear.gather @!p1 [hbm4b:s2+s0], $0x80, $0x38;
	[tilespmem:$0x1FE80] =	vst v63  }
0x1bd: {  	s5 =	rddreg [dreg:$0x1d];
	s2 =	simm.s32 @!p1 $0x300  }
0x1be: {  	[tilespmem:s2], [sflag:$0x7] =	stream.linear.gather @!p1 [hbm4b:s5+s0], $0x80, $0x38;
	[tilespmem:$0x1FE80] =	vst v63  }
0x1bf: {  	s5 =	simm.s32 @!p1 $0x7  }
0x1c0: {  	_ =	swait.ge @!p1 [sflag:s5], $0x80  }
0x1c1: {  	[sflag:s5] =	ssyncset.done @!p1 $0x0  }
0x1c2: {  	[sflag:s5] =	ssyncadd.s32 @!p1 $0xFFFFFF80  }
0x1c3: {  	_ =	swait.ge @!p1 [sflag:s5], $0x80  }
0x1c4: {  	[sflag:s5] =	ssyncset.done @!p1 $0x0  }
0x1c5: {  	s6 =	simm.s32 @!p1 $0x600;
	[sflag:s5] =	ssyncadd.s32 @!p1 $0xFFFFFF80;
	s5 =	simm.s32 @!p1 $0x80  }
0x1c6: {  	[tilespmem:s6], [sflag:$0x1] =	stream.indirect.gather @!p1 [hbm4b:s4+s5], $0x80, s0, s5, $0xb8;
	[tilespmem:$0x1FE80] =	vst v63  }
0x1c7: {  	s0 =	simm.s32 @!p1 $0x1  }
0x1c8: {  	_ =	swait.ge @!p1 [sflag:s0], $0x4000  }
0x1c9: {  	[sflag:s0] =	ssyncset.done @!p1 $0x0  }
0x1ca: {  	[sflag:s0] =	ssyncadd.s32 @!p1 $0xFFFFC000;
	s0 =	simm.s32 @!p1 $0xE  }
0x1cb: {  	[spmem:s1] =	stream.indirect.scatter.add.f32 @!p1 [tilespmem:s6], [sflag:$0xE], $0x80, s2, s5, $0xb8;
	[tilespmem:$0x1FE80] =	vst v63  }
0x1cc: {  	_ =	swait.ge @!p1 [sflag:s0], $0x4000  }
0x1cd: {  	[sflag:s0] =	ssyncset.done @!p1 $0x0  }
0x1ce: {  	[sflag:s0] =	ssyncadd.s32 @!p1 $0xFFFFC000  }
0x1cf: {  	[bflag:$0x0] =	sbarrier.arrive $0xFFFF  }
0x1d0: {  	s18 =	sld [smem:$0x7FA]  }
0x1d1: {  	s12 =	rddreg [dreg:$0x10]  }
0x1d2: {  	s19 =	simm.s32 $0xE;
	s15 =	rddreg [dreg:$0x17];
	s0 =	sor.u32 $0x1C0E, s12  }
0x1d3: {  	[hbm:s15], [sflag:s0] =	dma.local [spmem:s18], $0x2700  }
0x1d4: {  	_ =	swait.ge [sflag:s19], $0x2700  }
0x1d5: {  	s5 =	sld [smem:$0x7FB]  }
0x1d6: {  	[sflag:s19] =	ssyncset.done $0x0  }
0x1d7: {  	s2 =	rddreg [dreg:$0x1e];
	[sflag:s19] =	ssyncadd.s32 $0xFFFFD900  }
0x1d8: {  	[hbm:s2], [sflag:s0] =	dma.local @!p0 [spmem:s5], $0x100  }
0x1d9: {  	s0 =	simm.s32 @!p0 $0xE  }
0x1da: {  	_ =	swait.ge @!p0 [sflag:s0], $0x100  }
0x1db: {  	s25 =	sld [smem:$0x7F9];
	_ =	sdelay $0x2  }
0x1dc: {  	s30 =	rddreg [dreg:$0x1f];
	s5 =	sadd.s32 $0x1, s25  }
0x1dd: {  	p2 =	sne.s32 s5, s30  }
.Ltmp1:
0x1de: {  	_ = 	snop;
	(pc) =	sbr.rel @p2 .LBB2_1-.Ltmp1, $3  }
0x1df: {  	_ =	sdelay $0x1  }
0x1e0: {  	[sflag:s0] =	ssyncset.done @!p0 $0x0  }
0x1e1: {  	s28 =	simm.s32 $0x580;
	s31 =	rddreg [dreg:$0xd];
	[sflag:s0] =	ssyncadd.s32 @!p0 $0xFFFFFF00  }
0x1e2: {  	_ =	sfence.sel $0x180000  }
0x1e3: {  	[bflag:$0x0] =	sbarrier.arrive $0xFFFF  }
0x1e4: {  	_ =	strace $0x9000004D  }
0x1e5: {  	s0 =	stileid.u32;
	[bflag:$0x2] =	sbarrier.arrive $0xFFFF  }
0x1e6: {  	p0 =	sne.s32 s0, $0x0;
	s0 =	rddreg [dreg:$0x3]  }
0x1e7: {  	s0 =	sadd.s32 @!p0 $0x100000, s0  }
0x1e8: {  	[sflag:s0] =	ssyncadd.tile.s32 @!p0 $0x1;
	_ =	shalt  }
.Lfunc_end2:
_tile_overlayer_lowered:
.L_overlay_start_2:
0x1e9: {  	(tag) =	ssettag $0x2  }
0x1ea: {  	s0 =	rddreg [dreg:$0x0];
	s2 =	stileid.u32  }
0x1eb: {  	s1 =	rddreg [dreg:$0x1];
	p0 =	sne.s32 s2, $0x0  }
0x1ec: {  	s3 =	rddreg [dreg:$0x2];
	[bflag:$0x3] =	sbarrier.arrive $0xFFFF;
	s2 =	simm.s32 @!p0 $0x1C0E  }
0x1ed: {  	[timem:s3], [sflag:s2] =	dma.local @!p0 [hbm:s0], s1  }
0x1ee: {  	s0 =	simm.s32 @!p0 $0xE  }
0x1ef: {  	_ =	swait.ge @!p0 [sflag:s0], s1  }
0x1f0: {  	s1 =	ssub.s32 @!p0 $0x0, s1;
	[sflag:s0] =	ssyncset.done @!p0 $0x0  }
0x1f1: {  	[sflag:s0] =	ssyncadd.s32 @!p0 s1  }
0x1f2: {  	[bflag:$0x3] =	sbarrier.arrive $0xFFFF  }
0x1f3: {  	_ =	shalt  }

// kernel: kernel.8.cloned.1.call-start
scs
__scs_entry_jumppad:
0x0: {  	(pc) =	sbr.rel $0x88, $3  }
0x1: {  	(tag) =	ssettag $0x0;
	lr =	simm.s32 $0x1  }
0x2: {  	[smem:$0x3F8D] =	sst lr;
	_ =	strace $0xD0000000  }
0x3: {  	_ = 	snop  }
0x4: {  	_ = 	snop  }
0x5: {  	_ = 	snop  }
0x6: {  	_ = 	snop  }
0x7: {  	_ = 	snop  }
__scs_overlays_trampoline_lowered:
0x8: {  	[smem:$0x3F9C] =	sst s0  }
0x9: {  	[smem:$0x3F9D] =	sst s1  }
0xa: {  	[smem:$0x3F9E] =	sst s2  }
0xb: {  	[smem:$0x3F9F] =	sst s3  }
0xc: {  	[smem:$0x3FA0] =	sst s4  }
0xd: {  	[smem:$0x3FA1] =	sst s5  }
0xe: {  	[smem:$0x3FA2] =	sst s6  }
0xf: {  	[smem:$0x3FA3] =	sst s7  }
0x10: {  	[smem:$0x3FA4] =	sst s8  }
0x11: {  	[smem:$0x3FA5] =	sst s9;
	s0 =	simm.s32 @!p0 $0x0  }
0x12: {  	s1 =	sld [smem:$0x3F8B];
	s0 =	simm.s32 @p0 $0x1  }
0x13: {  	[smem:$0x3FA6] =	sst s0;
	s0 =	simm.s32 @!p1 $0x0  }
0x14: {  	s2 =	sld [smem:$0x3F8A];
	s0 =	simm.s32 @p1 $0x1  }
0x15: {  	[smem:$0x3FA7] =	sst s0;
	s0 =	simm.s32 @!p2 $0x0  }
0x16: {  	s3 =	sld [smem:$0x3FDB];
	s0 =	simm.s32 @p2 $0x1  }
0x17: {  	s4 =	simm.s32 $0x1BF5;
	[smem:$0x3FA9] =	sst s0  }
0x18: {  	s0 =	sld [smem:$0x3F8C];
	_ =	swait.ge [sflag:s4], $0x0  }
0x19: {  	s7 =	sld [smem:$0x3F8D]  }
0x1a: {  	s8 =	sadd.s32 $0xFFFFE003, lr  }
0x1b: {  	s9 =	sadd.s32 $0xFFFFFEF7, lr;
	s5 =	simm.s32 $0xFFFFFFFF;
	p2 =	slt.u32 s8, $0xFFFFF086  }
0x1c: {  	p1 =	slt.u32 s9, $0xF7A;
	s5 =	simm.s32 @!p2 $0x0  }
0x1d: {  	s5 =	simm.s32 @p1 $0x1;
	p0 =	seq.s32 s7, s2  }
0x1e: {  	s7 =	smul.u32 @!p0 $0xF7A, s2;
	p2 =	seq.s32 @!p0 s5, $0x0  }
0x1f: {  	s9 =	smul.u32 $0xF7A, s1;
	s8 =	simm.s32 @!p0 $0x1BF5;
	p2 =	por !p2, p0  }
0x20: {  	[sflag:s8] =	ssyncset.s32 @!p0 $0xFFFFF086;
	s6 =	sadd.s32 @!p0 s3, s7;
	s7 =	simm.s32 @!p0 $0x108  }
0x21: {  	s3 =	sadd.s32 s3, s9;
	s6 =	sadd.s32 @!p0 $0x88, s6;
	s7 =	simm.s32 @p2 $0x1082  }
0x22: {  	[simem:s7], [sflag:s8] =	dma.local @!p0 [hbm:s6], $0xF7A  }
0x23: {  	s9 =	sor.u32 $0xD0000000, s2;
	s6 =	simm.s32 $0x108;
	_ =	swait.ge @!p0 [sflag:s8], $0x0  }
0x24: {  	s3 =	sadd.s32 $0x88, s3;
	s6 =	simm.s32 @!p1 $0x1082;
	[sflag:s4] =	ssyncset.s32 $0xFFFFF086  }
0x25: {  	[simem:s6], [sflag:s4] =	dma.local [hbm:s3], $0xF7A  }
0x26: {  	[smem:$0x3F8D] =	sst s1;
	(tag) =	ssettag s2;
	_ =	strace s9  }
0x27: {  	s1 =	sld [smem:$0x3F9D]  }
0x28: {  	s2 =	sld [smem:$0x3F9E]  }
0x29: {  	s4 =	sld [smem:$0x3FA0]  }
0x2a: {  	p0 =	seq.s32 s5, $0x0;
	s5 =	sld [smem:$0x3FA1]  }
0x2b: {  	s6 =	sld [smem:$0x3FA2]  }
0x2c: {  	s7 =	sld [smem:$0x3FA3]  }
0x2d: {  	s3 =	simm.s32 $0x108;
	s8 =	sld [smem:$0x3FA4]  }
0x2e: {  	s3 =	simm.s32 @!p0 $0x1082;
	s9 =	sld [smem:$0x3FA5]  }
0x2f: {  	lr =	sadd.s32 s0, s3;
	s0 =	sld [smem:$0x3F9C]  }
0x30: {  	s3 =	sld [smem:$0x3F9F]  }
0x31: {  	[smem:$0x3FA8] =	sst s10  }
0x32: {  	s10 =	sld [smem:$0x3FA6];
	_ =	sdelay $0x3  }
0x33: {  	p0 =	seq.s32 s10, $0x1;
	s10 =	sld [smem:$0x3FA8];
	_ =	sdelay $0x3  }
0x34: {  	[smem:$0x3FA8] =	sst s10  }
0x35: {  	s10 =	sld [smem:$0x3FA7];
	_ =	sdelay $0x3  }
0x36: {  	p1 =	seq.s32 s10, $0x1;
	s10 =	sld [smem:$0x3FA8];
	_ =	sdelay $0x3  }
0x37: {  	[smem:$0x3FA8] =	sst s10  }
0x38: {  	s10 =	sld [smem:$0x3FA9]  }
0x39: {  	_ = 	snop;
	(pc) =	sbr.ind lr, $3  }
0x3a: {  	_ = 	snop  }
0x3b: {  	_ = 	snop  }
0x3c: {  	p2 =	seq.s32 s10, $0x1;
	s10 =	sld [smem:$0x3FA8]  }
0x3d: {  	_ =	shalt  }
0x3e: {  	_ =	shalt  }
0x3f: {  	_ =	shalt  }
0x40: {  	_ =	shalt  }
0x41: {  	_ =	shalt  }
0x42: {  	_ =	shalt  }
0x43: {  	_ =	shalt  }
0x44: {  	_ =	shalt  }
0x45: {  	_ =	shalt  }
0x46: {  	_ =	shalt  }
0x47: {  	_ =	shalt  }
0x48: {  	_ =	shalt  }
0x49: {  	_ =	shalt  }
0x4a: {  	_ =	shalt  }
0x4b: {  	_ =	shalt  }
0x4c: {  	_ =	shalt  }
0x4d: {  	_ =	shalt  }
0x4e: {  	_ =	shalt  }
0x4f: {  	_ =	shalt  }
0x50: {  	_ =	shalt  }
0x51: {  	_ =	shalt  }
0x52: {  	_ =	shalt  }
0x53: {  	_ =	shalt  }
0x54: {  	_ =	shalt  }
0x55: {  	_ =	shalt  }
0x56: {  	_ =	shalt  }
0x57: {  	_ =	shalt  }
0x58: {  	_ =	shalt  }
0x59: {  	_ =	shalt  }
0x5a: {  	_ =	shalt  }
0x5b: {  	_ =	shalt  }
0x5c: {  	_ =	shalt  }
0x5d: {  	_ =	shalt  }
0x5e: {  	_ =	shalt  }
0x5f: {  	_ =	shalt  }
0x60: {  	_ =	shalt  }
0x61: {  	_ =	shalt  }
0x62: {  	_ =	shalt  }
0x63: {  	_ =	shalt  }
0x64: {  	_ =	shalt  }
0x65: {  	_ =	shalt  }
0x66: {  	_ =	shalt  }
0x67: {  	_ =	shalt  }
0x68: {  	_ =	shalt  }
0x69: {  	_ =	shalt  }
0x6a: {  	_ =	shalt  }
0x6b: {  	_ =	shalt  }
0x6c: {  	_ =	shalt  }
0x6d: {  	_ =	shalt  }
0x6e: {  	_ =	shalt  }
0x6f: {  	_ =	shalt  }
0x70: {  	_ =	shalt  }
0x71: {  	_ =	shalt  }
0x72: {  	_ =	shalt  }
0x73: {  	_ =	shalt  }
0x74: {  	_ =	shalt  }
0x75: {  	_ =	shalt  }
0x76: {  	_ =	shalt  }
0x77: {  	_ =	shalt  }
0x78: {  	_ =	shalt  }
0x79: {  	_ =	shalt  }
0x7a: {  	_ =	shalt  }
0x7b: {  	_ =	shalt  }
0x7c: {  	_ =	shalt  }
0x7d: {  	_ =	shalt  }
0x7e: {  	_ =	shalt  }
0x7f: {  	_ =	shalt  }
0x80: {  	_ =	shalt  }
0x81: {  	_ =	shalt  }
0x82: {  	_ =	shalt  }
0x83: {  	_ =	shalt  }
0x84: {  	_ =	shalt  }
0x85: {  	_ =	shalt  }
0x86: {  	_ =	shalt  }
0x87: {  	_ =	shalt  }
.Lfunc_end0:
.L_simem_size_0:
called_computation_lowered:
.L_overlay_start_0:
0x88: {  	s2 =	sld [smem:$0x3FD9]  }
0x89: {  	s3 =	sld [smem:$0x3FFE];
	_ =	sdelay $0x1  }
0x8a: {  	s1 =	srdreg.scid  }
0x8b: {  	s0 =	sand.u32 $0x1, s1  }
0x8c: {  	s17 =	sshll.u32 s0, $0xA;
	s2 =	sadd.s32 s3, s2  }
0x8d: {  	s2 =	sadd.s32 s2, s17  }
0x8e: {  	[smem:$0x3FB4] =	sst s2  }
0x8f: {  	_ = 	snop  }
0x90: {  	s2 =	sld [smem:$0x3FC9]  }
0x91: {  	s18 =	sld [smem:$0x3FD0];
	(tm) =	ssettm $0x1  }
0x92: {  	s4 =	sld [smem:$0x3FFB];
	_ =	sdelay $0x3  }
0x93: {  	_ =	strace s4  }
0x94: {  	s4 =	sld [smem:$0x3FFC];
	_ =	sdelay $0x3  }
0x95: {  	_ =	strace s4  }
0x96: {  	s4 =	sld [smem:$0x3FFD];
	_ =	sdelay $0x3  }
0x97: {  	_ =	strace s4  }
0x98: {  	_ =	strace $0x8FFFFFFF  }
0x99: {  	s19 =	sld [smem:$0x3FDB];
	_ =	sdelay $0x1  }
0x9a: {  	s5 =	simm.s32 $_scs_section_size  }
0x9b: {  	s6 =	simm.s32 $_size__tile_overlayer_lowered;
	s7 =	simm.s32 $_tile_overlayer_lowered  }
0x9c: {  	s22 =	simm.s32 $0x1BFF;
	s21 =	sshll.u32 s7, $0x1;
	s4 =	sadd.s32 s5, s19  }
0x9d: {  	s8 =	simm.s32 $0x0;
	s20 =	sshll.u32 s6, $0x1;
	s6 =	sadd.s32 s21, s4  }
0x9e: {  	[timem:s8], [sflag:s22] =	dma.local [hbm:s6], s20  }
0x9f: {  	_ =	swait.ge [sflag:s22], s20  }
0xa0: {  	s5 =	ssub.s32 $0x0, s20;
	[sflag:s22] =	ssyncset.done $0x0  }
0xa1: {  	[sflag:s22] =	ssyncadd.s32 s5;
	_ =	sdelay $0x1  }
0xa2: {  	s23 =	simm.s32 $0x1B8B  }
0xa3: {  	_ =	swait.ge [sflag:s23], $0x1  }
0xa4: {  	[sflag:s23] =	ssyncset.done $0x0  }
0xa5: {  	s25 =	simm.s32 $0x1B8E;
	s24 =	sld [smem:$0x3FFE];
	[sflag:s23] =	ssyncadd.s32 $0xFFFFFFFF  }
0xa6: {  	s26 =	simm.s32 $execute0_lowered;
	[smem:$0x3FD2] =	sst s25  }
0xa7: {  	s6 =	sshll.u32 s26, $0x1;
	_ =	strace $0x80000046;
	[dreg:$0x1] =	wrdreg $0xFFFFFFFF  }
0xa8: {  	s28 =	simm.s32 $_size_execute0_lowered;
	s4 =	sadd.s32 s4, s6;
	[dreg:$0x0] =	wrdreg $0x0  }
0xa9: {  	s6 =	sshll.u32 s28, $0x1;
	[dreg:$0x2] =	wrdreg s4  }
0xaa: {  	[dreg:$0x3] =	wrdreg s6  }
0xab: {  	[dreg:$0x4] =	wrdreg $0xC0  }
0xac: {  	_ =	task [dreg:s8], $0x5FFFF  }
0xad: {  	[dreg:$0x1] =	wrdreg $0xFFFFFFFF  }
0xae: {  	[dreg:$0x0] =	wrdreg $0x60  }
0xaf: {  	[dreg:$0x2] =	wrdreg s2  }
0xb0: {  	[dreg:$0x3] =	wrdreg s24  }
0xb1: {  	[dreg:$0x4] =	wrdreg s18  }
0xb2: {  	[dreg:$0x5] =	wrdreg $0xC6000  }
0xb3: {  	[dreg:$0x6] =	wrdreg $0x9  }
0xb4: {  	_ =	task.clear_ibuf [dreg:s8], $0x7FFFF;
	_ =	strace $0x90000046  }
0xb5: {  	s29 =	simm.s32 $0x9;
	_ =	strace $0x80000048  }
0xb6: {  	_ =	swait.ge [sflag:s29], $0x1  }
0xb7: {  	[sflag:s29] =	ssyncadd.s32 $0xFFFFFFFF  }
0xb8: {  	_ =	strace $0x90000048  }
0xb9: {  	_ =	sfence  }
0xba: {  	s30 =	sld [smem:$0x0];
	_ =	sdelay $0x2  }
0xbb: {  	s31 =	sshll.u32 s1, $0xD;
	s1 =	sshrl.u32 s1, $0x2  }
0xbc: {  	s3 =	sand.u32 $0x4000, s31;
	s1 =	sadd.s32 s1, s30  }
0xbd: {  	s0 =	sor.u32 s3, s0;
	s1 =	sshll.u32 s1, $0x11  }
0xbe: {  	s0 =	sor.u32 s1, s0  }
0xbf: {  	s0 =	sadd.s32 $0x8F2B, s0  }
0xc0: {  	[sflag:s0] =	ssyncadd.remote.s32 $0x1  }
0xc1: {  	_ =	sfence.sel $0xFFFF  }
0xc2: {  	[dreg:$0x0] =	wrdreg $0xFFFFFFFF;
	(pc) =	sbr.abs _section_cstart, $3  }
0xc3: {  	[dreg:$0x1] =	wrdreg $0xFFFFFFFF  }
0xc4: {  	_ =	task.clear_ibuf [dreg:s8], $0x2FFFF;
	_ =	strace $0x9FFFFFFF  }
0xc5: {  	(tm) =	ssettm $0x7FFFFFFF  }
tec
execute0_lowered:
.L_overlay_start_1:
0x0: {  	(tag) =	ssettag $0x1  }
0x1: {  	s1 =	rddreg [dreg:$0x0]  }
0x2: {  	s0 =	rddreg [dreg:$0x1]  }
0x3: {  	s3 =	rddreg [dreg:$0x2]  }
0x4: {  	s2 =	rddreg [dreg:$0x3]  }
0x5: {  	s4 =	simm.s32 $0x0;
	s5 =	srdreg.scid;
	s6 =	stileid.u32  }
0x6: {  	s29 =	simm.s32 $0x80;
	s28 =	simm.s32 $0x580;
	[smem:$0x7FF] =	sst s4  }
0x7: {  	s7 =	sand.u32 $0x1, s5;
	s8 =	smul.u32 $0x4E000, s6;
	s5 =	sadd.s32 $0xDC00, s0  }
0x8: {  	s10 =	smul.u32 $0x13800, s6;
	s31 =	sadd.s32 $0x3E00, s0;
	s13 =	sshll.u32 s6, $0x6  }
0x9: {  	s11 =	sshll.u32 s6, $0x8;
	s21 =	sadd.s32 $0x138000, s2;
	p0 =	sne.s32 s6, $0xF  }
0xa: {  	p1 =	sgt.u32 s6, $0x1;
	_ =	strace $0x80000047;
	[dreg:$0x11] =	wrdreg s13  }
0xb: {  	s9 =	ssub.s32 $0x2, s7;
	s12 =	sshll.u32 s7, $0x7;
	[dreg:$0x13] =	wrdreg s21  }
0xc: {  	s13 =	sor.u32 $0x1C0D, s13;
	[dreg:$0xe] =	wrdreg s31;
	s19 =	sshrl.u32 s9, $0x1  }
0xd: {  	s8 =	sshrl.u32 s8, $0x2;
	s20 =	sshrl.u32 s10, $0x3;
	[dreg:$0x12] =	wrdreg s13  }
0xe: {  	s11 =	sor.u32 s12, s11;
	s0 =	ssub.s32 s9, s19;
	s8 =	sadd.s32 s8, s2  }
0xf: {  	s9 =	sshll.u32 s7, $0x4;
	s23 =	sor.u32 $0x9000, s11;
	s7 =	smul.u32 $0x138800, s7  }
0x10: {  	s26 =	sor.u32 $0x8000, s11;
	[dreg:$0xf] =	wrdreg s8;
	s8 =	sadd.s32 s1, s20  }
0x11: {  	s12 =	sshrl.u32 s23, $0x3;
	s23 =	simm.s32 $0x500;
	s0 =	smax.u32 s0, $0x1  }
0x12: {  	[dreg:$0x10] =	wrdreg s8;
	s8 =	sshll.u32 s6, $0x5;
	s25 =	sadd.s32 s12, s31  }
0x13: {  	s10 =	sadd.s32 s10, s7;
	s12 =	sadd.s32 s12, s5;
	[dreg:$0xd] =	wrdreg s23  }
0x14: {  	s7 =	sshrl.u32 s7, $0x3;
	[smem:$0x7FB] =	sst s0;
	s23 =	simm.s32 $0x5  }
0x15: {  	s13 =	sor.u32 s9, s8;
	[dreg:$0x5] =	wrdreg s25;
	s10 =	sshrl.u32 s10, $0x3  }
0x16: {  	[dreg:$0x6] =	wrdreg s12;
	s12 =	sor.u32 $0x7000, s11;
	s22 =	sadd.s32 s5, s13  }
0x17: {  	s19 =	sadd.s32 s8, s5;
	s14 =	sadd.s32 s31, s13;
	[dreg:$0x14] =	wrdreg s22  }
0x18: {  	s8 =	sadd.s32 s8, s31;
	s10 =	sadd.s32 s3, s10;
	[dreg:$0x15] =	wrdreg s14  }
0x19: {  	s3 =	sadd.s32 s3, s7;
	s7 =	sadd.s32 s9, s19;
	[dreg:$0x18] =	wrdreg s10  }
0x1a: {  	s24 =	sor.u32 $0x200, s13;
	s8 =	sadd.s32 s9, s8;
	[dreg:$0xb] =	wrdreg s7  }
0x1b: {  	s16 =	sor.u32 $0x400, s13;
	s15 =	sadd.s32 s5, s24;
	[dreg:$0xc] =	wrdreg s8  }
0x1c: {  	s21 =	sor.u32 $0x600, s13;
	s14 =	sadd.s32 s31, s24;
	[dreg:$0x16] =	wrdreg s15  }
0x1d: {  	s9 =	simm.s32 $0x9;
	s18 =	sadd.s32 s5, s16;
	[dreg:$0x17] =	wrdreg s14  }
0x1e: {  	s10 =	sshrl.u32 s12, $0x3;
	s20 =	sadd.s32 s31, s16;
	[dreg:$0x19] =	wrdreg s18  }
0x1f: {  	s22 =	sadd.s32 s5, s21;
	s7 =	sadd.s32 s31, s21;
	[dreg:$0x1a] =	wrdreg s20  }
0x20: {  	s24 =	sor.u32 $0x9C00, s13;
	s13 =	smov.u32 s5;
	[dreg:$0x1b] =	wrdreg s22  }
0x21: {  	s3 =	sadd.s32 $0x27000, s3;
	s16 =	simm.s32 $0x8600;
	[dreg:$0x1c] =	wrdreg s7  }
0x22: {  	s21 =	simm.s32 $0xA;
	s15 =	sadd.s32 s10, s31;
	[dreg:$0x1f] =	wrdreg s3  }
0x23: {  	s14 =	sshrl.u32 s26, $0x3;
	s17 =	sadd.s32 s10, s5;
	[dreg:$0x9] =	wrdreg s15  }
0x24: {  	s25 =	sadd.s32 s31, s24;
	s26 =	sor.u32 $0x6000, s11;
	[dreg:$0xa] =	wrdreg s17  }
0x25: {  	s20 =	simm.s32 $0x4;
	s22 =	simm.s32 $0x2;
	[dreg:$0x1e] =	wrdreg s25  }
0x26: {  	s10 =	simm.s32 $0xC;
	s30 =	sadd.s32 s14, s31;
	[smem:$0x7FC] =	sst s26  }
0x27: {  	s14 =	sadd.s32 s14, s5;
	s5 =	sadd.s32 s5, s24;
	[dreg:$0x7] =	wrdreg s30  }
0x28: {  	s17 =	simm.s32 $0x1;
	s24 =	simm.s32 $0xB;
	[dreg:$0x8] =	wrdreg s14  }
0x29: {  	s26 =	simm.s32 $0x3;
	[dreg:$0x1d] =	wrdreg s5;
	s30 =	sadd.s32 $0x27000, s1  }
0x2a: {  	s14 =	simm.s32 $0x6;
	s5 =	simm.s32 $0x0;
	[smem:$0x7FD] =	sst s30  }
.LBB2_1:
0x2b: {  	[smem:$0x7F8] =	sst s5  }
0x2c: {  	s0 =	rddreg [dreg:$0xf]  }
0x2d: {  	s18 =	rddreg [dreg:$0x10]  }
0x2e: {  	s3 =	rddreg [dreg:$0x12];
	s15 =	sshrl.u32 s0, $0x3  }
0x2f: {  	[smem:$0x7F9] =	sst s15  }
0x30: {  	[spmem:s15], [sflag:s3] =	dma.local [hbm:s18], $0x2700  }
0x31: {  	s0 =	rddreg [dreg:$0x13]  }
0x32: {  	s5 =	sshrl.u32 @!p0 s0, $0x3;
	s0 =	sld [smem:$0x7FD];
	_ =	sdelay $0x1  }
0x33: {  	[smem:$0x7FA] =	sst s5  }
0x34: {  	[spmem:s5], [sflag:s3] =	dma.local @!p0 [hbm:s0], $0x100  }
0x35: {  	s0 =	rddreg [dreg:$0x14]  }
0x36: {  	[tilespmem:s4], [sflag:$0x7] =	stream.linear.gather [hbm4b:s0+s4], $0x80, $0x38;
	[tilespmem:$0x1FE80] =	vst v63  }
0x37: {  	s5 =	simm.s32 $0x300;
	s19 =	rddreg [dreg:$0x15]  }
0x38: {  	[tilespmem:s5], [sflag:$0x7] =	stream.linear.gather [hbm4b:s19+s4], $0x80, $0x38;
	[tilespmem:$0x1FE80] =	vst v63  }
0x39: {  	s25 =	rddreg [dreg:$0x16]  }
0x3a: {  	[tilespmem:s29], [sflag:$0x8] =	stream.linear.gather [hbm4b:s25+s4], $0x80, $0x38;
	[tilespmem:$0x1FE80] =	vst v63  }
0x3b: {  	s6 =	simm.s32 $0x380;
	s3 =	rddreg [dreg:$0x17]  }
0x3c: {  	[tilespmem:s6], [sflag:$0x8] =	stream.linear.gather [hbm4b:s3+s4], $0x80, $0x38;
	[tilespmem:$0x1FE80] =	vst v63  }
0x3d: {  	s15 =	simm.s32 $0x100;
	s7 =	rddreg [dreg:$0x19]  }
0x3e: {  	[tilespmem:s15], [sflag:$0x9] =	stream.linear.gather [hbm4b:s7+s4], $0x80, $0x38;
	[tilespmem:$0x1FE80] =	vst v63  }
0x3f: {  	s18 =	simm.s32 $0x400;
	s8 =	rddreg [dreg:$0x1a]  }
0x40: {  	[tilespmem:s18], [sflag:$0x9] =	stream.linear.gather [hbm4b:s8+s4], $0x80, $0x38;
	[tilespmem:$0x1FE80] =	vst v63  }
0x41: {  	s11 =	rddreg [dreg:$0x1b];
	s25 =	simm.s32 $0x180  }
0x42: {  	[tilespmem:s25], [sflag:$0xA] =	stream.linear.gather [hbm4b:s11+s4], $0x80, $0x38;
	[tilespmem:$0x1FE80] =	vst v63  }
0x43: {  	s12 =	rddreg [dreg:$0x1c];
	s19 =	simm.s32 $0x480;
	s3 =	simm.s32 $0x7  }
0x44: {  	[tilespmem:s19], [sflag:$0xA] =	stream.linear.gather [hbm4b:s12+s4], $0x80, $0x38;
	[tilespmem:$0x1FE80] =	vst v63  }
0x45: {  	_ =	swait.ge [sflag:s3], $0x80  }
0x46: {  	[sflag:s3] =	ssyncset.done $0x0  }
0x47: {  	[sflag:s3] =	ssyncadd.s32 $0xFFFFFF80  }
0x48: {  	_ =	swait.ge [sflag:s3], $0x80  }
0x49: {  	[sflag:s3] =	ssyncset.done $0x0  }
0x4a: {  	s7 =	simm.s32 $0x8;
	s19 =	simm.s32 $0x600;
	[sflag:s3] =	ssyncadd.s32 $0xFFFFFF80  }
0x4b: {  	[tilespmem:s19], [sflag:$0x1] =	stream.indirect.gather [hbm4b:s1+s29], $0x80, s4, s29, $0xb8;
	[tilespmem:$0x1FE80] =	vst v63  }
0x4c: {  	_ =	swait.ge [sflag:s7], $0x80  }
0x4d: {  	[sflag:s7] =	ssyncset.done $0x0  }
0x4e: {  	[sflag:s7] =	ssyncadd.s32 $0xFFFFFF80  }
0x4f: {  	_ =	swait.ge [sflag:s7], $0x80  }
0x50: {  	[sflag:s7] =	ssyncset.done $0x0  }
0x51: {  	s30 =	simm.s32 $0x4600;
	s8 =	simm.s32 $0xD;
	[sflag:s7] =	ssyncadd.s32 $0xFFFFFF80  }
0x52: {  	[tilespmem:s30], [sflag:$0x2] =	stream.indirect.gather [hbm4b:s1+s29], $0x80, s29, s29, $0xb8;
	[tilespmem:$0x1FE80] =	vst v63  }
0x53: {  	_ =	swait.ge [sflag:s8], $0x2700  }
0x54: {  	[sflag:s8] =	ssyncset.done $0x0  }
0x55: {  	s0 =	simm.s32 @!p0 $0xD;
	[sflag:s8] =	ssyncadd.s32 $0xFFFFD900  }
0x56: {  	_ =	swait.ge @!p0 [sflag:s0], $0x100  }
0x57: {  	[sflag:s0] =	ssyncset.done @!p0 $0x0  }
0x58: {  	[sflag:s0] =	ssyncadd.s32 @!p0 $0xFFFFFF00  }
0x59: {  	[bflag:$0x0] =	sbarrier.arrive $0xFFFF  }
0x5a: {  	s11 =	rddreg [dreg:$0xb]  }
0x5b: {  	p2 =	por $0x1, $0x1;
	s12 =	rddreg [dreg:$0xc];
	s0 =	sadd.s32 $0x0, s11  }
0x5c: {  	s3 =	sadd.s32 $0x0, s12;
	s11 =	simm.s32 $0x200;
	s8 =	sadd.s32 $0x800, s0  }
0x5d: {  	[tilespmem:s11], [sflag:$0xB] =	stream.linear.gather [hbm4b:s8+s4], $0x80, $0x38;
	[tilespmem:$0x1FE80] =	vst v63  }
0x5e: {  	s7 =	rddreg [dreg:$0xd];
	s12 =	simm.s32 @!p2 $0x6;
	s8 =	sadd.s32 $0x800, s3  }
0x5f: {  	[tilespmem:s7], [sflag:$0xB] =	stream.linear.gather [hbm4b:s8+s4], $0x80, $0x38;
	[tilespmem:$0x1FE80] =	vst v63  }
0x60: {  	_ =	swait.ge @!p2 [sflag:s12], $0x4000  }
0x61: {  	[sflag:s12] =	ssyncset.done @!p2 $0x0  }
0x62: {  	[sflag:s12] =	ssyncadd.s32 @!p2 $0xFFFFC000  }
0x63: {  	_ =	swait.ge [sflag:s9], $0x80  }
0x64: {  	[sflag:s9] =	ssyncset.done $0x0  }
0x65: {  	[sflag:s9] =	ssyncadd.s32 $0xFFFFFF80  }
0x66: {  	_ =	swait.ge [sflag:s9], $0x80  }
0x67: {  	[sflag:s9] =	ssyncset.done $0x0  }
0x68: {  	[sflag:s9] =	ssyncadd.s32 $0xFFFFFF80  }
0x69: {  	[tilespmem:s16], [sflag:$0x3] =	stream.indirect.gather [hbm4b:s1+s29], $0x80, s15, s29, $0xb8;
	[tilespmem:$0x1FE80] =	vst v63  }
0x6a: {  	_ =	swait.ge [sflag:s17], $0x4000  }
0x6b: {  	[sflag:s17] =	ssyncset.done $0x0  }
0x6c: {  	[sflag:s17] =	ssyncadd.s32 $0xFFFFC000  }
0x6d: {  	[spmem:s2] =	stream.indirect.scatter.add.f32 [tilespmem:s19], [sflag:$0x4], $0x80, s5, s29, $0xb8;
	[tilespmem:$0x1FE80] =	vst v63  }
0x6e: {  	s0 =	sadd.s32 $0xA00, s0;
	s12 =	simm.s32 $0x280  }
0x6f: {  	[tilespmem:s12], [sflag:$0xC] =	stream.linear.gather [hbm4b:s0+s4], $0x80, $0x38;
	[tilespmem:$0x1FE80] =	vst v63  }
0x70: {  	s15 =	sadd.s32 $0xA00, s3  }
0x71: {  	[tilespmem:s28], [sflag:$0xC] =	stream.linear.gather [hbm4b:s15+s4], $0x80, $0x38;
	[tilespmem:$0x1FE80] =	vst v63  }
0x72: {  	_ =	swait.ge [sflag:s20], $0x4000  }
0x73: {  	[sflag:s20] =	ssyncset.done $0x0  }
0x74: {  	[sflag:s20] =	ssyncadd.s32 $0xFFFFC000  }
0x75: {  	_ =	swait.ge [sflag:s21], $0x80  }
0x76: {  	[sflag:s21] =	ssyncset.done $0x0  }
0x77: {  	[sflag:s21] =	ssyncadd.s32 $0xFFFFFF80  }
0x78: {  	_ =	swait.ge [sflag:s21], $0x80  }
0x79: {  	[sflag:s21] =	ssyncset.done $0x0  }
0x7a: {  	[sflag:s21] =	ssyncadd.s32 $0xFFFFFF80  }
0x7b: {  	[tilespmem:s19], [sflag:$0x1] =	stream.indirect.gather [hbm4b:s1+s29], $0x80, s25, s29, $0xb8;
	[tilespmem:$0x1FE80] =	vst v63  }
0x7c: {  	_ =	swait.ge [sflag:s22], $0x4000  }
0x7d: {  	[sflag:s22] =	ssyncset.done $0x0;
	s5 =	sld [smem:$0x7FC]  }
0x7e: {  	p3 =	por $0x0, $0x0;
	[sflag:s22] =	ssyncadd.s32 $0xFFFFC000  }
0x7f: {  	[spmem:s2] =	stream.indirect.scatter.add.f32 [tilespmem:s30], [sflag:$0x5], $0x80, s6, s29, $0xb8;
	[tilespmem:$0x1FE80] =	vst v63  }
0x80: {  	p2 =	por p3, p3;
	s3 =	sshrl.u32 @!p3 s5, $0x3  }
0x81: {  	s0 =	simm.s32 @!p2 $0x0;
	s7 =	sadd.s32 @!p3 s13, s3  }
0x82: {  	[tilespmem:s0], [sflag:$0x7] =	stream.linear.gather @!p2 [hbm4b:s7+s0], $0x80, $0x38;
	[tilespmem:$0x1FE80] =	vst v63  }
0x83: {  	s3 =	sadd.s32 @!p3 s31, s3;
	s7 =	simm.s32 @!p2 $0x300  }
0x84: {  	[tilespmem:s7], [sflag:$0x7] =	stream.linear.gather @!p2 [hbm4b:s3+s0], $0x80, $0x38;
	[tilespmem:$0x1FE80] =	vst v63  }
0x85: {  	_ =	swait.ge [sflag:s23], $0x4000  }
0x86: {  	[sflag:s23] =	ssyncset.done $0x0  }
0x87: {  	[sflag:s23] =	ssyncadd.s32 $0xFFFFC000  }
0x88: {  	_ =	swait.ge [sflag:s24], $0x80  }
0x89: {  	[sflag:s24] =	ssyncset.done $0x0  }
0x8a: {  	[sflag:s24] =	ssyncadd.s32 $0xFFFFFF80  }
0x8b: {  	_ =	swait.ge [sflag:s24], $0x80  }
0x8c: {  	[sflag:s24] =	ssyncset.done $0x0  }
0x8d: {  	[sflag:s24] =	ssyncadd.s32 $0xFFFFFF80  }
0x8e: {  	[tilespmem:s30], [sflag:$0x2] =	stream.indirect.gather [hbm4b:s1+s29], $0x80, s11, s29, $0xb8;
	[tilespmem:$0x1FE80] =	vst v63  }
0x8f: {  	_ =	swait.ge [sflag:s26], $0x4000  }
0x90: {  	[sflag:s26] =	ssyncset.done $0x0  }
0x91: {  	s3 =	rddreg [dreg:$0xa];
	[sflag:s26] =	ssyncadd.s32 $0xFFFFC000  }
0x92: {  	[spmem:s2] =	stream.indirect.scatter.add.f32 [tilespmem:s16], [sflag:$0x6], $0x80, s18, s29, $0xb8;
	[tilespmem:$0x1FE80] =	vst v63  }
0x93: {  	s7 =	rddreg [dreg:$0x9];
	s8 =	sadd.s32 @!p2 $0x0, s3;
	s3 =	simm.s32 @!p2 $0x80  }
0x94: {  	[tilespmem:s3], [sflag:$0x8] =	stream.linear.gather @!p2 [hbm4b:s8+s0], $0x80, $0x38;
	[tilespmem:$0x1FE80] =	vst v63  }
0x95: {  	s7 =	sadd.s32 @!p2 $0x0, s7;
	s8 =	simm.s32 @!p2 $0x380  }
0x96: {  	[tilespmem:s8], [sflag:$0x8] =	stream.linear.gather @!p2 [hbm4b:s7+s0], $0x80, $0x38;
	[tilespmem:$0x1FE80] =	vst v63  }
0x97: {  	_ =	swait.ge [sflag:s14], $0x4000  }
0x98: {  	[sflag:s14] =	ssyncset.done $0x0  }
0x99: {  	[sflag:s14] =	ssyncadd.s32 $0xFFFFC000  }
0x9a: {  	_ =	swait.ge [sflag:s10], $0x80  }
0x9b: {  	[sflag:s10] =	ssyncset.done $0x0  }
0x9c: {  	[sflag:s10] =	ssyncadd.s32 $0xFFFFFF80  }
0x9d: {  	_ =	swait.ge [sflag:s10], $0x80  }
0x9e: {  	[sflag:s10] =	ssyncset.done $0x0  }
0x9f: {  	[sflag:s10] =	ssyncadd.s32 $0xFFFFFF80  }
0xa0: {  	[tilespmem:s16], [sflag:$0x3] =	stream.indirect.gather [hbm4b:s1+s29], $0x80, s12, s29, $0xb8;
	[tilespmem:$0x1FE80] =	vst v63  }
0xa1: {  	_ =	swait.ge [sflag:s17], $0x4000  }
0xa2: {  	[sflag:s17] =	ssyncset.done $0x0  }
0xa3: {  	s25 =	simm.s32 $0x480;
	s7 =	simm.s32 @p2 $0x2;
	[sflag:s17] =	ssyncadd.s32 $0xFFFFC000  }
0xa4: {  	[spmem:s2] =	stream.indirect.scatter.add.f32 [tilespmem:s19], [sflag:$0x4], $0x80, s25, s29, $0xb8;
	[tilespmem:$0x1FE80] =	vst v63  }
0xa5: {  	_ =	swait.ge @p2 [sflag:s7], $0x4000  }
0xa6: {  	s8 =	simm.s32 @p2 $0x4600;
	s12 =	simm.s32 @p2 $0x500;
	[sflag:s7] =	ssyncset.done @p2 $0x0  }
0xa7: {  	s25 =	rddreg [dreg:$0x8];
	[sflag:s7] =	ssyncadd.s32 @p2 $0xFFFFC000;
	s7 =	simm.s32 @p2 $0x80  }
0xa8: {  	[spmem:s2] =	stream.indirect.scatter.add.f32 @p2 [tilespmem:s8], [sflag:$0x5], $0x80, s12, s7, $0xb8;
	[tilespmem:$0x1FE80] =	vst v63  }
0xa9: {  	s7 =	rddreg [dreg:$0x7];
	s8 =	sadd.s32 @!p2 $0x0, s25;
	s12 =	simm.s32 @!p2 $0x100  }
0xaa: {  	[tilespmem:s12], [sflag:$0x9] =	stream.linear.gather @!p2 [hbm4b:s8+s0], $0x80, $0x38;
	[tilespmem:$0x1FE80] =	vst v63  }
0xab: {  	s7 =	sadd.s32 @!p2 $0x0, s7;
	s8 =	simm.s32 @!p2 $0x400;
	s12 =	simm.s32 @!p2 $0x4  }
0xac: {  	[tilespmem:s8], [sflag:$0x9] =	stream.linear.gather @!p2 [hbm4b:s7+s0], $0x80, $0x38;
	[tilespmem:$0x1FE80] =	vst v63  }
0xad: {  	_ =	swait.ge @!p2 [sflag:s12], $0x4000  }
0xae: {  	[sflag:s12] =	ssyncset.done @!p2 $0x0  }
0xaf: {  	s7 =	simm.s32 @!p2 $0x7;
	[sflag:s12] =	ssyncadd.s32 @!p2 $0xFFFFC000  }
0xb0: {  	_ =	swait.ge @!p2 [sflag:s7], $0x80  }
0xb1: {  	[sflag:s7] =	ssyncset.done @!p2 $0x0  }
0xb2: {  	[sflag:s7] =	ssyncadd.s32 @!p2 $0xFFFFFF80  }
0xb3: {  	_ =	swait.ge @!p2 [sflag:s7], $0x80  }
0xb4: {  	[sflag:s7] =	ssyncset.done @!p2 $0x0  }
0xb5: {  	s8 =	simm.s32 @!p2 $0x2;
	[sflag:s7] =	ssyncadd.s32 @!p2 $0xFFFFFF80;
	s7 =	simm.s32 @!p2 $0x600  }
0xb6: {  	[tilespmem:s7], [sflag:$0x1] =	stream.indirect.gather @!p2 [hbm4b:s1+s3], $0x80, s0, s3, $0xb8;
	[tilespmem:$0x1FE80] =	vst v63  }
0xb7: {  	_ =	swait.ge @!p2 [sflag:s8], $0x4000  }
0xb8: {  	s7 =	simm.s32 @!p2 $0x4600;
	[sflag:s8] =	ssyncset.done @!p2 $0x0  }
0xb9: {  	s12 =	rddreg [dreg:$0x6];
	[sflag:s8] =	ssyncadd.s32 @!p2 $0xFFFFC000;
	s8 =	simm.s32 @!p2 $0x500  }
0xba: {  	[spmem:s2] =	stream.indirect.scatter.add.f32 @!p2 [tilespmem:s7], [sflag:$0x5], $0x80, s8, s3, $0xb8;
	[tilespmem:$0x1FE80] =	vst v63  }
0xbb: {  	s25 =	rddreg [dreg:$0x5];
	s8 =	sadd.s32 @!p2 $0x0, s12;
	s12 =	simm.s32 @!p2 $0x180  }
0xbc: {  	[tilespmem:s12], [sflag:$0xA] =	stream.linear.gather @!p2 [hbm4b:s8+s0], $0x80, $0x38;
	[tilespmem:$0x1FE80] =	vst v63  }
0xbd: {  	s8 =	sadd.s32 @!p2 $0x0, s25;
	s12 =	simm.s32 @!p2 $0x480  }
0xbe: {  	[tilespmem:s12], [sflag:$0xA] =	stream.linear.gather @!p2 [hbm4b:s8+s0], $0x80, $0x38;
	[tilespmem:$0x1FE80] =	vst v63  }
0xbf: {  	s0 =	simm.s32 @!p2 $0x5  }
0xc0: {  	_ =	swait.ge @!p2 [sflag:s0], $0x4000  }
0xc1: {  	[sflag:s0] =	ssyncset.done @!p2 $0x0  }
0xc2: {  	[sflag:s0] =	ssyncadd.s32 @!p2 $0xFFFFC000;
	s0 =	simm.s32 @!p2 $0x8  }
0xc3: {  	_ =	swait.ge @!p2 [sflag:s0], $0x80  }
0xc4: {  	[sflag:s0] =	ssyncset.done @!p2 $0x0  }
0xc5: {  	[sflag:s0] =	ssyncadd.s32 @!p2 $0xFFFFFF80  }
0xc6: {  	_ =	swait.ge @!p2 [sflag:s0], $0x80  }
0xc7: {  	p3 =	por $0x0, $0x0;
	s30 =	sadd.s32 $0x6000, s5;
	[sflag:s0] =	ssyncset.done @!p2 $0x0  }
0xc8: {  	s28 =	simm.s32 $0x1800;
	[sflag:s0] =	ssyncadd.s32 @!p2 $0xFFFFFF80;
	s0 =	sshrl.u32 @!p3 s30, $0x3  }
0xc9: {  	[tilespmem:s7], [sflag:$0x2] =	stream.indirect.gather @!p2 [hbm4b:s1+s3], $0x80, s3, s3, $0xb8;
	[tilespmem:$0x1FE80] =	vst v63  }
0xca: {  	s8 =	simm.s32 $0xC00;
	s30 =	sadd.s32 $0x6000, s30;
	s12 =	sadd.s32 @!p3 s13, s0  }
0xcb: {  	s25 =	sadd.s32 @!p3 s31, s0;
	p2 =	por p3, p3;
	_ =	swait.ge [sflag:s26], $0x4000  }
.LBB2_2:
0xcc: {  	p3 =	seq.s32 s28, $0x9000;
	s0 =	rddreg [dreg:$0xb]  }
0xcd: {  	[sflag:s26] =	ssyncset.done $0x0;
	s5 =	rddreg [dreg:$0xc];
	s19 =	simm.s32 $0x580  }
0xce: {  	s6 =	rddreg [dreg:$0xd];
	s18 =	smov.u32 s13;
	p5 =	seq.s32 s8, $0x0  }
0xcf: {  	s11 =	simm.s32 $0x200;
	[sflag:s26] =	ssyncadd.s32 $0xFFFFC000;
	s0 =	sadd.s32 s8, s0  }
0xd0: {  	[spmem:s2] =	stream.indirect.scatter.add.f32 [tilespmem:s16], [sflag:$0x6], $0x80, s19, s29, $0xb8;
	[tilespmem:$0x1FE80] =	vst v63  }
0xd1: {  	s7 =	sshrl.u32 @!p3 s30, $0x3;
	s5 =	sadd.s32 s8, s5;
	s15 =	sadd.s32 $0x800, s0  }
0xd2: {  	[tilespmem:s11], [sflag:$0xB] =	stream.linear.gather [hbm4b:s15+s4], $0x80, $0x38;
	[tilespmem:$0x1FE80] =	vst v63  }
0xd3: {  	s3 =	sadd.s32 @!p3 s13, s7;
	s13 =	sadd.s32 $0x800, s5;
	s15 =	simm.s32 @!p5 $0x6  }
0xd4: {  	[tilespmem:s6], [sflag:$0xB] =	stream.linear.gather [hbm4b:s13+s4], $0x80, $0x38;
	[tilespmem:$0x1FE80] =	vst v63  }
0xd5: {  	s6 =	rddreg [dreg:$0xe];
	_ =	swait.ge @!p5 [sflag:s15], $0x4000  }
0xd6: {  	[sflag:s15] =	ssyncset.done @!p5 $0x0  }
0xd7: {  	[sflag:s15] =	ssyncadd.s32 @!p5 $0xFFFFC000  }
0xd8: {  	_ =	swait.ge [sflag:s9], $0x80  }
0xd9: {  	[sflag:s9] =	ssyncset.done $0x0  }
0xda: {  	[sflag:s9] =	ssyncadd.s32 $0xFFFFFF80  }
0xdb: {  	_ =	swait.ge [sflag:s9], $0x80  }
0xdc: {  	[sflag:s9] =	ssyncset.done $0x0  }
0xdd: {  	s15 =	simm.s32 $0x100;
	[sflag:s9] =	ssyncadd.s32 $0xFFFFFF80  }
0xde: {  	[tilespmem:s16], [sflag:$0x3] =	stream.indirect.gather [hbm4b:s1+s29], $0x80, s15, s29, $0xb8;
	[tilespmem:$0x1FE80] =	vst v63  }
0xdf: {  	_ =	swait.ge [sflag:s17], $0x4000  }
0xe0: {  	[sflag:s17] =	ssyncset.done $0x0  }
0xe1: {  	s13 =	simm.s32 $0x300;
	s15 =	simm.s32 $0x600;
	[sflag:s17] =	ssyncadd.s32 $0xFFFFC000  }
0xe2: {  	[spmem:s2] =	stream.indirect.scatter.add.f32 [tilespmem:s15], [sflag:$0x4], $0x80, s13, s29, $0xb8;
	[tilespmem:$0x1FE80] =	vst v63  }
0xe3: {  	s0 =	sadd.s32 $0xA00, s0;
	s13 =	simm.s32 $0x280  }
0xe4: {  	[tilespmem:s13], [sflag:$0xC] =	stream.linear.gather [hbm4b:s0+s4], $0x80, $0x38;
	[tilespmem:$0x1FE80] =	vst v63  }
0xe5: {  	s5 =	sadd.s32 $0xA00, s5  }
0xe6: {  	[tilespmem:s19], [sflag:$0xC] =	stream.linear.gather [hbm4b:s5+s4], $0x80, $0x38;
	[tilespmem:$0x1FE80] =	vst v63  }
0xe7: {  	_ =	swait.ge [sflag:s20], $0x4000  }
0xe8: {  	[sflag:s20] =	ssyncset.done $0x0  }
0xe9: {  	[sflag:s20] =	ssyncadd.s32 $0xFFFFC000  }
0xea: {  	_ =	swait.ge [sflag:s21], $0x80  }
0xeb: {  	[sflag:s21] =	ssyncset.done $0x0  }
0xec: {  	[sflag:s21] =	ssyncadd.s32 $0xFFFFFF80  }
0xed: {  	_ =	swait.ge [sflag:s21], $0x80  }
0xee: {  	[sflag:s21] =	ssyncset.done $0x0  }
0xef: {  	s5 =	simm.s32 $0x180;
	[sflag:s21] =	ssyncadd.s32 $0xFFFFFF80  }
0xf0: {  	[tilespmem:s15], [sflag:$0x1] =	stream.indirect.gather [hbm4b:s1+s29], $0x80, s5, s29, $0xb8;
	[tilespmem:$0x1FE80] =	vst v63  }
0xf1: {  	_ =	swait.ge [sflag:s22], $0x4000  }
0xf2: {  	s7 =	sadd.s32 @!p3 s6, s7;
	[sflag:s22] =	ssyncset.done $0x0  }
0xf3: {  	s6 =	simm.s32 $0x380;
	s19 =	simm.s32 $0x4600;
	[sflag:s22] =	ssyncadd.s32 $0xFFFFC000  }
0xf4: {  	[spmem:s2] =	stream.indirect.scatter.add.f32 [tilespmem:s19], [sflag:$0x5], $0x80, s6, s29, $0xb8;
	[tilespmem:$0x1FE80] =	vst v63  }
0xf5: {  	s0 =	simm.s32 @!p2 $0x0  }
0xf6: {  	[tilespmem:s0], [sflag:$0x7] =	stream.linear.gather @!p2 [hbm4b:s12+s0], $0x80, $0x38;
	[tilespmem:$0x1FE80] =	vst v63  }
0xf7: {  	s5 =	simm.s32 @!p2 $0x300  }
0xf8: {  	[tilespmem:s5], [sflag:$0x7] =	stream.linear.gather @!p2 [hbm4b:s25+s0], $0x80, $0x38;
	[tilespmem:$0x1FE80] =	vst v63  }
0xf9: {  	_ =	swait.ge [sflag:s23], $0x4000  }
0xfa: {  	[sflag:s23] =	ssyncset.done $0x0  }
0xfb: {  	[sflag:s23] =	ssyncadd.s32 $0xFFFFC000  }
0xfc: {  	_ =	swait.ge [sflag:s24], $0x80  }
0xfd: {  	[sflag:s24] =	ssyncset.done $0x0  }
0xfe: {  	[sflag:s24] =	ssyncadd.s32 $0xFFFFFF80  }
0xff: {  	_ =	swait.ge [sflag:s24], $0x80  }
0x100: {  	[sflag:s24] =	ssyncset.done $0x0  }
0x101: {  	[sflag:s24] =	ssyncadd.s32 $0xFFFFFF80  }
0x102: {  	[tilespmem:s19], [sflag:$0x2] =	stream.indirect.gather [hbm4b:s1+s29], $0x80, s11, s29, $0xb8;
	[tilespmem:$0x1FE80] =	vst v63  }
0x103: {  	_ =	swait.ge [sflag:s26], $0x4000  }
0x104: {  	s12 =	smov.u32 s3;
	[sflag:s26] =	ssyncset.done $0x0  }
0x105: {  	s11 =	simm.s32 $0x400;
	s3 =	rddreg [dreg:$0xa];
	[sflag:s26] =	ssyncadd.s32 $0xFFFFC000  }
0x106: {  	[spmem:s2] =	stream.indirect.scatter.add.f32 [tilespmem:s16], [sflag:$0x6], $0x80, s11, s29, $0xb8;
	[tilespmem:$0x1FE80] =	vst v63  }
0x107: {  	s5 =	rddreg [dreg:$0x9];
	s6 =	sadd.s32 @!p2 s8, s3;
	s3 =	simm.s32 @!p2 $0x80  }
0x108: {  	[tilespmem:s3], [sflag:$0x8] =	stream.linear.gather @!p2 [hbm4b:s6+s0], $0x80, $0x38;
	[tilespmem:$0x1FE80] =	vst v63  }
0x109: {  	s5 =	sadd.s32 @!p2 s8, s5;
	s6 =	simm.s32 @!p2 $0x380  }
0x10a: {  	[tilespmem:s6], [sflag:$0x8] =	stream.linear.gather @!p2 [hbm4b:s5+s0], $0x80, $0x38;
	[tilespmem:$0x1FE80] =	vst v63  }
0x10b: {  	_ =	swait.ge [sflag:s14], $0x4000  }
0x10c: {  	[sflag:s14] =	ssyncset.done $0x0  }
0x10d: {  	[sflag:s14] =	ssyncadd.s32 $0xFFFFC000  }
0x10e: {  	_ =	swait.ge [sflag:s10], $0x80  }
0x10f: {  	[sflag:s10] =	ssyncset.done $0x0  }
0x110: {  	[sflag:s10] =	ssyncadd.s32 $0xFFFFFF80  }
0x111: {  	_ =	swait.ge [sflag:s10], $0x80  }
0x112: {  	[sflag:s10] =	ssyncset.done $0x0  }
0x113: {  	[sflag:s10] =	ssyncadd.s32 $0xFFFFFF80  }
0x114: {  	[tilespmem:s16], [sflag:$0x3] =	stream.indirect.gather [hbm4b:s1+s29], $0x80, s13, s29, $0xb8;
	[tilespmem:$0x1FE80] =	vst v63  }
0x115: {  	_ =	swait.ge [sflag:s17], $0x4000  }
0x116: {  	[sflag:s17] =	ssyncset.done $0x0  }
0x117: {  	s19 =	simm.s32 $0x480;
	s5 =	simm.s32 @p2 $0x2;
	[sflag:s17] =	ssyncadd.s32 $0xFFFFC000  }
0x118: {  	[spmem:s2] =	stream.indirect.scatter.add.f32 [tilespmem:s15], [sflag:$0x4], $0x80, s19, s29, $0xb8;
	[tilespmem:$0x1FE80] =	vst v63  }
0x119: {  	s25 =	smov.u32 s7;
	_ =	swait.ge @p2 [sflag:s5], $0x4000  }
0x11a: {  	s7 =	simm.s32 @p2 $0x500;
	s6 =	simm.s32 @p2 $0x4600;
	[sflag:s5] =	ssyncset.done @p2 $0x0  }
0x11b: {  	s13 =	rddreg [dreg:$0x8];
	[sflag:s5] =	ssyncadd.s32 @p2 $0xFFFFC000;
	s5 =	simm.s32 @p2 $0x80  }
0x11c: {  	[spmem:s2] =	stream.indirect.scatter.add.f32 @p2 [tilespmem:s6], [sflag:$0x5], $0x80, s7, s5, $0xb8;
	[tilespmem:$0x1FE80] =	vst v63  }
0x11d: {  	s15 =	rddreg [dreg:$0x7];
	s5 =	sadd.s32 @!p2 s8, s13;
	s6 =	simm.s32 @!p2 $0x100  }
0x11e: {  	[tilespmem:s6], [sflag:$0x9] =	stream.linear.gather @!p2 [hbm4b:s5+s0], $0x80, $0x38;
	[tilespmem:$0x1FE80] =	vst v63  }
0x11f: {  	s7 =	simm.s32 @!p2 $0x4;
	s5 =	sadd.s32 @!p2 s8, s15;
	s6 =	simm.s32 @!p2 $0x400  }
0x120: {  	[tilespmem:s6], [sflag:$0x9] =	stream.linear.gather @!p2 [hbm4b:s5+s0], $0x80, $0x38;
	[tilespmem:$0x1FE80] =	vst v63  }
0x121: {  	_ =	swait.ge @!p2 [sflag:s7], $0x4000  }
0x122: {  	[sflag:s7] =	ssyncset.done @!p2 $0x0  }
0x123: {  	s5 =	simm.s32 @!p2 $0x7;
	[sflag:s7] =	ssyncadd.s32 @!p2 $0xFFFFC000  }
0x124: {  	_ =	swait.ge @!p2 [sflag:s5], $0x80  }
0x125: {  	[sflag:s5] =	ssyncset.done @!p2 $0x0  }
0x126: {  	[sflag:s5] =	ssyncadd.s32 @!p2 $0xFFFFFF80  }
0x127: {  	_ =	swait.ge @!p2 [sflag:s5], $0x80  }
0x128: {  	[sflag:s5] =	ssyncset.done @!p2 $0x0  }
0x129: {  	s6 =	simm.s32 @!p2 $0x2;
	[sflag:s5] =	ssyncadd.s32 @!p2 $0xFFFFFF80;
	s5 =	simm.s32 @!p2 $0x600  }
0x12a: {  	[tilespmem:s5], [sflag:$0x1] =	stream.indirect.gather @!p2 [hbm4b:s1+s3], $0x80, s0, s3, $0xb8;
	[tilespmem:$0x1FE80] =	vst v63  }
0x12b: {  	_ =	swait.ge @!p2 [sflag:s6], $0x4000  }
0x12c: {  	s5 =	simm.s32 @!p2 $0x4600;
	[sflag:s6] =	ssyncset.done @!p2 $0x0  }
0x12d: {  	s7 =	rddreg [dreg:$0x6];
	[sflag:s6] =	ssyncadd.s32 @!p2 $0xFFFFC000;
	s6 =	simm.s32 @!p2 $0x500  }
0x12e: {  	[spmem:s2] =	stream.indirect.scatter.add.f32 @!p2 [tilespmem:s5], [sflag:$0x5], $0x80, s6, s3, $0xb8;
	[tilespmem:$0x1FE80] =	vst v63  }
0x12f: {  	s13 =	rddreg [dreg:$0x5];
	s6 =	sadd.s32 @!p2 s8, s7;
	s7 =	simm.s32 @!p2 $0x180  }
0x130: {  	[tilespmem:s7], [sflag:$0xA] =	stream.linear.gather @!p2 [hbm4b:s6+s0], $0x80, $0x38;
	[tilespmem:$0x1FE80] =	vst v63  }
0x131: {  	s6 =	sadd.s32 @!p2 s8, s13;
	s7 =	simm.s32 @!p2 $0x480;
	s13 =	simm.s32 @!p2 $0x5  }
0x132: {  	[tilespmem:s7], [sflag:$0xA] =	stream.linear.gather @!p2 [hbm4b:s6+s0], $0x80, $0x38;
	[tilespmem:$0x1FE80] =	vst v63  }
0x133: {  	_ =	swait.ge @!p2 [sflag:s13], $0x4000  }
0x134: {  	[sflag:s13] =	ssyncset.done @!p2 $0x0  }
0x135: {  	s0 =	simm.s32 @!p2 $0x8;
	[sflag:s13] =	ssyncadd.s32 @!p2 $0xFFFFC000  }
0x136: {  	_ =	swait.ge @!p2 [sflag:s0], $0x80  }
0x137: {  	s31 =	smov.u32 s28;
	s28 =	sadd.s32 $0xC00, s28;
	[sflag:s0] =	ssyncset.done @!p2 $0x0  }
0x138: {  	p4 =	sne.s32 s28, $0x9C00;
	[sflag:s0] =	ssyncadd.s32 @!p2 $0xFFFFFF80  }
.Ltmp0:
0x139: {  	_ =	swait.ge @!p2 [sflag:s0], $0x80;
	(pc) =	sbr.rel @p4 .LBB2_2-.Ltmp0, $4  }
0x13a: {  	[sflag:s0] =	ssyncset.done @!p2 $0x0  }
0x13b: {  	s30 =	sadd.s32 $0x6000, s30;
	s8 =	smov.u32 s31;
	[sflag:s0] =	ssyncadd.s32 @!p2 $0xFFFFFF80  }
0x13c: {  	[tilespmem:s5], [sflag:$0x2] =	stream.indirect.gather @!p2 [hbm4b:s1+s3], $0x80, s3, s3, $0xb8;
	[tilespmem:$0x1FE80] =	vst v63  }
0x13d: {  	s13 =	smov.u32 s18;
	p2 =	por p3, p3;
	_ =	swait.ge [sflag:s26], $0x4000  }
0x13e: {  	s0 =	rddreg [dreg:$0xb]  }
0x13f: {  	[sflag:s26] =	ssyncset.done $0x0;
	s3 =	rddreg [dreg:$0xc]  }
0x140: {  	s15 =	simm.s32 $0x580;
	[sflag:s26] =	ssyncadd.s32 $0xFFFFC000;
	s0 =	sadd.s32 s8, s0  }
0x141: {  	[spmem:s2] =	stream.indirect.scatter.add.f32 [tilespmem:s16], [sflag:$0x6], $0x80, s15, s29, $0xb8;
	[tilespmem:$0x1FE80] =	vst v63  }
0x142: {  	s7 =	simm.s32 $0x200;
	s3 =	sadd.s32 s8, s3;
	s6 =	sadd.s32 $0x800, s0  }
0x143: {  	[tilespmem:s7], [sflag:$0xB] =	stream.linear.gather [hbm4b:s6+s4], $0x80, $0x38;
	[tilespmem:$0x1FE80] =	vst v63  }
0x144: {  	s5 =	rddreg [dreg:$0xd];
	p3 =	seq.s32 s8, $0x0;
	s11 =	sadd.s32 $0x800, s3  }
0x145: {  	[tilespmem:s5], [sflag:$0xB] =	stream.linear.gather [hbm4b:s11+s4], $0x80, $0x38;
	[tilespmem:$0x1FE80] =	vst v63  }
0x146: {  	s5 =	simm.s32 @!p3 $0x6  }
0x147: {  	_ =	swait.ge @!p3 [sflag:s5], $0x4000  }
0x148: {  	[sflag:s5] =	ssyncset.done @!p3 $0x0  }
0x149: {  	[sflag:s5] =	ssyncadd.s32 @!p3 $0xFFFFC000  }
0x14a: {  	_ =	swait.ge [sflag:s9], $0x80  }
0x14b: {  	[sflag:s9] =	ssyncset.done $0x0  }
0x14c: {  	[sflag:s9] =	ssyncadd.s32 $0xFFFFFF80  }
0x14d: {  	_ =	swait.ge [sflag:s9], $0x80  }
0x14e: {  	[sflag:s9] =	ssyncset.done $0x0  }
0x14f: {  	s18 =	simm.s32 $0x100;
	[sflag:s9] =	ssyncadd.s32 $0xFFFFFF80  }
0x150: {  	[tilespmem:s16], [sflag:$0x3] =	stream.indirect.gather [hbm4b:s1+s29], $0x80, s18, s29, $0xb8;
	[tilespmem:$0x1FE80] =	vst v63  }
0x151: {  	_ =	swait.ge [sflag:s17], $0x4000  }
0x152: {  	[sflag:s17] =	ssyncset.done $0x0  }
0x153: {  	s19 =	simm.s32 $0x300;
	s18 =	simm.s32 $0x600;
	[sflag:s17] =	ssyncadd.s32 $0xFFFFC000  }
0x154: {  	[spmem:s2] =	stream.indirect.scatter.add.f32 [tilespmem:s18], [sflag:$0x4], $0x80, s19, s29, $0xb8;
	[tilespmem:$0x1FE80] =	vst v63  }
0x155: {  	s0 =	sadd.s32 $0xA00, s0;
	s11 =	simm.s32 $0x280  }
0x156: {  	[tilespmem:s11], [sflag:$0xC] =	stream.linear.gather [hbm4b:s0+s4], $0x80, $0x38;
	[tilespmem:$0x1FE80] =	vst v63  }
0x157: {  	s30 =	sadd.s32 $0xA00, s3  }
0x158: {  	[tilespmem:s15], [sflag:$0xC] =	stream.linear.gather [hbm4b:s30+s4], $0x80, $0x38;
	[tilespmem:$0x1FE80] =	vst v63  }
0x159: {  	_ =	swait.ge [sflag:s20], $0x4000  }
0x15a: {  	[sflag:s20] =	ssyncset.done $0x0  }
0x15b: {  	[sflag:s20] =	ssyncadd.s32 $0xFFFFC000  }
0x15c: {  	_ =	swait.ge [sflag:s21], $0x80  }
0x15d: {  	[sflag:s21] =	ssyncset.done $0x0  }
0x15e: {  	[sflag:s21] =	ssyncadd.s32 $0xFFFFFF80  }
0x15f: {  	_ =	swait.ge [sflag:s21], $0x80  }
0x160: {  	[sflag:s21] =	ssyncset.done $0x0  }
0x161: {  	s3 =	simm.s32 $0x180;
	[sflag:s21] =	ssyncadd.s32 $0xFFFFFF80  }
0x162: {  	[tilespmem:s18], [sflag:$0x1] =	stream.indirect.gather [hbm4b:s1+s29], $0x80, s3, s29, $0xb8;
	[tilespmem:$0x1FE80] =	vst v63  }
0x163: {  	_ =	swait.ge [sflag:s22], $0x4000  }
0x164: {  	[sflag:s22] =	ssyncset.done $0x0  }
0x165: {  	s6 =	simm.s32 $0x4600;
	s5 =	simm.s32 $0x380;
	[sflag:s22] =	ssyncadd.s32 $0xFFFFC000  }
0x166: {  	[spmem:s2] =	stream.indirect.scatter.add.f32 [tilespmem:s6], [sflag:$0x5], $0x80, s5, s29, $0xb8;
	[tilespmem:$0x1FE80] =	vst v63  }
0x167: {  	s0 =	simm.s32 @!p2 $0x0  }
0x168: {  	[tilespmem:s0], [sflag:$0x7] =	stream.linear.gather @!p2 [hbm4b:s12+s0], $0x80, $0x38;
	[tilespmem:$0x1FE80] =	vst v63  }
0x169: {  	s3 =	simm.s32 @!p2 $0x300  }
0x16a: {  	[tilespmem:s3], [sflag:$0x7] =	stream.linear.gather @!p2 [hbm4b:s25+s0], $0x80, $0x38;
	[tilespmem:$0x1FE80] =	vst v63  }
0x16b: {  	_ =	swait.ge [sflag:s23], $0x4000  }
0x16c: {  	[sflag:s23] =	ssyncset.done $0x0  }
0x16d: {  	[sflag:s23] =	ssyncadd.s32 $0xFFFFC000  }
0x16e: {  	_ =	swait.ge [sflag:s24], $0x80  }
0x16f: {  	[sflag:s24] =	ssyncset.done $0x0  }
0x170: {  	[sflag:s24] =	ssyncadd.s32 $0xFFFFFF80  }
0x171: {  	_ =	swait.ge [sflag:s24], $0x80  }
0x172: {  	[sflag:s24] =	ssyncset.done $0x0  }
0x173: {  	[sflag:s24] =	ssyncadd.s32 $0xFFFFFF80  }
0x174: {  	[tilespmem:s6], [sflag:$0x2] =	stream.indirect.gather [hbm4b:s1+s29], $0x80, s7, s29, $0xb8;
	[tilespmem:$0x1FE80] =	vst v63  }
0x175: {  	_ =	swait.ge [sflag:s26], $0x4000  }
0x176: {  	[sflag:s26] =	ssyncset.done $0x0  }
0x177: {  	s7 =	simm.s32 $0x400;
	s3 =	rddreg [dreg:$0xa];
	[sflag:s26] =	ssyncadd.s32 $0xFFFFC000  }
0x178: {  	[spmem:s2] =	stream.indirect.scatter.add.f32 [tilespmem:s16], [sflag:$0x6], $0x80, s7, s29, $0xb8;
	[tilespmem:$0x1FE80] =	vst v63  }
0x179: {  	s5 =	rddreg [dreg:$0x9];
	s6 =	sadd.s32 @!p2 s8, s3;
	s3 =	simm.s32 @!p2 $0x80  }
0x17a: {  	[tilespmem:s3], [sflag:$0x8] =	stream.linear.gather @!p2 [hbm4b:s6+s0], $0x80, $0x38;
	[tilespmem:$0x1FE80] =	vst v63  }
0x17b: {  	s5 =	sadd.s32 @!p2 s8, s5;
	s6 =	simm.s32 @!p2 $0x380  }
0x17c: {  	[tilespmem:s6], [sflag:$0x8] =	stream.linear.gather @!p2 [hbm4b:s5+s0], $0x80, $0x38;
	[tilespmem:$0x1FE80] =	vst v63  }
0x17d: {  	_ =	swait.ge [sflag:s14], $0x4000  }
0x17e: {  	[sflag:s14] =	ssyncset.done $0x0  }
0x17f: {  	[sflag:s14] =	ssyncadd.s32 $0xFFFFC000  }
0x180: {  	_ =	swait.ge [sflag:s10], $0x80  }
0x181: {  	[sflag:s10] =	ssyncset.done $0x0  }
0x182: {  	[sflag:s10] =	ssyncadd.s32 $0xFFFFFF80  }
0x183: {  	_ =	swait.ge [sflag:s10], $0x80  }
0x184: {  	[sflag:s10] =	ssyncset.done $0x0  }
0x185: {  	[sflag:s10] =	ssyncadd.s32 $0xFFFFFF80  }
0x186: {  	[tilespmem:s16], [sflag:$0x3] =	stream.indirect.gather [hbm4b:s1+s29], $0x80, s11, s29, $0xb8;
	[tilespmem:$0x1FE80] =	vst v63  }
0x187: {  	_ =	swait.ge [sflag:s17], $0x4000  }
0x188: {  	[sflag:s17] =	ssyncset.done $0x0  }
0x189: {  	s5 =	simm.s32 @p2 $0x2;
	s11 =	simm.s32 $0x480;
	[sflag:s17] =	ssyncadd.s32 $0xFFFFC000  }
0x18a: {  	[spmem:s2] =	stream.indirect.scatter.add.f32 [tilespmem:s18], [sflag:$0x4], $0x80, s11, s29, $0xb8;
	[tilespmem:$0x1FE80] =	vst v63  }
0x18b: {  	_ =	swait.ge @p2 [sflag:s5], $0x4000  }
0x18c: {  	s7 =	simm.s32 @p2 $0x500;
	s6 =	simm.s32 @p2 $0x4600;
	[sflag:s5] =	ssyncset.done @p2 $0x0  }
0x18d: {  	s12 =	rddreg [dreg:$0x8];
	[sflag:s5] =	ssyncadd.s32 @p2 $0xFFFFC000;
	s5 =	simm.s32 @p2 $0x80  }
0x18e: {  	[spmem:s2] =	stream.indirect.scatter.add.f32 @p2 [tilespmem:s6], [sflag:$0x5], $0x80, s7, s5, $0xb8;
	[tilespmem:$0x1FE80] =	vst v63  }
0x18f: {  	s5 =	rddreg [dreg:$0x7];
	s6 =	sadd.s32 @!p2 s8, s12;
	s7 =	simm.s32 @!p2 $0x100  }
0x190: {  	[tilespmem:s7], [sflag:$0x9] =	stream.linear.gather @!p2 [hbm4b:s6+s0], $0x80, $0x38;
	[tilespmem:$0x1FE80] =	vst v63  }
0x191: {  	s5 =	sadd.s32 @!p2 s8, s5;
	s6 =	simm.s32 @!p2 $0x400;
	s7 =	simm.s32 @!p2 $0x4  }
0x192: {  	[tilespmem:s6], [sflag:$0x9] =	stream.linear.gather @!p2 [hbm4b:s5+s0], $0x80, $0x38;
	[tilespmem:$0x1FE80] =	vst v63  }
0x193: {  	_ =	swait.ge @!p2 [sflag:s7], $0x4000  }
0x194: {  	[sflag:s7] =	ssyncset.done @!p2 $0x0  }
0x195: {  	s5 =	simm.s32 @!p2 $0x7;
	[sflag:s7] =	ssyncadd.s32 @!p2 $0xFFFFC000  }
0x196: {  	_ =	swait.ge @!p2 [sflag:s5], $0x80  }
0x197: {  	[sflag:s5] =	ssyncset.done @!p2 $0x0  }
0x198: {  	[sflag:s5] =	ssyncadd.s32 @!p2 $0xFFFFFF80  }
0x199: {  	_ =	swait.ge @!p2 [sflag:s5], $0x80  }
0x19a: {  	[sflag:s5] =	ssyncset.done @!p2 $0x0  }
0x19b: {  	s6 =	simm.s32 @!p2 $0x2;
	[sflag:s5] =	ssyncadd.s32 @!p2 $0xFFFFFF80;
	s5 =	simm.s32 @!p2 $0x600  }
0x19c: {  	[tilespmem:s5], [sflag:$0x1] =	stream.indirect.gather @!p2 [hbm4b:s1+s3], $0x80, s0, s3, $0xb8;
	[tilespmem:$0x1FE80] =	vst v63  }
0x19d: {  	_ =	swait.ge @!p2 [sflag:s6], $0x4000  }
0x19e: {  	s5 =	simm.s32 @!p2 $0x4600;
	[sflag:s6] =	ssyncset.done @!p2 $0x0  }
0x19f: {  	s7 =	rddreg [dreg:$0x6];
	[sflag:s6] =	ssyncadd.s32 @!p2 $0xFFFFC000;
	s6 =	simm.s32 @!p2 $0x500  }
0x1a0: {  	[spmem:s2] =	stream.indirect.scatter.add.f32 @!p2 [tilespmem:s5], [sflag:$0x5], $0x80, s6, s3, $0xb8;
	[tilespmem:$0x1FE80] =	vst v63  }
0x1a1: {  	s12 =	rddreg [dreg:$0x5];
	s6 =	sadd.s32 @!p2 s8, s7;
	s7 =	simm.s32 @!p2 $0x180  }
0x1a2: {  	[tilespmem:s7], [sflag:$0xA] =	stream.linear.gather @!p2 [hbm4b:s6+s0], $0x80, $0x38;
	[tilespmem:$0x1FE80] =	vst v63  }
0x1a3: {  	s6 =	sadd.s32 @!p2 s8, s12;
	s7 =	simm.s32 @!p2 $0x480  }
0x1a4: {  	[tilespmem:s7], [sflag:$0xA] =	stream.linear.gather @!p2 [hbm4b:s6+s0], $0x80, $0x38;
	[tilespmem:$0x1FE80] =	vst v63  }
0x1a5: {  	s0 =	simm.s32 @!p2 $0x5  }
0x1a6: {  	_ =	swait.ge @!p2 [sflag:s0], $0x4000  }
0x1a7: {  	[sflag:s0] =	ssyncset.done @!p2 $0x0  }
0x1a8: {  	[sflag:s0] =	ssyncadd.s32 @!p2 $0xFFFFC000;
	s0 =	simm.s32 @!p2 $0x8  }
0x1a9: {  	_ =	swait.ge @!p2 [sflag:s0], $0x80  }
0x1aa: {  	[sflag:s0] =	ssyncset.done @!p2 $0x0  }
0x1ab: {  	[sflag:s0] =	ssyncadd.s32 @!p2 $0xFFFFFF80  }
0x1ac: {  	_ =	swait.ge @!p2 [sflag:s0], $0x80  }
0x1ad: {  	[sflag:s0] =	ssyncset.done @!p2 $0x0  }
0x1ae: {  	[sflag:s0] =	ssyncadd.s32 @!p2 $0xFFFFFF80  }
0x1af: {  	[tilespmem:s5], [sflag:$0x2] =	stream.indirect.gather @!p2 [hbm4b:s1+s3], $0x80, s3, s3, $0xb8;
	[tilespmem:$0x1FE80] =	vst v63  }
0x1b0: {  	_ =	swait.ge [sflag:s26], $0x4000  }
0x1b1: {  	[sflag:s26] =	ssyncset.done $0x0  }
0x1b2: {  	[sflag:s26] =	ssyncadd.s32 $0xFFFFC000  }
0x1b3: {  	[spmem:s2] =	stream.indirect.scatter.add.f32 [tilespmem:s16], [sflag:$0x6], $0x80, s15, s29, $0xb8;
	[tilespmem:$0x1FE80] =	vst v63  }
0x1b4: {  	_ =	swait.ge [sflag:s20], $0x4000  }
0x1b5: {  	[sflag:s20] =	ssyncset.done $0x0  }
0x1b6: {  	[sflag:s20] =	ssyncadd.s32 $0xFFFFC000  }
0x1b7: {  	_ =	swait.ge [sflag:s23], $0x4000  }
0x1b8: {  	[sflag:s23] =	ssyncset.done $0x0  }
0x1b9: {  	[sflag:s23] =	ssyncadd.s32 $0xFFFFC000  }
0x1ba: {  	_ =	swait.ge [sflag:s14], $0x4000  }
0x1bb: {  	[sflag:s14] =	ssyncset.done $0x0  }
0x1bc: {  	s0 =	simm.s32 @!p1 $0x0;
	s3 =	rddreg [dreg:$0x1d];
	[sflag:s14] =	ssyncadd.s32 $0xFFFFC000  }
0x1bd: {  	[tilespmem:s0], [sflag:$0x7] =	stream.linear.gather @!p1 [hbm4b:s3+s0], $0x80, $0x38;
	[tilespmem:$0x1FE80] =	vst v63  }
0x1be: {  	s5 =	rddreg [dreg:$0x1e];
	s3 =	simm.s32 @!p1 $0x300  }
0x1bf: {  	[tilespmem:s3], [sflag:$0x7] =	stream.linear.gather @!p1 [hbm4b:s5+s0], $0x80, $0x38;
	[tilespmem:$0x1FE80] =	vst v63  }
0x1c0: {  	s5 =	simm.s32 @!p1 $0x7  }
0x1c1: {  	_ =	swait.ge @!p1 [sflag:s5], $0x80  }
0x1c2: {  	[sflag:s5] =	ssyncset.done @!p1 $0x0  }
0x1c3: {  	[sflag:s5] =	ssyncadd.s32 @!p1 $0xFFFFFF80  }
0x1c4: {  	_ =	swait.ge @!p1 [sflag:s5], $0x80  }
0x1c5: {  	[sflag:s5] =	ssyncset.done @!p1 $0x0  }
0x1c6: {  	s6 =	simm.s32 @!p1 $0x600;
	[sflag:s5] =	ssyncadd.s32 @!p1 $0xFFFFFF80;
	s5 =	simm.s32 @!p1 $0x80  }
0x1c7: {  	[tilespmem:s6], [sflag:$0x1] =	stream.indirect.gather @!p1 [hbm4b:s1+s5], $0x80, s0, s5, $0xb8;
	[tilespmem:$0x1FE80] =	vst v63  }
0x1c8: {  	s0 =	simm.s32 @!p1 $0x1  }
0x1c9: {  	_ =	swait.ge @!p1 [sflag:s0], $0x4000  }
0x1ca: {  	[sflag:s0] =	ssyncset.done @!p1 $0x0  }
0x1cb: {  	[sflag:s0] =	ssyncadd.s32 @!p1 $0xFFFFC000;
	s0 =	simm.s32 @!p1 $0xE  }
0x1cc: {  	[spmem:s2] =	stream.indirect.scatter.add.f32 @!p1 [tilespmem:s6], [sflag:$0xE], $0x80, s3, s5, $0xb8;
	[tilespmem:$0x1FE80] =	vst v63  }
0x1cd: {  	_ =	swait.ge @!p1 [sflag:s0], $0x4000  }
0x1ce: {  	[sflag:s0] =	ssyncset.done @!p1 $0x0  }
0x1cf: {  	[sflag:s0] =	ssyncadd.s32 @!p1 $0xFFFFC000  }
0x1d0: {  	[bflag:$0x0] =	sbarrier.arrive $0xFFFF  }
0x1d1: {  	s18 =	sld [smem:$0x7F9]  }
0x1d2: {  	s12 =	rddreg [dreg:$0x11]  }
0x1d3: {  	s19 =	simm.s32 $0xE;
	s15 =	rddreg [dreg:$0x18];
	s0 =	sor.u32 $0x1C0E, s12  }
0x1d4: {  	[hbm:s15], [sflag:s0] =	dma.local [spmem:s18], $0x2700  }
0x1d5: {  	_ =	swait.ge [sflag:s19], $0x2700  }
0x1d6: {  	s5 =	sld [smem:$0x7FA]  }
0x1d7: {  	[sflag:s19] =	ssyncset.done $0x0  }
0x1d8: {  	s3 =	rddreg [dreg:$0x1f];
	[sflag:s19] =	ssyncadd.s32 $0xFFFFD900  }
0x1d9: {  	[hbm:s3], [sflag:s0] =	dma.local @!p0 [spmem:s5], $0x100  }
0x1da: {  	s0 =	simm.s32 @!p0 $0xE  }
0x1db: {  	_ =	swait.ge @!p0 [sflag:s0], $0x100  }
0x1dc: {  	s25 =	sld [smem:$0x7F8]  }
0x1dd: {  	s30 =	sld [smem:$0x7FB];
	_ =	sdelay $0x1  }
0x1de: {  	s5 =	sadd.s32 $0x1, s25  }
0x1df: {  	p2 =	sne.s32 s5, s30  }
.Ltmp1:
0x1e0: {  	_ = 	snop;
	(pc) =	sbr.rel @p2 .LBB2_1-.Ltmp1, $3  }
0x1e1: {  	_ =	sdelay $0x1  }
0x1e2: {  	[sflag:s0] =	ssyncset.done @!p0 $0x0  }
0x1e3: {  	s28 =	simm.s32 $0x580;
	s31 =	rddreg [dreg:$0xe];
	[sflag:s0] =	ssyncadd.s32 @!p0 $0xFFFFFF00  }
0x1e4: {  	_ =	sfence.sel $0x180000  }
0x1e5: {  	[bflag:$0x0] =	sbarrier.arrive $0xFFFF  }
0x1e6: {  	_ =	strace $0x90000047  }
0x1e7: {  	s0 =	stileid.u32;
	[bflag:$0x2] =	sbarrier.arrive $0xFFFF  }
0x1e8: {  	p0 =	sne.s32 s0, $0x0;
	s0 =	rddreg [dreg:$0x4]  }
0x1e9: {  	s0 =	sadd.s32 @!p0 $0x100000, s0  }
0x1ea: {  	[sflag:s0] =	ssyncadd.tile.s32 @!p0 $0x1;
	_ =	shalt  }
.Lfunc_end2:
_tile_overlayer_lowered:
.L_overlay_start_2:
0x1eb: {  	(tag) =	ssettag $0x2  }
0x1ec: {  	s0 =	rddreg [dreg:$0x0];
	s2 =	stileid.u32  }
0x1ed: {  	s1 =	rddreg [dreg:$0x1];
	p0 =	sne.s32 s2, $0x0  }
0x1ee: {  	s3 =	rddreg [dreg:$0x2];
	[bflag:$0x3] =	sbarrier.arrive $0xFFFF;
	s2 =	simm.s32 @!p0 $0x1C0E  }
0x1ef: {  	[timem:s3], [sflag:s2] =	dma.local @!p0 [hbm:s0], s1  }
0x1f0: {  	s0 =	simm.s32 @!p0 $0xE  }
0x1f1: {  	_ =	swait.ge @!p0 [sflag:s0], s1  }
0x1f2: {  	s1 =	ssub.s32 @!p0 $0x0, s1;
	[sflag:s0] =	ssyncset.done @!p0 $0x0  }
0x1f3: {  	[sflag:s0] =	ssyncadd.s32 @!p0 s1  }
0x1f4: {  	[bflag:$0x3] =	sbarrier.arrive $0xFFFF  }
0x1f5: {  	_ =	shalt  }

</sc_bundles>
